<compile_context>
chip_gen: v7x
topology: tpu7x:2x2x1
jax: 0.10.2.dev20260603
libtpu: 0.0.44.dev20260713+nightly
codegen_flags: <defaults>
</compile_context>

<pallas_src>
import functools

import jax
import jax.numpy as jnp
from jax import lax
from jax.experimental import pallas as pl
from jax.experimental.pallas import tpu as pltpu
from jax.experimental.pallas import tpu_sc as plsc

N = 10000
E = 320000
H = 64

NC = 2
NS = 16
NW = NC * NS
EW = E // NW
ROWS_PER_TILE = N // NS



GCH = 400
GNCHUNK = EW // GCH


@functools.lru_cache(maxsize=None)
def _make_gather():
    mesh = plsc.VectorSubcoreMesh(core_axis_name="c", subcore_axis_name="s")

    @functools.partial(
        pl.kernel,
        mesh=mesh,
        out_type=jax.ShapeDtypeStruct((E, H), jnp.float32),
        scratch_types=[pltpu.VMEM((EW,), jnp.int32),
                       pltpu.VMEM((EW,), jnp.int32),
                       pltpu.VMEM((GCH, H), jnp.float32),
                       pltpu.VMEM((GCH, H), jnp.float32),
                       pltpu.VMEM((GCH, H), jnp.float32),
                       pltpu.VMEM((GCH, H), jnp.float32),
                       pltpu.SemaphoreType.DMA,
                       pltpu.SemaphoreType.DMA,
                       pltpu.SemaphoreType.DMA,
                       pltpu.SemaphoreType.DMA,
                       pltpu.SemaphoreType.DMA,
                       pltpu.SemaphoreType.DMA],
        compiler_params=pltpu.CompilerParams(use_tc_tiling_on_sc=False),
    )
    def gather_k(a_hbm, b_hbm, src_hbm, dst_hbm, p_hbm,
                 idxs, idxd, bufa0, bufb0, bufa1, bufb1,
                 sa0, sb0, sa1, sb1, sw0, sw1):
        wid = lax.axis_index("s") * NC + lax.axis_index("c")
        base0 = wid * EW
        pltpu.sync_copy(src_hbm.at[pl.ds(base0, EW)], idxs)
        pltpu.sync_copy(dst_hbm.at[pl.ds(base0, EW)], idxd)

        def vadd(bufa, bufb):
            @pl.loop(0, GCH)
            def _(r):
                for jj in range(H // 16):
                    sl = pl.ds(jj * 16, 16)
                    plsc.addupdate(bufa.at[r, sl], bufb[r, sl])

        @pl.loop(0, GNCHUNK - (GNCHUNK % 2), step=2)
        def _(i):
            o0 = i * GCH
            o1 = o0 + GCH
            da0 = pltpu.async_copy(a_hbm.at[idxs.at[pl.ds(o0, GCH)]],
                                   bufa0, sa0)
            db0 = pltpu.async_copy(b_hbm.at[idxd.at[pl.ds(o0, GCH)]],
                                   bufb0, sb0)
            da1 = pltpu.async_copy(a_hbm.at[idxs.at[pl.ds(o1, GCH)]],
                                   bufa1, sa1)
            db1 = pltpu.async_copy(b_hbm.at[idxd.at[pl.ds(o1, GCH)]],
                                   bufb1, sb1)
            da0.wait()
            db0.wait()
            vadd(bufa0, bufb0)
            w0 = pltpu.async_copy(bufa0, p_hbm.at[pl.ds(base0 + o0, GCH)],
                                  sw0)
            da1.wait()
            db1.wait()
            vadd(bufa1, bufb1)
            w1 = pltpu.async_copy(bufa1, p_hbm.at[pl.ds(base0 + o1, GCH)],
                                  sw1)
            w0.wait()
            w1.wait()

        if GNCHUNK % 2:
            ot = (GNCHUNK - 1) * GCH
            da0 = pltpu.async_copy(a_hbm.at[idxs.at[pl.ds(ot, GCH)]],
                                   bufa0, sa0)
            db0 = pltpu.async_copy(b_hbm.at[idxd.at[pl.ds(ot, GCH)]],
                                   bufb0, sb0)
            da0.wait()
            db0.wait()
            vadd(bufa0, bufb0)
            pltpu.sync_copy(bufa0, p_hbm.at[pl.ds(base0 + ot, GCH)])

    return gather_k


SCH = 400


@functools.lru_cache(maxsize=None)
def _make_scatter(d):
    mesh = plsc.VectorSubcoreMesh(core_axis_name="c", subcore_axis_name="s")
    epc = E // NC
    ept = epc // NS
    nchunk = ept // SCH

    @functools.partial(
        pl.kernel,
        mesh=mesh,
        out_type=jax.ShapeDtypeStruct((NC, N, d), jnp.float32),
        scratch_types=[pltpu.VMEM((SCH,), jnp.int32),
                       pltpu.VMEM((SCH,), jnp.int32),
                       pltpu.VMEM((SCH, d), jnp.float32),
                       pltpu.VMEM((SCH, d), jnp.float32),
                       pltpu.VMEM_SHARED((N, d), jnp.float32),
                       pltpu.SemaphoreType.DMA,
                       pltpu.SemaphoreType.DMA,
                       pltpu.SemaphoreType.DMA,
                       pltpu.SemaphoreType.DMA],
        compiler_params=pltpu.CompilerParams(use_tc_tiling_on_sc=False),
    )
    def scatter_k(e_hbm, dst_hbm, zeros_hbm, out_hbm,
                  idx0, idx1, rows0, rows1, acc_sh, si0, si1, sr0, sr1):
        c = lax.axis_index("c")
        s = lax.axis_index("s")
        rbase = s * ROWS_PER_TILE
        pltpu.sync_copy(zeros_hbm.at[pl.ds(rbase, ROWS_PER_TILE)],
                        acc_sh.at[pl.ds(rbase, ROWS_PER_TILE)])
        plsc.subcore_barrier()

        ebase0 = c * epc + s * ept

        @pl.loop(0, nchunk - (nchunk % 2), step=2)
        def _(i):
            b0 = ebase0 + i * SCH
            b1 = b0 + SCH
            di0 = pltpu.async_copy(dst_hbm.at[pl.ds(b0, SCH)], idx0, si0)
            dr0 = pltpu.async_copy(e_hbm.at[pl.ds(b0, SCH)], rows0, sr0)
            di1 = pltpu.async_copy(dst_hbm.at[pl.ds(b1, SCH)], idx1, si1)
            dr1 = pltpu.async_copy(e_hbm.at[pl.ds(b1, SCH)], rows1, sr1)
            di0.wait()
            dr0.wait()
            pltpu.sync_copy(rows0, acc_sh.at[idx0], add=True)
            di1.wait()
            dr1.wait()
            pltpu.sync_copy(rows1, acc_sh.at[idx1], add=True)

        if nchunk % 2:
            bt = ebase0 + (nchunk - 1) * SCH
            di0 = pltpu.async_copy(dst_hbm.at[pl.ds(bt, SCH)], idx0, si0)
            dr0 = pltpu.async_copy(e_hbm.at[pl.ds(bt, SCH)], rows0, sr0)
            di0.wait()
            dr0.wait()
            pltpu.sync_copy(rows0, acc_sh.at[idx0], add=True)

        plsc.subcore_barrier()
        pltpu.sync_copy(acc_sh.at[pl.ds(rbase, ROWS_PER_TILE)],
                        out_hbm.at[c, pl.ds(rbase, ROWS_PER_TILE)])

    return scatter_k



N2 = N // 2
E2 = E // 2
BN2 = 1000
BE2 = 4000
BE8 = 1000


def _relu(v):
    return jnp.maximum(v, 0.0)


def _bd(w, p):
    k, m = w.shape
    out = jnp.zeros((p * k, p * m), w.dtype)
    for i in range(p):
        out = out.at[i * k:(i + 1) * k, i * m:(i + 1) * m].set(w)
    return out


def _bt(b, p):
    return jnp.tile(b.reshape(1, -1), (1, p))


def _dot(a, b):
    return jnp.dot(a, b, preferred_element_type=jnp.float32)


def _node_pre_body(h_ref, wns_ref, bns_ref, wne1_ref, wne2_ref,
                   hn_ref, a_ref, b_ref):
    h = h_ref[...]
    hn_ref[...] = _relu(_dot(h, wns_ref[...]) + bns_ref[...])
    a_ref[...] = _dot(h, wne1_ref[...])
    b_ref[...] = _dot(h, wne2_ref[...])


def _fold128(v):
    m, w = v.shape
    q = w // 128
    parts = [v[:, j * 128:(j + 1) * 128] for j in range(q)]
    return jnp.stack(parts, axis=1).reshape(m * q, 128)


def _en_from_agg(agg0, agg1, wen, ben):
    en = _relu(_dot(agg0 + agg1, wen) + ben)
    if en.shape[1] != 128:
        en = _fold128(en)
    return en


def _node_merged_body(agg0_ref, agg1_ref, hn_ref, wen_ref, ben_ref,
                      wno1_ref, wno2_ref, bno_ref,
                      wns_ref, bns_ref, wne1_ref, wne2_ref,
                      hn2_ref, a_ref, b_ref):
    en = _en_from_agg(agg0_ref[...], agg1_ref[...], wen_ref[...],
                      ben_ref[...])
    h = _relu(_dot(hn_ref[...], wno1_ref[...])
              + _dot(en, wno2_ref[...]) + bno_ref[...])
    hn2_ref[...] = _relu(_dot(h, wns_ref[...]) + bns_ref[...])
    a_ref[...] = _dot(h, wne1_ref[...])
    b_ref[...] = _dot(h, wne2_ref[...])


def _node_final_body(agg0_ref, agg1_ref, hn_ref, wen_ref, ben_ref,
                     wno1_ref, wno2_ref, bno_ref, h_ref):
    en = _en_from_agg(agg0_ref[...], agg1_ref[...], wen_ref[...],
                      ben_ref[...])
    h_ref[...] = _relu(_dot(hn_ref[...], wno1_ref[...])
                       + _dot(en, wno2_ref[...]) + bno_ref[...])


def _edge_body(e_ref, p_ref, wes_ref, bes_ref, bne_ref,
               weo1_ref, weo2_ref, beo_ref, out_ref):
    ee = _relu(_dot(e_ref[...], wes_ref[...]) + bes_ref[...])
    if ee.shape[1] != 128:
        ee = _fold128(ee)
    ne = _relu(p_ref[...] + bne_ref[...])
    out_ref[...] = _relu(_dot(ee, weo1_ref[...])
                         + _dot(ne, weo2_ref[...]) + beo_ref[...])


def _wspec(shape):
    nd = len(shape)
    return pl.BlockSpec(shape, lambda i: (0,) * nd)


def _blkspec(rows, cols):
    return pl.BlockSpec((rows, cols), lambda i: (i, 0))


def _node_pre(x_pk, wns2, bns2, wt2, wb2):
    args = (x_pk, wns2, bns2, wt2, wb2)
    return pl.pallas_call(
        _node_pre_body,
        grid=(1,),
        in_specs=[_wspec(v.shape) for v in args],
        out_specs=[_wspec((N2, 128))] * 3,
        out_shape=[jax.ShapeDtypeStruct((N2, 128), jnp.float32)] * 3,
    )(*args)


def _node_merged(agg0, agg1, hn, wen2, ben2, wno1_2, wno2_2, bno2,
                 wns2, bns2, wt2, wb2):
    args = (agg0, agg1, hn, wen2, ben2, wno1_2, wno2_2, bno2,
            wns2, bns2, wt2, wb2)
    return pl.pallas_call(
        _node_merged_body,
        grid=(1,),
        in_specs=[_wspec(v.shape) for v in args],
        out_specs=[_wspec((N2, 128))] * 3,
        out_shape=[jax.ShapeDtypeStruct((N2, 128), jnp.float32)] * 3,
    )(*args)


def _node_final(agg0, agg1, hn, wen2, ben2, wno1_2, wno2_2, bno2):
    args = (agg0, agg1, hn, wen2, ben2, wno1_2, wno2_2, bno2)
    return pl.pallas_call(
        _node_final_body,
        grid=(1,),
        in_specs=[_wspec(v.shape) for v in args],
        out_specs=_wspec((N2, 128)),
        out_shape=jax.ShapeDtypeStruct((N2, 128), jnp.float32),
    )(*args)


def _edge_update(e_pk, p_pk, wes_b, bes_b, bne2, weo1_2, weo2_2, beo2):
    erows, ecols = e_pk.shape
    ebn = erows // (E2 // BE2)
    k = wes_b.shape[0]
    m = wes_b.shape[1]
    return pl.pallas_call(
        _edge_body,
        grid=(E2 // BE2,),
        in_specs=[_blkspec(ebn, ecols), _blkspec(BE2, 128),
                  _wspec((k, m)), _wspec((1, m)), _wspec((1, 128)),
                  _wspec((128, 128)), _wspec((128, 128)), _wspec((1, 128))],
        out_specs=_blkspec(BE2, 128),
        out_shape=jax.ShapeDtypeStruct((E2, 128), jnp.float32),
    )(e_pk, p_pk, wes_b, bes_b, bne2, weo1_2, weo2_2, beo2)



def kernel(x, edge_index, edge_attr, params):
    src = edge_index[0]
    dst = edge_index[1]
    n_layers = len(params)

    p0 = params[0]
    nin0 = x.shape[1]
    x_pk = jnp.reshape(x, (N2, 2 * nin0))
    hn, a, b = _node_pre(x_pk,
                         _bd(p0['W_ns'], 2), _bt(p0['b_ns'], 2),
                         _bd(p0['W_ne'][:nin0], 2),
                         _bd(p0['W_ne'][nin0:], 2))

    e_pk = lax.optimization_barrier(jnp.reshape(edge_attr, (E // 8, 128)))
    ein = edge_attr.shape[1]

    h = None
    for l, p in enumerate(params):
        last = l == n_layers - 1
        epack = E // e_pk.shape[0]

        zeros = jnp.zeros((N, ein), jnp.float32)
        e_lin = jnp.reshape(e_pk, (E, ein))
        aggp = _make_scatter(ein)(e_lin, dst, zeros)
        apack = 8 if ein == 16 else 2
        aggp_pk = jnp.reshape(aggp, (NC, N // apack, apack * ein))
        agg0_pk, agg1_pk = aggp_pk[0], aggp_pk[1]

        if not last:
            psum = _make_gather()(jnp.reshape(a, (N, H)),
                                  jnp.reshape(b, (N, H)), src, dst)
            p_pk = jnp.reshape(psum, (E2, 128))
            e_pk = _edge_update(e_pk, p_pk,
                                _bd(p['W_es'], epack), _bt(p['b_es'], epack),
                                _bt(p['b_ne'], 2),
                                _bd(p['W_eo'][:H], 2), _bd(p['W_eo'][H:], 2),
                                _bt(p['b_eo'], 2))
            ein = H
            pn = params[l + 1]
            hn, a, b = _node_merged(
                agg0_pk, agg1_pk, hn,
                _bd(p['W_en'], apack), _bt(p['b_en'], apack),
                _bd(p['W_no'][:H], 2), _bd(p['W_no'][H:], 2),
                _bt(p['b_no'], 2),
                _bd(pn['W_ns'], 2), _bt(pn['b_ns'], 2),
                _bd(pn['W_ne'][:H], 2), _bd(pn['W_ne'][H:], 2))
        else:
            h = _node_final(agg0_pk, agg1_pk, hn,
                            _bd(p['W_en'], apack), _bt(p['b_en'], apack),
                            _bd(p['W_no'][:H], 2), _bd(p['W_no'][H:], 2),
                            _bt(p['b_no'], 2))
    return jnp.reshape(h, (N, H))

# --- scband reference (transcript-rebuilt; emitter-appended) ---
"""Pipeline reference for scband-mgconv-76828374991579 (READ-ONLY COPY).

The authoritative reference and input builder live on the scoring server;
editing this copy changes nothing except your own understanding.
"""

import jax, jax.numpy as jnp
import numpy as np

N_NODES = 10000
N_EDGES = 320000
NODE_IN = 128
EDGE_IN = 16
H_N = 64
H_E = 64
N_LAYERS = 4


def _init_params(key):
    params = []
    nin, ein = NODE_IN, EDGE_IN
    for l in range(N_LAYERS):
        ks = jax.random.split(jax.random.fold_in(key, l), 6)
        p = {
            'W_ns': jax.random.normal(ks[0], (nin, H_N), dtype=jnp.float32) * (1.0 / np.sqrt(nin)),
            'b_ns': jnp.zeros((H_N,), dtype=jnp.float32),
            'W_en': jax.random.normal(ks[1], (ein, H_N), dtype=jnp.float32) * (1.0 / np.sqrt(ein)),
            'b_en': jnp.zeros((H_N,), dtype=jnp.float32),
            'W_no': jax.random.normal(ks[2], (2 * H_N, H_N), dtype=jnp.float32) * (1.0 / np.sqrt(2 * H_N)),
            'b_no': jnp.zeros((H_N,), dtype=jnp.float32),
            'W_es': jax.random.normal(ks[3], (ein, H_E), dtype=jnp.float32) * (1.0 / np.sqrt(ein)),
            'b_es': jnp.zeros((H_E,), dtype=jnp.float32),
            'W_ne': jax.random.normal(ks[4], (2 * nin, H_E), dtype=jnp.float32) * (1.0 / np.sqrt(2 * nin)),
            'b_ne': jnp.zeros((H_E,), dtype=jnp.float32),
            'W_eo': jax.random.normal(ks[5], (2 * H_E, H_E), dtype=jnp.float32) * (1.0 / np.sqrt(2 * H_E)),
            'b_eo': jnp.zeros((H_E,), dtype=jnp.float32),
        }
        params.append(p)
        nin, ein = H_N, H_E
    return params


def _weave(h, edge_index, e, p):
    src = edge_index[0]
    dst = edge_index[1]
    # --- node update: self transform + aggregated edge transform ---
    agg = jax.ops.segment_sum(e, dst, num_segments=N_NODES)
    hn = jax.nn.relu(h @ p['W_ns'] + p['b_ns'])
    en = jax.nn.relu(agg @ p['W_en'] + p['b_en'])
    h_new = jax.nn.relu(jnp.concatenate([hn, en], axis=-1) @ p['W_no'] + p['b_no'])
    # --- edge update: self transform + endpoint-node-pair transform ---
    ee = jax.nn.relu(e @ p['W_es'] + p['b_es'])
    pair = jnp.concatenate([jnp.take(h, src, axis=0), jnp.take(h, dst, axis=0)], axis=-1)
    ne = jax.nn.relu(pair @ p['W_ne'] + p['b_ne'])
    e_new = jax.nn.relu(jnp.concatenate([ee, ne], axis=-1) @ p['W_eo'] + p['b_eo'])
    return h_new, e_new


def setup_inputs(seed: int = 0):
    key = jax.random.key(seed)
    k1, k2, k3, k4 = jax.random.split(key, 4)
    x = jax.random.normal(k1, (N_NODES, NODE_IN), dtype=jnp.float32)
    edge_index = jax.random.randint(k2, (2, N_EDGES), 0, N_NODES, dtype=jnp.int32)
    edge_attr = jax.random.normal(k3, (N_EDGES, EDGE_IN), dtype=jnp.float32)
    params = _init_params(k4)
    return {'x': x, 'edge_index': edge_index, 'edge_attr': edge_attr, 'params': params}


def reference(x, edge_index, edge_attr, params):
    h = x
    e = edge_attr
    for p in params:
        h, e = _weave(h, edge_index, e, p)
    # only_nodes=True (default): return final node representations
    return h

if __name__ == "__main__":
    import jax
    _d = setup_inputs()
    print(jax.jit(kernel)(*tuple(_d.values())))

</pallas_src>

<mosaic_0001>
#map = affine_map<(d0, d1) -> (0, 0)>
#map1 = affine_map<(d0, d1) -> (0)>
module attributes {stable_mosaic.version = 14 : i64} {
  func.func @gather_k(%arg0: i32, %arg1: i32, %arg2: memref<10000x64xf32, #tpu.memory_space<hbm>>, %arg3: memref<10000x64xf32, #tpu.memory_space<hbm>>, %arg4: memref<320000xi32, #tpu.memory_space<hbm>>, %arg5: memref<320000xi32, #tpu.memory_space<hbm>>, %arg6: memref<320000x64xf32, #tpu.memory_space<hbm>>, %arg7: memref<10000xi32, #tpu.memory_space<vmem>>, %arg8: memref<10000xi32, #tpu.memory_space<vmem>>, %arg9: memref<400x64xf32, #tpu.memory_space<vmem>>, %arg10: memref<400x64xf32, #tpu.memory_space<vmem>>, %arg11: memref<400x64xf32, #tpu.memory_space<vmem>>, %arg12: memref<400x64xf32, #tpu.memory_space<vmem>>, %arg13: memref<!tpu.dma_semaphore, #tpu.memory_space<semaphore_mem>>, %arg14: memref<!tpu.dma_semaphore, #tpu.memory_space<semaphore_mem>>, %arg15: memref<!tpu.dma_semaphore, #tpu.memory_space<semaphore_mem>>, %arg16: memref<!tpu.dma_semaphore, #tpu.memory_space<semaphore_mem>>, %arg17: memref<!tpu.dma_semaphore, #tpu.memory_space<semaphore_mem>>, %arg18: memref<!tpu.dma_semaphore, #tpu.memory_space<semaphore_mem>>) attributes {dimension_semantics = [#tpu.dimension_semantics<core_parallel>, #tpu.dimension_semantics<subcore_parallel>], iteration_bounds = array<i64: 2, 16>, scalar_prefetch = 0 : i64, scratch_operands = 12 : i64, tpu.core_type = #tpu.core_type<sc_vector_subcore>, window_params = [{transform_indices = #map}, {transform_indices = #map}, {transform_indices = #map1}, {transform_indices = #map1}, {transform_indices = #map}]} {
    %mul3A = arith.constant 2 : i32
    %mul3A_0 = arith.muli %arg1, %mul3A : i32
    %add3A = arith.addi %mul3A_0, %arg0 : i32
    %mul3A_1 = arith.constant 10000 : i32
    %mul3A_2 = arith.muli %add3A, %mul3A_1 : i32
    "tpu.region"() ({
      %run_scoped3A = tpu.sem_alloc : memref<!tpu.dma_semaphore, #tpu.memory_space<semaphore_mem>>
      %dma_start3A_32 = tpu.memref_slice %arg4[%mul3A_2] : memref<320000xi32, #tpu.memory_space<hbm>> -> memref<10000xi32, #tpu.memory_space<hbm>>
      %dma_start3A_33 = tpu.memref_slice %arg4[%mul3A_2] : memref<320000xi32, #tpu.memory_space<hbm>> -> memref<10000xi32, #tpu.memory_space<hbm>>
      tpu.enqueue_dma source(%dma_start3A_33 : memref<10000xi32, #tpu.memory_space<hbm>>) target(%arg7 : memref<10000xi32, #tpu.memory_space<vmem>>) target_semaphore(%run_scoped3A : memref<!tpu.dma_semaphore, #tpu.memory_space<semaphore_mem>>)
      %dma_wait3A_34 = tpu.memref_slice %arg4[%mul3A_2] : memref<320000xi32, #tpu.memory_space<hbm>> -> memref<10000xi32, #tpu.memory_space<hbm>>
      %dma_wait3A_35 = tpu.memref_slice %arg4[%mul3A_2] : memref<320000xi32, #tpu.memory_space<hbm>> -> memref<10000xi32, #tpu.memory_space<hbm>>
      tpu.wait_dma2 semaphore(%run_scoped3A : memref<!tpu.dma_semaphore, #tpu.memory_space<semaphore_mem>>) src(%dma_wait3A_35 : memref<10000xi32, #tpu.memory_space<hbm>>) dst(%arg7 : memref<10000xi32, #tpu.memory_space<vmem>>)
      tpu.yield
    }) : () -> ()
    "tpu.region"() ({
      %run_scoped3A = tpu.sem_alloc : memref<!tpu.dma_semaphore, #tpu.memory_space<semaphore_mem>>
      %dma_start3A_32 = tpu.memref_slice %arg5[%mul3A_2] : memref<320000xi32, #tpu.memory_space<hbm>> -> memref<10000xi32, #tpu.memory_space<hbm>>
      %dma_start3A_33 = tpu.memref_slice %arg5[%mul3A_2] : memref<320000xi32, #tpu.memory_space<hbm>> -> memref<10000xi32, #tpu.memory_space<hbm>>
      tpu.enqueue_dma source(%dma_start3A_33 : memref<10000xi32, #tpu.memory_space<hbm>>) target(%arg8 : memref<10000xi32, #tpu.memory_space<vmem>>) target_semaphore(%run_scoped3A : memref<!tpu.dma_semaphore, #tpu.memory_space<semaphore_mem>>)
      %dma_wait3A_34 = tpu.memref_slice %arg5[%mul3A_2] : memref<320000xi32, #tpu.memory_space<hbm>> -> memref<10000xi32, #tpu.memory_space<hbm>>
      %dma_wait3A_35 = tpu.memref_slice %arg5[%mul3A_2] : memref<320000xi32, #tpu.memory_space<hbm>> -> memref<10000xi32, #tpu.memory_space<hbm>>
      tpu.wait_dma2 semaphore(%run_scoped3A : memref<!tpu.dma_semaphore, #tpu.memory_space<semaphore_mem>>) src(%dma_wait3A_35 : memref<10000xi32, #tpu.memory_space<hbm>>) dst(%arg8 : memref<10000xi32, #tpu.memory_space<vmem>>)
      tpu.yield
    }) : () -> ()
    %scan3A = arith.constant 0 : i32
    %scan3A_3 = arith.constant 12 : i32
    %scan3A_4 = arith.addi %scan3A, %scan3A_3 : i32
    %scan3A_5 = arith.constant 1 : i32
    scf.for %scan3A_32 = %scan3A to %scan3A_4 step %scan3A_5  : i32 {
      %mul3A_33 = arith.constant 2 : i32
      %mul3A_34 = arith.muli %scan3A_32, %mul3A_33 : i32
      %add3A_35 = arith.constant 0 : i32
      %add3A_36 = arith.addi %add3A_35, %mul3A_34 : i32
      %mul3A_37 = arith.constant 400 : i32
      %mul3A_38 = arith.muli %add3A_36, %mul3A_37 : i32
      %add3A_39 = arith.constant 400 : i32
      %add3A_40 = arith.addi %mul3A_38, %add3A_39 : i32
      %dma_start3A_41 = tpu.memref_slice %arg7[%mul3A_38] : memref<10000xi32, #tpu.memory_space<vmem>> -> memref<400xi32, #tpu.memory_space<vmem>>
      %dma_start3A_42 = arith.constant 0 : i32
      %dma_start3A_43 = arith.constant 0 : i32
      %dma_start3A_44 = tpu.memref_slice %arg2[%dma_start3A_42, %dma_start3A_43] : memref<10000x64xf32, #tpu.memory_space<hbm>> -> memref<10000x64xf32, #tpu.memory_space<hbm>>
      tpu.enqueue_indirect_dma source(%dma_start3A_44 : memref<10000x64xf32, #tpu.memory_space<hbm>>) target(%arg9 : memref<400x64xf32, #tpu.memory_space<vmem>>) offsets(%dma_start3A_41 : memref<400xi32, #tpu.memory_space<vmem>>) semaphore(%arg13 : memref<!tpu.dma_semaphore, #tpu.memory_space<semaphore_mem>>)
      %dma_start3A_45 = tpu.memref_slice %arg8[%mul3A_38] : memref<10000xi32, #tpu.memory_space<vmem>> -> memref<400xi32, #tpu.memory_space<vmem>>
      %dma_start3A_46 = arith.constant 0 : i32
      %dma_start3A_47 = arith.constant 0 : i32
      %dma_start3A_48 = tpu.memref_slice %arg3[%dma_start3A_46, %dma_start3A_47] : memref<10000x64xf32, #tpu.memory_space<hbm>> -> memref<10000x64xf32, #tpu.memory_space<hbm>>
      tpu.enqueue_indirect_dma source(%dma_start3A_48 : memref<10000x64xf32, #tpu.memory_space<hbm>>) target(%arg10 : memref<400x64xf32, #tpu.memory_space<vmem>>) offsets(%dma_start3A_45 : memref<400xi32, #tpu.memory_space<vmem>>) semaphore(%arg14 : memref<!tpu.dma_semaphore, #tpu.memory_space<semaphore_mem>>)
      %dma_start3A_49 = tpu.memref_slice %arg7[%add3A_40] : memref<10000xi32, #tpu.memory_space<vmem>> -> memref<400xi32, #tpu.memory_space<vmem>>
      %dma_start3A_50 = arith.constant 0 : i32
      %dma_start3A_51 = arith.constant 0 : i32
      %dma_start3A_52 = tpu.memref_slice %arg2[%dma_start3A_50, %dma_start3A_51] : memref<10000x64xf32, #tpu.memory_space<hbm>> -> memref<10000x64xf32, #tpu.memory_space<hbm>>
      tpu.enqueue_indirect_dma source(%dma_start3A_52 : memref<10000x64xf32, #tpu.memory_space<hbm>>) target(%arg11 : memref<400x64xf32, #tpu.memory_space<vmem>>) offsets(%dma_start3A_49 : memref<400xi32, #tpu.memory_space<vmem>>) semaphore(%arg15 : memref<!tpu.dma_semaphore, #tpu.memory_space<semaphore_mem>>)
      %dma_start3A_53 = tpu.memref_slice %arg8[%add3A_40] : memref<10000xi32, #tpu.memory_space<vmem>> -> memref<400xi32, #tpu.memory_space<vmem>>
      %dma_start3A_54 = arith.constant 0 : i32
      %dma_start3A_55 = arith.constant 0 : i32
      %dma_start3A_56 = tpu.memref_slice %arg3[%dma_start3A_54, %dma_start3A_55] : memref<10000x64xf32, #tpu.memory_space<hbm>> -> memref<10000x64xf32, #tpu.memory_space<hbm>>
      tpu.enqueue_indirect_dma source(%dma_start3A_56 : memref<10000x64xf32, #tpu.memory_space<hbm>>) target(%arg12 : memref<400x64xf32, #tpu.memory_space<vmem>>) offsets(%dma_start3A_53 : memref<400xi32, #tpu.memory_space<vmem>>) semaphore(%arg16 : memref<!tpu.dma_semaphore, #tpu.memory_space<semaphore_mem>>)
      %dma_wait3A_57 = tpu.memref_slice %arg7[%mul3A_38] : memref<10000xi32, #tpu.memory_space<vmem>> -> memref<400xi32, #tpu.memory_space<vmem>>
      %dma_wait3A_58 = arith.constant 0 : i32
      %dma_wait3A_59 = arith.constant 0 : i32
      %dma_wait3A_60 = tpu.memref_slice %arg2[%dma_wait3A_58, %dma_wait3A_59] : memref<10000x64xf32, #tpu.memory_space<hbm>> -> memref<10000x64xf32, #tpu.memory_space<hbm>>
      tpu.wait_indirect_dma semaphore(%arg13 : memref<!tpu.dma_semaphore, #tpu.memory_space<semaphore_mem>>) src(%dma_wait3A_60 : memref<10000x64xf32, #tpu.memory_space<hbm>>) dst(%arg9 : memref<400x64xf32, #tpu.memory_space<vmem>>)
      %dma_wait3A_61 = tpu.memref_slice %arg8[%mul3A_38] : memref<10000xi32, #tpu.memory_space<vmem>> -> memref<400xi32, #tpu.memory_space<vmem>>
      %dma_wait3A_62 = arith.constant 0 : i32
      %dma_wait3A_63 = arith.constant 0 : i32
      %dma_wait3A_64 = tpu.memref_slice %arg3[%dma_wait3A_62, %dma_wait3A_63] : memref<10000x64xf32, #tpu.memory_space<hbm>> -> memref<10000x64xf32, #tpu.memory_space<hbm>>
      tpu.wait_indirect_dma semaphore(%arg14 : memref<!tpu.dma_semaphore, #tpu.memory_space<semaphore_mem>>) src(%dma_wait3A_64 : memref<10000x64xf32, #tpu.memory_space<hbm>>) dst(%arg10 : memref<400x64xf32, #tpu.memory_space<vmem>>)
      %scan3A_65 = arith.constant 0 : i32
      %scan3A_66 = arith.constant 400 : i32
      %scan3A_67 = arith.addi %scan3A_65, %scan3A_66 : i32
      %scan3A_68 = arith.constant 1 : i32
      scf.for %scan3A_101 = %scan3A_65 to %scan3A_67 step %scan3A_68  : i32 {
        %mul3A_102 = arith.constant 1 : i32
        %mul3A_103 = arith.muli %scan3A_101, %mul3A_102 : i32
        %add3A_104 = arith.constant 0 : i32
        %add3A_105 = arith.addi %add3A_104, %mul3A_103 : i32
        %get3A = arith.index_cast %add3A_105 : i32 to index
        %get3A_106 = arith.constant 0 : index
        %get3A_107 = tpu.vector_load %arg10[%get3A, %get3A_106] {strides = array<i32>} : memref<400x64xf32, #tpu.memory_space<vmem>>, vector<1x16xf32>,
        %get3A_108 = vector.shape_cast %get3A_107 : vector<1x16xf32> to vector<16xf32>
        %swap3A = arith.index_cast %add3A_105 : i32 to index
        %swap3A_109 = arith.constant 0 : index
        %swap3A_110 = tpu.vector_load %arg9[%swap3A, %swap3A_109] {strides = array<i32>} : memref<400x64xf32, #tpu.memory_space<vmem>>, vector<1x16xf32>,
        %swap3A_111 = vector.shape_cast %swap3A_110 : vector<1x16xf32> to vector<16xf32>
        %swap3A_112 = vector.shape_cast %get3A_108 : vector<16xf32> to vector<1x16xf32>
        tpu.vector_store %arg9[%swap3A, %swap3A_109], %swap3A_112 {add = true, strides = array<i32>} : memref<400x64xf32, #tpu.memory_space<vmem>>, vector<1x16xf32>,
        %get3A_113 = arith.index_cast %add3A_105 : i32 to index
        %get3A_114 = arith.constant 16 : index
        %get3A_115 = tpu.vector_load %arg10[%get3A_113, %get3A_114] {strides = array<i32>} : memref<400x64xf32, #tpu.memory_space<vmem>>, vector<1x16xf32>,
        %get3A_116 = vector.shape_cast %get3A_115 : vector<1x16xf32> to vector<16xf32>
        %swap3A_117 = arith.index_cast %add3A_105 : i32 to index
        %swap3A_118 = arith.constant 16 : index
        %swap3A_119 = tpu.vector_load %arg9[%swap3A_117, %swap3A_118] {strides = array<i32>} : memref<400x64xf32, #tpu.memory_space<vmem>>, vector<1x16xf32>,
        %swap3A_120 = vector.shape_cast %swap3A_119 : vector<1x16xf32> to vector<16xf32>
        %swap3A_121 = vector.shape_cast %get3A_116 : vector<16xf32> to vector<1x16xf32>
        tpu.vector_store %arg9[%swap3A_117, %swap3A_118], %swap3A_121 {add = true, strides = array<i32>} : memref<400x64xf32, #tpu.memory_space<vmem>>, vector<1x16xf32>,
        %get3A_122 = arith.index_cast %add3A_105 : i32 to index
        %get3A_123 = arith.constant 32 : index
        %get3A_124 = tpu.vector_load %arg10[%get3A_122, %get3A_123] {strides = array<i32>} : memref<400x64xf32, #tpu.memory_space<vmem>>, vector<1x16xf32>,
        %get3A_125 = vector.shape_cast %get3A_124 : vector<1x16xf32> to vector<16xf32>
        %swap3A_126 = arith.index_cast %add3A_105 : i32 to index
        %swap3A_127 = arith.constant 32 : index
        %swap3A_128 = tpu.vector_load %arg9[%swap3A_126, %swap3A_127] {strides = array<i32>} : memref<400x64xf32, #tpu.memory_space<vmem>>, vector<1x16xf32>,
        %swap3A_129 = vector.shape_cast %swap3A_128 : vector<1x16xf32> to vector<16xf32>
        %swap3A_130 = vector.shape_cast %get3A_125 : vector<16xf32> to vector<1x16xf32>
        tpu.vector_store %arg9[%swap3A_126, %swap3A_127], %swap3A_130 {add = true, strides = array<i32>} : memref<400x64xf32, #tpu.memory_space<vmem>>, vector<1x16xf32>,
        %get3A_131 = arith.index_cast %add3A_105 : i32 to index
        %get3A_132 = arith.constant 48 : index
        %get3A_133 = tpu.vector_load %arg10[%get3A_131, %get3A_132] {strides = array<i32>} : memref<400x64xf32, #tpu.memory_space<vmem>>, vector<1x16xf32>,
        %get3A_134 = vector.shape_cast %get3A_133 : vector<1x16xf32> to vector<16xf32>
        %swap3A_135 = arith.index_cast %add3A_105 : i32 to index
        %swap3A_136 = arith.constant 48 : index
        %swap3A_137 = tpu.vector_load %arg9[%swap3A_135, %swap3A_136] {strides = array<i32>} : memref<400x64xf32, #tpu.memory_space<vmem>>, vector<1x16xf32>,
        %swap3A_138 = vector.shape_cast %swap3A_137 : vector<1x16xf32> to vector<16xf32>
        %swap3A_139 = vector.shape_cast %get3A_134 : vector<16xf32> to vector<1x16xf32>
        tpu.vector_store %arg9[%swap3A_135, %swap3A_136], %swap3A_139 {add = true, strides = array<i32>} : memref<400x64xf32, #tpu.memory_space<vmem>>, vector<1x16xf32>,
      }
      %scan3A_69 = arith.constant 400 : i32
      %add3A_70 = arith.addi %mul3A_2, %mul3A_38 : i32
      %dma_start3A_71 = arith.constant 0 : i32
      %dma_start3A_72 = tpu.memref_slice %arg6[%add3A_70, %dma_start3A_71] : memref<320000x64xf32, #tpu.memory_space<hbm>> -> memref<400x64xf32, #tpu.memory_space<hbm>>
      %dma_start3A_73 = arith.constant 0 : i32
      %dma_start3A_74 = tpu.memref_slice %arg6[%add3A_70, %dma_start3A_73] : memref<320000x64xf32, #tpu.memory_space<hbm>> -> memref<400x64xf32, #tpu.memory_space<hbm>>
      tpu.enqueue_dma source(%arg9 : memref<400x64xf32, #tpu.memory_space<vmem>>) target(%dma_start3A_74 : memref<400x64xf32, #tpu.memory_space<hbm>>) target_semaphore(%arg17 : memref<!tpu.dma_semaphore, #tpu.memory_space<semaphore_mem>>)
      %dma_wait3A_75 = tpu.memref_slice %arg7[%add3A_40] : memref<10000xi32, #tpu.memory_space<vmem>> -> memref<400xi32, #tpu.memory_space<vmem>>
      %dma_wait3A_76 = arith.constant 0 : i32
      %dma_wait3A_77 = arith.constant 0 : i32
      %dma_wait3A_78 = tpu.memref_slice %arg2[%dma_wait3A_76, %dma_wait3A_77] : memref<10000x64xf32, #tpu.memory_space<hbm>> -> memref<10000x64xf32, #tpu.memory_space<hbm>>
      tpu.wait_indirect_dma semaphore(%arg15 : memref<!tpu.dma_semaphore, #tpu.memory_space<semaphore_mem>>) src(%dma_wait3A_78 : memref<10000x64xf32, #tpu.memory_space<hbm>>) dst(%arg11 : memref<400x64xf32, #tpu.memory_space<vmem>>)
      %dma_wait3A_79 = tpu.memref_slice %arg8[%add3A_40] : memref<10000xi32, #tpu.memory_space<vmem>> -> memref<400xi32, #tpu.memory_space<vmem>>
      %dma_wait3A_80 = arith.constant 0 : i32
      %dma_wait3A_81 = arith.constant 0 : i32
      %dma_wait3A_82 = tpu.memref_slice %arg3[%dma_wait3A_80, %dma_wait3A_81] : memref<10000x64xf32, #tpu.memory_space<hbm>> -> memref<10000x64xf32, #tpu.memory_space<hbm>>
      tpu.wait_indirect_dma semaphore(%arg16 : memref<!tpu.dma_semaphore, #tpu.memory_space<semaphore_mem>>) src(%dma_wait3A_82 : memref<10000x64xf32, #tpu.memory_space<hbm>>) dst(%arg12 : memref<400x64xf32, #tpu.memory_space<vmem>>)
      %scan3A_83 = arith.constant 0 : i32
      %scan3A_84 = arith.constant 400 : i32
      %scan3A_85 = arith.addi %scan3A_83, %scan3A_84 : i32
      %scan3A_86 = arith.constant 1 : i32
      scf.for %scan3A_101 = %scan3A_83 to %scan3A_85 step %scan3A_86  : i32 {
        %mul3A_102 = arith.constant 1 : i32
        %mul3A_103 = arith.muli %scan3A_101, %mul3A_102 : i32
        %add3A_104 = arith.constant 0 : i32
        %add3A_105 = arith.addi %add3A_104, %mul3A_103 : i32
        %get3A = arith.index_cast %add3A_105 : i32 to index
        %get3A_106 = arith.constant 0 : index
        %get3A_107 = tpu.vector_load %arg12[%get3A, %get3A_106] {strides = array<i32>} : memref<400x64xf32, #tpu.memory_space<vmem>>, vector<1x16xf32>,
        %get3A_108 = vector.shape_cast %get3A_107 : vector<1x16xf32> to vector<16xf32>
        %swap3A = arith.index_cast %add3A_105 : i32 to index
        %swap3A_109 = arith.constant 0 : index
        %swap3A_110 = tpu.vector_load %arg11[%swap3A, %swap3A_109] {strides = array<i32>} : memref<400x64xf32, #tpu.memory_space<vmem>>, vector<1x16xf32>,
        %swap3A_111 = vector.shape_cast %swap3A_110 : vector<1x16xf32> to vector<16xf32>
        %swap3A_112 = vector.shape_cast %get3A_108 : vector<16xf32> to vector<1x16xf32>
        tpu.vector_store %arg11[%swap3A, %swap3A_109], %swap3A_112 {add = true, strides = array<i32>} : memref<400x64xf32, #tpu.memory_space<vmem>>, vector<1x16xf32>,
        %get3A_113 = arith.index_cast %add3A_105 : i32 to index
        %get3A_114 = arith.constant 16 : index
        %get3A_115 = tpu.vector_load %arg12[%get3A_113, %get3A_114] {strides = array<i32>} : memref<400x64xf32, #tpu.memory_space<vmem>>, vector<1x16xf32>,
        %get3A_116 = vector.shape_cast %get3A_115 : vector<1x16xf32> to vector<16xf32>
        %swap3A_117 = arith.index_cast %add3A_105 : i32 to index
        %swap3A_118 = arith.constant 16 : index
        %swap3A_119 = tpu.vector_load %arg11[%swap3A_117, %swap3A_118] {strides = array<i32>} : memref<400x64xf32, #tpu.memory_space<vmem>>, vector<1x16xf32>,
        %swap3A_120 = vector.shape_cast %swap3A_119 : vector<1x16xf32> to vector<16xf32>
        %swap3A_121 = vector.shape_cast %get3A_116 : vector<16xf32> to vector<1x16xf32>
        tpu.vector_store %arg11[%swap3A_117, %swap3A_118], %swap3A_121 {add = true, strides = array<i32>} : memref<400x64xf32, #tpu.memory_space<vmem>>, vector<1x16xf32>,
        %get3A_122 = arith.index_cast %add3A_105 : i32 to index
        %get3A_123 = arith.constant 32 : index
        %get3A_124 = tpu.vector_load %arg12[%get3A_122, %get3A_123] {strides = array<i32>} : memref<400x64xf32, #tpu.memory_space<vmem>>, vector<1x16xf32>,
        %get3A_125 = vector.shape_cast %get3A_124 : vector<1x16xf32> to vector<16xf32>
        %swap3A_126 = arith.index_cast %add3A_105 : i32 to index
        %swap3A_127 = arith.constant 32 : index
        %swap3A_128 = tpu.vector_load %arg11[%swap3A_126, %swap3A_127] {strides = array<i32>} : memref<400x64xf32, #tpu.memory_space<vmem>>, vector<1x16xf32>,
        %swap3A_129 = vector.shape_cast %swap3A_128 : vector<1x16xf32> to vector<16xf32>
        %swap3A_130 = vector.shape_cast %get3A_125 : vector<16xf32> to vector<1x16xf32>
        tpu.vector_store %arg11[%swap3A_126, %swap3A_127], %swap3A_130 {add = true, strides = array<i32>} : memref<400x64xf32, #tpu.memory_space<vmem>>, vector<1x16xf32>,
        %get3A_131 = arith.index_cast %add3A_105 : i32 to index
        %get3A_132 = arith.constant 48 : index
        %get3A_133 = tpu.vector_load %arg12[%get3A_131, %get3A_132] {strides = array<i32>} : memref<400x64xf32, #tpu.memory_space<vmem>>, vector<1x16xf32>,
        %get3A_134 = vector.shape_cast %get3A_133 : vector<1x16xf32> to vector<16xf32>
        %swap3A_135 = arith.index_cast %add3A_105 : i32 to index
        %swap3A_136 = arith.constant 48 : index
        %swap3A_137 = tpu.vector_load %arg11[%swap3A_135, %swap3A_136] {strides = array<i32>} : memref<400x64xf32, #tpu.memory_space<vmem>>, vector<1x16xf32>,
        %swap3A_138 = vector.shape_cast %swap3A_137 : vector<1x16xf32> to vector<16xf32>
        %swap3A_139 = vector.shape_cast %get3A_134 : vector<16xf32> to vector<1x16xf32>
        tpu.vector_store %arg11[%swap3A_135, %swap3A_136], %swap3A_139 {add = true, strides = array<i32>} : memref<400x64xf32, #tpu.memory_space<vmem>>, vector<1x16xf32>,
      }
      %scan3A_87 = arith.constant 400 : i32
      %add3A_88 = arith.addi %mul3A_2, %add3A_40 : i32
      %dma_start3A_89 = arith.constant 0 : i32
      %dma_start3A_90 = tpu.memref_slice %arg6[%add3A_88, %dma_start3A_89] : memref<320000x64xf32, #tpu.memory_space<hbm>> -> memref<400x64xf32, #tpu.memory_space<hbm>>
      %dma_start3A_91 = arith.constant 0 : i32
      %dma_start3A_92 = tpu.memref_slice %arg6[%add3A_88, %dma_start3A_91] : memref<320000x64xf32, #tpu.memory_space<hbm>> -> memref<400x64xf32, #tpu.memory_space<hbm>>
      tpu.enqueue_dma source(%arg11 : memref<400x64xf32, #tpu.memory_space<vmem>>) target(%dma_start3A_92 : memref<400x64xf32, #tpu.memory_space<hbm>>) target_semaphore(%arg18 : memref<!tpu.dma_semaphore, #tpu.memory_space<semaphore_mem>>)
      %dma_wait3A_93 = arith.constant 0 : i32
      %dma_wait3A_94 = tpu.memref_slice %arg6[%add3A_70, %dma_wait3A_93] : memref<320000x64xf32, #tpu.memory_space<hbm>> -> memref<400x64xf32, #tpu.memory_space<hbm>>
      %dma_wait3A_95 = arith.constant 0 : i32
      %dma_wait3A_96 = tpu.memref_slice %arg6[%add3A_70, %dma_wait3A_95] : memref<320000x64xf32, #tpu.memory_space<hbm>> -> memref<400x64xf32, #tpu.memory_space<hbm>>
      tpu.wait_dma2 semaphore(%arg17 : memref<!tpu.dma_semaphore, #tpu.memory_space<semaphore_mem>>) src(%arg9 : memref<400x64xf32, #tpu.memory_space<vmem>>) dst(%dma_wait3A_96 : memref<400x64xf32, #tpu.memory_space<hbm>>)
      %dma_wait3A_97 = arith.constant 0 : i32
      %dma_wait3A_98 = tpu.memref_slice %arg6[%add3A_88, %dma_wait3A_97] : memref<320000x64xf32, #tpu.memory_space<hbm>> -> memref<400x64xf32, #tpu.memory_space<hbm>>
      %dma_wait3A_99 = arith.constant 0 : i32
      %dma_wait3A_100 = tpu.memref_slice %arg6[%add3A_88, %dma_wait3A_99] : memref<320000x64xf32, #tpu.memory_space<hbm>> -> memref<400x64xf32, #tpu.memory_space<hbm>>
      tpu.wait_dma2 semaphore(%arg18 : memref<!tpu.dma_semaphore, #tpu.memory_space<semaphore_mem>>) src(%arg11 : memref<400x64xf32, #tpu.memory_space<vmem>>) dst(%dma_wait3A_100 : memref<400x64xf32, #tpu.memory_space<hbm>>)
    }
    %scan3A_6 = arith.constant 12 : i32
    %dma_start3A = arith.constant 9600 : i32
    %dma_start3A_7 = tpu.memref_slice %arg7[%dma_start3A] : memref<10000xi32, #tpu.memory_space<vmem>> -> memref<400xi32, #tpu.memory_space<vmem>>
    %dma_start3A_8 = arith.constant 0 : i32
    %dma_start3A_9 = arith.constant 0 : i32
    %dma_start3A_10 = tpu.memref_slice %arg2[%dma_start3A_8, %dma_start3A_9] : memref<10000x64xf32, #tpu.memory_space<hbm>> -> memref<10000x64xf32, #tpu.memory_space<hbm>>
    tpu.enqueue_indirect_dma source(%dma_start3A_10 : memref<10000x64xf32, #tpu.memory_space<hbm>>) target(%arg9 : memref<400x64xf32, #tpu.memory_space<vmem>>) offsets(%dma_start3A_7 : memref<400xi32, #tpu.memory_space<vmem>>) semaphore(%arg13 : memref<!tpu.dma_semaphore, #tpu.memory_space<semaphore_mem>>)
    %dma_start3A_11 = arith.constant 9600 : i32
    %dma_start3A_12 = tpu.memref_slice %arg8[%dma_start3A_11] : memref<10000xi32, #tpu.memory_space<vmem>> -> memref<400xi32, #tpu.memory_space<vmem>>
    %dma_start3A_13 = arith.constant 0 : i32
    %dma_start3A_14 = arith.constant 0 : i32
    %dma_start3A_15 = tpu.memref_slice %arg3[%dma_start3A_13, %dma_start3A_14] : memref<10000x64xf32, #tpu.memory_space<hbm>> -> memref<10000x64xf32, #tpu.memory_space<hbm>>
    tpu.enqueue_indirect_dma source(%dma_start3A_15 : memref<10000x64xf32, #tpu.memory_space<hbm>>) target(%arg10 : memref<400x64xf32, #tpu.memory_space<vmem>>) offsets(%dma_start3A_12 : memref<400xi32, #tpu.memory_space<vmem>>) semaphore(%arg14 : memref<!tpu.dma_semaphore, #tpu.memory_space<semaphore_mem>>)
    %dma_wait3A = arith.constant 9600 : i32
    %dma_wait3A_16 = tpu.memref_slice %arg7[%dma_wait3A] : memref<10000xi32, #tpu.memory_space<vmem>> -> memref<400xi32, #tpu.memory_space<vmem>>
    %dma_wait3A_17 = arith.constant 0 : i32
    %dma_wait3A_18 = arith.constant 0 : i32
    %dma_wait3A_19 = tpu.memref_slice %arg2[%dma_wait3A_17, %dma_wait3A_18] : memref<10000x64xf32, #tpu.memory_space<hbm>> -> memref<10000x64xf32, #tpu.memory_space<hbm>>
    tpu.wait_indirect_dma semaphore(%arg13 : memref<!tpu.dma_semaphore, #tpu.memory_space<semaphore_mem>>) src(%dma_wait3A_19 : memref<10000x64xf32, #tpu.memory_space<hbm>>) dst(%arg9 : memref<400x64xf32, #tpu.memory_space<vmem>>)
    %dma_wait3A_20 = arith.constant 9600 : i32
    %dma_wait3A_21 = tpu.memref_slice %arg8[%dma_wait3A_20] : memref<10000xi32, #tpu.memory_space<vmem>> -> memref<400xi32, #tpu.memory_space<vmem>>
    %dma_wait3A_22 = arith.constant 0 : i32
    %dma_wait3A_23 = arith.constant 0 : i32
    %dma_wait3A_24 = tpu.memref_slice %arg3[%dma_wait3A_22, %dma_wait3A_23] : memref<10000x64xf32, #tpu.memory_space<hbm>> -> memref<10000x64xf32, #tpu.memory_space<hbm>>
    tpu.wait_indirect_dma semaphore(%arg14 : memref<!tpu.dma_semaphore, #tpu.memory_space<semaphore_mem>>) src(%dma_wait3A_24 : memref<10000x64xf32, #tpu.memory_space<hbm>>) dst(%arg10 : memref<400x64xf32, #tpu.memory_space<vmem>>)
    %scan3A_25 = arith.constant 0 : i32
    %scan3A_26 = arith.constant 400 : i32
    %scan3A_27 = arith.addi %scan3A_25, %scan3A_26 : i32
    %scan3A_28 = arith.constant 1 : i32
    scf.for %scan3A_32 = %scan3A_25 to %scan3A_27 step %scan3A_28  : i32 {
      %mul3A_33 = arith.constant 1 : i32
      %mul3A_34 = arith.muli %scan3A_32, %mul3A_33 : i32
      %add3A_35 = arith.constant 0 : i32
      %add3A_36 = arith.addi %add3A_35, %mul3A_34 : i32
      %get3A = arith.index_cast %add3A_36 : i32 to index
      %get3A_37 = arith.constant 0 : index
      %get3A_38 = tpu.vector_load %arg10[%get3A, %get3A_37] {strides = array<i32>} : memref<400x64xf32, #tpu.memory_space<vmem>>, vector<1x16xf32>,
      %get3A_39 = vector.shape_cast %get3A_38 : vector<1x16xf32> to vector<16xf32>
      %swap3A = arith.index_cast %add3A_36 : i32 to index
      %swap3A_40 = arith.constant 0 : index
      %swap3A_41 = tpu.vector_load %arg9[%swap3A, %swap3A_40] {strides = array<i32>} : memref<400x64xf32, #tpu.memory_space<vmem>>, vector<1x16xf32>,
      %swap3A_42 = vector.shape_cast %swap3A_41 : vector<1x16xf32> to vector<16xf32>
      %swap3A_43 = vector.shape_cast %get3A_39 : vector<16xf32> to vector<1x16xf32>
      tpu.vector_store %arg9[%swap3A, %swap3A_40], %swap3A_43 {add = true, strides = array<i32>} : memref<400x64xf32, #tpu.memory_space<vmem>>, vector<1x16xf32>,
      %get3A_44 = arith.index_cast %add3A_36 : i32 to index
      %get3A_45 = arith.constant 16 : index
      %get3A_46 = tpu.vector_load %arg10[%get3A_44, %get3A_45] {strides = array<i32>} : memref<400x64xf32, #tpu.memory_space<vmem>>, vector<1x16xf32>,
      %get3A_47 = vector.shape_cast %get3A_46 : vector<1x16xf32> to vector<16xf32>
      %swap3A_48 = arith.index_cast %add3A_36 : i32 to index
      %swap3A_49 = arith.constant 16 : index
      %swap3A_50 = tpu.vector_load %arg9[%swap3A_48, %swap3A_49] {strides = array<i32>} : memref<400x64xf32, #tpu.memory_space<vmem>>, vector<1x16xf32>,
      %swap3A_51 = vector.shape_cast %swap3A_50 : vector<1x16xf32> to vector<16xf32>
      %swap3A_52 = vector.shape_cast %get3A_47 : vector<16xf32> to vector<1x16xf32>
      tpu.vector_store %arg9[%swap3A_48, %swap3A_49], %swap3A_52 {add = true, strides = array<i32>} : memref<400x64xf32, #tpu.memory_space<vmem>>, vector<1x16xf32>,
      %get3A_53 = arith.index_cast %add3A_36 : i32 to index
      %get3A_54 = arith.constant 32 : index
      %get3A_55 = tpu.vector_load %arg10[%get3A_53, %get3A_54] {strides = array<i32>} : memref<400x64xf32, #tpu.memory_space<vmem>>, vector<1x16xf32>,
      %get3A_56 = vector.shape_cast %get3A_55 : vector<1x16xf32> to vector<16xf32>
      %swap3A_57 = arith.index_cast %add3A_36 : i32 to index
      %swap3A_58 = arith.constant 32 : index
      %swap3A_59 = tpu.vector_load %arg9[%swap3A_57, %swap3A_58] {strides = array<i32>} : memref<400x64xf32, #tpu.memory_space<vmem>>, vector<1x16xf32>,
      %swap3A_60 = vector.shape_cast %swap3A_59 : vector<1x16xf32> to vector<16xf32>
      %swap3A_61 = vector.shape_cast %get3A_56 : vector<16xf32> to vector<1x16xf32>
      tpu.vector_store %arg9[%swap3A_57, %swap3A_58], %swap3A_61 {add = true, strides = array<i32>} : memref<400x64xf32, #tpu.memory_space<vmem>>, vector<1x16xf32>,
      %get3A_62 = arith.index_cast %add3A_36 : i32 to index
      %get3A_63 = arith.constant 48 : index
      %get3A_64 = tpu.vector_load %arg10[%get3A_62, %get3A_63] {strides = array<i32>} : memref<400x64xf32, #tpu.memory_space<vmem>>, vector<1x16xf32>,
      %get3A_65 = vector.shape_cast %get3A_64 : vector<1x16xf32> to vector<16xf32>
      %swap3A_66 = arith.index_cast %add3A_36 : i32 to index
      %swap3A_67 = arith.constant 48 : index
      %swap3A_68 = tpu.vector_load %arg9[%swap3A_66, %swap3A_67] {strides = array<i32>} : memref<400x64xf32, #tpu.memory_space<vmem>>, vector<1x16xf32>,
      %swap3A_69 = vector.shape_cast %swap3A_68 : vector<1x16xf32> to vector<16xf32>
      %swap3A_70 = vector.shape_cast %get3A_65 : vector<16xf32> to vector<1x16xf32>
      tpu.vector_store %arg9[%swap3A_66, %swap3A_67], %swap3A_70 {add = true, strides = array<i32>} : memref<400x64xf32, #tpu.memory_space<vmem>>, vector<1x16xf32>,
    }
    %scan3A_29 = arith.constant 400 : i32
    %add3A_30 = arith.constant 9600 : i32
    %add3A_31 = arith.addi %mul3A_2, %add3A_30 : i32
    "tpu.region"() ({
      %run_scoped3A = tpu.sem_alloc : memref<!tpu.dma_semaphore, #tpu.memory_space<semaphore_mem>>
      %dma_start3A_32 = arith.constant 0 : i32
      %dma_start3A_33 = tpu.memref_slice %arg6[%add3A_31, %dma_start3A_32] : memref<320000x64xf32, #tpu.memory_space<hbm>> -> memref<400x64xf32, #tpu.memory_space<hbm>>
      %dma_start3A_34 = arith.constant 0 : i32
      %dma_start3A_35 = tpu.memref_slice %arg6[%add3A_31, %dma_start3A_34] : memref<320000x64xf32, #tpu.memory_space<hbm>> -> memref<400x64xf32, #tpu.memory_space<hbm>>
      tpu.enqueue_dma source(%arg9 : memref<400x64xf32, #tpu.memory_space<vmem>>) target(%dma_start3A_35 : memref<400x64xf32, #tpu.memory_space<hbm>>) target_semaphore(%run_scoped3A : memref<!tpu.dma_semaphore, #tpu.memory_space<semaphore_mem>>)
      %dma_wait3A_36 = arith.constant 0 : i32
      %dma_wait3A_37 = tpu.memref_slice %arg6[%add3A_31, %dma_wait3A_36] : memref<320000x64xf32, #tpu.memory_space<hbm>> -> memref<400x64xf32, #tpu.memory_space<hbm>>
      %dma_wait3A_38 = arith.constant 0 : i32
      %dma_wait3A_39 = tpu.memref_slice %arg6[%add3A_31, %dma_wait3A_38] : memref<320000x64xf32, #tpu.memory_space<hbm>> -> memref<400x64xf32, #tpu.memory_space<hbm>>
      tpu.wait_dma2 semaphore(%run_scoped3A : memref<!tpu.dma_semaphore, #tpu.memory_space<semaphore_mem>>) src(%arg9 : memref<400x64xf32, #tpu.memory_space<vmem>>) dst(%dma_wait3A_39 : memref<400x64xf32, #tpu.memory_space<hbm>>)
      tpu.yield
    }) : () -> ()
    return
  }
}

#map = affine_map<(d0, d1) -> (0, 0)>
#map1 = affine_map<(d0, d1) -> (0)>
#map2 = affine_map<(d0, d1) -> (0, 0, 0)>
module attributes {stable_mosaic.version = 14 : i64} {
  func.func @scatter_k(%arg0: i32, %arg1: i32, %arg2: memref<320000x16xf32, #tpu.memory_space<hbm>>, %arg3: memref<320000xi32, #tpu.memory_space<hbm>>, %arg4: memref<10000x16xf32, #tpu.memory_space<hbm>>, %arg5: memref<2x10000x16xf32, #tpu.memory_space<hbm>>, %arg6: memref<400xi32, #tpu.memory_space<vmem>>, %arg7: memref<400xi32, #tpu.memory_space<vmem>>, %arg8: memref<400x16xf32, #tpu.memory_space<vmem>>, %arg9: memref<400x16xf32, #tpu.memory_space<vmem>>, %arg10: memref<10000x16xf32, #tpu.memory_space<vmem_shared>>, %arg11: memref<!tpu.dma_semaphore, #tpu.memory_space<semaphore_mem>>, %arg12: memref<!tpu.dma_semaphore, #tpu.memory_space<semaphore_mem>>, %arg13: memref<!tpu.dma_semaphore, #tpu.memory_space<semaphore_mem>>, %arg14: memref<!tpu.dma_semaphore, #tpu.memory_space<semaphore_mem>>) attributes {dimension_semantics = [#tpu.dimension_semantics<core_parallel>, #tpu.dimension_semantics<subcore_parallel>], iteration_bounds = array<i64: 2, 16>, scalar_prefetch = 0 : i64, scratch_operands = 9 : i64, tpu.core_type = #tpu.core_type<sc_vector_subcore>, window_params = [{transform_indices = #map}, {transform_indices = #map1}, {transform_indices = #map}, {transform_indices = #map2}]} {
    %mul3A = arith.constant 625 : i32
    %mul3A_0 = arith.muli %arg1, %mul3A : i32
    "tpu.region"() ({
      %run_scoped3A = tpu.sem_alloc : memref<!tpu.dma_semaphore, #tpu.memory_space<semaphore_mem>>
      %dma_start3A_22 = arith.constant 0 : i32
      %dma_start3A_23 = tpu.memref_slice %arg10[%mul3A_0, %dma_start3A_22] : memref<10000x16xf32, #tpu.memory_space<vmem_shared>> -> memref<625x16xf32, #tpu.memory_space<vmem_shared>>
      %dma_start3A_24 = arith.constant 0 : i32
      %dma_start3A_25 = tpu.memref_slice %arg4[%mul3A_0, %dma_start3A_24] : memref<10000x16xf32, #tpu.memory_space<hbm>> -> memref<625x16xf32, #tpu.memory_space<hbm>>
      tpu.enqueue_dma source(%dma_start3A_25 : memref<625x16xf32, #tpu.memory_space<hbm>>) target(%dma_start3A_23 : memref<625x16xf32, #tpu.memory_space<vmem_shared>>) target_semaphore(%run_scoped3A : memref<!tpu.dma_semaphore, #tpu.memory_space<semaphore_mem>>)
      %dma_wait3A_26 = arith.constant 0 : i32
      %dma_wait3A_27 = tpu.memref_slice %arg10[%mul3A_0, %dma_wait3A_26] : memref<10000x16xf32, #tpu.memory_space<vmem_shared>> -> memref<625x16xf32, #tpu.memory_space<vmem_shared>>
      %dma_wait3A_28 = arith.constant 0 : i32
      %dma_wait3A_29 = tpu.memref_slice %arg4[%mul3A_0, %dma_wait3A_28] : memref<10000x16xf32, #tpu.memory_space<hbm>> -> memref<625x16xf32, #tpu.memory_space<hbm>>
      tpu.wait_dma2 semaphore(%run_scoped3A : memref<!tpu.dma_semaphore, #tpu.memory_space<semaphore_mem>>) src(%dma_wait3A_29 : memref<625x16xf32, #tpu.memory_space<hbm>>) dst(%dma_wait3A_27 : memref<625x16xf32, #tpu.memory_space<vmem_shared>>)
      tpu.yield
    }) : () -> ()
    %barrier3A = arith.constant 0 : index
    tpu.barrier barrier_id(%barrier3A)
    %mul3A_1 = arith.constant 160000 : i32
    %mul3A_2 = arith.muli %arg0, %mul3A_1 : i32
    %mul3A_3 = arith.constant 10000 : i32
    %mul3A_4 = arith.muli %arg1, %mul3A_3 : i32
    %add3A = arith.addi %mul3A_2, %mul3A_4 : i32
    %scan3A = arith.constant 0 : i32
    %scan3A_5 = arith.constant 12 : i32
    %scan3A_6 = arith.addi %scan3A, %scan3A_5 : i32
    %scan3A_7 = arith.constant 1 : i32
    scf.for %scan3A_22 = %scan3A to %scan3A_6 step %scan3A_7  : i32 {
      %mul3A_23 = arith.constant 2 : i32
      %mul3A_24 = arith.muli %scan3A_22, %mul3A_23 : i32
      %add3A_25 = arith.constant 0 : i32
      %add3A_26 = arith.addi %add3A_25, %mul3A_24 : i32
      %mul3A_27 = arith.constant 400 : i32
      %mul3A_28 = arith.muli %add3A_26, %mul3A_27 : i32
      %add3A_29 = arith.addi %add3A, %mul3A_28 : i32
      %add3A_30 = arith.constant 400 : i32
      %add3A_31 = arith.addi %add3A_29, %add3A_30 : i32
      %dma_start3A_32 = tpu.memref_slice %arg3[%add3A_29] : memref<320000xi32, #tpu.memory_space<hbm>> -> memref<400xi32, #tpu.memory_space<hbm>>
      %dma_start3A_33 = tpu.memref_slice %arg3[%add3A_29] : memref<320000xi32, #tpu.memory_space<hbm>> -> memref<400xi32, #tpu.memory_space<hbm>>
      tpu.enqueue_dma source(%dma_start3A_33 : memref<400xi32, #tpu.memory_space<hbm>>) target(%arg6 : memref<400xi32, #tpu.memory_space<vmem>>) target_semaphore(%arg11 : memref<!tpu.dma_semaphore, #tpu.memory_space<semaphore_mem>>)
      %dma_start3A_34 = arith.constant 0 : i32
      %dma_start3A_35 = tpu.memref_slice %arg2[%add3A_29, %dma_start3A_34] : memref<320000x16xf32, #tpu.memory_space<hbm>> -> memref<400x16xf32, #tpu.memory_space<hbm>>
      %dma_start3A_36 = arith.constant 0 : i32
      %dma_start3A_37 = tpu.memref_slice %arg2[%add3A_29, %dma_start3A_36] : memref<320000x16xf32, #tpu.memory_space<hbm>> -> memref<400x16xf32, #tpu.memory_space<hbm>>
      tpu.enqueue_dma source(%dma_start3A_37 : memref<400x16xf32, #tpu.memory_space<hbm>>) target(%arg8 : memref<400x16xf32, #tpu.memory_space<vmem>>) target_semaphore(%arg13 : memref<!tpu.dma_semaphore, #tpu.memory_space<semaphore_mem>>)
      %dma_start3A_38 = tpu.memref_slice %arg3[%add3A_31] : memref<320000xi32, #tpu.memory_space<hbm>> -> memref<400xi32, #tpu.memory_space<hbm>>
      %dma_start3A_39 = tpu.memref_slice %arg3[%add3A_31] : memref<320000xi32, #tpu.memory_space<hbm>> -> memref<400xi32, #tpu.memory_space<hbm>>
      tpu.enqueue_dma source(%dma_start3A_39 : memref<400xi32, #tpu.memory_space<hbm>>) target(%arg7 : memref<400xi32, #tpu.memory_space<vmem>>) target_semaphore(%arg12 : memref<!tpu.dma_semaphore, #tpu.memory_space<semaphore_mem>>)
      %dma_start3A_40 = arith.constant 0 : i32
      %dma_start3A_41 = tpu.memref_slice %arg2[%add3A_31, %dma_start3A_40] : memref<320000x16xf32, #tpu.memory_space<hbm>> -> memref<400x16xf32, #tpu.memory_space<hbm>>
      %dma_start3A_42 = arith.constant 0 : i32
      %dma_start3A_43 = tpu.memref_slice %arg2[%add3A_31, %dma_start3A_42] : memref<320000x16xf32, #tpu.memory_space<hbm>> -> memref<400x16xf32, #tpu.memory_space<hbm>>
      tpu.enqueue_dma source(%dma_start3A_43 : memref<400x16xf32, #tpu.memory_space<hbm>>) target(%arg9 : memref<400x16xf32, #tpu.memory_space<vmem>>) target_semaphore(%arg14 : memref<!tpu.dma_semaphore, #tpu.memory_space<semaphore_mem>>)
      %dma_wait3A_44 = tpu.memref_slice %arg3[%add3A_29] : memref<320000xi32, #tpu.memory_space<hbm>> -> memref<400xi32, #tpu.memory_space<hbm>>
      %dma_wait3A_45 = tpu.memref_slice %arg3[%add3A_29] : memref<320000xi32, #tpu.memory_space<hbm>> -> memref<400xi32, #tpu.memory_space<hbm>>
      tpu.wait_dma2 semaphore(%arg11 : memref<!tpu.dma_semaphore, #tpu.memory_space<semaphore_mem>>) src(%dma_wait3A_45 : memref<400xi32, #tpu.memory_space<hbm>>) dst(%arg6 : memref<400xi32, #tpu.memory_space<vmem>>)
      %dma_wait3A_46 = arith.constant 0 : i32
      %dma_wait3A_47 = tpu.memref_slice %arg2[%add3A_29, %dma_wait3A_46] : memref<320000x16xf32, #tpu.memory_space<hbm>> -> memref<400x16xf32, #tpu.memory_space<hbm>>
      %dma_wait3A_48 = arith.constant 0 : i32
      %dma_wait3A_49 = tpu.memref_slice %arg2[%add3A_29, %dma_wait3A_48] : memref<320000x16xf32, #tpu.memory_space<hbm>> -> memref<400x16xf32, #tpu.memory_space<hbm>>
      tpu.wait_dma2 semaphore(%arg13 : memref<!tpu.dma_semaphore, #tpu.memory_space<semaphore_mem>>) src(%dma_wait3A_49 : memref<400x16xf32, #tpu.memory_space<hbm>>) dst(%arg8 : memref<400x16xf32, #tpu.memory_space<vmem>>)
      "tpu.region"() ({
        %run_scoped3A = tpu.sem_alloc : memref<!tpu.dma_semaphore, #tpu.memory_space<semaphore_mem>>
        %dma_start3A_56 = arith.constant 0 : i32
        %dma_start3A_57 = arith.constant 0 : i32
        %dma_start3A_58 = tpu.memref_slice %arg10[%dma_start3A_56, %dma_start3A_57] : memref<10000x16xf32, #tpu.memory_space<vmem_shared>> -> memref<10000x16xf32, #tpu.memory_space<vmem_shared>>
        tpu.enqueue_indirect_dma source(%arg8 : memref<400x16xf32, #tpu.memory_space<vmem>>) target(%dma_start3A_58 : memref<10000x16xf32, #tpu.memory_space<vmem_shared>>) offsets(%arg6 : memref<400xi32, #tpu.memory_space<vmem>>) semaphore(%run_scoped3A : memref<!tpu.dma_semaphore, #tpu.memory_space<semaphore_mem>>) {add = true}
        %dma_wait3A_59 = arith.constant 0 : i32
        %dma_wait3A_60 = arith.constant 0 : i32
        %dma_wait3A_61 = tpu.memref_slice %arg10[%dma_wait3A_59, %dma_wait3A_60] : memref<10000x16xf32, #tpu.memory_space<vmem_shared>> -> memref<10000x16xf32, #tpu.memory_space<vmem_shared>>
        tpu.wait_indirect_dma semaphore(%run_scoped3A : memref<!tpu.dma_semaphore, #tpu.memory_space<semaphore_mem>>) src(%arg8 : memref<400x16xf32, #tpu.memory_space<vmem>>) dst(%dma_wait3A_61 : memref<10000x16xf32, #tpu.memory_space<vmem_shared>>)
        tpu.yield
      }) : () -> ()
      %dma_wait3A_50 = tpu.memref_slice %arg3[%add3A_31] : memref<320000xi32, #tpu.memory_space<hbm>> -> memref<400xi32, #tpu.memory_space<hbm>>
      %dma_wait3A_51 = tpu.memref_slice %arg3[%add3A_31] : memref<320000xi32, #tpu.memory_space<hbm>> -> memref<400xi32, #tpu.memory_space<hbm>>
      tpu.wait_dma2 semaphore(%arg12 : memref<!tpu.dma_semaphore, #tpu.memory_space<semaphore_mem>>) src(%dma_wait3A_51 : memref<400xi32, #tpu.memory_space<hbm>>) dst(%arg7 : memref<400xi32, #tpu.memory_space<vmem>>)
      %dma_wait3A_52 = arith.constant 0 : i32
      %dma_wait3A_53 = tpu.memref_slice %arg2[%add3A_31, %dma_wait3A_52] : memref<320000x16xf32, #tpu.memory_space<hbm>> -> memref<400x16xf32, #tpu.memory_space<hbm>>
      %dma_wait3A_54 = arith.constant 0 : i32
      %dma_wait3A_55 = tpu.memref_slice %arg2[%add3A_31, %dma_wait3A_54] : memref<320000x16xf32, #tpu.memory_space<hbm>> -> memref<400x16xf32, #tpu.memory_space<hbm>>
      tpu.wait_dma2 semaphore(%arg14 : memref<!tpu.dma_semaphore, #tpu.memory_space<semaphore_mem>>) src(%dma_wait3A_55 : memref<400x16xf32, #tpu.memory_space<hbm>>) dst(%arg9 : memref<400x16xf32, #tpu.memory_space<vmem>>)
      "tpu.region"() ({
        %run_scoped3A = tpu.sem_alloc : memref<!tpu.dma_semaphore, #tpu.memory_space<semaphore_mem>>
        %dma_start3A_56 = arith.constant 0 : i32
        %dma_start3A_57 = arith.constant 0 : i32
        %dma_start3A_58 = tpu.memref_slice %arg10[%dma_start3A_56, %dma_start3A_57] : memref<10000x16xf32, #tpu.memory_space<vmem_shared>> -> memref<10000x16xf32, #tpu.memory_space<vmem_shared>>
        tpu.enqueue_indirect_dma source(%arg9 : memref<400x16xf32, #tpu.memory_space<vmem>>) target(%dma_start3A_58 : memref<10000x16xf32, #tpu.memory_space<vmem_shared>>) offsets(%arg7 : memref<400xi32, #tpu.memory_space<vmem>>) semaphore(%run_scoped3A : memref<!tpu.dma_semaphore, #tpu.memory_space<semaphore_mem>>) {add = true}
        %dma_wait3A_59 = arith.constant 0 : i32
        %dma_wait3A_60 = arith.constant 0 : i32
        %dma_wait3A_61 = tpu.memref_slice %arg10[%dma_wait3A_59, %dma_wait3A_60] : memref<10000x16xf32, #tpu.memory_space<vmem_shared>> -> memref<10000x16xf32, #tpu.memory_space<vmem_shared>>
        tpu.wait_indirect_dma semaphore(%run_scoped3A : memref<!tpu.dma_semaphore, #tpu.memory_space<semaphore_mem>>) src(%arg9 : memref<400x16xf32, #tpu.memory_space<vmem>>) dst(%dma_wait3A_61 : memref<10000x16xf32, #tpu.memory_space<vmem_shared>>)
        tpu.yield
      }) : () -> ()
    }
    %scan3A_8 = arith.constant 12 : i32
    %add3A_9 = arith.constant 9600 : i32
    %add3A_10 = arith.addi %add3A, %add3A_9 : i32
    %dma_start3A = tpu.memref_slice %arg3[%add3A_10] : memref<320000xi32, #tpu.memory_space<hbm>> -> memref<400xi32, #tpu.memory_space<hbm>>
    %dma_start3A_11 = tpu.memref_slice %arg3[%add3A_10] : memref<320000xi32, #tpu.memory_space<hbm>> -> memref<400xi32, #tpu.memory_space<hbm>>
    tpu.enqueue_dma source(%dma_start3A_11 : memref<400xi32, #tpu.memory_space<hbm>>) target(%arg6 : memref<400xi32, #tpu.memory_space<vmem>>) target_semaphore(%arg11 : memref<!tpu.dma_semaphore, #tpu.memory_space<semaphore_mem>>)
    %dma_start3A_12 = arith.constant 0 : i32
    %dma_start3A_13 = tpu.memref_slice %arg2[%add3A_10, %dma_start3A_12] : memref<320000x16xf32, #tpu.memory_space<hbm>> -> memref<400x16xf32, #tpu.memory_space<hbm>>
    %dma_start3A_14 = arith.constant 0 : i32
    %dma_start3A_15 = tpu.memref_slice %arg2[%add3A_10, %dma_start3A_14] : memref<320000x16xf32, #tpu.memory_space<hbm>> -> memref<400x16xf32, #tpu.memory_space<hbm>>
    tpu.enqueue_dma source(%dma_start3A_15 : memref<400x16xf32, #tpu.memory_space<hbm>>) target(%arg8 : memref<400x16xf32, #tpu.memory_space<vmem>>) target_semaphore(%arg13 : memref<!tpu.dma_semaphore, #tpu.memory_space<semaphore_mem>>)
    %dma_wait3A = tpu.memref_slice %arg3[%add3A_10] : memref<320000xi32, #tpu.memory_space<hbm>> -> memref<400xi32, #tpu.memory_space<hbm>>
    %dma_wait3A_16 = tpu.memref_slice %arg3[%add3A_10] : memref<320000xi32, #tpu.memory_space<hbm>> -> memref<400xi32, #tpu.memory_space<hbm>>
    tpu.wait_dma2 semaphore(%arg11 : memref<!tpu.dma_semaphore, #tpu.memory_space<semaphore_mem>>) src(%dma_wait3A_16 : memref<400xi32, #tpu.memory_space<hbm>>) dst(%arg6 : memref<400xi32, #tpu.memory_space<vmem>>)
    %dma_wait3A_17 = arith.constant 0 : i32
    %dma_wait3A_18 = tpu.memref_slice %arg2[%add3A_10, %dma_wait3A_17] : memref<320000x16xf32, #tpu.memory_space<hbm>> -> memref<400x16xf32, #tpu.memory_space<hbm>>
    %dma_wait3A_19 = arith.constant 0 : i32
    %dma_wait3A_20 = tpu.memref_slice %arg2[%add3A_10, %dma_wait3A_19] : memref<320000x16xf32, #tpu.memory_space<hbm>> -> memref<400x16xf32, #tpu.memory_space<hbm>>
    tpu.wait_dma2 semaphore(%arg13 : memref<!tpu.dma_semaphore, #tpu.memory_space<semaphore_mem>>) src(%dma_wait3A_20 : memref<400x16xf32, #tpu.memory_space<hbm>>) dst(%arg8 : memref<400x16xf32, #tpu.memory_space<vmem>>)
    "tpu.region"() ({
      %run_scoped3A = tpu.sem_alloc : memref<!tpu.dma_semaphore, #tpu.memory_space<semaphore_mem>>
      %dma_start3A_22 = arith.constant 0 : i32
      %dma_start3A_23 = arith.constant 0 : i32
      %dma_start3A_24 = tpu.memref_slice %arg10[%dma_start3A_22, %dma_start3A_23] : memref<10000x16xf32, #tpu.memory_space<vmem_shared>> -> memref<10000x16xf32, #tpu.memory_space<vmem_shared>>
      tpu.enqueue_indirect_dma source(%arg8 : memref<400x16xf32, #tpu.memory_space<vmem>>) target(%dma_start3A_24 : memref<10000x16xf32, #tpu.memory_space<vmem_shared>>) offsets(%arg6 : memref<400xi32, #tpu.memory_space<vmem>>) semaphore(%run_scoped3A : memref<!tpu.dma_semaphore, #tpu.memory_space<semaphore_mem>>) {add = true}
      %dma_wait3A_25 = arith.constant 0 : i32
      %dma_wait3A_26 = arith.constant 0 : i32
      %dma_wait3A_27 = tpu.memref_slice %arg10[%dma_wait3A_25, %dma_wait3A_26] : memref<10000x16xf32, #tpu.memory_space<vmem_shared>> -> memref<10000x16xf32, #tpu.memory_space<vmem_shared>>
      tpu.wait_indirect_dma semaphore(%run_scoped3A : memref<!tpu.dma_semaphore, #tpu.memory_space<semaphore_mem>>) src(%arg8 : memref<400x16xf32, #tpu.memory_space<vmem>>) dst(%dma_wait3A_27 : memref<10000x16xf32, #tpu.memory_space<vmem_shared>>)
      tpu.yield
    }) : () -> ()
    %barrier3A_21 = arith.constant 0 : index
    tpu.barrier barrier_id(%barrier3A_21)
    "tpu.region"() ({
      %run_scoped3A = tpu.sem_alloc : memref<!tpu.dma_semaphore, #tpu.memory_space<semaphore_mem>>
      %dma_start3A_22 = arith.constant 0 : i32
      %dma_start3A_23 = tpu.memref_slice %arg5[%arg0, %mul3A_0, %dma_start3A_22] : memref<2x10000x16xf32, #tpu.memory_space<hbm>> -> memref<1x625x16xf32, #tpu.memory_space<hbm>>
      %dma_start3A_24 = tpu.memref_squeeze %dma_start3A_23 : memref<1x625x16xf32, #tpu.memory_space<hbm>> -> memref<625x16xf32, #tpu.memory_space<hbm>>
      %dma_start3A_25 = arith.constant 0 : i32
      %dma_start3A_26 = tpu.memref_slice %arg10[%mul3A_0, %dma_start3A_25] : memref<10000x16xf32, #tpu.memory_space<vmem_shared>> -> memref<625x16xf32, #tpu.memory_space<vmem_shared>>
      tpu.enqueue_dma source(%dma_start3A_26 : memref<625x16xf32, #tpu.memory_space<vmem_shared>>) target(%dma_start3A_24 : memref<625x16xf32, #tpu.memory_space<hbm>>) target_semaphore(%run_scoped3A : memref<!tpu.dma_semaphore, #tpu.memory_space<semaphore_mem>>)
      %dma_wait3A_27 = arith.constant 0 : i32
      %dma_wait3A_28 = tpu.memref_slice %arg5[%arg0, %mul3A_0, %dma_wait3A_27] : memref<2x10000x16xf32, #tpu.memory_space<hbm>> -> memref<1x625x16xf32, #tpu.memory_space<hbm>>
      %dma_wait3A_29 = tpu.memref_squeeze %dma_wait3A_28 : memref<1x625x16xf32, #tpu.memory_space<hbm>> -> memref<625x16xf32, #tpu.memory_space<hbm>>
      %dma_wait3A_30 = arith.constant 0 : i32
      %dma_wait3A_31 = tpu.memref_slice %arg10[%mul3A_0, %dma_wait3A_30] : memref<10000x16xf32, #tpu.memory_space<vmem_shared>> -> memref<625x16xf32, #tpu.memory_space<vmem_shared>>
      tpu.wait_dma2 semaphore(%run_scoped3A : memref<!tpu.dma_semaphore, #tpu.memory_space<semaphore_mem>>) src(%dma_wait3A_31 : memref<625x16xf32, #tpu.memory_space<vmem_shared>>) dst(%dma_wait3A_29 : memref<625x16xf32, #tpu.memory_space<hbm>>)
      tpu.yield
    }) : () -> ()
    return
  }
}

#map = affine_map<(d0, d1) -> (0, 0)>
#map1 = affine_map<(d0, d1) -> (0)>
module attributes {stable_mosaic.version = 14 : i64} {
  func.func @gather_k(%arg0: i32, %arg1: i32, %arg2: memref<10000x64xf32, #tpu.memory_space<hbm>>, %arg3: memref<10000x64xf32, #tpu.memory_space<hbm>>, %arg4: memref<320000xi32, #tpu.memory_space<hbm>>, %arg5: memref<320000xi32, #tpu.memory_space<hbm>>, %arg6: memref<320000x64xf32, #tpu.memory_space<hbm>>, %arg7: memref<10000xi32, #tpu.memory_space<vmem>>, %arg8: memref<10000xi32, #tpu.memory_space<vmem>>, %arg9: memref<400x64xf32, #tpu.memory_space<vmem>>, %arg10: memref<400x64xf32, #tpu.memory_space<vmem>>, %arg11: memref<400x64xf32, #tpu.memory_space<vmem>>, %arg12: memref<400x64xf32, #tpu.memory_space<vmem>>, %arg13: memref<!tpu.dma_semaphore, #tpu.memory_space<semaphore_mem>>, %arg14: memref<!tpu.dma_semaphore, #tpu.memory_space<semaphore_mem>>, %arg15: memref<!tpu.dma_semaphore, #tpu.memory_space<semaphore_mem>>, %arg16: memref<!tpu.dma_semaphore, #tpu.memory_space<semaphore_mem>>, %arg17: memref<!tpu.dma_semaphore, #tpu.memory_space<semaphore_mem>>, %arg18: memref<!tpu.dma_semaphore, #tpu.memory_space<semaphore_mem>>) attributes {dimension_semantics = [#tpu.dimension_semantics<core_parallel>, #tpu.dimension_semantics<subcore_parallel>], iteration_bounds = array<i64: 2, 16>, scalar_prefetch = 0 : i64, scratch_operands = 12 : i64, tpu.core_type = #tpu.core_type<sc_vector_subcore>, window_params = [{transform_indices = #map}, {transform_indices = #map}, {transform_indices = #map1}, {transform_indices = #map1}, {transform_indices = #map}]} {
    %mul3A = arith.constant 2 : i32
    %mul3A_0 = arith.muli %arg1, %mul3A : i32
    %add3A = arith.addi %mul3A_0, %arg0 : i32
    %mul3A_1 = arith.constant 10000 : i32
    %mul3A_2 = arith.muli %add3A, %mul3A_1 : i32
    "tpu.region"() ({
      %run_scoped3A = tpu.sem_alloc : memref<!tpu.dma_semaphore, #tpu.memory_space<semaphore_mem>>
      %dma_start3A_32 = tpu.memref_slice %arg4[%mul3A_2] : memref<320000xi32, #tpu.memory_space<hbm>> -> memref<10000xi32, #tpu.memory_space<hbm>>
      %dma_start3A_33 = tpu.memref_slice %arg4[%mul3A_2] : memref<320000xi32, #tpu.memory_space<hbm>> -> memref<10000xi32, #tpu.memory_space<hbm>>
      tpu.enqueue_dma source(%dma_start3A_33 : memref<10000xi32, #tpu.memory_space<hbm>>) target(%arg7 : memref<10000xi32, #tpu.memory_space<vmem>>) target_semaphore(%run_scoped3A : memref<!tpu.dma_semaphore, #tpu.memory_space<semaphore_mem>>)
      %dma_wait3A_34 = tpu.memref_slice %arg4[%mul3A_2] : memref<320000xi32, #tpu.memory_space<hbm>> -> memref<10000xi32, #tpu.memory_space<hbm>>
      %dma_wait3A_35 = tpu.memref_slice %arg4[%mul3A_2] : memref<320000xi32, #tpu.memory_space<hbm>> -> memref<10000xi32, #tpu.memory_space<hbm>>
      tpu.wait_dma2 semaphore(%run_scoped3A : memref<!tpu.dma_semaphore, #tpu.memory_space<semaphore_mem>>) src(%dma_wait3A_35 : memref<10000xi32, #tpu.memory_space<hbm>>) dst(%arg7 : memref<10000xi32, #tpu.memory_space<vmem>>)
      tpu.yield
    }) : () -> ()
    "tpu.region"() ({
      %run_scoped3A = tpu.sem_alloc : memref<!tpu.dma_semaphore, #tpu.memory_space<semaphore_mem>>
      %dma_start3A_32 = tpu.memref_slice %arg5[%mul3A_2] : memref<320000xi32, #tpu.memory_space<hbm>> -> memref<10000xi32, #tpu.memory_space<hbm>>
      %dma_start3A_33 = tpu.memref_slice %arg5[%mul3A_2] : memref<320000xi32, #tpu.memory_space<hbm>> -> memref<10000xi32, #tpu.memory_space<hbm>>
      tpu.enqueue_dma source(%dma_start3A_33 : memref<10000xi32, #tpu.memory_space<hbm>>) target(%arg8 : memref<10000xi32, #tpu.memory_space<vmem>>) target_semaphore(%run_scoped3A : memref<!tpu.dma_semaphore, #tpu.memory_space<semaphore_mem>>)
      %dma_wait3A_34 = tpu.memref_slice %arg5[%mul3A_2] : memref<320000xi32, #tpu.memory_space<hbm>> -> memref<10000xi32, #tpu.memory_space<hbm>>
      %dma_wait3A_35 = tpu.memref_slice %arg5[%mul3A_2] : memref<320000xi32, #tpu.memory_space<hbm>> -> memref<10000xi32, #tpu.memory_space<hbm>>
      tpu.wait_dma2 semaphore(%run_scoped3A : memref<!tpu.dma_semaphore, #tpu.memory_space<semaphore_mem>>) src(%dma_wait3A_35 : memref<10000xi32, #tpu.memory_space<hbm>>) dst(%arg8 : memref<10000xi32, #tpu.memory_space<vmem>>)
      tpu.yield
    }) : () -> ()
    %scan3A = arith.constant 0 : i32
    %scan3A_3 = arith.constant 12 : i32
    %scan3A_4 = arith.addi %scan3A, %scan3A_3 : i32
    %scan3A_5 = arith.constant 1 : i32
    scf.for %scan3A_32 = %scan3A to %scan3A_4 step %scan3A_5  : i32 {
      %mul3A_33 = arith.constant 2 : i32
      %mul3A_34 = arith.muli %scan3A_32, %mul3A_33 : i32
      %add3A_35 = arith.constant 0 : i32
      %add3A_36 = arith.addi %add3A_35, %mul3A_34 : i32
      %mul3A_37 = arith.constant 400 : i32
      %mul3A_38 = arith.muli %add3A_36, %mul3A_37 : i32
      %add3A_39 = arith.constant 400 : i32
      %add3A_40 = arith.addi %mul3A_38, %add3A_39 : i32
      %dma_start3A_41 = tpu.memref_slice %arg7[%mul3A_38] : memref<10000xi32, #tpu.memory_space<vmem>> -> memref<400xi32, #tpu.memory_space<vmem>>
      %dma_start3A_42 = arith.constant 0 : i32
      %dma_start3A_43 = arith.constant 0 : i32
      %dma_start3A_44 = tpu.memref_slice %arg2[%dma_start3A_42, %dma_start3A_43] : memref<10000x64xf32, #tpu.memory_space<hbm>> -> memref<10000x64xf32, #tpu.memory_space<hbm>>
      tpu.enqueue_indirect_dma source(%dma_start3A_44 : memref<10000x64xf32, #tpu.memory_space<hbm>>) target(%arg9 : memref<400x64xf32, #tpu.memory_space<vmem>>) offsets(%dma_start3A_41 : memref<400xi32, #tpu.memory_space<vmem>>) semaphore(%arg13 : memref<!tpu.dma_semaphore, #tpu.memory_space<semaphore_mem>>)
      %dma_start3A_45 = tpu.memref_slice %arg8[%mul3A_38] : memref<10000xi32, #tpu.memory_space<vmem>> -> memref<400xi32, #tpu.memory_space<vmem>>
      %dma_start3A_46 = arith.constant 0 : i32
      %dma_start3A_47 = arith.constant 0 : i32
      %dma_start3A_48 = tpu.memref_slice %arg3[%dma_start3A_46, %dma_start3A_47] : memref<10000x64xf32, #tpu.memory_space<hbm>> -> memref<10000x64xf32, #tpu.memory_space<hbm>>
      tpu.enqueue_indirect_dma source(%dma_start3A_48 : memref<10000x64xf32, #tpu.memory_space<hbm>>) target(%arg10 : memref<400x64xf32, #tpu.memory_space<vmem>>) offsets(%dma_start3A_45 : memref<400xi32, #tpu.memory_space<vmem>>) semaphore(%arg14 : memref<!tpu.dma_semaphore, #tpu.memory_space<semaphore_mem>>)
      %dma_start3A_49 = tpu.memref_slice %arg7[%add3A_40] : memref<10000xi32, #tpu.memory_space<vmem>> -> memref<400xi32, #tpu.memory_space<vmem>>
      %dma_start3A_50 = arith.constant 0 : i32
      %dma_start3A_51 = arith.constant 0 : i32
      %dma_start3A_52 = tpu.memref_slice %arg2[%dma_start3A_50, %dma_start3A_51] : memref<10000x64xf32, #tpu.memory_space<hbm>> -> memref<10000x64xf32, #tpu.memory_space<hbm>>
      tpu.enqueue_indirect_dma source(%dma_start3A_52 : memref<10000x64xf32, #tpu.memory_space<hbm>>) target(%arg11 : memref<400x64xf32, #tpu.memory_space<vmem>>) offsets(%dma_start3A_49 : memref<400xi32, #tpu.memory_space<vmem>>) semaphore(%arg15 : memref<!tpu.dma_semaphore, #tpu.memory_space<semaphore_mem>>)
      %dma_start3A_53 = tpu.memref_slice %arg8[%add3A_40] : memref<10000xi32, #tpu.memory_space<vmem>> -> memref<400xi32, #tpu.memory_space<vmem>>
      %dma_start3A_54 = arith.constant 0 : i32
      %dma_start3A_55 = arith.constant 0 : i32
      %dma_start3A_56 = tpu.memref_slice %arg3[%dma_start3A_54, %dma_start3A_55] : memref<10000x64xf32, #tpu.memory_space<hbm>> -> memref<10000x64xf32, #tpu.memory_space<hbm>>
      tpu.enqueue_indirect_dma source(%dma_start3A_56 : memref<10000x64xf32, #tpu.memory_space<hbm>>) target(%arg12 : memref<400x64xf32, #tpu.memory_space<vmem>>) offsets(%dma_start3A_53 : memref<400xi32, #tpu.memory_space<vmem>>) semaphore(%arg16 : memref<!tpu.dma_semaphore, #tpu.memory_space<semaphore_mem>>)
      %dma_wait3A_57 = tpu.memref_slice %arg7[%mul3A_38] : memref<10000xi32, #tpu.memory_space<vmem>> -> memref<400xi32, #tpu.memory_space<vmem>>
      %dma_wait3A_58 = arith.constant 0 : i32
      %dma_wait3A_59 = arith.constant 0 : i32
      %dma_wait3A_60 = tpu.memref_slice %arg2[%dma_wait3A_58, %dma_wait3A_59] : memref<10000x64xf32, #tpu.memory_space<hbm>> -> memref<10000x64xf32, #tpu.memory_space<hbm>>
      tpu.wait_indirect_dma semaphore(%arg13 : memref<!tpu.dma_semaphore, #tpu.memory_space<semaphore_mem>>) src(%dma_wait3A_60 : memref<10000x64xf32, #tpu.memory_space<hbm>>) dst(%arg9 : memref<400x64xf32, #tpu.memory_space<vmem>>)
      %dma_wait3A_61 = tpu.memref_slice %arg8[%mul3A_38] : memref<10000xi32, #tpu.memory_space<vmem>> -> memref<400xi32, #tpu.memory_space<vmem>>
      %dma_wait3A_62 = arith.constant 0 : i32
      %dma_wait3A_63 = arith.constant 0 : i32
      %dma_wait3A_64 = tpu.memref_slice %arg3[%dma_wait3A_62, %dma_wait3A_63] : memref<10000x64xf32, #tpu.memory_space<hbm>> -> memref<10000x64xf32, #tpu.memory_space<hbm>>
      tpu.wait_indirect_dma semaphore(%arg14 : memref<!tpu.dma_semaphore, #tpu.memory_space<semaphore_mem>>) src(%dma_wait3A_64 : memref<10000x64xf32, #tpu.memory_space<hbm>>) dst(%arg10 : memref<400x64xf32, #tpu.memory_space<vmem>>)
      %scan3A_65 = arith.constant 0 : i32
      %scan3A_66 = arith.constant 400 : i32
      %scan3A_67 = arith.addi %scan3A_65, %scan3A_66 : i32
      %scan3A_68 = arith.constant 1 : i32
      scf.for %scan3A_101 = %scan3A_65 to %scan3A_67 step %scan3A_68  : i32 {
        %mul3A_102 = arith.constant 1 : i32
        %mul3A_103 = arith.muli %scan3A_101, %mul3A_102 : i32
        %add3A_104 = arith.constant 0 : i32
        %add3A_105 = arith.addi %add3A_104, %mul3A_103 : i32
        %get3A = arith.index_cast %add3A_105 : i32 to index
        %get3A_106 = arith.constant 0 : index
        %get3A_107 = tpu.vector_load %arg10[%get3A, %get3A_106] {strides = array<i32>} : memref<400x64xf32, #tpu.memory_space<vmem>>, vector<1x16xf32>,
        %get3A_108 = vector.shape_cast %get3A_107 : vector<1x16xf32> to vector<16xf32>
        %swap3A = arith.index_cast %add3A_105 : i32 to index
        %swap3A_109 = arith.constant 0 : index
        %swap3A_110 = tpu.vector_load %arg9[%swap3A, %swap3A_109] {strides = array<i32>} : memref<400x64xf32, #tpu.memory_space<vmem>>, vector<1x16xf32>,
        %swap3A_111 = vector.shape_cast %swap3A_110 : vector<1x16xf32> to vector<16xf32>
        %swap3A_112 = vector.shape_cast %get3A_108 : vector<16xf32> to vector<1x16xf32>
        tpu.vector_store %arg9[%swap3A, %swap3A_109], %swap3A_112 {add = true, strides = array<i32>} : memref<400x64xf32, #tpu.memory_space<vmem>>, vector<1x16xf32>,
        %get3A_113 = arith.index_cast %add3A_105 : i32 to index
        %get3A_114 = arith.constant 16 : index
        %get3A_115 = tpu.vector_load %arg10[%get3A_113, %get3A_114] {strides = array<i32>} : memref<400x64xf32, #tpu.memory_space<vmem>>, vector<1x16xf32>,
        %get3A_116 = vector.shape_cast %get3A_115 : vector<1x16xf32> to vector<16xf32>
        %swap3A_117 = arith.index_cast %add3A_105 : i32 to index
        %swap3A_118 = arith.constant 16 : index
        %swap3A_119 = tpu.vector_load %arg9[%swap3A_117, %swap3A_118] {strides = array<i32>} : memref<400x64xf32, #tpu.memory_space<vmem>>, vector<1x16xf32>,
        %swap3A_120 = vector.shape_cast %swap3A_119 : vector<1x16xf32> to vector<16xf32>
        %swap3A_121 = vector.shape_cast %get3A_116 : vector<16xf32> to vector<1x16xf32>
        tpu.vector_store %arg9[%swap3A_117, %swap3A_118], %swap3A_121 {add = true, strides = array<i32>} : memref<400x64xf32, #tpu.memory_space<vmem>>, vector<1x16xf32>,
        %get3A_122 = arith.index_cast %add3A_105 : i32 to index
        %get3A_123 = arith.constant 32 : index
        %get3A_124 = tpu.vector_load %arg10[%get3A_122, %get3A_123] {strides = array<i32>} : memref<400x64xf32, #tpu.memory_space<vmem>>, vector<1x16xf32>,
        %get3A_125 = vector.shape_cast %get3A_124 : vector<1x16xf32> to vector<16xf32>
        %swap3A_126 = arith.index_cast %add3A_105 : i32 to index
        %swap3A_127 = arith.constant 32 : index
        %swap3A_128 = tpu.vector_load %arg9[%swap3A_126, %swap3A_127] {strides = array<i32>} : memref<400x64xf32, #tpu.memory_space<vmem>>, vector<1x16xf32>,
        %swap3A_129 = vector.shape_cast %swap3A_128 : vector<1x16xf32> to vector<16xf32>
        %swap3A_130 = vector.shape_cast %get3A_125 : vector<16xf32> to vector<1x16xf32>
        tpu.vector_store %arg9[%swap3A_126, %swap3A_127], %swap3A_130 {add = true, strides = array<i32>} : memref<400x64xf32, #tpu.memory_space<vmem>>, vector<1x16xf32>,
        %get3A_131 = arith.index_cast %add3A_105 : i32 to index
        %get3A_132 = arith.constant 48 : index
        %get3A_133 = tpu.vector_load %arg10[%get3A_131, %get3A_132] {strides = array<i32>} : memref<400x64xf32, #tpu.memory_space<vmem>>, vector<1x16xf32>,
        %get3A_134 = vector.shape_cast %get3A_133 : vector<1x16xf32> to vector<16xf32>
        %swap3A_135 = arith.index_cast %add3A_105 : i32 to index
        %swap3A_136 = arith.constant 48 : index
        %swap3A_137 = tpu.vector_load %arg9[%swap3A_135, %swap3A_136] {strides = array<i32>} : memref<400x64xf32, #tpu.memory_space<vmem>>, vector<1x16xf32>,
        %swap3A_138 = vector.shape_cast %swap3A_137 : vector<1x16xf32> to vector<16xf32>
        %swap3A_139 = vector.shape_cast %get3A_134 : vector<16xf32> to vector<1x16xf32>
        tpu.vector_store %arg9[%swap3A_135, %swap3A_136], %swap3A_139 {add = true, strides = array<i32>} : memref<400x64xf32, #tpu.memory_space<vmem>>, vector<1x16xf32>,
      }
      %scan3A_69 = arith.constant 400 : i32
      %add3A_70 = arith.addi %mul3A_2, %mul3A_38 : i32
      %dma_start3A_71 = arith.constant 0 : i32
      %dma_start3A_72 = tpu.memref_slice %arg6[%add3A_70, %dma_start3A_71] : memref<320000x64xf32, #tpu.memory_space<hbm>> -> memref<400x64xf32, #tpu.memory_space<hbm>>
      %dma_start3A_73 = arith.constant 0 : i32
      %dma_start3A_74 = tpu.memref_slice %arg6[%add3A_70, %dma_start3A_73] : memref<320000x64xf32, #tpu.memory_space<hbm>> -> memref<400x64xf32, #tpu.memory_space<hbm>>
      tpu.enqueue_dma source(%arg9 : memref<400x64xf32, #tpu.memory_space<vmem>>) target(%dma_start3A_74 : memref<400x64xf32, #tpu.memory_space<hbm>>) target_semaphore(%arg17 : memref<!tpu.dma_semaphore, #tpu.memory_space<semaphore_mem>>)
      %dma_wait3A_75 = tpu.memref_slice %arg7[%add3A_40] : memref<10000xi32, #tpu.memory_space<vmem>> -> memref<400xi32, #tpu.memory_space<vmem>>
      %dma_wait3A_76 = arith.constant 0 : i32
      %dma_wait3A_77 = arith.constant 0 : i32
      %dma_wait3A_78 = tpu.memref_slice %arg2[%dma_wait3A_76, %dma_wait3A_77] : memref<10000x64xf32, #tpu.memory_space<hbm>> -> memref<10000x64xf32, #tpu.memory_space<hbm>>
      tpu.wait_indirect_dma semaphore(%arg15 : memref<!tpu.dma_semaphore, #tpu.memory_space<semaphore_mem>>) src(%dma_wait3A_78 : memref<10000x64xf32, #tpu.memory_space<hbm>>) dst(%arg11 : memref<400x64xf32, #tpu.memory_space<vmem>>)
      %dma_wait3A_79 = tpu.memref_slice %arg8[%add3A_40] : memref<10000xi32, #tpu.memory_space<vmem>> -> memref<400xi32, #tpu.memory_space<vmem>>
      %dma_wait3A_80 = arith.constant 0 : i32
      %dma_wait3A_81 = arith.constant 0 : i32
      %dma_wait3A_82 = tpu.memref_slice %arg3[%dma_wait3A_80, %dma_wait3A_81] : memref<10000x64xf32, #tpu.memory_space<hbm>> -> memref<10000x64xf32, #tpu.memory_space<hbm>>
      tpu.wait_indirect_dma semaphore(%arg16 : memref<!tpu.dma_semaphore, #tpu.memory_space<semaphore_mem>>) src(%dma_wait3A_82 : memref<10000x64xf32, #tpu.memory_space<hbm>>) dst(%arg12 : memref<400x64xf32, #tpu.memory_space<vmem>>)
      %scan3A_83 = arith.constant 0 : i32
      %scan3A_84 = arith.constant 400 : i32
      %scan3A_85 = arith.addi %scan3A_83, %scan3A_84 : i32
      %scan3A_86 = arith.constant 1 : i32
      scf.for %scan3A_101 = %scan3A_83 to %scan3A_85 step %scan3A_86  : i32 {
        %mul3A_102 = arith.constant 1 : i32
        %mul3A_103 = arith.muli %scan3A_101, %mul3A_102 : i32
        %add3A_104 = arith.constant 0 : i32
        %add3A_105 = arith.addi %add3A_104, %mul3A_103 : i32
        %get3A = arith.index_cast %add3A_105 : i32 to index
        %get3A_106 = arith.constant 0 : index
        %get3A_107 = tpu.vector_load %arg12[%get3A, %get3A_106] {strides = array<i32>} : memref<400x64xf32, #tpu.memory_space<vmem>>, vector<1x16xf32>,
        %get3A_108 = vector.shape_cast %get3A_107 : vector<1x16xf32> to vector<16xf32>
        %swap3A = arith.index_cast %add3A_105 : i32 to index
        %swap3A_109 = arith.constant 0 : index
        %swap3A_110 = tpu.vector_load %arg11[%swap3A, %swap3A_109] {strides = array<i32>} : memref<400x64xf32, #tpu.memory_space<vmem>>, vector<1x16xf32>,
        %swap3A_111 = vector.shape_cast %swap3A_110 : vector<1x16xf32> to vector<16xf32>
        %swap3A_112 = vector.shape_cast %get3A_108 : vector<16xf32> to vector<1x16xf32>
        tpu.vector_store %arg11[%swap3A, %swap3A_109], %swap3A_112 {add = true, strides = array<i32>} : memref<400x64xf32, #tpu.memory_space<vmem>>, vector<1x16xf32>,
        %get3A_113 = arith.index_cast %add3A_105 : i32 to index
        %get3A_114 = arith.constant 16 : index
        %get3A_115 = tpu.vector_load %arg12[%get3A_113, %get3A_114] {strides = array<i32>} : memref<400x64xf32, #tpu.memory_space<vmem>>, vector<1x16xf32>,
        %get3A_116 = vector.shape_cast %get3A_115 : vector<1x16xf32> to vector<16xf32>
        %swap3A_117 = arith.index_cast %add3A_105 : i32 to index
        %swap3A_118 = arith.constant 16 : index
        %swap3A_119 = tpu.vector_load %arg11[%swap3A_117, %swap3A_118] {strides = array<i32>} : memref<400x64xf32, #tpu.memory_space<vmem>>, vector<1x16xf32>,
        %swap3A_120 = vector.shape_cast %swap3A_119 : vector<1x16xf32> to vector<16xf32>
        %swap3A_121 = vector.shape_cast %get3A_116 : vector<16xf32> to vector<1x16xf32>
        tpu.vector_store %arg11[%swap3A_117, %swap3A_118], %swap3A_121 {add = true, strides = array<i32>} : memref<400x64xf32, #tpu.memory_space<vmem>>, vector<1x16xf32>,
        %get3A_122 = arith.index_cast %add3A_105 : i32 to index
        %get3A_123 = arith.constant 32 : index
        %get3A_124 = tpu.vector_load %arg12[%get3A_122, %get3A_123] {strides = array<i32>} : memref<400x64xf32, #tpu.memory_space<vmem>>, vector<1x16xf32>,
        %get3A_125 = vector.shape_cast %get3A_124 : vector<1x16xf32> to vector<16xf32>
        %swap3A_126 = arith.index_cast %add3A_105 : i32 to index
        %swap3A_127 = arith.constant 32 : index
        %swap3A_128 = tpu.vector_load %arg11[%swap3A_126, %swap3A_127] {strides = array<i32>} : memref<400x64xf32, #tpu.memory_space<vmem>>, vector<1x16xf32>,
        %swap3A_129 = vector.shape_cast %swap3A_128 : vector<1x16xf32> to vector<16xf32>
        %swap3A_130 = vector.shape_cast %get3A_125 : vector<16xf32> to vector<1x16xf32>
        tpu.vector_store %arg11[%swap3A_126, %swap3A_127], %swap3A_130 {add = true, strides = array<i32>} : memref<400x64xf32, #tpu.memory_space<vmem>>, vector<1x16xf32>,
        %get3A_131 = arith.index_cast %add3A_105 : i32 to index
        %get3A_132 = arith.constant 48 : index
        %get3A_133 = tpu.vector_load %arg12[%get3A_131, %get3A_132] {strides = array<i32>} : memref<400x64xf32, #tpu.memory_space<vmem>>, vector<1x16xf32>,
        %get3A_134 = vector.shape_cast %get3A_133 : vector<1x16xf32> to vector<16xf32>
        %swap3A_135 = arith.index_cast %add3A_105 : i32 to index
        %swap3A_136 = arith.constant 48 : index
        %swap3A_137 = tpu.vector_load %arg11[%swap3A_135, %swap3A_136] {strides = array<i32>} : memref<400x64xf32, #tpu.memory_space<vmem>>, vector<1x16xf32>,
        %swap3A_138 = vector.shape_cast %swap3A_137 : vector<1x16xf32> to vector<16xf32>
        %swap3A_139 = vector.shape_cast %get3A_134 : vector<16xf32> to vector<1x16xf32>
        tpu.vector_store %arg11[%swap3A_135, %swap3A_136], %swap3A_139 {add = true, strides = array<i32>} : memref<400x64xf32, #tpu.memory_space<vmem>>, vector<1x16xf32>,
      }
      %scan3A_87 = arith.constant 400 : i32
      %add3A_88 = arith.addi %mul3A_2, %add3A_40 : i32
      %dma_start3A_89 = arith.constant 0 : i32
      %dma_start3A_90 = tpu.memref_slice %arg6[%add3A_88, %dma_start3A_89] : memref<320000x64xf32, #tpu.memory_space<hbm>> -> memref<400x64xf32, #tpu.memory_space<hbm>>
      %dma_start3A_91 = arith.constant 0 : i32
      %dma_start3A_92 = tpu.memref_slice %arg6[%add3A_88, %dma_start3A_91] : memref<320000x64xf32, #tpu.memory_space<hbm>> -> memref<400x64xf32, #tpu.memory_space<hbm>>
      tpu.enqueue_dma source(%arg11 : memref<400x64xf32, #tpu.memory_space<vmem>>) target(%dma_start3A_92 : memref<400x64xf32, #tpu.memory_space<hbm>>) target_semaphore(%arg18 : memref<!tpu.dma_semaphore, #tpu.memory_space<semaphore_mem>>)
      %dma_wait3A_93 = arith.constant 0 : i32
      %dma_wait3A_94 = tpu.memref_slice %arg6[%add3A_70, %dma_wait3A_93] : memref<320000x64xf32, #tpu.memory_space<hbm>> -> memref<400x64xf32, #tpu.memory_space<hbm>>
      %dma_wait3A_95 = arith.constant 0 : i32
      %dma_wait3A_96 = tpu.memref_slice %arg6[%add3A_70, %dma_wait3A_95] : memref<320000x64xf32, #tpu.memory_space<hbm>> -> memref<400x64xf32, #tpu.memory_space<hbm>>
      tpu.wait_dma2 semaphore(%arg17 : memref<!tpu.dma_semaphore, #tpu.memory_space<semaphore_mem>>) src(%arg9 : memref<400x64xf32, #tpu.memory_space<vmem>>) dst(%dma_wait3A_96 : memref<400x64xf32, #tpu.memory_space<hbm>>)
      %dma_wait3A_97 = arith.constant 0 : i32
      %dma_wait3A_98 = tpu.memref_slice %arg6[%add3A_88, %dma_wait3A_97] : memref<320000x64xf32, #tpu.memory_space<hbm>> -> memref<400x64xf32, #tpu.memory_space<hbm>>
      %dma_wait3A_99 = arith.constant 0 : i32
      %dma_wait3A_100 = tpu.memref_slice %arg6[%add3A_88, %dma_wait3A_99] : memref<320000x64xf32, #tpu.memory_space<hbm>> -> memref<400x64xf32, #tpu.memory_space<hbm>>
      tpu.wait_dma2 semaphore(%arg18 : memref<!tpu.dma_semaphore, #tpu.memory_space<semaphore_mem>>) src(%arg11 : memref<400x64xf32, #tpu.memory_space<vmem>>) dst(%dma_wait3A_100 : memref<400x64xf32, #tpu.memory_space<hbm>>)
    }
    %scan3A_6 = arith.constant 12 : i32
    %dma_start3A = arith.constant 9600 : i32
    %dma_start3A_7 = tpu.memref_slice %arg7[%dma_start3A] : memref<10000xi32, #tpu.memory_space<vmem>> -> memref<400xi32, #tpu.memory_space<vmem>>
    %dma_start3A_8 = arith.constant 0 : i32
    %dma_start3A_9 = arith.constant 0 : i32
    %dma_start3A_10 = tpu.memref_slice %arg2[%dma_start3A_8, %dma_start3A_9] : memref<10000x64xf32, #tpu.memory_space<hbm>> -> memref<10000x64xf32, #tpu.memory_space<hbm>>
    tpu.enqueue_indirect_dma source(%dma_start3A_10 : memref<10000x64xf32, #tpu.memory_space<hbm>>) target(%arg9 : memref<400x64xf32, #tpu.memory_space<vmem>>) offsets(%dma_start3A_7 : memref<400xi32, #tpu.memory_space<vmem>>) semaphore(%arg13 : memref<!tpu.dma_semaphore, #tpu.memory_space<semaphore_mem>>)
    %dma_start3A_11 = arith.constant 9600 : i32
    %dma_start3A_12 = tpu.memref_slice %arg8[%dma_start3A_11] : memref<10000xi32, #tpu.memory_space<vmem>> -> memref<400xi32, #tpu.memory_space<vmem>>
    %dma_start3A_13 = arith.constant 0 : i32
    %dma_start3A_14 = arith.constant 0 : i32
    %dma_start3A_15 = tpu.memref_slice %arg3[%dma_start3A_13, %dma_start3A_14] : memref<10000x64xf32, #tpu.memory_space<hbm>> -> memref<10000x64xf32, #tpu.memory_space<hbm>>
    tpu.enqueue_indirect_dma source(%dma_start3A_15 : memref<10000x64xf32, #tpu.memory_space<hbm>>) target(%arg10 : memref<400x64xf32, #tpu.memory_space<vmem>>) offsets(%dma_start3A_12 : memref<400xi32, #tpu.memory_space<vmem>>) semaphore(%arg14 : memref<!tpu.dma_semaphore, #tpu.memory_space<semaphore_mem>>)
    %dma_wait3A = arith.constant 9600 : i32
    %dma_wait3A_16 = tpu.memref_slice %arg7[%dma_wait3A] : memref<10000xi32, #tpu.memory_space<vmem>> -> memref<400xi32, #tpu.memory_space<vmem>>
    %dma_wait3A_17 = arith.constant 0 : i32
    %dma_wait3A_18 = arith.constant 0 : i32
    %dma_wait3A_19 = tpu.memref_slice %arg2[%dma_wait3A_17, %dma_wait3A_18] : memref<10000x64xf32, #tpu.memory_space<hbm>> -> memref<10000x64xf32, #tpu.memory_space<hbm>>
    tpu.wait_indirect_dma semaphore(%arg13 : memref<!tpu.dma_semaphore, #tpu.memory_space<semaphore_mem>>) src(%dma_wait3A_19 : memref<10000x64xf32, #tpu.memory_space<hbm>>) dst(%arg9 : memref<400x64xf32, #tpu.memory_space<vmem>>)
    %dma_wait3A_20 = arith.constant 9600 : i32
    %dma_wait3A_21 = tpu.memref_slice %arg8[%dma_wait3A_20] : memref<10000xi32, #tpu.memory_space<vmem>> -> memref<400xi32, #tpu.memory_space<vmem>>
    %dma_wait3A_22 = arith.constant 0 : i32
    %dma_wait3A_23 = arith.constant 0 : i32
    %dma_wait3A_24 = tpu.memref_slice %arg3[%dma_wait3A_22, %dma_wait3A_23] : memref<10000x64xf32, #tpu.memory_space<hbm>> -> memref<10000x64xf32, #tpu.memory_space<hbm>>
    tpu.wait_indirect_dma semaphore(%arg14 : memref<!tpu.dma_semaphore, #tpu.memory_space<semaphore_mem>>) src(%dma_wait3A_24 : memref<10000x64xf32, #tpu.memory_space<hbm>>) dst(%arg10 : memref<400x64xf32, #tpu.memory_space<vmem>>)
    %scan3A_25 = arith.constant 0 : i32
    %scan3A_26 = arith.constant 400 : i32
    %scan3A_27 = arith.addi %scan3A_25, %scan3A_26 : i32
    %scan3A_28 = arith.constant 1 : i32
    scf.for %scan3A_32 = %scan3A_25 to %scan3A_27 step %scan3A_28  : i32 {
      %mul3A_33 = arith.constant 1 : i32
      %mul3A_34 = arith.muli %scan3A_32, %mul3A_33 : i32
      %add3A_35 = arith.constant 0 : i32
      %add3A_36 = arith.addi %add3A_35, %mul3A_34 : i32
      %get3A = arith.index_cast %add3A_36 : i32 to index
      %get3A_37 = arith.constant 0 : index
      %get3A_38 = tpu.vector_load %arg10[%get3A, %get3A_37] {strides = array<i32>} : memref<400x64xf32, #tpu.memory_space<vmem>>, vector<1x16xf32>,
      %get3A_39 = vector.shape_cast %get3A_38 : vector<1x16xf32> to vector<16xf32>
      %swap3A = arith.index_cast %add3A_36 : i32 to index
      %swap3A_40 = arith.constant 0 : index
      %swap3A_41 = tpu.vector_load %arg9[%swap3A, %swap3A_40] {strides = array<i32>} : memref<400x64xf32, #tpu.memory_space<vmem>>, vector<1x16xf32>,
      %swap3A_42 = vector.shape_cast %swap3A_41 : vector<1x16xf32> to vector<16xf32>
      %swap3A_43 = vector.shape_cast %get3A_39 : vector<16xf32> to vector<1x16xf32>
      tpu.vector_store %arg9[%swap3A, %swap3A_40], %swap3A_43 {add = true, strides = array<i32>} : memref<400x64xf32, #tpu.memory_space<vmem>>, vector<1x16xf32>,
      %get3A_44 = arith.index_cast %add3A_36 : i32 to index
      %get3A_45 = arith.constant 16 : index
      %get3A_46 = tpu.vector_load %arg10[%get3A_44, %get3A_45] {strides = array<i32>} : memref<400x64xf32, #tpu.memory_space<vmem>>, vector<1x16xf32>,
      %get3A_47 = vector.shape_cast %get3A_46 : vector<1x16xf32> to vector<16xf32>
      %swap3A_48 = arith.index_cast %add3A_36 : i32 to index
      %swap3A_49 = arith.constant 16 : index
      %swap3A_50 = tpu.vector_load %arg9[%swap3A_48, %swap3A_49] {strides = array<i32>} : memref<400x64xf32, #tpu.memory_space<vmem>>, vector<1x16xf32>,
      %swap3A_51 = vector.shape_cast %swap3A_50 : vector<1x16xf32> to vector<16xf32>
      %swap3A_52 = vector.shape_cast %get3A_47 : vector<16xf32> to vector<1x16xf32>
      tpu.vector_store %arg9[%swap3A_48, %swap3A_49], %swap3A_52 {add = true, strides = array<i32>} : memref<400x64xf32, #tpu.memory_space<vmem>>, vector<1x16xf32>,
      %get3A_53 = arith.index_cast %add3A_36 : i32 to index
      %get3A_54 = arith.constant 32 : index
      %get3A_55 = tpu.vector_load %arg10[%get3A_53, %get3A_54] {strides = array<i32>} : memref<400x64xf32, #tpu.memory_space<vmem>>, vector<1x16xf32>,
      %get3A_56 = vector.shape_cast %get3A_55 : vector<1x16xf32> to vector<16xf32>
      %swap3A_57 = arith.index_cast %add3A_36 : i32 to index
      %swap3A_58 = arith.constant 32 : index
      %swap3A_59 = tpu.vector_load %arg9[%swap3A_57, %swap3A_58] {strides = array<i32>} : memref<400x64xf32, #tpu.memory_space<vmem>>, vector<1x16xf32>,
      %swap3A_60 = vector.shape_cast %swap3A_59 : vector<1x16xf32> to vector<16xf32>
      %swap3A_61 = vector.shape_cast %get3A_56 : vector<16xf32> to vector<1x16xf32>
      tpu.vector_store %arg9[%swap3A_57, %swap3A_58], %swap3A_61 {add = true, strides = array<i32>} : memref<400x64xf32, #tpu.memory_space<vmem>>, vector<1x16xf32>,
      %get3A_62 = arith.index_cast %add3A_36 : i32 to index
      %get3A_63 = arith.constant 48 : index
      %get3A_64 = tpu.vector_load %arg10[%get3A_62, %get3A_63] {strides = array<i32>} : memref<400x64xf32, #tpu.memory_space<vmem>>, vector<1x16xf32>,
      %get3A_65 = vector.shape_cast %get3A_64 : vector<1x16xf32> to vector<16xf32>
      %swap3A_66 = arith.index_cast %add3A_36 : i32 to index
      %swap3A_67 = arith.constant 48 : index
      %swap3A_68 = tpu.vector_load %arg9[%swap3A_66, %swap3A_67] {strides = array<i32>} : memref<400x64xf32, #tpu.memory_space<vmem>>, vector<1x16xf32>,
      %swap3A_69 = vector.shape_cast %swap3A_68 : vector<1x16xf32> to vector<16xf32>
      %swap3A_70 = vector.shape_cast %get3A_65 : vector<16xf32> to vector<1x16xf32>
      tpu.vector_store %arg9[%swap3A_66, %swap3A_67], %swap3A_70 {add = true, strides = array<i32>} : memref<400x64xf32, #tpu.memory_space<vmem>>, vector<1x16xf32>,
    }
    %scan3A_29 = arith.constant 400 : i32
    %add3A_30 = arith.constant 9600 : i32
    %add3A_31 = arith.addi %mul3A_2, %add3A_30 : i32
    "tpu.region"() ({
      %run_scoped3A = tpu.sem_alloc : memref<!tpu.dma_semaphore, #tpu.memory_space<semaphore_mem>>
      %dma_start3A_32 = arith.constant 0 : i32
      %dma_start3A_33 = tpu.memref_slice %arg6[%add3A_31, %dma_start3A_32] : memref<320000x64xf32, #tpu.memory_space<hbm>> -> memref<400x64xf32, #tpu.memory_space<hbm>>
      %dma_start3A_34 = arith.constant 0 : i32
      %dma_start3A_35 = tpu.memref_slice %arg6[%add3A_31, %dma_start3A_34] : memref<320000x64xf32, #tpu.memory_space<hbm>> -> memref<400x64xf32, #tpu.memory_space<hbm>>
      tpu.enqueue_dma source(%arg9 : memref<400x64xf32, #tpu.memory_space<vmem>>) target(%dma_start3A_35 : memref<400x64xf32, #tpu.memory_space<hbm>>) target_semaphore(%run_scoped3A : memref<!tpu.dma_semaphore, #tpu.memory_space<semaphore_mem>>)
      %dma_wait3A_36 = arith.constant 0 : i32
      %dma_wait3A_37 = tpu.memref_slice %arg6[%add3A_31, %dma_wait3A_36] : memref<320000x64xf32, #tpu.memory_space<hbm>> -> memref<400x64xf32, #tpu.memory_space<hbm>>
      %dma_wait3A_38 = arith.constant 0 : i32
      %dma_wait3A_39 = tpu.memref_slice %arg6[%add3A_31, %dma_wait3A_38] : memref<320000x64xf32, #tpu.memory_space<hbm>> -> memref<400x64xf32, #tpu.memory_space<hbm>>
      tpu.wait_dma2 semaphore(%run_scoped3A : memref<!tpu.dma_semaphore, #tpu.memory_space<semaphore_mem>>) src(%arg9 : memref<400x64xf32, #tpu.memory_space<vmem>>) dst(%dma_wait3A_39 : memref<400x64xf32, #tpu.memory_space<hbm>>)
      tpu.yield
    }) : () -> ()
    return
  }
}

#map = affine_map<(d0, d1) -> (0, 0)>
#map1 = affine_map<(d0, d1) -> (0)>
#map2 = affine_map<(d0, d1) -> (0, 0, 0)>
module attributes {stable_mosaic.version = 14 : i64} {
  func.func @scatter_k(%arg0: i32, %arg1: i32, %arg2: memref<320000x64xf32, #tpu.memory_space<hbm>>, %arg3: memref<320000xi32, #tpu.memory_space<hbm>>, %arg4: memref<10000x64xf32, #tpu.memory_space<hbm>>, %arg5: memref<2x10000x64xf32, #tpu.memory_space<hbm>>, %arg6: memref<400xi32, #tpu.memory_space<vmem>>, %arg7: memref<400xi32, #tpu.memory_space<vmem>>, %arg8: memref<400x64xf32, #tpu.memory_space<vmem>>, %arg9: memref<400x64xf32, #tpu.memory_space<vmem>>, %arg10: memref<10000x64xf32, #tpu.memory_space<vmem_shared>>, %arg11: memref<!tpu.dma_semaphore, #tpu.memory_space<semaphore_mem>>, %arg12: memref<!tpu.dma_semaphore, #tpu.memory_space<semaphore_mem>>, %arg13: memref<!tpu.dma_semaphore, #tpu.memory_space<semaphore_mem>>, %arg14: memref<!tpu.dma_semaphore, #tpu.memory_space<semaphore_mem>>) attributes {dimension_semantics = [#tpu.dimension_semantics<core_parallel>, #tpu.dimension_semantics<subcore_parallel>], iteration_bounds = array<i64: 2, 16>, scalar_prefetch = 0 : i64, scratch_operands = 9 : i64, tpu.core_type = #tpu.core_type<sc_vector_subcore>, window_params = [{transform_indices = #map}, {transform_indices = #map1}, {transform_indices = #map}, {transform_indices = #map2}]} {
    %mul3A = arith.constant 625 : i32
    %mul3A_0 = arith.muli %arg1, %mul3A : i32
    "tpu.region"() ({
      %run_scoped3A = tpu.sem_alloc : memref<!tpu.dma_semaphore, #tpu.memory_space<semaphore_mem>>
      %dma_start3A_22 = arith.constant 0 : i32
      %dma_start3A_23 = tpu.memref_slice %arg10[%mul3A_0, %dma_start3A_22] : memref<10000x64xf32, #tpu.memory_space<vmem_shared>> -> memref<625x64xf32, #tpu.memory_space<vmem_shared>>
      %dma_start3A_24 = arith.constant 0 : i32
      %dma_start3A_25 = tpu.memref_slice %arg4[%mul3A_0, %dma_start3A_24] : memref<10000x64xf32, #tpu.memory_space<hbm>> -> memref<625x64xf32, #tpu.memory_space<hbm>>
      tpu.enqueue_dma source(%dma_start3A_25 : memref<625x64xf32, #tpu.memory_space<hbm>>) target(%dma_start3A_23 : memref<625x64xf32, #tpu.memory_space<vmem_shared>>) target_semaphore(%run_scoped3A : memref<!tpu.dma_semaphore, #tpu.memory_space<semaphore_mem>>)
      %dma_wait3A_26 = arith.constant 0 : i32
      %dma_wait3A_27 = tpu.memref_slice %arg10[%mul3A_0, %dma_wait3A_26] : memref<10000x64xf32, #tpu.memory_space<vmem_shared>> -> memref<625x64xf32, #tpu.memory_space<vmem_shared>>
      %dma_wait3A_28 = arith.constant 0 : i32
      %dma_wait3A_29 = tpu.memref_slice %arg4[%mul3A_0, %dma_wait3A_28] : memref<10000x64xf32, #tpu.memory_space<hbm>> -> memref<625x64xf32, #tpu.memory_space<hbm>>
      tpu.wait_dma2 semaphore(%run_scoped3A : memref<!tpu.dma_semaphore, #tpu.memory_space<semaphore_mem>>) src(%dma_wait3A_29 : memref<625x64xf32, #tpu.memory_space<hbm>>) dst(%dma_wait3A_27 : memref<625x64xf32, #tpu.memory_space<vmem_shared>>)
      tpu.yield
    }) : () -> ()
    %barrier3A = arith.constant 0 : index
    tpu.barrier barrier_id(%barrier3A)
    %mul3A_1 = arith.constant 160000 : i32
    %mul3A_2 = arith.muli %arg0, %mul3A_1 : i32
    %mul3A_3 = arith.constant 10000 : i32
    %mul3A_4 = arith.muli %arg1, %mul3A_3 : i32
    %add3A = arith.addi %mul3A_2, %mul3A_4 : i32
    %scan3A = arith.constant 0 : i32
    %scan3A_5 = arith.constant 12 : i32
    %scan3A_6 = arith.addi %scan3A, %scan3A_5 : i32
    %scan3A_7 = arith.constant 1 : i32
    scf.for %scan3A_22 = %scan3A to %scan3A_6 step %scan3A_7  : i32 {
      %mul3A_23 = arith.constant 2 : i32
      %mul3A_24 = arith.muli %scan3A_22, %mul3A_23 : i32
      %add3A_25 = arith.constant 0 : i32
      %add3A_26 = arith.addi %add3A_25, %mul3A_24 : i32
      %mul3A_27 = arith.constant 400 : i32
      %mul3A_28 = arith.muli %add3A_26, %mul3A_27 : i32
      %add3A_29 = arith.addi %add3A, %mul3A_28 : i32
      %add3A_30 = arith.constant 400 : i32
      %add3A_31 = arith.addi %add3A_29, %add3A_30 : i32
      %dma_start3A_32 = tpu.memref_slice %arg3[%add3A_29] : memref<320000xi32, #tpu.memory_space<hbm>> -> memref<400xi32, #tpu.memory_space<hbm>>
      %dma_start3A_33 = tpu.memref_slice %arg3[%add3A_29] : memref<320000xi32, #tpu.memory_space<hbm>> -> memref<400xi32, #tpu.memory_space<hbm>>
      tpu.enqueue_dma source(%dma_start3A_33 : memref<400xi32, #tpu.memory_space<hbm>>) target(%arg6 : memref<400xi32, #tpu.memory_space<vmem>>) target_semaphore(%arg11 : memref<!tpu.dma_semaphore, #tpu.memory_space<semaphore_mem>>)
      %dma_start3A_34 = arith.constant 0 : i32
      %dma_start3A_35 = tpu.memref_slice %arg2[%add3A_29, %dma_start3A_34] : memref<320000x64xf32, #tpu.memory_space<hbm>> -> memref<400x64xf32, #tpu.memory_space<hbm>>
      %dma_start3A_36 = arith.constant 0 : i32
      %dma_start3A_37 = tpu.memref_slice %arg2[%add3A_29, %dma_start3A_36] : memref<320000x64xf32, #tpu.memory_space<hbm>> -> memref<400x64xf32, #tpu.memory_space<hbm>>
      tpu.enqueue_dma source(%dma_start3A_37 : memref<400x64xf32, #tpu.memory_space<hbm>>) target(%arg8 : memref<400x64xf32, #tpu.memory_space<vmem>>) target_semaphore(%arg13 : memref<!tpu.dma_semaphore, #tpu.memory_space<semaphore_mem>>)
      %dma_start3A_38 = tpu.memref_slice %arg3[%add3A_31] : memref<320000xi32, #tpu.memory_space<hbm>> -> memref<400xi32, #tpu.memory_space<hbm>>
      %dma_start3A_39 = tpu.memref_slice %arg3[%add3A_31] : memref<320000xi32, #tpu.memory_space<hbm>> -> memref<400xi32, #tpu.memory_space<hbm>>
      tpu.enqueue_dma source(%dma_start3A_39 : memref<400xi32, #tpu.memory_space<hbm>>) target(%arg7 : memref<400xi32, #tpu.memory_space<vmem>>) target_semaphore(%arg12 : memref<!tpu.dma_semaphore, #tpu.memory_space<semaphore_mem>>)
      %dma_start3A_40 = arith.constant 0 : i32
      %dma_start3A_41 = tpu.memref_slice %arg2[%add3A_31, %dma_start3A_40] : memref<320000x64xf32, #tpu.memory_space<hbm>> -> memref<400x64xf32, #tpu.memory_space<hbm>>
      %dma_start3A_42 = arith.constant 0 : i32
      %dma_start3A_43 = tpu.memref_slice %arg2[%add3A_31, %dma_start3A_42] : memref<320000x64xf32, #tpu.memory_space<hbm>> -> memref<400x64xf32, #tpu.memory_space<hbm>>
      tpu.enqueue_dma source(%dma_start3A_43 : memref<400x64xf32, #tpu.memory_space<hbm>>) target(%arg9 : memref<400x64xf32, #tpu.memory_space<vmem>>) target_semaphore(%arg14 : memref<!tpu.dma_semaphore, #tpu.memory_space<semaphore_mem>>)
      %dma_wait3A_44 = tpu.memref_slice %arg3[%add3A_29] : memref<320000xi32, #tpu.memory_space<hbm>> -> memref<400xi32, #tpu.memory_space<hbm>>
      %dma_wait3A_45 = tpu.memref_slice %arg3[%add3A_29] : memref<320000xi32, #tpu.memory_space<hbm>> -> memref<400xi32, #tpu.memory_space<hbm>>
      tpu.wait_dma2 semaphore(%arg11 : memref<!tpu.dma_semaphore, #tpu.memory_space<semaphore_mem>>) src(%dma_wait3A_45 : memref<400xi32, #tpu.memory_space<hbm>>) dst(%arg6 : memref<400xi32, #tpu.memory_space<vmem>>)
      %dma_wait3A_46 = arith.constant 0 : i32
      %dma_wait3A_47 = tpu.memref_slice %arg2[%add3A_29, %dma_wait3A_46] : memref<320000x64xf32, #tpu.memory_space<hbm>> -> memref<400x64xf32, #tpu.memory_space<hbm>>
      %dma_wait3A_48 = arith.constant 0 : i32
      %dma_wait3A_49 = tpu.memref_slice %arg2[%add3A_29, %dma_wait3A_48] : memref<320000x64xf32, #tpu.memory_space<hbm>> -> memref<400x64xf32, #tpu.memory_space<hbm>>
      tpu.wait_dma2 semaphore(%arg13 : memref<!tpu.dma_semaphore, #tpu.memory_space<semaphore_mem>>) src(%dma_wait3A_49 : memref<400x64xf32, #tpu.memory_space<hbm>>) dst(%arg8 : memref<400x64xf32, #tpu.memory_space<vmem>>)
      "tpu.region"() ({
        %run_scoped3A = tpu.sem_alloc : memref<!tpu.dma_semaphore, #tpu.memory_space<semaphore_mem>>
        %dma_start3A_56 = arith.constant 0 : i32
        %dma_start3A_57 = arith.constant 0 : i32
        %dma_start3A_58 = tpu.memref_slice %arg10[%dma_start3A_56, %dma_start3A_57] : memref<10000x64xf32, #tpu.memory_space<vmem_shared>> -> memref<10000x64xf32, #tpu.memory_space<vmem_shared>>
        tpu.enqueue_indirect_dma source(%arg8 : memref<400x64xf32, #tpu.memory_space<vmem>>) target(%dma_start3A_58 : memref<10000x64xf32, #tpu.memory_space<vmem_shared>>) offsets(%arg6 : memref<400xi32, #tpu.memory_space<vmem>>) semaphore(%run_scoped3A : memref<!tpu.dma_semaphore, #tpu.memory_space<semaphore_mem>>) {add = true}
        %dma_wait3A_59 = arith.constant 0 : i32
        %dma_wait3A_60 = arith.constant 0 : i32
        %dma_wait3A_61 = tpu.memref_slice %arg10[%dma_wait3A_59, %dma_wait3A_60] : memref<10000x64xf32, #tpu.memory_space<vmem_shared>> -> memref<10000x64xf32, #tpu.memory_space<vmem_shared>>
        tpu.wait_indirect_dma semaphore(%run_scoped3A : memref<!tpu.dma_semaphore, #tpu.memory_space<semaphore_mem>>) src(%arg8 : memref<400x64xf32, #tpu.memory_space<vmem>>) dst(%dma_wait3A_61 : memref<10000x64xf32, #tpu.memory_space<vmem_shared>>)
        tpu.yield
      }) : () -> ()
      %dma_wait3A_50 = tpu.memref_slice %arg3[%add3A_31] : memref<320000xi32, #tpu.memory_space<hbm>> -> memref<400xi32, #tpu.memory_space<hbm>>
      %dma_wait3A_51 = tpu.memref_slice %arg3[%add3A_31] : memref<320000xi32, #tpu.memory_space<hbm>> -> memref<400xi32, #tpu.memory_space<hbm>>
      tpu.wait_dma2 semaphore(%arg12 : memref<!tpu.dma_semaphore, #tpu.memory_space<semaphore_mem>>) src(%dma_wait3A_51 : memref<400xi32, #tpu.memory_space<hbm>>) dst(%arg7 : memref<400xi32, #tpu.memory_space<vmem>>)
      %dma_wait3A_52 = arith.constant 0 : i32
      %dma_wait3A_53 = tpu.memref_slice %arg2[%add3A_31, %dma_wait3A_52] : memref<320000x64xf32, #tpu.memory_space<hbm>> -> memref<400x64xf32, #tpu.memory_space<hbm>>
      %dma_wait3A_54 = arith.constant 0 : i32
      %dma_wait3A_55 = tpu.memref_slice %arg2[%add3A_31, %dma_wait3A_54] : memref<320000x64xf32, #tpu.memory_space<hbm>> -> memref<400x64xf32, #tpu.memory_space<hbm>>
      tpu.wait_dma2 semaphore(%arg14 : memref<!tpu.dma_semaphore, #tpu.memory_space<semaphore_mem>>) src(%dma_wait3A_55 : memref<400x64xf32, #tpu.memory_space<hbm>>) dst(%arg9 : memref<400x64xf32, #tpu.memory_space<vmem>>)
      "tpu.region"() ({
        %run_scoped3A = tpu.sem_alloc : memref<!tpu.dma_semaphore, #tpu.memory_space<semaphore_mem>>
        %dma_start3A_56 = arith.constant 0 : i32
        %dma_start3A_57 = arith.constant 0 : i32
        %dma_start3A_58 = tpu.memref_slice %arg10[%dma_start3A_56, %dma_start3A_57] : memref<10000x64xf32, #tpu.memory_space<vmem_shared>> -> memref<10000x64xf32, #tpu.memory_space<vmem_shared>>
        tpu.enqueue_indirect_dma source(%arg9 : memref<400x64xf32, #tpu.memory_space<vmem>>) target(%dma_start3A_58 : memref<10000x64xf32, #tpu.memory_space<vmem_shared>>) offsets(%arg7 : memref<400xi32, #tpu.memory_space<vmem>>) semaphore(%run_scoped3A : memref<!tpu.dma_semaphore, #tpu.memory_space<semaphore_mem>>) {add = true}
        %dma_wait3A_59 = arith.constant 0 : i32
        %dma_wait3A_60 = arith.constant 0 : i32
        %dma_wait3A_61 = tpu.memref_slice %arg10[%dma_wait3A_59, %dma_wait3A_60] : memref<10000x64xf32, #tpu.memory_space<vmem_shared>> -> memref<10000x64xf32, #tpu.memory_space<vmem_shared>>
        tpu.wait_indirect_dma semaphore(%run_scoped3A : memref<!tpu.dma_semaphore, #tpu.memory_space<semaphore_mem>>) src(%arg9 : memref<400x64xf32, #tpu.memory_space<vmem>>) dst(%dma_wait3A_61 : memref<10000x64xf32, #tpu.memory_space<vmem_shared>>)
        tpu.yield
      }) : () -> ()
    }
    %scan3A_8 = arith.constant 12 : i32
    %add3A_9 = arith.constant 9600 : i32
    %add3A_10 = arith.addi %add3A, %add3A_9 : i32
    %dma_start3A = tpu.memref_slice %arg3[%add3A_10] : memref<320000xi32, #tpu.memory_space<hbm>> -> memref<400xi32, #tpu.memory_space<hbm>>
    %dma_start3A_11 = tpu.memref_slice %arg3[%add3A_10] : memref<320000xi32, #tpu.memory_space<hbm>> -> memref<400xi32, #tpu.memory_space<hbm>>
    tpu.enqueue_dma source(%dma_start3A_11 : memref<400xi32, #tpu.memory_space<hbm>>) target(%arg6 : memref<400xi32, #tpu.memory_space<vmem>>) target_semaphore(%arg11 : memref<!tpu.dma_semaphore, #tpu.memory_space<semaphore_mem>>)
    %dma_start3A_12 = arith.constant 0 : i32
    %dma_start3A_13 = tpu.memref_slice %arg2[%add3A_10, %dma_start3A_12] : memref<320000x64xf32, #tpu.memory_space<hbm>> -> memref<400x64xf32, #tpu.memory_space<hbm>>
    %dma_start3A_14 = arith.constant 0 : i32
    %dma_start3A_15 = tpu.memref_slice %arg2[%add3A_10, %dma_start3A_14] : memref<320000x64xf32, #tpu.memory_space<hbm>> -> memref<400x64xf32, #tpu.memory_space<hbm>>
    tpu.enqueue_dma source(%dma_start3A_15 : memref<400x64xf32, #tpu.memory_space<hbm>>) target(%arg8 : memref<400x64xf32, #tpu.memory_space<vmem>>) target_semaphore(%arg13 : memref<!tpu.dma_semaphore, #tpu.memory_space<semaphore_mem>>)
    %dma_wait3A = tpu.memref_slice %arg3[%add3A_10] : memref<320000xi32, #tpu.memory_space<hbm>> -> memref<400xi32, #tpu.memory_space<hbm>>
    %dma_wait3A_16 = tpu.memref_slice %arg3[%add3A_10] : memref<320000xi32, #tpu.memory_space<hbm>> -> memref<400xi32, #tpu.memory_space<hbm>>
    tpu.wait_dma2 semaphore(%arg11 : memref<!tpu.dma_semaphore, #tpu.memory_space<semaphore_mem>>) src(%dma_wait3A_16 : memref<400xi32, #tpu.memory_space<hbm>>) dst(%arg6 : memref<400xi32, #tpu.memory_space<vmem>>)
    %dma_wait3A_17 = arith.constant 0 : i32
    %dma_wait3A_18 = tpu.memref_slice %arg2[%add3A_10, %dma_wait3A_17] : memref<320000x64xf32, #tpu.memory_space<hbm>> -> memref<400x64xf32, #tpu.memory_space<hbm>>
    %dma_wait3A_19 = arith.constant 0 : i32
    %dma_wait3A_20 = tpu.memref_slice %arg2[%add3A_10, %dma_wait3A_19] : memref<320000x64xf32, #tpu.memory_space<hbm>> -> memref<400x64xf32, #tpu.memory_space<hbm>>
    tpu.wait_dma2 semaphore(%arg13 : memref<!tpu.dma_semaphore, #tpu.memory_space<semaphore_mem>>) src(%dma_wait3A_20 : memref<400x64xf32, #tpu.memory_space<hbm>>) dst(%arg8 : memref<400x64xf32, #tpu.memory_space<vmem>>)
    "tpu.region"() ({
      %run_scoped3A = tpu.sem_alloc : memref<!tpu.dma_semaphore, #tpu.memory_space<semaphore_mem>>
      %dma_start3A_22 = arith.constant 0 : i32
      %dma_start3A_23 = arith.constant 0 : i32
      %dma_start3A_24 = tpu.memref_slice %arg10[%dma_start3A_22, %dma_start3A_23] : memref<10000x64xf32, #tpu.memory_space<vmem_shared>> -> memref<10000x64xf32, #tpu.memory_space<vmem_shared>>
      tpu.enqueue_indirect_dma source(%arg8 : memref<400x64xf32, #tpu.memory_space<vmem>>) target(%dma_start3A_24 : memref<10000x64xf32, #tpu.memory_space<vmem_shared>>) offsets(%arg6 : memref<400xi32, #tpu.memory_space<vmem>>) semaphore(%run_scoped3A : memref<!tpu.dma_semaphore, #tpu.memory_space<semaphore_mem>>) {add = true}
      %dma_wait3A_25 = arith.constant 0 : i32
      %dma_wait3A_26 = arith.constant 0 : i32
      %dma_wait3A_27 = tpu.memref_slice %arg10[%dma_wait3A_25, %dma_wait3A_26] : memref<10000x64xf32, #tpu.memory_space<vmem_shared>> -> memref<10000x64xf32, #tpu.memory_space<vmem_shared>>
      tpu.wait_indirect_dma semaphore(%run_scoped3A : memref<!tpu.dma_semaphore, #tpu.memory_space<semaphore_mem>>) src(%arg8 : memref<400x64xf32, #tpu.memory_space<vmem>>) dst(%dma_wait3A_27 : memref<10000x64xf32, #tpu.memory_space<vmem_shared>>)
      tpu.yield
    }) : () -> ()
    %barrier3A_21 = arith.constant 0 : index
    tpu.barrier barrier_id(%barrier3A_21)
    "tpu.region"() ({
      %run_scoped3A = tpu.sem_alloc : memref<!tpu.dma_semaphore, #tpu.memory_space<semaphore_mem>>
      %dma_start3A_22 = arith.constant 0 : i32
      %dma_start3A_23 = tpu.memref_slice %arg5[%arg0, %mul3A_0, %dma_start3A_22] : memref<2x10000x64xf32, #tpu.memory_space<hbm>> -> memref<1x625x64xf32, #tpu.memory_space<hbm>>
      %dma_start3A_24 = tpu.memref_squeeze %dma_start3A_23 : memref<1x625x64xf32, #tpu.memory_space<hbm>> -> memref<625x64xf32, #tpu.memory_space<hbm>>
      %dma_start3A_25 = arith.constant 0 : i32
      %dma_start3A_26 = tpu.memref_slice %arg10[%mul3A_0, %dma_start3A_25] : memref<10000x64xf32, #tpu.memory_space<vmem_shared>> -> memref<625x64xf32, #tpu.memory_space<vmem_shared>>
      tpu.enqueue_dma source(%dma_start3A_26 : memref<625x64xf32, #tpu.memory_space<vmem_shared>>) target(%dma_start3A_24 : memref<625x64xf32, #tpu.memory_space<hbm>>) target_semaphore(%run_scoped3A : memref<!tpu.dma_semaphore, #tpu.memory_space<semaphore_mem>>)
      %dma_wait3A_27 = arith.constant 0 : i32
      %dma_wait3A_28 = tpu.memref_slice %arg5[%arg0, %mul3A_0, %dma_wait3A_27] : memref<2x10000x64xf32, #tpu.memory_space<hbm>> -> memref<1x625x64xf32, #tpu.memory_space<hbm>>
      %dma_wait3A_29 = tpu.memref_squeeze %dma_wait3A_28 : memref<1x625x64xf32, #tpu.memory_space<hbm>> -> memref<625x64xf32, #tpu.memory_space<hbm>>
      %dma_wait3A_30 = arith.constant 0 : i32
      %dma_wait3A_31 = tpu.memref_slice %arg10[%mul3A_0, %dma_wait3A_30] : memref<10000x64xf32, #tpu.memory_space<vmem_shared>> -> memref<625x64xf32, #tpu.memory_space<vmem_shared>>
      tpu.wait_dma2 semaphore(%run_scoped3A : memref<!tpu.dma_semaphore, #tpu.memory_space<semaphore_mem>>) src(%dma_wait3A_31 : memref<625x64xf32, #tpu.memory_space<vmem_shared>>) dst(%dma_wait3A_29 : memref<625x64xf32, #tpu.memory_space<hbm>>)
      tpu.yield
    }) : () -> ()
    return
  }
}

#map = affine_map<(d0, d1) -> (0, 0)>
#map1 = affine_map<(d0, d1) -> (0)>
module attributes {stable_mosaic.version = 14 : i64} {
  func.func @gather_k(%arg0: i32, %arg1: i32, %arg2: memref<10000x64xf32, #tpu.memory_space<hbm>>, %arg3: memref<10000x64xf32, #tpu.memory_space<hbm>>, %arg4: memref<320000xi32, #tpu.memory_space<hbm>>, %arg5: memref<320000xi32, #tpu.memory_space<hbm>>, %arg6: memref<320000x64xf32, #tpu.memory_space<hbm>>, %arg7: memref<10000xi32, #tpu.memory_space<vmem>>, %arg8: memref<10000xi32, #tpu.memory_space<vmem>>, %arg9: memref<400x64xf32, #tpu.memory_space<vmem>>, %arg10: memref<400x64xf32, #tpu.memory_space<vmem>>, %arg11: memref<400x64xf32, #tpu.memory_space<vmem>>, %arg12: memref<400x64xf32, #tpu.memory_space<vmem>>, %arg13: memref<!tpu.dma_semaphore, #tpu.memory_space<semaphore_mem>>, %arg14: memref<!tpu.dma_semaphore, #tpu.memory_space<semaphore_mem>>, %arg15: memref<!tpu.dma_semaphore, #tpu.memory_space<semaphore_mem>>, %arg16: memref<!tpu.dma_semaphore, #tpu.memory_space<semaphore_mem>>, %arg17: memref<!tpu.dma_semaphore, #tpu.memory_space<semaphore_mem>>, %arg18: memref<!tpu.dma_semaphore, #tpu.memory_space<semaphore_mem>>) attributes {dimension_semantics = [#tpu.dimension_semantics<core_parallel>, #tpu.dimension_semantics<subcore_parallel>], iteration_bounds = array<i64: 2, 16>, scalar_prefetch = 0 : i64, scratch_operands = 12 : i64, tpu.core_type = #tpu.core_type<sc_vector_subcore>, window_params = [{transform_indices = #map}, {transform_indices = #map}, {transform_indices = #map1}, {transform_indices = #map1}, {transform_indices = #map}]} {
    %mul3A = arith.constant 2 : i32
    %mul3A_0 = arith.muli %arg1, %mul3A : i32
    %add3A = arith.addi %mul3A_0, %arg0 : i32
    %mul3A_1 = arith.constant 10000 : i32
    %mul3A_2 = arith.muli %add3A, %mul3A_1 : i32
    "tpu.region"() ({
      %run_scoped3A = tpu.sem_alloc : memref<!tpu.dma_semaphore, #tpu.memory_space<semaphore_mem>>
      %dma_start3A_32 = tpu.memref_slice %arg4[%mul3A_2] : memref<320000xi32, #tpu.memory_space<hbm>> -> memref<10000xi32, #tpu.memory_space<hbm>>
      %dma_start3A_33 = tpu.memref_slice %arg4[%mul3A_2] : memref<320000xi32, #tpu.memory_space<hbm>> -> memref<10000xi32, #tpu.memory_space<hbm>>
      tpu.enqueue_dma source(%dma_start3A_33 : memref<10000xi32, #tpu.memory_space<hbm>>) target(%arg7 : memref<10000xi32, #tpu.memory_space<vmem>>) target_semaphore(%run_scoped3A : memref<!tpu.dma_semaphore, #tpu.memory_space<semaphore_mem>>)
      %dma_wait3A_34 = tpu.memref_slice %arg4[%mul3A_2] : memref<320000xi32, #tpu.memory_space<hbm>> -> memref<10000xi32, #tpu.memory_space<hbm>>
      %dma_wait3A_35 = tpu.memref_slice %arg4[%mul3A_2] : memref<320000xi32, #tpu.memory_space<hbm>> -> memref<10000xi32, #tpu.memory_space<hbm>>
      tpu.wait_dma2 semaphore(%run_scoped3A : memref<!tpu.dma_semaphore, #tpu.memory_space<semaphore_mem>>) src(%dma_wait3A_35 : memref<10000xi32, #tpu.memory_space<hbm>>) dst(%arg7 : memref<10000xi32, #tpu.memory_space<vmem>>)
      tpu.yield
    }) : () -> ()
    "tpu.region"() ({
      %run_scoped3A = tpu.sem_alloc : memref<!tpu.dma_semaphore, #tpu.memory_space<semaphore_mem>>
      %dma_start3A_32 = tpu.memref_slice %arg5[%mul3A_2] : memref<320000xi32, #tpu.memory_space<hbm>> -> memref<10000xi32, #tpu.memory_space<hbm>>
      %dma_start3A_33 = tpu.memref_slice %arg5[%mul3A_2] : memref<320000xi32, #tpu.memory_space<hbm>> -> memref<10000xi32, #tpu.memory_space<hbm>>
      tpu.enqueue_dma source(%dma_start3A_33 : memref<10000xi32, #tpu.memory_space<hbm>>) target(%arg8 : memref<10000xi32, #tpu.memory_space<vmem>>) target_semaphore(%run_scoped3A : memref<!tpu.dma_semaphore, #tpu.memory_space<semaphore_mem>>)
      %dma_wait3A_34 = tpu.memref_slice %arg5[%mul3A_2] : memref<320000xi32, #tpu.memory_space<hbm>> -> memref<10000xi32, #tpu.memory_space<hbm>>
      %dma_wait3A_35 = tpu.memref_slice %arg5[%mul3A_2] : memref<320000xi32, #tpu.memory_space<hbm>> -> memref<10000xi32, #tpu.memory_space<hbm>>
      tpu.wait_dma2 semaphore(%run_scoped3A : memref<!tpu.dma_semaphore, #tpu.memory_space<semaphore_mem>>) src(%dma_wait3A_35 : memref<10000xi32, #tpu.memory_space<hbm>>) dst(%arg8 : memref<10000xi32, #tpu.memory_space<vmem>>)
      tpu.yield
    }) : () -> ()
    %scan3A = arith.constant 0 : i32
    %scan3A_3 = arith.constant 12 : i32
    %scan3A_4 = arith.addi %scan3A, %scan3A_3 : i32
    %scan3A_5 = arith.constant 1 : i32
    scf.for %scan3A_32 = %scan3A to %scan3A_4 step %scan3A_5  : i32 {
      %mul3A_33 = arith.constant 2 : i32
      %mul3A_34 = arith.muli %scan3A_32, %mul3A_33 : i32
      %add3A_35 = arith.constant 0 : i32
      %add3A_36 = arith.addi %add3A_35, %mul3A_34 : i32
      %mul3A_37 = arith.constant 400 : i32
      %mul3A_38 = arith.muli %add3A_36, %mul3A_37 : i32
      %add3A_39 = arith.constant 400 : i32
      %add3A_40 = arith.addi %mul3A_38, %add3A_39 : i32
      %dma_start3A_41 = tpu.memref_slice %arg7[%mul3A_38] : memref<10000xi32, #tpu.memory_space<vmem>> -> memref<400xi32, #tpu.memory_space<vmem>>
      %dma_start3A_42 = arith.constant 0 : i32
      %dma_start3A_43 = arith.constant 0 : i32
      %dma_start3A_44 = tpu.memref_slice %arg2[%dma_start3A_42, %dma_start3A_43] : memref<10000x64xf32, #tpu.memory_space<hbm>> -> memref<10000x64xf32, #tpu.memory_space<hbm>>
      tpu.enqueue_indirect_dma source(%dma_start3A_44 : memref<10000x64xf32, #tpu.memory_space<hbm>>) target(%arg9 : memref<400x64xf32, #tpu.memory_space<vmem>>) offsets(%dma_start3A_41 : memref<400xi32, #tpu.memory_space<vmem>>) semaphore(%arg13 : memref<!tpu.dma_semaphore, #tpu.memory_space<semaphore_mem>>)
      %dma_start3A_45 = tpu.memref_slice %arg8[%mul3A_38] : memref<10000xi32, #tpu.memory_space<vmem>> -> memref<400xi32, #tpu.memory_space<vmem>>
      %dma_start3A_46 = arith.constant 0 : i32
      %dma_start3A_47 = arith.constant 0 : i32
      %dma_start3A_48 = tpu.memref_slice %arg3[%dma_start3A_46, %dma_start3A_47] : memref<10000x64xf32, #tpu.memory_space<hbm>> -> memref<10000x64xf32, #tpu.memory_space<hbm>>
      tpu.enqueue_indirect_dma source(%dma_start3A_48 : memref<10000x64xf32, #tpu.memory_space<hbm>>) target(%arg10 : memref<400x64xf32, #tpu.memory_space<vmem>>) offsets(%dma_start3A_45 : memref<400xi32, #tpu.memory_space<vmem>>) semaphore(%arg14 : memref<!tpu.dma_semaphore, #tpu.memory_space<semaphore_mem>>)
      %dma_start3A_49 = tpu.memref_slice %arg7[%add3A_40] : memref<10000xi32, #tpu.memory_space<vmem>> -> memref<400xi32, #tpu.memory_space<vmem>>
      %dma_start3A_50 = arith.constant 0 : i32
      %dma_start3A_51 = arith.constant 0 : i32
      %dma_start3A_52 = tpu.memref_slice %arg2[%dma_start3A_50, %dma_start3A_51] : memref<10000x64xf32, #tpu.memory_space<hbm>> -> memref<10000x64xf32, #tpu.memory_space<hbm>>
      tpu.enqueue_indirect_dma source(%dma_start3A_52 : memref<10000x64xf32, #tpu.memory_space<hbm>>) target(%arg11 : memref<400x64xf32, #tpu.memory_space<vmem>>) offsets(%dma_start3A_49 : memref<400xi32, #tpu.memory_space<vmem>>) semaphore(%arg15 : memref<!tpu.dma_semaphore, #tpu.memory_space<semaphore_mem>>)
      %dma_start3A_53 = tpu.memref_slice %arg8[%add3A_40] : memref<10000xi32, #tpu.memory_space<vmem>> -> memref<400xi32, #tpu.memory_space<vmem>>
      %dma_start3A_54 = arith.constant 0 : i32
      %dma_start3A_55 = arith.constant 0 : i32
      %dma_start3A_56 = tpu.memref_slice %arg3[%dma_start3A_54, %dma_start3A_55] : memref<10000x64xf32, #tpu.memory_space<hbm>> -> memref<10000x64xf32, #tpu.memory_space<hbm>>
      tpu.enqueue_indirect_dma source(%dma_start3A_56 : memref<10000x64xf32, #tpu.memory_space<hbm>>) target(%arg12 : memref<400x64xf32, #tpu.memory_space<vmem>>) offsets(%dma_start3A_53 : memref<400xi32, #tpu.memory_space<vmem>>) semaphore(%arg16 : memref<!tpu.dma_semaphore, #tpu.memory_space<semaphore_mem>>)
      %dma_wait3A_57 = tpu.memref_slice %arg7[%mul3A_38] : memref<10000xi32, #tpu.memory_space<vmem>> -> memref<400xi32, #tpu.memory_space<vmem>>
      %dma_wait3A_58 = arith.constant 0 : i32
      %dma_wait3A_59 = arith.constant 0 : i32
      %dma_wait3A_60 = tpu.memref_slice %arg2[%dma_wait3A_58, %dma_wait3A_59] : memref<10000x64xf32, #tpu.memory_space<hbm>> -> memref<10000x64xf32, #tpu.memory_space<hbm>>
      tpu.wait_indirect_dma semaphore(%arg13 : memref<!tpu.dma_semaphore, #tpu.memory_space<semaphore_mem>>) src(%dma_wait3A_60 : memref<10000x64xf32, #tpu.memory_space<hbm>>) dst(%arg9 : memref<400x64xf32, #tpu.memory_space<vmem>>)
      %dma_wait3A_61 = tpu.memref_slice %arg8[%mul3A_38] : memref<10000xi32, #tpu.memory_space<vmem>> -> memref<400xi32, #tpu.memory_space<vmem>>
      %dma_wait3A_62 = arith.constant 0 : i32
      %dma_wait3A_63 = arith.constant 0 : i32
      %dma_wait3A_64 = tpu.memref_slice %arg3[%dma_wait3A_62, %dma_wait3A_63] : memref<10000x64xf32, #tpu.memory_space<hbm>> -> memref<10000x64xf32, #tpu.memory_space<hbm>>
      tpu.wait_indirect_dma semaphore(%arg14 : memref<!tpu.dma_semaphore, #tpu.memory_space<semaphore_mem>>) src(%dma_wait3A_64 : memref<10000x64xf32, #tpu.memory_space<hbm>>) dst(%arg10 : memref<400x64xf32, #tpu.memory_space<vmem>>)
      %scan3A_65 = arith.constant 0 : i32
      %scan3A_66 = arith.constant 400 : i32
      %scan3A_67 = arith.addi %scan3A_65, %scan3A_66 : i32
      %scan3A_68 = arith.constant 1 : i32
      scf.for %scan3A_101 = %scan3A_65 to %scan3A_67 step %scan3A_68  : i32 {
        %mul3A_102 = arith.constant 1 : i32
        %mul3A_103 = arith.muli %scan3A_101, %mul3A_102 : i32
        %add3A_104 = arith.constant 0 : i32
        %add3A_105 = arith.addi %add3A_104, %mul3A_103 : i32
        %get3A = arith.index_cast %add3A_105 : i32 to index
        %get3A_106 = arith.constant 0 : index
        %get3A_107 = tpu.vector_load %arg10[%get3A, %get3A_106] {strides = array<i32>} : memref<400x64xf32, #tpu.memory_space<vmem>>, vector<1x16xf32>,
        %get3A_108 = vector.shape_cast %get3A_107 : vector<1x16xf32> to vector<16xf32>
        %swap3A = arith.index_cast %add3A_105 : i32 to index
        %swap3A_109 = arith.constant 0 : index
        %swap3A_110 = tpu.vector_load %arg9[%swap3A, %swap3A_109] {strides = array<i32>} : memref<400x64xf32, #tpu.memory_space<vmem>>, vector<1x16xf32>,
        %swap3A_111 = vector.shape_cast %swap3A_110 : vector<1x16xf32> to vector<16xf32>
        %swap3A_112 = vector.shape_cast %get3A_108 : vector<16xf32> to vector<1x16xf32>
        tpu.vector_store %arg9[%swap3A, %swap3A_109], %swap3A_112 {add = true, strides = array<i32>} : memref<400x64xf32, #tpu.memory_space<vmem>>, vector<1x16xf32>,
        %get3A_113 = arith.index_cast %add3A_105 : i32 to index
        %get3A_114 = arith.constant 16 : index
        %get3A_115 = tpu.vector_load %arg10[%get3A_113, %get3A_114] {strides = array<i32>} : memref<400x64xf32, #tpu.memory_space<vmem>>, vector<1x16xf32>,
        %get3A_116 = vector.shape_cast %get3A_115 : vector<1x16xf32> to vector<16xf32>
        %swap3A_117 = arith.index_cast %add3A_105 : i32 to index
        %swap3A_118 = arith.constant 16 : index
        %swap3A_119 = tpu.vector_load %arg9[%swap3A_117, %swap3A_118] {strides = array<i32>} : memref<400x64xf32, #tpu.memory_space<vmem>>, vector<1x16xf32>,
        %swap3A_120 = vector.shape_cast %swap3A_119 : vector<1x16xf32> to vector<16xf32>
        %swap3A_121 = vector.shape_cast %get3A_116 : vector<16xf32> to vector<1x16xf32>
        tpu.vector_store %arg9[%swap3A_117, %swap3A_118], %swap3A_121 {add = true, strides = array<i32>} : memref<400x64xf32, #tpu.memory_space<vmem>>, vector<1x16xf32>,
        %get3A_122 = arith.index_cast %add3A_105 : i32 to index
        %get3A_123 = arith.constant 32 : index
        %get3A_124 = tpu.vector_load %arg10[%get3A_122, %get3A_123] {strides = array<i32>} : memref<400x64xf32, #tpu.memory_space<vmem>>, vector<1x16xf32>,
        %get3A_125 = vector.shape_cast %get3A_124 : vector<1x16xf32> to vector<16xf32>
        %swap3A_126 = arith.index_cast %add3A_105 : i32 to index
        %swap3A_127 = arith.constant 32 : index
        %swap3A_128 = tpu.vector_load %arg9[%swap3A_126, %swap3A_127] {strides = array<i32>} : memref<400x64xf32, #tpu.memory_space<vmem>>, vector<1x16xf32>,
        %swap3A_129 = vector.shape_cast %swap3A_128 : vector<1x16xf32> to vector<16xf32>
        %swap3A_130 = vector.shape_cast %get3A_125 : vector<16xf32> to vector<1x16xf32>
        tpu.vector_store %arg9[%swap3A_126, %swap3A_127], %swap3A_130 {add = true, strides = array<i32>} : memref<400x64xf32, #tpu.memory_space<vmem>>, vector<1x16xf32>,
        %get3A_131 = arith.index_cast %add3A_105 : i32 to index
        %get3A_132 = arith.constant 48 : index
        %get3A_133 = tpu.vector_load %arg10[%get3A_131, %get3A_132] {strides = array<i32>} : memref<400x64xf32, #tpu.memory_space<vmem>>, vector<1x16xf32>,
        %get3A_134 = vector.shape_cast %get3A_133 : vector<1x16xf32> to vector<16xf32>
        %swap3A_135 = arith.index_cast %add3A_105 : i32 to index
        %swap3A_136 = arith.constant 48 : index
        %swap3A_137 = tpu.vector_load %arg9[%swap3A_135, %swap3A_136] {strides = array<i32>} : memref<400x64xf32, #tpu.memory_space<vmem>>, vector<1x16xf32>,
        %swap3A_138 = vector.shape_cast %swap3A_137 : vector<1x16xf32> to vector<16xf32>
        %swap3A_139 = vector.shape_cast %get3A_134 : vector<16xf32> to vector<1x16xf32>
        tpu.vector_store %arg9[%swap3A_135, %swap3A_136], %swap3A_139 {add = true, strides = array<i32>} : memref<400x64xf32, #tpu.memory_space<vmem>>, vector<1x16xf32>,
      }
      %scan3A_69 = arith.constant 400 : i32
      %add3A_70 = arith.addi %mul3A_2, %mul3A_38 : i32
      %dma_start3A_71 = arith.constant 0 : i32
      %dma_start3A_72 = tpu.memref_slice %arg6[%add3A_70, %dma_start3A_71] : memref<320000x64xf32, #tpu.memory_space<hbm>> -> memref<400x64xf32, #tpu.memory_space<hbm>>
      %dma_start3A_73 = arith.constant 0 : i32
      %dma_start3A_74 = tpu.memref_slice %arg6[%add3A_70, %dma_start3A_73] : memref<320000x64xf32, #tpu.memory_space<hbm>> -> memref<400x64xf32, #tpu.memory_space<hbm>>
      tpu.enqueue_dma source(%arg9 : memref<400x64xf32, #tpu.memory_space<vmem>>) target(%dma_start3A_74 : memref<400x64xf32, #tpu.memory_space<hbm>>) target_semaphore(%arg17 : memref<!tpu.dma_semaphore, #tpu.memory_space<semaphore_mem>>)
      %dma_wait3A_75 = tpu.memref_slice %arg7[%add3A_40] : memref<10000xi32, #tpu.memory_space<vmem>> -> memref<400xi32, #tpu.memory_space<vmem>>
      %dma_wait3A_76 = arith.constant 0 : i32
      %dma_wait3A_77 = arith.constant 0 : i32
      %dma_wait3A_78 = tpu.memref_slice %arg2[%dma_wait3A_76, %dma_wait3A_77] : memref<10000x64xf32, #tpu.memory_space<hbm>> -> memref<10000x64xf32, #tpu.memory_space<hbm>>
      tpu.wait_indirect_dma semaphore(%arg15 : memref<!tpu.dma_semaphore, #tpu.memory_space<semaphore_mem>>) src(%dma_wait3A_78 : memref<10000x64xf32, #tpu.memory_space<hbm>>) dst(%arg11 : memref<400x64xf32, #tpu.memory_space<vmem>>)
      %dma_wait3A_79 = tpu.memref_slice %arg8[%add3A_40] : memref<10000xi32, #tpu.memory_space<vmem>> -> memref<400xi32, #tpu.memory_space<vmem>>
      %dma_wait3A_80 = arith.constant 0 : i32
      %dma_wait3A_81 = arith.constant 0 : i32
      %dma_wait3A_82 = tpu.memref_slice %arg3[%dma_wait3A_80, %dma_wait3A_81] : memref<10000x64xf32, #tpu.memory_space<hbm>> -> memref<10000x64xf32, #tpu.memory_space<hbm>>
      tpu.wait_indirect_dma semaphore(%arg16 : memref<!tpu.dma_semaphore, #tpu.memory_space<semaphore_mem>>) src(%dma_wait3A_82 : memref<10000x64xf32, #tpu.memory_space<hbm>>) dst(%arg12 : memref<400x64xf32, #tpu.memory_space<vmem>>)
      %scan3A_83 = arith.constant 0 : i32
      %scan3A_84 = arith.constant 400 : i32
      %scan3A_85 = arith.addi %scan3A_83, %scan3A_84 : i32
      %scan3A_86 = arith.constant 1 : i32
      scf.for %scan3A_101 = %scan3A_83 to %scan3A_85 step %scan3A_86  : i32 {
        %mul3A_102 = arith.constant 1 : i32
        %mul3A_103 = arith.muli %scan3A_101, %mul3A_102 : i32
        %add3A_104 = arith.constant 0 : i32
        %add3A_105 = arith.addi %add3A_104, %mul3A_103 : i32
        %get3A = arith.index_cast %add3A_105 : i32 to index
        %get3A_106 = arith.constant 0 : index
        %get3A_107 = tpu.vector_load %arg12[%get3A, %get3A_106] {strides = array<i32>} : memref<400x64xf32, #tpu.memory_space<vmem>>, vector<1x16xf32>,
        %get3A_108 = vector.shape_cast %get3A_107 : vector<1x16xf32> to vector<16xf32>
        %swap3A = arith.index_cast %add3A_105 : i32 to index
        %swap3A_109 = arith.constant 0 : index
        %swap3A_110 = tpu.vector_load %arg11[%swap3A, %swap3A_109] {strides = array<i32>} : memref<400x64xf32, #tpu.memory_space<vmem>>, vector<1x16xf32>,
        %swap3A_111 = vector.shape_cast %swap3A_110 : vector<1x16xf32> to vector<16xf32>
        %swap3A_112 = vector.shape_cast %get3A_108 : vector<16xf32> to vector<1x16xf32>
        tpu.vector_store %arg11[%swap3A, %swap3A_109], %swap3A_112 {add = true, strides = array<i32>} : memref<400x64xf32, #tpu.memory_space<vmem>>, vector<1x16xf32>,
        %get3A_113 = arith.index_cast %add3A_105 : i32 to index
        %get3A_114 = arith.constant 16 : index
        %get3A_115 = tpu.vector_load %arg12[%get3A_113, %get3A_114] {strides = array<i32>} : memref<400x64xf32, #tpu.memory_space<vmem>>, vector<1x16xf32>,
        %get3A_116 = vector.shape_cast %get3A_115 : vector<1x16xf32> to vector<16xf32>
        %swap3A_117 = arith.index_cast %add3A_105 : i32 to index
        %swap3A_118 = arith.constant 16 : index
        %swap3A_119 = tpu.vector_load %arg11[%swap3A_117, %swap3A_118] {strides = array<i32>} : memref<400x64xf32, #tpu.memory_space<vmem>>, vector<1x16xf32>,
        %swap3A_120 = vector.shape_cast %swap3A_119 : vector<1x16xf32> to vector<16xf32>
        %swap3A_121 = vector.shape_cast %get3A_116 : vector<16xf32> to vector<1x16xf32>
        tpu.vector_store %arg11[%swap3A_117, %swap3A_118], %swap3A_121 {add = true, strides = array<i32>} : memref<400x64xf32, #tpu.memory_space<vmem>>, vector<1x16xf32>,
        %get3A_122 = arith.index_cast %add3A_105 : i32 to index
        %get3A_123 = arith.constant 32 : index
        %get3A_124 = tpu.vector_load %arg12[%get3A_122, %get3A_123] {strides = array<i32>} : memref<400x64xf32, #tpu.memory_space<vmem>>, vector<1x16xf32>,
        %get3A_125 = vector.shape_cast %get3A_124 : vector<1x16xf32> to vector<16xf32>
        %swap3A_126 = arith.index_cast %add3A_105 : i32 to index
        %swap3A_127 = arith.constant 32 : index
        %swap3A_128 = tpu.vector_load %arg11[%swap3A_126, %swap3A_127] {strides = array<i32>} : memref<400x64xf32, #tpu.memory_space<vmem>>, vector<1x16xf32>,
        %swap3A_129 = vector.shape_cast %swap3A_128 : vector<1x16xf32> to vector<16xf32>
        %swap3A_130 = vector.shape_cast %get3A_125 : vector<16xf32> to vector<1x16xf32>
        tpu.vector_store %arg11[%swap3A_126, %swap3A_127], %swap3A_130 {add = true, strides = array<i32>} : memref<400x64xf32, #tpu.memory_space<vmem>>, vector<1x16xf32>,
        %get3A_131 = arith.index_cast %add3A_105 : i32 to index
        %get3A_132 = arith.constant 48 : index
        %get3A_133 = tpu.vector_load %arg12[%get3A_131, %get3A_132] {strides = array<i32>} : memref<400x64xf32, #tpu.memory_space<vmem>>, vector<1x16xf32>,
        %get3A_134 = vector.shape_cast %get3A_133 : vector<1x16xf32> to vector<16xf32>
        %swap3A_135 = arith.index_cast %add3A_105 : i32 to index
        %swap3A_136 = arith.constant 48 : index
        %swap3A_137 = tpu.vector_load %arg11[%swap3A_135, %swap3A_136] {strides = array<i32>} : memref<400x64xf32, #tpu.memory_space<vmem>>, vector<1x16xf32>,
        %swap3A_138 = vector.shape_cast %swap3A_137 : vector<1x16xf32> to vector<16xf32>
        %swap3A_139 = vector.shape_cast %get3A_134 : vector<16xf32> to vector<1x16xf32>
        tpu.vector_store %arg11[%swap3A_135, %swap3A_136], %swap3A_139 {add = true, strides = array<i32>} : memref<400x64xf32, #tpu.memory_space<vmem>>, vector<1x16xf32>,
      }
      %scan3A_87 = arith.constant 400 : i32
      %add3A_88 = arith.addi %mul3A_2, %add3A_40 : i32
      %dma_start3A_89 = arith.constant 0 : i32
      %dma_start3A_90 = tpu.memref_slice %arg6[%add3A_88, %dma_start3A_89] : memref<320000x64xf32, #tpu.memory_space<hbm>> -> memref<400x64xf32, #tpu.memory_space<hbm>>
      %dma_start3A_91 = arith.constant 0 : i32
      %dma_start3A_92 = tpu.memref_slice %arg6[%add3A_88, %dma_start3A_91] : memref<320000x64xf32, #tpu.memory_space<hbm>> -> memref<400x64xf32, #tpu.memory_space<hbm>>
      tpu.enqueue_dma source(%arg11 : memref<400x64xf32, #tpu.memory_space<vmem>>) target(%dma_start3A_92 : memref<400x64xf32, #tpu.memory_space<hbm>>) target_semaphore(%arg18 : memref<!tpu.dma_semaphore, #tpu.memory_space<semaphore_mem>>)
      %dma_wait3A_93 = arith.constant 0 : i32
      %dma_wait3A_94 = tpu.memref_slice %arg6[%add3A_70, %dma_wait3A_93] : memref<320000x64xf32, #tpu.memory_space<hbm>> -> memref<400x64xf32, #tpu.memory_space<hbm>>
      %dma_wait3A_95 = arith.constant 0 : i32
      %dma_wait3A_96 = tpu.memref_slice %arg6[%add3A_70, %dma_wait3A_95] : memref<320000x64xf32, #tpu.memory_space<hbm>> -> memref<400x64xf32, #tpu.memory_space<hbm>>
      tpu.wait_dma2 semaphore(%arg17 : memref<!tpu.dma_semaphore, #tpu.memory_space<semaphore_mem>>) src(%arg9 : memref<400x64xf32, #tpu.memory_space<vmem>>) dst(%dma_wait3A_96 : memref<400x64xf32, #tpu.memory_space<hbm>>)
      %dma_wait3A_97 = arith.constant 0 : i32
      %dma_wait3A_98 = tpu.memref_slice %arg6[%add3A_88, %dma_wait3A_97] : memref<320000x64xf32, #tpu.memory_space<hbm>> -> memref<400x64xf32, #tpu.memory_space<hbm>>
      %dma_wait3A_99 = arith.constant 0 : i32
      %dma_wait3A_100 = tpu.memref_slice %arg6[%add3A_88, %dma_wait3A_99] : memref<320000x64xf32, #tpu.memory_space<hbm>> -> memref<400x64xf32, #tpu.memory_space<hbm>>
      tpu.wait_dma2 semaphore(%arg18 : memref<!tpu.dma_semaphore, #tpu.memory_space<semaphore_mem>>) src(%arg11 : memref<400x64xf32, #tpu.memory_space<vmem>>) dst(%dma_wait3A_100 : memref<400x64xf32, #tpu.memory_space<hbm>>)
    }
    %scan3A_6 = arith.constant 12 : i32
    %dma_start3A = arith.constant 9600 : i32
    %dma_start3A_7 = tpu.memref_slice %arg7[%dma_start3A] : memref<10000xi32, #tpu.memory_space<vmem>> -> memref<400xi32, #tpu.memory_space<vmem>>
    %dma_start3A_8 = arith.constant 0 : i32
    %dma_start3A_9 = arith.constant 0 : i32
    %dma_start3A_10 = tpu.memref_slice %arg2[%dma_start3A_8, %dma_start3A_9] : memref<10000x64xf32, #tpu.memory_space<hbm>> -> memref<10000x64xf32, #tpu.memory_space<hbm>>
    tpu.enqueue_indirect_dma source(%dma_start3A_10 : memref<10000x64xf32, #tpu.memory_space<hbm>>) target(%arg9 : memref<400x64xf32, #tpu.memory_space<vmem>>) offsets(%dma_start3A_7 : memref<400xi32, #tpu.memory_space<vmem>>) semaphore(%arg13 : memref<!tpu.dma_semaphore, #tpu.memory_space<semaphore_mem>>)
    %dma_start3A_11 = arith.constant 9600 : i32
    %dma_start3A_12 = tpu.memref_slice %arg8[%dma_start3A_11] : memref<10000xi32, #tpu.memory_space<vmem>> -> memref<400xi32, #tpu.memory_space<vmem>>
    %dma_start3A_13 = arith.constant 0 : i32
    %dma_start3A_14 = arith.constant 0 : i32
    %dma_start3A_15 = tpu.memref_slice %arg3[%dma_start3A_13, %dma_start3A_14] : memref<10000x64xf32, #tpu.memory_space<hbm>> -> memref<10000x64xf32, #tpu.memory_space<hbm>>
    tpu.enqueue_indirect_dma source(%dma_start3A_15 : memref<10000x64xf32, #tpu.memory_space<hbm>>) target(%arg10 : memref<400x64xf32, #tpu.memory_space<vmem>>) offsets(%dma_start3A_12 : memref<400xi32, #tpu.memory_space<vmem>>) semaphore(%arg14 : memref<!tpu.dma_semaphore, #tpu.memory_space<semaphore_mem>>)
    %dma_wait3A = arith.constant 9600 : i32
    %dma_wait3A_16 = tpu.memref_slice %arg7[%dma_wait3A] : memref<10000xi32, #tpu.memory_space<vmem>> -> memref<400xi32, #tpu.memory_space<vmem>>
    %dma_wait3A_17 = arith.constant 0 : i32
    %dma_wait3A_18 = arith.constant 0 : i32
    %dma_wait3A_19 = tpu.memref_slice %arg2[%dma_wait3A_17, %dma_wait3A_18] : memref<10000x64xf32, #tpu.memory_space<hbm>> -> memref<10000x64xf32, #tpu.memory_space<hbm>>
    tpu.wait_indirect_dma semaphore(%arg13 : memref<!tpu.dma_semaphore, #tpu.memory_space<semaphore_mem>>) src(%dma_wait3A_19 : memref<10000x64xf32, #tpu.memory_space<hbm>>) dst(%arg9 : memref<400x64xf32, #tpu.memory_space<vmem>>)
    %dma_wait3A_20 = arith.constant 9600 : i32
    %dma_wait3A_21 = tpu.memref_slice %arg8[%dma_wait3A_20] : memref<10000xi32, #tpu.memory_space<vmem>> -> memref<400xi32, #tpu.memory_space<vmem>>
    %dma_wait3A_22 = arith.constant 0 : i32
    %dma_wait3A_23 = arith.constant 0 : i32
    %dma_wait3A_24 = tpu.memref_slice %arg3[%dma_wait3A_22, %dma_wait3A_23] : memref<10000x64xf32, #tpu.memory_space<hbm>> -> memref<10000x64xf32, #tpu.memory_space<hbm>>
    tpu.wait_indirect_dma semaphore(%arg14 : memref<!tpu.dma_semaphore, #tpu.memory_space<semaphore_mem>>) src(%dma_wait3A_24 : memref<10000x64xf32, #tpu.memory_space<hbm>>) dst(%arg10 : memref<400x64xf32, #tpu.memory_space<vmem>>)
    %scan3A_25 = arith.constant 0 : i32
    %scan3A_26 = arith.constant 400 : i32
    %scan3A_27 = arith.addi %scan3A_25, %scan3A_26 : i32
    %scan3A_28 = arith.constant 1 : i32
    scf.for %scan3A_32 = %scan3A_25 to %scan3A_27 step %scan3A_28  : i32 {
      %mul3A_33 = arith.constant 1 : i32
      %mul3A_34 = arith.muli %scan3A_32, %mul3A_33 : i32
      %add3A_35 = arith.constant 0 : i32
      %add3A_36 = arith.addi %add3A_35, %mul3A_34 : i32
      %get3A = arith.index_cast %add3A_36 : i32 to index
      %get3A_37 = arith.constant 0 : index
      %get3A_38 = tpu.vector_load %arg10[%get3A, %get3A_37] {strides = array<i32>} : memref<400x64xf32, #tpu.memory_space<vmem>>, vector<1x16xf32>,
      %get3A_39 = vector.shape_cast %get3A_38 : vector<1x16xf32> to vector<16xf32>
      %swap3A = arith.index_cast %add3A_36 : i32 to index
      %swap3A_40 = arith.constant 0 : index
      %swap3A_41 = tpu.vector_load %arg9[%swap3A, %swap3A_40] {strides = array<i32>} : memref<400x64xf32, #tpu.memory_space<vmem>>, vector<1x16xf32>,
      %swap3A_42 = vector.shape_cast %swap3A_41 : vector<1x16xf32> to vector<16xf32>
      %swap3A_43 = vector.shape_cast %get3A_39 : vector<16xf32> to vector<1x16xf32>
      tpu.vector_store %arg9[%swap3A, %swap3A_40], %swap3A_43 {add = true, strides = array<i32>} : memref<400x64xf32, #tpu.memory_space<vmem>>, vector<1x16xf32>,
      %get3A_44 = arith.index_cast %add3A_36 : i32 to index
      %get3A_45 = arith.constant 16 : index
      %get3A_46 = tpu.vector_load %arg10[%get3A_44, %get3A_45] {strides = array<i32>} : memref<400x64xf32, #tpu.memory_space<vmem>>, vector<1x16xf32>,
      %get3A_47 = vector.shape_cast %get3A_46 : vector<1x16xf32> to vector<16xf32>
      %swap3A_48 = arith.index_cast %add3A_36 : i32 to index
      %swap3A_49 = arith.constant 16 : index
      %swap3A_50 = tpu.vector_load %arg9[%swap3A_48, %swap3A_49] {strides = array<i32>} : memref<400x64xf32, #tpu.memory_space<vmem>>, vector<1x16xf32>,
      %swap3A_51 = vector.shape_cast %swap3A_50 : vector<1x16xf32> to vector<16xf32>
      %swap3A_52 = vector.shape_cast %get3A_47 : vector<16xf32> to vector<1x16xf32>
      tpu.vector_store %arg9[%swap3A_48, %swap3A_49], %swap3A_52 {add = true, strides = array<i32>} : memref<400x64xf32, #tpu.memory_space<vmem>>, vector<1x16xf32>,
      %get3A_53 = arith.index_cast %add3A_36 : i32 to index
      %get3A_54 = arith.constant 32 : index
      %get3A_55 = tpu.vector_load %arg10[%get3A_53, %get3A_54] {strides = array<i32>} : memref<400x64xf32, #tpu.memory_space<vmem>>, vector<1x16xf32>,
      %get3A_56 = vector.shape_cast %get3A_55 : vector<1x16xf32> to vector<16xf32>
      %swap3A_57 = arith.index_cast %add3A_36 : i32 to index
      %swap3A_58 = arith.constant 32 : index
      %swap3A_59 = tpu.vector_load %arg9[%swap3A_57, %swap3A_58] {strides = array<i32>} : memref<400x64xf32, #tpu.memory_space<vmem>>, vector<1x16xf32>,
      %swap3A_60 = vector.shape_cast %swap3A_59 : vector<1x16xf32> to vector<16xf32>
      %swap3A_61 = vector.shape_cast %get3A_56 : vector<16xf32> to vector<1x16xf32>
      tpu.vector_store %arg9[%swap3A_57, %swap3A_58], %swap3A_61 {add = true, strides = array<i32>} : memref<400x64xf32, #tpu.memory_space<vmem>>, vector<1x16xf32>,
      %get3A_62 = arith.index_cast %add3A_36 : i32 to index
      %get3A_63 = arith.constant 48 : index
      %get3A_64 = tpu.vector_load %arg10[%get3A_62, %get3A_63] {strides = array<i32>} : memref<400x64xf32, #tpu.memory_space<vmem>>, vector<1x16xf32>,
      %get3A_65 = vector.shape_cast %get3A_64 : vector<1x16xf32> to vector<16xf32>
      %swap3A_66 = arith.index_cast %add3A_36 : i32 to index
      %swap3A_67 = arith.constant 48 : index
      %swap3A_68 = tpu.vector_load %arg9[%swap3A_66, %swap3A_67] {strides = array<i32>} : memref<400x64xf32, #tpu.memory_space<vmem>>, vector<1x16xf32>,
      %swap3A_69 = vector.shape_cast %swap3A_68 : vector<1x16xf32> to vector<16xf32>
      %swap3A_70 = vector.shape_cast %get3A_65 : vector<16xf32> to vector<1x16xf32>
      tpu.vector_store %arg9[%swap3A_66, %swap3A_67], %swap3A_70 {add = true, strides = array<i32>} : memref<400x64xf32, #tpu.memory_space<vmem>>, vector<1x16xf32>,
    }
    %scan3A_29 = arith.constant 400 : i32
    %add3A_30 = arith.constant 9600 : i32
    %add3A_31 = arith.addi %mul3A_2, %add3A_30 : i32
    "tpu.region"() ({
      %run_scoped3A = tpu.sem_alloc : memref<!tpu.dma_semaphore, #tpu.memory_space<semaphore_mem>>
      %dma_start3A_32 = arith.constant 0 : i32
      %dma_start3A_33 = tpu.memref_slice %arg6[%add3A_31, %dma_start3A_32] : memref<320000x64xf32, #tpu.memory_space<hbm>> -> memref<400x64xf32, #tpu.memory_space<hbm>>
      %dma_start3A_34 = arith.constant 0 : i32
      %dma_start3A_35 = tpu.memref_slice %arg6[%add3A_31, %dma_start3A_34] : memref<320000x64xf32, #tpu.memory_space<hbm>> -> memref<400x64xf32, #tpu.memory_space<hbm>>
      tpu.enqueue_dma source(%arg9 : memref<400x64xf32, #tpu.memory_space<vmem>>) target(%dma_start3A_35 : memref<400x64xf32, #tpu.memory_space<hbm>>) target_semaphore(%run_scoped3A : memref<!tpu.dma_semaphore, #tpu.memory_space<semaphore_mem>>)
      %dma_wait3A_36 = arith.constant 0 : i32
      %dma_wait3A_37 = tpu.memref_slice %arg6[%add3A_31, %dma_wait3A_36] : memref<320000x64xf32, #tpu.memory_space<hbm>> -> memref<400x64xf32, #tpu.memory_space<hbm>>
      %dma_wait3A_38 = arith.constant 0 : i32
      %dma_wait3A_39 = tpu.memref_slice %arg6[%add3A_31, %dma_wait3A_38] : memref<320000x64xf32, #tpu.memory_space<hbm>> -> memref<400x64xf32, #tpu.memory_space<hbm>>
      tpu.wait_dma2 semaphore(%run_scoped3A : memref<!tpu.dma_semaphore, #tpu.memory_space<semaphore_mem>>) src(%arg9 : memref<400x64xf32, #tpu.memory_space<vmem>>) dst(%dma_wait3A_39 : memref<400x64xf32, #tpu.memory_space<hbm>>)
      tpu.yield
    }) : () -> ()
    return
  }
}

#map = affine_map<(d0, d1) -> (0, 0)>
#map1 = affine_map<(d0, d1) -> (0)>
#map2 = affine_map<(d0, d1) -> (0, 0, 0)>
module attributes {stable_mosaic.version = 14 : i64} {
  func.func @scatter_k(%arg0: i32, %arg1: i32, %arg2: memref<320000x64xf32, #tpu.memory_space<hbm>>, %arg3: memref<320000xi32, #tpu.memory_space<hbm>>, %arg4: memref<10000x64xf32, #tpu.memory_space<hbm>>, %arg5: memref<2x10000x64xf32, #tpu.memory_space<hbm>>, %arg6: memref<400xi32, #tpu.memory_space<vmem>>, %arg7: memref<400xi32, #tpu.memory_space<vmem>>, %arg8: memref<400x64xf32, #tpu.memory_space<vmem>>, %arg9: memref<400x64xf32, #tpu.memory_space<vmem>>, %arg10: memref<10000x64xf32, #tpu.memory_space<vmem_shared>>, %arg11: memref<!tpu.dma_semaphore, #tpu.memory_space<semaphore_mem>>, %arg12: memref<!tpu.dma_semaphore, #tpu.memory_space<semaphore_mem>>, %arg13: memref<!tpu.dma_semaphore, #tpu.memory_space<semaphore_mem>>, %arg14: memref<!tpu.dma_semaphore, #tpu.memory_space<semaphore_mem>>) attributes {dimension_semantics = [#tpu.dimension_semantics<core_parallel>, #tpu.dimension_semantics<subcore_parallel>], iteration_bounds = array<i64: 2, 16>, scalar_prefetch = 0 : i64, scratch_operands = 9 : i64, tpu.core_type = #tpu.core_type<sc_vector_subcore>, window_params = [{transform_indices = #map}, {transform_indices = #map1}, {transform_indices = #map}, {transform_indices = #map2}]} {
    %mul3A = arith.constant 625 : i32
    %mul3A_0 = arith.muli %arg1, %mul3A : i32
    "tpu.region"() ({
      %run_scoped3A = tpu.sem_alloc : memref<!tpu.dma_semaphore, #tpu.memory_space<semaphore_mem>>
      %dma_start3A_22 = arith.constant 0 : i32
      %dma_start3A_23 = tpu.memref_slice %arg10[%mul3A_0, %dma_start3A_22] : memref<10000x64xf32, #tpu.memory_space<vmem_shared>> -> memref<625x64xf32, #tpu.memory_space<vmem_shared>>
      %dma_start3A_24 = arith.constant 0 : i32
      %dma_start3A_25 = tpu.memref_slice %arg4[%mul3A_0, %dma_start3A_24] : memref<10000x64xf32, #tpu.memory_space<hbm>> -> memref<625x64xf32, #tpu.memory_space<hbm>>
      tpu.enqueue_dma source(%dma_start3A_25 : memref<625x64xf32, #tpu.memory_space<hbm>>) target(%dma_start3A_23 : memref<625x64xf32, #tpu.memory_space<vmem_shared>>) target_semaphore(%run_scoped3A : memref<!tpu.dma_semaphore, #tpu.memory_space<semaphore_mem>>)
      %dma_wait3A_26 = arith.constant 0 : i32
      %dma_wait3A_27 = tpu.memref_slice %arg10[%mul3A_0, %dma_wait3A_26] : memref<10000x64xf32, #tpu.memory_space<vmem_shared>> -> memref<625x64xf32, #tpu.memory_space<vmem_shared>>
      %dma_wait3A_28 = arith.constant 0 : i32
      %dma_wait3A_29 = tpu.memref_slice %arg4[%mul3A_0, %dma_wait3A_28] : memref<10000x64xf32, #tpu.memory_space<hbm>> -> memref<625x64xf32, #tpu.memory_space<hbm>>
      tpu.wait_dma2 semaphore(%run_scoped3A : memref<!tpu.dma_semaphore, #tpu.memory_space<semaphore_mem>>) src(%dma_wait3A_29 : memref<625x64xf32, #tpu.memory_space<hbm>>) dst(%dma_wait3A_27 : memref<625x64xf32, #tpu.memory_space<vmem_shared>>)
      tpu.yield
    }) : () -> ()
    %barrier3A = arith.constant 0 : index
    tpu.barrier barrier_id(%barrier3A)
    %mul3A_1 = arith.constant 160000 : i32
    %mul3A_2 = arith.muli %arg0, %mul3A_1 : i32
    %mul3A_3 = arith.constant 10000 : i32
    %mul3A_4 = arith.muli %arg1, %mul3A_3 : i32
    %add3A = arith.addi %mul3A_2, %mul3A_4 : i32
    %scan3A = arith.constant 0 : i32
    %scan3A_5 = arith.constant 12 : i32
    %scan3A_6 = arith.addi %scan3A, %scan3A_5 : i32
    %scan3A_7 = arith.constant 1 : i32
    scf.for %scan3A_22 = %scan3A to %scan3A_6 step %scan3A_7  : i32 {
      %mul3A_23 = arith.constant 2 : i32
      %mul3A_24 = arith.muli %scan3A_22, %mul3A_23 : i32
      %add3A_25 = arith.constant 0 : i32
      %add3A_26 = arith.addi %add3A_25, %mul3A_24 : i32
      %mul3A_27 = arith.constant 400 : i32
      %mul3A_28 = arith.muli %add3A_26, %mul3A_27 : i32
      %add3A_29 = arith.addi %add3A, %mul3A_28 : i32
      %add3A_30 = arith.constant 400 : i32
      %add3A_31 = arith.addi %add3A_29, %add3A_30 : i32
      %dma_start3A_32 = tpu.memref_slice %arg3[%add3A_29] : memref<320000xi32, #tpu.memory_space<hbm>> -> memref<400xi32, #tpu.memory_space<hbm>>
      %dma_start3A_33 = tpu.memref_slice %arg3[%add3A_29] : memref<320000xi32, #tpu.memory_space<hbm>> -> memref<400xi32, #tpu.memory_space<hbm>>
      tpu.enqueue_dma source(%dma_start3A_33 : memref<400xi32, #tpu.memory_space<hbm>>) target(%arg6 : memref<400xi32, #tpu.memory_space<vmem>>) target_semaphore(%arg11 : memref<!tpu.dma_semaphore, #tpu.memory_space<semaphore_mem>>)
      %dma_start3A_34 = arith.constant 0 : i32
      %dma_start3A_35 = tpu.memref_slice %arg2[%add3A_29, %dma_start3A_34] : memref<320000x64xf32, #tpu.memory_space<hbm>> -> memref<400x64xf32, #tpu.memory_space<hbm>>
      %dma_start3A_36 = arith.constant 0 : i32
      %dma_start3A_37 = tpu.memref_slice %arg2[%add3A_29, %dma_start3A_36] : memref<320000x64xf32, #tpu.memory_space<hbm>> -> memref<400x64xf32, #tpu.memory_space<hbm>>
      tpu.enqueue_dma source(%dma_start3A_37 : memref<400x64xf32, #tpu.memory_space<hbm>>) target(%arg8 : memref<400x64xf32, #tpu.memory_space<vmem>>) target_semaphore(%arg13 : memref<!tpu.dma_semaphore, #tpu.memory_space<semaphore_mem>>)
      %dma_start3A_38 = tpu.memref_slice %arg3[%add3A_31] : memref<320000xi32, #tpu.memory_space<hbm>> -> memref<400xi32, #tpu.memory_space<hbm>>
      %dma_start3A_39 = tpu.memref_slice %arg3[%add3A_31] : memref<320000xi32, #tpu.memory_space<hbm>> -> memref<400xi32, #tpu.memory_space<hbm>>
      tpu.enqueue_dma source(%dma_start3A_39 : memref<400xi32, #tpu.memory_space<hbm>>) target(%arg7 : memref<400xi32, #tpu.memory_space<vmem>>) target_semaphore(%arg12 : memref<!tpu.dma_semaphore, #tpu.memory_space<semaphore_mem>>)
      %dma_start3A_40 = arith.constant 0 : i32
      %dma_start3A_41 = tpu.memref_slice %arg2[%add3A_31, %dma_start3A_40] : memref<320000x64xf32, #tpu.memory_space<hbm>> -> memref<400x64xf32, #tpu.memory_space<hbm>>
      %dma_start3A_42 = arith.constant 0 : i32
      %dma_start3A_43 = tpu.memref_slice %arg2[%add3A_31, %dma_start3A_42] : memref<320000x64xf32, #tpu.memory_space<hbm>> -> memref<400x64xf32, #tpu.memory_space<hbm>>
      tpu.enqueue_dma source(%dma_start3A_43 : memref<400x64xf32, #tpu.memory_space<hbm>>) target(%arg9 : memref<400x64xf32, #tpu.memory_space<vmem>>) target_semaphore(%arg14 : memref<!tpu.dma_semaphore, #tpu.memory_space<semaphore_mem>>)
      %dma_wait3A_44 = tpu.memref_slice %arg3[%add3A_29] : memref<320000xi32, #tpu.memory_space<hbm>> -> memref<400xi32, #tpu.memory_space<hbm>>
      %dma_wait3A_45 = tpu.memref_slice %arg3[%add3A_29] : memref<320000xi32, #tpu.memory_space<hbm>> -> memref<400xi32, #tpu.memory_space<hbm>>
      tpu.wait_dma2 semaphore(%arg11 : memref<!tpu.dma_semaphore, #tpu.memory_space<semaphore_mem>>) src(%dma_wait3A_45 : memref<400xi32, #tpu.memory_space<hbm>>) dst(%arg6 : memref<400xi32, #tpu.memory_space<vmem>>)
      %dma_wait3A_46 = arith.constant 0 : i32
      %dma_wait3A_47 = tpu.memref_slice %arg2[%add3A_29, %dma_wait3A_46] : memref<320000x64xf32, #tpu.memory_space<hbm>> -> memref<400x64xf32, #tpu.memory_space<hbm>>
      %dma_wait3A_48 = arith.constant 0 : i32
      %dma_wait3A_49 = tpu.memref_slice %arg2[%add3A_29, %dma_wait3A_48] : memref<320000x64xf32, #tpu.memory_space<hbm>> -> memref<400x64xf32, #tpu.memory_space<hbm>>
      tpu.wait_dma2 semaphore(%arg13 : memref<!tpu.dma_semaphore, #tpu.memory_space<semaphore_mem>>) src(%dma_wait3A_49 : memref<400x64xf32, #tpu.memory_space<hbm>>) dst(%arg8 : memref<400x64xf32, #tpu.memory_space<vmem>>)
      "tpu.region"() ({
        %run_scoped3A = tpu.sem_alloc : memref<!tpu.dma_semaphore, #tpu.memory_space<semaphore_mem>>
        %dma_start3A_56 = arith.constant 0 : i32
        %dma_start3A_57 = arith.constant 0 : i32
        %dma_start3A_58 = tpu.memref_slice %arg10[%dma_start3A_56, %dma_start3A_57] : memref<10000x64xf32, #tpu.memory_space<vmem_shared>> -> memref<10000x64xf32, #tpu.memory_space<vmem_shared>>
        tpu.enqueue_indirect_dma source(%arg8 : memref<400x64xf32, #tpu.memory_space<vmem>>) target(%dma_start3A_58 : memref<10000x64xf32, #tpu.memory_space<vmem_shared>>) offsets(%arg6 : memref<400xi32, #tpu.memory_space<vmem>>) semaphore(%run_scoped3A : memref<!tpu.dma_semaphore, #tpu.memory_space<semaphore_mem>>) {add = true}
        %dma_wait3A_59 = arith.constant 0 : i32
        %dma_wait3A_60 = arith.constant 0 : i32
        %dma_wait3A_61 = tpu.memref_slice %arg10[%dma_wait3A_59, %dma_wait3A_60] : memref<10000x64xf32, #tpu.memory_space<vmem_shared>> -> memref<10000x64xf32, #tpu.memory_space<vmem_shared>>
        tpu.wait_indirect_dma semaphore(%run_scoped3A : memref<!tpu.dma_semaphore, #tpu.memory_space<semaphore_mem>>) src(%arg8 : memref<400x64xf32, #tpu.memory_space<vmem>>) dst(%dma_wait3A_61 : memref<10000x64xf32, #tpu.memory_space<vmem_shared>>)
        tpu.yield
      }) : () -> ()
      %dma_wait3A_50 = tpu.memref_slice %arg3[%add3A_31] : memref<320000xi32, #tpu.memory_space<hbm>> -> memref<400xi32, #tpu.memory_space<hbm>>
      %dma_wait3A_51 = tpu.memref_slice %arg3[%add3A_31] : memref<320000xi32, #tpu.memory_space<hbm>> -> memref<400xi32, #tpu.memory_space<hbm>>
      tpu.wait_dma2 semaphore(%arg12 : memref<!tpu.dma_semaphore, #tpu.memory_space<semaphore_mem>>) src(%dma_wait3A_51 : memref<400xi32, #tpu.memory_space<hbm>>) dst(%arg7 : memref<400xi32, #tpu.memory_space<vmem>>)
      %dma_wait3A_52 = arith.constant 0 : i32
      %dma_wait3A_53 = tpu.memref_slice %arg2[%add3A_31, %dma_wait3A_52] : memref<320000x64xf32, #tpu.memory_space<hbm>> -> memref<400x64xf32, #tpu.memory_space<hbm>>
      %dma_wait3A_54 = arith.constant 0 : i32
      %dma_wait3A_55 = tpu.memref_slice %arg2[%add3A_31, %dma_wait3A_54] : memref<320000x64xf32, #tpu.memory_space<hbm>> -> memref<400x64xf32, #tpu.memory_space<hbm>>
      tpu.wait_dma2 semaphore(%arg14 : memref<!tpu.dma_semaphore, #tpu.memory_space<semaphore_mem>>) src(%dma_wait3A_55 : memref<400x64xf32, #tpu.memory_space<hbm>>) dst(%arg9 : memref<400x64xf32, #tpu.memory_space<vmem>>)
      "tpu.region"() ({
        %run_scoped3A = tpu.sem_alloc : memref<!tpu.dma_semaphore, #tpu.memory_space<semaphore_mem>>
        %dma_start3A_56 = arith.constant 0 : i32
        %dma_start3A_57 = arith.constant 0 : i32
        %dma_start3A_58 = tpu.memref_slice %arg10[%dma_start3A_56, %dma_start3A_57] : memref<10000x64xf32, #tpu.memory_space<vmem_shared>> -> memref<10000x64xf32, #tpu.memory_space<vmem_shared>>
        tpu.enqueue_indirect_dma source(%arg9 : memref<400x64xf32, #tpu.memory_space<vmem>>) target(%dma_start3A_58 : memref<10000x64xf32, #tpu.memory_space<vmem_shared>>) offsets(%arg7 : memref<400xi32, #tpu.memory_space<vmem>>) semaphore(%run_scoped3A : memref<!tpu.dma_semaphore, #tpu.memory_space<semaphore_mem>>) {add = true}
        %dma_wait3A_59 = arith.constant 0 : i32
        %dma_wait3A_60 = arith.constant 0 : i32
        %dma_wait3A_61 = tpu.memref_slice %arg10[%dma_wait3A_59, %dma_wait3A_60] : memref<10000x64xf32, #tpu.memory_space<vmem_shared>> -> memref<10000x64xf32, #tpu.memory_space<vmem_shared>>
        tpu.wait_indirect_dma semaphore(%run_scoped3A : memref<!tpu.dma_semaphore, #tpu.memory_space<semaphore_mem>>) src(%arg9 : memref<400x64xf32, #tpu.memory_space<vmem>>) dst(%dma_wait3A_61 : memref<10000x64xf32, #tpu.memory_space<vmem_shared>>)
        tpu.yield
      }) : () -> ()
    }
    %scan3A_8 = arith.constant 12 : i32
    %add3A_9 = arith.constant 9600 : i32
    %add3A_10 = arith.addi %add3A, %add3A_9 : i32
    %dma_start3A = tpu.memref_slice %arg3[%add3A_10] : memref<320000xi32, #tpu.memory_space<hbm>> -> memref<400xi32, #tpu.memory_space<hbm>>
    %dma_start3A_11 = tpu.memref_slice %arg3[%add3A_10] : memref<320000xi32, #tpu.memory_space<hbm>> -> memref<400xi32, #tpu.memory_space<hbm>>
    tpu.enqueue_dma source(%dma_start3A_11 : memref<400xi32, #tpu.memory_space<hbm>>) target(%arg6 : memref<400xi32, #tpu.memory_space<vmem>>) target_semaphore(%arg11 : memref<!tpu.dma_semaphore, #tpu.memory_space<semaphore_mem>>)
    %dma_start3A_12 = arith.constant 0 : i32
    %dma_start3A_13 = tpu.memref_slice %arg2[%add3A_10, %dma_start3A_12] : memref<320000x64xf32, #tpu.memory_space<hbm>> -> memref<400x64xf32, #tpu.memory_space<hbm>>
    %dma_start3A_14 = arith.constant 0 : i32
    %dma_start3A_15 = tpu.memref_slice %arg2[%add3A_10, %dma_start3A_14] : memref<320000x64xf32, #tpu.memory_space<hbm>> -> memref<400x64xf32, #tpu.memory_space<hbm>>
    tpu.enqueue_dma source(%dma_start3A_15 : memref<400x64xf32, #tpu.memory_space<hbm>>) target(%arg8 : memref<400x64xf32, #tpu.memory_space<vmem>>) target_semaphore(%arg13 : memref<!tpu.dma_semaphore, #tpu.memory_space<semaphore_mem>>)
    %dma_wait3A = tpu.memref_slice %arg3[%add3A_10] : memref<320000xi32, #tpu.memory_space<hbm>> -> memref<400xi32, #tpu.memory_space<hbm>>
    %dma_wait3A_16 = tpu.memref_slice %arg3[%add3A_10] : memref<320000xi32, #tpu.memory_space<hbm>> -> memref<400xi32, #tpu.memory_space<hbm>>
    tpu.wait_dma2 semaphore(%arg11 : memref<!tpu.dma_semaphore, #tpu.memory_space<semaphore_mem>>) src(%dma_wait3A_16 : memref<400xi32, #tpu.memory_space<hbm>>) dst(%arg6 : memref<400xi32, #tpu.memory_space<vmem>>)
    %dma_wait3A_17 = arith.constant 0 : i32
    %dma_wait3A_18 = tpu.memref_slice %arg2[%add3A_10, %dma_wait3A_17] : memref<320000x64xf32, #tpu.memory_space<hbm>> -> memref<400x64xf32, #tpu.memory_space<hbm>>
    %dma_wait3A_19 = arith.constant 0 : i32
    %dma_wait3A_20 = tpu.memref_slice %arg2[%add3A_10, %dma_wait3A_19] : memref<320000x64xf32, #tpu.memory_space<hbm>> -> memref<400x64xf32, #tpu.memory_space<hbm>>
    tpu.wait_dma2 semaphore(%arg13 : memref<!tpu.dma_semaphore, #tpu.memory_space<semaphore_mem>>) src(%dma_wait3A_20 : memref<400x64xf32, #tpu.memory_space<hbm>>) dst(%arg8 : memref<400x64xf32, #tpu.memory_space<vmem>>)
    "tpu.region"() ({
      %run_scoped3A = tpu.sem_alloc : memref<!tpu.dma_semaphore, #tpu.memory_space<semaphore_mem>>
      %dma_start3A_22 = arith.constant 0 : i32
      %dma_start3A_23 = arith.constant 0 : i32
      %dma_start3A_24 = tpu.memref_slice %arg10[%dma_start3A_22, %dma_start3A_23] : memref<10000x64xf32, #tpu.memory_space<vmem_shared>> -> memref<10000x64xf32, #tpu.memory_space<vmem_shared>>
      tpu.enqueue_indirect_dma source(%arg8 : memref<400x64xf32, #tpu.memory_space<vmem>>) target(%dma_start3A_24 : memref<10000x64xf32, #tpu.memory_space<vmem_shared>>) offsets(%arg6 : memref<400xi32, #tpu.memory_space<vmem>>) semaphore(%run_scoped3A : memref<!tpu.dma_semaphore, #tpu.memory_space<semaphore_mem>>) {add = true}
      %dma_wait3A_25 = arith.constant 0 : i32
      %dma_wait3A_26 = arith.constant 0 : i32
      %dma_wait3A_27 = tpu.memref_slice %arg10[%dma_wait3A_25, %dma_wait3A_26] : memref<10000x64xf32, #tpu.memory_space<vmem_shared>> -> memref<10000x64xf32, #tpu.memory_space<vmem_shared>>
      tpu.wait_indirect_dma semaphore(%run_scoped3A : memref<!tpu.dma_semaphore, #tpu.memory_space<semaphore_mem>>) src(%arg8 : memref<400x64xf32, #tpu.memory_space<vmem>>) dst(%dma_wait3A_27 : memref<10000x64xf32, #tpu.memory_space<vmem_shared>>)
      tpu.yield
    }) : () -> ()
    %barrier3A_21 = arith.constant 0 : index
    tpu.barrier barrier_id(%barrier3A_21)
    "tpu.region"() ({
      %run_scoped3A = tpu.sem_alloc : memref<!tpu.dma_semaphore, #tpu.memory_space<semaphore_mem>>
      %dma_start3A_22 = arith.constant 0 : i32
      %dma_start3A_23 = tpu.memref_slice %arg5[%arg0, %mul3A_0, %dma_start3A_22] : memref<2x10000x64xf32, #tpu.memory_space<hbm>> -> memref<1x625x64xf32, #tpu.memory_space<hbm>>
      %dma_start3A_24 = tpu.memref_squeeze %dma_start3A_23 : memref<1x625x64xf32, #tpu.memory_space<hbm>> -> memref<625x64xf32, #tpu.memory_space<hbm>>
      %dma_start3A_25 = arith.constant 0 : i32
      %dma_start3A_26 = tpu.memref_slice %arg10[%mul3A_0, %dma_start3A_25] : memref<10000x64xf32, #tpu.memory_space<vmem_shared>> -> memref<625x64xf32, #tpu.memory_space<vmem_shared>>
      tpu.enqueue_dma source(%dma_start3A_26 : memref<625x64xf32, #tpu.memory_space<vmem_shared>>) target(%dma_start3A_24 : memref<625x64xf32, #tpu.memory_space<hbm>>) target_semaphore(%run_scoped3A : memref<!tpu.dma_semaphore, #tpu.memory_space<semaphore_mem>>)
      %dma_wait3A_27 = arith.constant 0 : i32
      %dma_wait3A_28 = tpu.memref_slice %arg5[%arg0, %mul3A_0, %dma_wait3A_27] : memref<2x10000x64xf32, #tpu.memory_space<hbm>> -> memref<1x625x64xf32, #tpu.memory_space<hbm>>
      %dma_wait3A_29 = tpu.memref_squeeze %dma_wait3A_28 : memref<1x625x64xf32, #tpu.memory_space<hbm>> -> memref<625x64xf32, #tpu.memory_space<hbm>>
      %dma_wait3A_30 = arith.constant 0 : i32
      %dma_wait3A_31 = tpu.memref_slice %arg10[%mul3A_0, %dma_wait3A_30] : memref<10000x64xf32, #tpu.memory_space<vmem_shared>> -> memref<625x64xf32, #tpu.memory_space<vmem_shared>>
      tpu.wait_dma2 semaphore(%run_scoped3A : memref<!tpu.dma_semaphore, #tpu.memory_space<semaphore_mem>>) src(%dma_wait3A_31 : memref<625x64xf32, #tpu.memory_space<vmem_shared>>) dst(%dma_wait3A_29 : memref<625x64xf32, #tpu.memory_space<hbm>>)
      tpu.yield
    }) : () -> ()
    return
  }
}

#map = affine_map<(d0, d1) -> (0, 0)>
#map1 = affine_map<(d0, d1) -> (0)>
#map2 = affine_map<(d0, d1) -> (0, 0, 0)>
module attributes {stable_mosaic.version = 14 : i64} {
  func.func @scatter_k(%arg0: i32, %arg1: i32, %arg2: memref<320000x64xf32, #tpu.memory_space<hbm>>, %arg3: memref<320000xi32, #tpu.memory_space<hbm>>, %arg4: memref<10000x64xf32, #tpu.memory_space<hbm>>, %arg5: memref<2x10000x64xf32, #tpu.memory_space<hbm>>, %arg6: memref<400xi32, #tpu.memory_space<vmem>>, %arg7: memref<400xi32, #tpu.memory_space<vmem>>, %arg8: memref<400x64xf32, #tpu.memory_space<vmem>>, %arg9: memref<400x64xf32, #tpu.memory_space<vmem>>, %arg10: memref<10000x64xf32, #tpu.memory_space<vmem_shared>>, %arg11: memref<!tpu.dma_semaphore, #tpu.memory_space<semaphore_mem>>, %arg12: memref<!tpu.dma_semaphore, #tpu.memory_space<semaphore_mem>>, %arg13: memref<!tpu.dma_semaphore, #tpu.memory_space<semaphore_mem>>, %arg14: memref<!tpu.dma_semaphore, #tpu.memory_space<semaphore_mem>>) attributes {dimension_semantics = [#tpu.dimension_semantics<core_parallel>, #tpu.dimension_semantics<subcore_parallel>], iteration_bounds = array<i64: 2, 16>, scalar_prefetch = 0 : i64, scratch_operands = 9 : i64, tpu.core_type = #tpu.core_type<sc_vector_subcore>, window_params = [{transform_indices = #map}, {transform_indices = #map1}, {transform_indices = #map}, {transform_indices = #map2}]} {
    %mul3A = arith.constant 625 : i32
    %mul3A_0 = arith.muli %arg1, %mul3A : i32
    "tpu.region"() ({
      %run_scoped3A = tpu.sem_alloc : memref<!tpu.dma_semaphore, #tpu.memory_space<semaphore_mem>>
      %dma_start3A_22 = arith.constant 0 : i32
      %dma_start3A_23 = tpu.memref_slice %arg10[%mul3A_0, %dma_start3A_22] : memref<10000x64xf32, #tpu.memory_space<vmem_shared>> -> memref<625x64xf32, #tpu.memory_space<vmem_shared>>
      %dma_start3A_24 = arith.constant 0 : i32
      %dma_start3A_25 = tpu.memref_slice %arg4[%mul3A_0, %dma_start3A_24] : memref<10000x64xf32, #tpu.memory_space<hbm>> -> memref<625x64xf32, #tpu.memory_space<hbm>>
      tpu.enqueue_dma source(%dma_start3A_25 : memref<625x64xf32, #tpu.memory_space<hbm>>) target(%dma_start3A_23 : memref<625x64xf32, #tpu.memory_space<vmem_shared>>) target_semaphore(%run_scoped3A : memref<!tpu.dma_semaphore, #tpu.memory_space<semaphore_mem>>)
      %dma_wait3A_26 = arith.constant 0 : i32
      %dma_wait3A_27 = tpu.memref_slice %arg10[%mul3A_0, %dma_wait3A_26] : memref<10000x64xf32, #tpu.memory_space<vmem_shared>> -> memref<625x64xf32, #tpu.memory_space<vmem_shared>>
      %dma_wait3A_28 = arith.constant 0 : i32
      %dma_wait3A_29 = tpu.memref_slice %arg4[%mul3A_0, %dma_wait3A_28] : memref<10000x64xf32, #tpu.memory_space<hbm>> -> memref<625x64xf32, #tpu.memory_space<hbm>>
      tpu.wait_dma2 semaphore(%run_scoped3A : memref<!tpu.dma_semaphore, #tpu.memory_space<semaphore_mem>>) src(%dma_wait3A_29 : memref<625x64xf32, #tpu.memory_space<hbm>>) dst(%dma_wait3A_27 : memref<625x64xf32, #tpu.memory_space<vmem_shared>>)
      tpu.yield
    }) : () -> ()
    %barrier3A = arith.constant 0 : index
    tpu.barrier barrier_id(%barrier3A)
    %mul3A_1 = arith.constant 160000 : i32
    %mul3A_2 = arith.muli %arg0, %mul3A_1 : i32
    %mul3A_3 = arith.constant 10000 : i32
    %mul3A_4 = arith.muli %arg1, %mul3A_3 : i32
    %add3A = arith.addi %mul3A_2, %mul3A_4 : i32
    %scan3A = arith.constant 0 : i32
    %scan3A_5 = arith.constant 12 : i32
    %scan3A_6 = arith.addi %scan3A, %scan3A_5 : i32
    %scan3A_7 = arith.constant 1 : i32
    scf.for %scan3A_22 = %scan3A to %scan3A_6 step %scan3A_7  : i32 {
      %mul3A_23 = arith.constant 2 : i32
      %mul3A_24 = arith.muli %scan3A_22, %mul3A_23 : i32
      %add3A_25 = arith.constant 0 : i32
      %add3A_26 = arith.addi %add3A_25, %mul3A_24 : i32
      %mul3A_27 = arith.constant 400 : i32
      %mul3A_28 = arith.muli %add3A_26, %mul3A_27 : i32
      %add3A_29 = arith.addi %add3A, %mul3A_28 : i32
      %add3A_30 = arith.constant 400 : i32
      %add3A_31 = arith.addi %add3A_29, %add3A_30 : i32
      %dma_start3A_32 = tpu.memref_slice %arg3[%add3A_29] : memref<320000xi32, #tpu.memory_space<hbm>> -> memref<400xi32, #tpu.memory_space<hbm>>
      %dma_start3A_33 = tpu.memref_slice %arg3[%add3A_29] : memref<320000xi32, #tpu.memory_space<hbm>> -> memref<400xi32, #tpu.memory_space<hbm>>
      tpu.enqueue_dma source(%dma_start3A_33 : memref<400xi32, #tpu.memory_space<hbm>>) target(%arg6 : memref<400xi32, #tpu.memory_space<vmem>>) target_semaphore(%arg11 : memref<!tpu.dma_semaphore, #tpu.memory_space<semaphore_mem>>)
      %dma_start3A_34 = arith.constant 0 : i32
      %dma_start3A_35 = tpu.memref_slice %arg2[%add3A_29, %dma_start3A_34] : memref<320000x64xf32, #tpu.memory_space<hbm>> -> memref<400x64xf32, #tpu.memory_space<hbm>>
      %dma_start3A_36 = arith.constant 0 : i32
      %dma_start3A_37 = tpu.memref_slice %arg2[%add3A_29, %dma_start3A_36] : memref<320000x64xf32, #tpu.memory_space<hbm>> -> memref<400x64xf32, #tpu.memory_space<hbm>>
      tpu.enqueue_dma source(%dma_start3A_37 : memref<400x64xf32, #tpu.memory_space<hbm>>) target(%arg8 : memref<400x64xf32, #tpu.memory_space<vmem>>) target_semaphore(%arg13 : memref<!tpu.dma_semaphore, #tpu.memory_space<semaphore_mem>>)
      %dma_start3A_38 = tpu.memref_slice %arg3[%add3A_31] : memref<320000xi32, #tpu.memory_space<hbm>> -> memref<400xi32, #tpu.memory_space<hbm>>
      %dma_start3A_39 = tpu.memref_slice %arg3[%add3A_31] : memref<320000xi32, #tpu.memory_space<hbm>> -> memref<400xi32, #tpu.memory_space<hbm>>
      tpu.enqueue_dma source(%dma_start3A_39 : memref<400xi32, #tpu.memory_space<hbm>>) target(%arg7 : memref<400xi32, #tpu.memory_space<vmem>>) target_semaphore(%arg12 : memref<!tpu.dma_semaphore, #tpu.memory_space<semaphore_mem>>)
      %dma_start3A_40 = arith.constant 0 : i32
      %dma_start3A_41 = tpu.memref_slice %arg2[%add3A_31, %dma_start3A_40] : memref<320000x64xf32, #tpu.memory_space<hbm>> -> memref<400x64xf32, #tpu.memory_space<hbm>>
      %dma_start3A_42 = arith.constant 0 : i32
      %dma_start3A_43 = tpu.memref_slice %arg2[%add3A_31, %dma_start3A_42] : memref<320000x64xf32, #tpu.memory_space<hbm>> -> memref<400x64xf32, #tpu.memory_space<hbm>>
      tpu.enqueue_dma source(%dma_start3A_43 : memref<400x64xf32, #tpu.memory_space<hbm>>) target(%arg9 : memref<400x64xf32, #tpu.memory_space<vmem>>) target_semaphore(%arg14 : memref<!tpu.dma_semaphore, #tpu.memory_space<semaphore_mem>>)
      %dma_wait3A_44 = tpu.memref_slice %arg3[%add3A_29] : memref<320000xi32, #tpu.memory_space<hbm>> -> memref<400xi32, #tpu.memory_space<hbm>>
      %dma_wait3A_45 = tpu.memref_slice %arg3[%add3A_29] : memref<320000xi32, #tpu.memory_space<hbm>> -> memref<400xi32, #tpu.memory_space<hbm>>
      tpu.wait_dma2 semaphore(%arg11 : memref<!tpu.dma_semaphore, #tpu.memory_space<semaphore_mem>>) src(%dma_wait3A_45 : memref<400xi32, #tpu.memory_space<hbm>>) dst(%arg6 : memref<400xi32, #tpu.memory_space<vmem>>)
      %dma_wait3A_46 = arith.constant 0 : i32
      %dma_wait3A_47 = tpu.memref_slice %arg2[%add3A_29, %dma_wait3A_46] : memref<320000x64xf32, #tpu.memory_space<hbm>> -> memref<400x64xf32, #tpu.memory_space<hbm>>
      %dma_wait3A_48 = arith.constant 0 : i32
      %dma_wait3A_49 = tpu.memref_slice %arg2[%add3A_29, %dma_wait3A_48] : memref<320000x64xf32, #tpu.memory_space<hbm>> -> memref<400x64xf32, #tpu.memory_space<hbm>>
      tpu.wait_dma2 semaphore(%arg13 : memref<!tpu.dma_semaphore, #tpu.memory_space<semaphore_mem>>) src(%dma_wait3A_49 : memref<400x64xf32, #tpu.memory_space<hbm>>) dst(%arg8 : memref<400x64xf32, #tpu.memory_space<vmem>>)
      "tpu.region"() ({
        %run_scoped3A = tpu.sem_alloc : memref<!tpu.dma_semaphore, #tpu.memory_space<semaphore_mem>>
        %dma_start3A_56 = arith.constant 0 : i32
        %dma_start3A_57 = arith.constant 0 : i32
        %dma_start3A_58 = tpu.memref_slice %arg10[%dma_start3A_56, %dma_start3A_57] : memref<10000x64xf32, #tpu.memory_space<vmem_shared>> -> memref<10000x64xf32, #tpu.memory_space<vmem_shared>>
        tpu.enqueue_indirect_dma source(%arg8 : memref<400x64xf32, #tpu.memory_space<vmem>>) target(%dma_start3A_58 : memref<10000x64xf32, #tpu.memory_space<vmem_shared>>) offsets(%arg6 : memref<400xi32, #tpu.memory_space<vmem>>) semaphore(%run_scoped3A : memref<!tpu.dma_semaphore, #tpu.memory_space<semaphore_mem>>) {add = true}
        %dma_wait3A_59 = arith.constant 0 : i32
        %dma_wait3A_60 = arith.constant 0 : i32
        %dma_wait3A_61 = tpu.memref_slice %arg10[%dma_wait3A_59, %dma_wait3A_60] : memref<10000x64xf32, #tpu.memory_space<vmem_shared>> -> memref<10000x64xf32, #tpu.memory_space<vmem_shared>>
        tpu.wait_indirect_dma semaphore(%run_scoped3A : memref<!tpu.dma_semaphore, #tpu.memory_space<semaphore_mem>>) src(%arg8 : memref<400x64xf32, #tpu.memory_space<vmem>>) dst(%dma_wait3A_61 : memref<10000x64xf32, #tpu.memory_space<vmem_shared>>)
        tpu.yield
      }) : () -> ()
      %dma_wait3A_50 = tpu.memref_slice %arg3[%add3A_31] : memref<320000xi32, #tpu.memory_space<hbm>> -> memref<400xi32, #tpu.memory_space<hbm>>
      %dma_wait3A_51 = tpu.memref_slice %arg3[%add3A_31] : memref<320000xi32, #tpu.memory_space<hbm>> -> memref<400xi32, #tpu.memory_space<hbm>>
      tpu.wait_dma2 semaphore(%arg12 : memref<!tpu.dma_semaphore, #tpu.memory_space<semaphore_mem>>) src(%dma_wait3A_51 : memref<400xi32, #tpu.memory_space<hbm>>) dst(%arg7 : memref<400xi32, #tpu.memory_space<vmem>>)
      %dma_wait3A_52 = arith.constant 0 : i32
      %dma_wait3A_53 = tpu.memref_slice %arg2[%add3A_31, %dma_wait3A_52] : memref<320000x64xf32, #tpu.memory_space<hbm>> -> memref<400x64xf32, #tpu.memory_space<hbm>>
      %dma_wait3A_54 = arith.constant 0 : i32
      %dma_wait3A_55 = tpu.memref_slice %arg2[%add3A_31, %dma_wait3A_54] : memref<320000x64xf32, #tpu.memory_space<hbm>> -> memref<400x64xf32, #tpu.memory_space<hbm>>
      tpu.wait_dma2 semaphore(%arg14 : memref<!tpu.dma_semaphore, #tpu.memory_space<semaphore_mem>>) src(%dma_wait3A_55 : memref<400x64xf32, #tpu.memory_space<hbm>>) dst(%arg9 : memref<400x64xf32, #tpu.memory_space<vmem>>)
      "tpu.region"() ({
        %run_scoped3A = tpu.sem_alloc : memref<!tpu.dma_semaphore, #tpu.memory_space<semaphore_mem>>
        %dma_start3A_56 = arith.constant 0 : i32
        %dma_start3A_57 = arith.constant 0 : i32
        %dma_start3A_58 = tpu.memref_slice %arg10[%dma_start3A_56, %dma_start3A_57] : memref<10000x64xf32, #tpu.memory_space<vmem_shared>> -> memref<10000x64xf32, #tpu.memory_space<vmem_shared>>
        tpu.enqueue_indirect_dma source(%arg9 : memref<400x64xf32, #tpu.memory_space<vmem>>) target(%dma_start3A_58 : memref<10000x64xf32, #tpu.memory_space<vmem_shared>>) offsets(%arg7 : memref<400xi32, #tpu.memory_space<vmem>>) semaphore(%run_scoped3A : memref<!tpu.dma_semaphore, #tpu.memory_space<semaphore_mem>>) {add = true}
        %dma_wait3A_59 = arith.constant 0 : i32
        %dma_wait3A_60 = arith.constant 0 : i32
        %dma_wait3A_61 = tpu.memref_slice %arg10[%dma_wait3A_59, %dma_wait3A_60] : memref<10000x64xf32, #tpu.memory_space<vmem_shared>> -> memref<10000x64xf32, #tpu.memory_space<vmem_shared>>
        tpu.wait_indirect_dma semaphore(%run_scoped3A : memref<!tpu.dma_semaphore, #tpu.memory_space<semaphore_mem>>) src(%arg9 : memref<400x64xf32, #tpu.memory_space<vmem>>) dst(%dma_wait3A_61 : memref<10000x64xf32, #tpu.memory_space<vmem_shared>>)
        tpu.yield
      }) : () -> ()
    }
    %scan3A_8 = arith.constant 12 : i32
    %add3A_9 = arith.constant 9600 : i32
    %add3A_10 = arith.addi %add3A, %add3A_9 : i32
    %dma_start3A = tpu.memref_slice %arg3[%add3A_10] : memref<320000xi32, #tpu.memory_space<hbm>> -> memref<400xi32, #tpu.memory_space<hbm>>
    %dma_start3A_11 = tpu.memref_slice %arg3[%add3A_10] : memref<320000xi32, #tpu.memory_space<hbm>> -> memref<400xi32, #tpu.memory_space<hbm>>
    tpu.enqueue_dma source(%dma_start3A_11 : memref<400xi32, #tpu.memory_space<hbm>>) target(%arg6 : memref<400xi32, #tpu.memory_space<vmem>>) target_semaphore(%arg11 : memref<!tpu.dma_semaphore, #tpu.memory_space<semaphore_mem>>)
    %dma_start3A_12 = arith.constant 0 : i32
    %dma_start3A_13 = tpu.memref_slice %arg2[%add3A_10, %dma_start3A_12] : memref<320000x64xf32, #tpu.memory_space<hbm>> -> memref<400x64xf32, #tpu.memory_space<hbm>>
    %dma_start3A_14 = arith.constant 0 : i32
    %dma_start3A_15 = tpu.memref_slice %arg2[%add3A_10, %dma_start3A_14] : memref<320000x64xf32, #tpu.memory_space<hbm>> -> memref<400x64xf32, #tpu.memory_space<hbm>>
    tpu.enqueue_dma source(%dma_start3A_15 : memref<400x64xf32, #tpu.memory_space<hbm>>) target(%arg8 : memref<400x64xf32, #tpu.memory_space<vmem>>) target_semaphore(%arg13 : memref<!tpu.dma_semaphore, #tpu.memory_space<semaphore_mem>>)
    %dma_wait3A = tpu.memref_slice %arg3[%add3A_10] : memref<320000xi32, #tpu.memory_space<hbm>> -> memref<400xi32, #tpu.memory_space<hbm>>
    %dma_wait3A_16 = tpu.memref_slice %arg3[%add3A_10] : memref<320000xi32, #tpu.memory_space<hbm>> -> memref<400xi32, #tpu.memory_space<hbm>>
    tpu.wait_dma2 semaphore(%arg11 : memref<!tpu.dma_semaphore, #tpu.memory_space<semaphore_mem>>) src(%dma_wait3A_16 : memref<400xi32, #tpu.memory_space<hbm>>) dst(%arg6 : memref<400xi32, #tpu.memory_space<vmem>>)
    %dma_wait3A_17 = arith.constant 0 : i32
    %dma_wait3A_18 = tpu.memref_slice %arg2[%add3A_10, %dma_wait3A_17] : memref<320000x64xf32, #tpu.memory_space<hbm>> -> memref<400x64xf32, #tpu.memory_space<hbm>>
    %dma_wait3A_19 = arith.constant 0 : i32
    %dma_wait3A_20 = tpu.memref_slice %arg2[%add3A_10, %dma_wait3A_19] : memref<320000x64xf32, #tpu.memory_space<hbm>> -> memref<400x64xf32, #tpu.memory_space<hbm>>
    tpu.wait_dma2 semaphore(%arg13 : memref<!tpu.dma_semaphore, #tpu.memory_space<semaphore_mem>>) src(%dma_wait3A_20 : memref<400x64xf32, #tpu.memory_space<hbm>>) dst(%arg8 : memref<400x64xf32, #tpu.memory_space<vmem>>)
    "tpu.region"() ({
      %run_scoped3A = tpu.sem_alloc : memref<!tpu.dma_semaphore, #tpu.memory_space<semaphore_mem>>
      %dma_start3A_22 = arith.constant 0 : i32
      %dma_start3A_23 = arith.constant 0 : i32
      %dma_start3A_24 = tpu.memref_slice %arg10[%dma_start3A_22, %dma_start3A_23] : memref<10000x64xf32, #tpu.memory_space<vmem_shared>> -> memref<10000x64xf32, #tpu.memory_space<vmem_shared>>
      tpu.enqueue_indirect_dma source(%arg8 : memref<400x64xf32, #tpu.memory_space<vmem>>) target(%dma_start3A_24 : memref<10000x64xf32, #tpu.memory_space<vmem_shared>>) offsets(%arg6 : memref<400xi32, #tpu.memory_space<vmem>>) semaphore(%run_scoped3A : memref<!tpu.dma_semaphore, #tpu.memory_space<semaphore_mem>>) {add = true}
      %dma_wait3A_25 = arith.constant 0 : i32
      %dma_wait3A_26 = arith.constant 0 : i32
      %dma_wait3A_27 = tpu.memref_slice %arg10[%dma_wait3A_25, %dma_wait3A_26] : memref<10000x64xf32, #tpu.memory_space<vmem_shared>> -> memref<10000x64xf32, #tpu.memory_space<vmem_shared>>
      tpu.wait_indirect_dma semaphore(%run_scoped3A : memref<!tpu.dma_semaphore, #tpu.memory_space<semaphore_mem>>) src(%arg8 : memref<400x64xf32, #tpu.memory_space<vmem>>) dst(%dma_wait3A_27 : memref<10000x64xf32, #tpu.memory_space<vmem_shared>>)
      tpu.yield
    }) : () -> ()
    %barrier3A_21 = arith.constant 0 : index
    tpu.barrier barrier_id(%barrier3A_21)
    "tpu.region"() ({
      %run_scoped3A = tpu.sem_alloc : memref<!tpu.dma_semaphore, #tpu.memory_space<semaphore_mem>>
      %dma_start3A_22 = arith.constant 0 : i32
      %dma_start3A_23 = tpu.memref_slice %arg5[%arg0, %mul3A_0, %dma_start3A_22] : memref<2x10000x64xf32, #tpu.memory_space<hbm>> -> memref<1x625x64xf32, #tpu.memory_space<hbm>>
      %dma_start3A_24 = tpu.memref_squeeze %dma_start3A_23 : memref<1x625x64xf32, #tpu.memory_space<hbm>> -> memref<625x64xf32, #tpu.memory_space<hbm>>
      %dma_start3A_25 = arith.constant 0 : i32
      %dma_start3A_26 = tpu.memref_slice %arg10[%mul3A_0, %dma_start3A_25] : memref<10000x64xf32, #tpu.memory_space<vmem_shared>> -> memref<625x64xf32, #tpu.memory_space<vmem_shared>>
      tpu.enqueue_dma source(%dma_start3A_26 : memref<625x64xf32, #tpu.memory_space<vmem_shared>>) target(%dma_start3A_24 : memref<625x64xf32, #tpu.memory_space<hbm>>) target_semaphore(%run_scoped3A : memref<!tpu.dma_semaphore, #tpu.memory_space<semaphore_mem>>)
      %dma_wait3A_27 = arith.constant 0 : i32
      %dma_wait3A_28 = tpu.memref_slice %arg5[%arg0, %mul3A_0, %dma_wait3A_27] : memref<2x10000x64xf32, #tpu.memory_space<hbm>> -> memref<1x625x64xf32, #tpu.memory_space<hbm>>
      %dma_wait3A_29 = tpu.memref_squeeze %dma_wait3A_28 : memref<1x625x64xf32, #tpu.memory_space<hbm>> -> memref<625x64xf32, #tpu.memory_space<hbm>>
      %dma_wait3A_30 = arith.constant 0 : i32
      %dma_wait3A_31 = tpu.memref_slice %arg10[%mul3A_0, %dma_wait3A_30] : memref<10000x64xf32, #tpu.memory_space<vmem_shared>> -> memref<625x64xf32, #tpu.memory_space<vmem_shared>>
      tpu.wait_dma2 semaphore(%run_scoped3A : memref<!tpu.dma_semaphore, #tpu.memory_space<semaphore_mem>>) src(%dma_wait3A_31 : memref<625x64xf32, #tpu.memory_space<vmem_shared>>) dst(%dma_wait3A_29 : memref<625x64xf32, #tpu.memory_space<hbm>>)
      tpu.yield
    }) : () -> ()
    return
  }
}

module attributes {stable_mosaic.version = 14 : i64} {
  func.func @_node_pre_body(%arg0: i32, %arg1: memref<5000x256xf32, #tpu.memory_space<vmem>>, %arg2: memref<256x128xf32, #tpu.memory_space<vmem>>, %arg3: memref<1x128xf32, #tpu.memory_space<vmem>>, %arg4: memref<256x128xf32, #tpu.memory_space<vmem>>, %arg5: memref<256x128xf32, #tpu.memory_space<vmem>>, %arg6: memref<5000x128xf32, #tpu.memory_space<vmem>>, %arg7: memref<5000x128xf32, #tpu.memory_space<vmem>>, %arg8: memref<5000x128xf32, #tpu.memory_space<vmem>>) attributes {dimension_semantics = [#tpu.dimension_semantics<arbitrary>], iteration_bounds = array<i64: 1>, scalar_prefetch = 0 : i64, scratch_operands = 0 : i64, tpu.core_type = #tpu.core_type<tc>, window_params = [{pipeline_mode = #tpu.pipeline_mode<synchronous>, transform_indices = @transform_0, window_bounds = array<i64: 5000, 256>}, {pipeline_mode = #tpu.pipeline_mode<synchronous>, transform_indices = @transform_1, window_bounds = array<i64: 256, 128>}, {pipeline_mode = #tpu.pipeline_mode<synchronous>, transform_indices = @transform_2, window_bounds = array<i64: 1, 128>}, {pipeline_mode = #tpu.pipeline_mode<synchronous>, transform_indices = @transform_3, window_bounds = array<i64: 256, 128>}, {pipeline_mode = #tpu.pipeline_mode<synchronous>, transform_indices = @transform_4, window_bounds = array<i64: 256, 128>}, {pipeline_mode = #tpu.pipeline_mode<synchronous>, transform_indices = @transform_5, window_bounds = array<i64: 5000, 128>}, {pipeline_mode = #tpu.pipeline_mode<synchronous>, transform_indices = @transform_6, window_bounds = array<i64: 5000, 128>}, {pipeline_mode = #tpu.pipeline_mode<synchronous>, transform_indices = @transform_7, window_bounds = array<i64: 5000, 128>}]} {
    %get3A = arith.constant 0 : index
    %get3A_0 = arith.constant 0 : index
    %get3A_1 = vector.load %arg1[%get3A, %get3A_0] : memref<5000x256xf32, #tpu.memory_space<vmem>>, vector<5000x256xf32>
    %get3A_2 = arith.constant 0 : index
    %get3A_3 = arith.constant 0 : index
    %get3A_4 = vector.load %arg2[%get3A_2, %get3A_3] : memref<256x128xf32, #tpu.memory_space<vmem>>, vector<256x128xf32>
    %dot_general3A = arith.constant dense<0.000000e+00> : vector<5000x128xf32>
    %dot_general3A_5 = tpu.matmul %get3A_1, %get3A_4, %dot_general3A {dimension_numbers = #tpu.dot_dimension_numbers<[1], [0], [0], [1], [0, 0, 1, 1], [], []>, transpose_lhs_hint = false} : vector<5000x256xf32>, vector<256x128xf32>, vector<5000x128xf32> -> vector<5000x128xf32>
    %get3A_6 = arith.constant 0 : index
    %get3A_7 = arith.constant 0 : index
    %get3A_8 = vector.load %arg3[%get3A_6, %get3A_7] : memref<1x128xf32, #tpu.memory_space<vmem>>, vector<1x128xf32>
    %add3A = vector.broadcast %get3A_8 : vector<1x128xf32> to vector<5000x128xf32>
    %add3A_9 = arith.addf %dot_general3A_5, %add3A : vector<5000x128xf32>
    %max3A = arith.constant 0.000000e+00 : f32
    %max3A_10 = vector.broadcast %max3A : f32 to vector<5000x128xf32>
    %max3A_11 = arith.maximumf %add3A_9, %max3A_10 : vector<5000x128xf32>
    %swap3A = arith.constant 0 : index
    %swap3A_12 = arith.constant 0 : index
    %swap3A_13 = vector.load %arg6[%swap3A, %swap3A_12] : memref<5000x128xf32, #tpu.memory_space<vmem>>, vector<5000x128xf32>
    tpu.vector_store %arg6[%swap3A, %swap3A_12], %max3A_11 {strides = array<i32>} : memref<5000x128xf32, #tpu.memory_space<vmem>>, vector<5000x128xf32>,
    %get3A_14 = arith.constant 0 : index
    %get3A_15 = arith.constant 0 : index
    %get3A_16 = vector.load %arg4[%get3A_14, %get3A_15] : memref<256x128xf32, #tpu.memory_space<vmem>>, vector<256x128xf32>
    %dot_general3A_17 = arith.constant dense<0.000000e+00> : vector<5000x128xf32>
    %dot_general3A_18 = tpu.matmul %get3A_1, %get3A_16, %dot_general3A_17 {dimension_numbers = #tpu.dot_dimension_numbers<[1], [0], [0], [1], [0, 0, 1, 1], [], []>, transpose_lhs_hint = false} : vector<5000x256xf32>, vector<256x128xf32>, vector<5000x128xf32> -> vector<5000x128xf32>
    %swap3A_19 = arith.constant 0 : index
    %swap3A_20 = arith.constant 0 : index
    %swap3A_21 = vector.load %arg7[%swap3A_19, %swap3A_20] : memref<5000x128xf32, #tpu.memory_space<vmem>>, vector<5000x128xf32>
    tpu.vector_store %arg7[%swap3A_19, %swap3A_20], %dot_general3A_18 {strides = array<i32>} : memref<5000x128xf32, #tpu.memory_space<vmem>>, vector<5000x128xf32>,
    %get3A_22 = arith.constant 0 : index
    %get3A_23 = arith.constant 0 : index
    %get3A_24 = vector.load %arg5[%get3A_22, %get3A_23] : memref<256x128xf32, #tpu.memory_space<vmem>>, vector<256x128xf32>
    %dot_general3A_25 = arith.constant dense<0.000000e+00> : vector<5000x128xf32>
    %dot_general3A_26 = tpu.matmul %get3A_1, %get3A_24, %dot_general3A_25 {dimension_numbers = #tpu.dot_dimension_numbers<[1], [0], [0], [1], [0, 0, 1, 1], [], []>, transpose_lhs_hint = false} : vector<5000x256xf32>, vector<256x128xf32>, vector<5000x128xf32> -> vector<5000x128xf32>
    %swap3A_27 = arith.constant 0 : index
    %swap3A_28 = arith.constant 0 : index
    %swap3A_29 = vector.load %arg8[%swap3A_27, %swap3A_28] : memref<5000x128xf32, #tpu.memory_space<vmem>>, vector<5000x128xf32>
    tpu.vector_store %arg8[%swap3A_27, %swap3A_28], %dot_general3A_26 {strides = array<i32>} : memref<5000x128xf32, #tpu.memory_space<vmem>>, vector<5000x128xf32>,
    return
  }
  func.func @transform_0(%arg0: i32) -> (i32, i32) {
    %c0_i32 = arith.constant 0 : i32
    %c0_i32_0 = arith.constant 0 : i32
    %c0_i32_1 = arith.constant 0 : i32
    return %c0_i32, %c0_i32_0 : i32, i32
  }
  func.func @transform_1(%arg0: i32) -> (i32, i32) {
    %c0_i32 = arith.constant 0 : i32
    %c0_i32_0 = arith.constant 0 : i32
    %c0_i32_1 = arith.constant 0 : i32
    return %c0_i32, %c0_i32_0 : i32, i32
  }
  func.func @transform_2(%arg0: i32) -> (i32, i32) {
    %c0_i32 = arith.constant 0 : i32
    %c0_i32_0 = arith.constant 0 : i32
    %c0_i32_1 = arith.constant 0 : i32
    return %c0_i32, %c0_i32_0 : i32, i32
  }
  func.func @transform_3(%arg0: i32) -> (i32, i32) {
    %c0_i32 = arith.constant 0 : i32
    %c0_i32_0 = arith.constant 0 : i32
    %c0_i32_1 = arith.constant 0 : i32
    return %c0_i32, %c0_i32_0 : i32, i32
  }
  func.func @transform_4(%arg0: i32) -> (i32, i32) {
    %c0_i32 = arith.constant 0 : i32
    %c0_i32_0 = arith.constant 0 : i32
    %c0_i32_1 = arith.constant 0 : i32
    return %c0_i32, %c0_i32_0 : i32, i32
  }
  func.func @transform_5(%arg0: i32) -> (i32, i32) {
    %c0_i32 = arith.constant 0 : i32
    %c0_i32_0 = arith.constant 0 : i32
    %c0_i32_1 = arith.constant 0 : i32
    return %c0_i32, %c0_i32_0 : i32, i32
  }
  func.func @transform_6(%arg0: i32) -> (i32, i32) {
    %c0_i32 = arith.constant 0 : i32
    %c0_i32_0 = arith.constant 0 : i32
    %c0_i32_1 = arith.constant 0 : i32
    return %c0_i32, %c0_i32_0 : i32, i32
  }
  func.func @transform_7(%arg0: i32) -> (i32, i32) {
    %c0_i32 = arith.constant 0 : i32
    %c0_i32_0 = arith.constant 0 : i32
    %c0_i32_1 = arith.constant 0 : i32
    return %c0_i32, %c0_i32_0 : i32, i32
  }
}

module attributes {stable_mosaic.version = 14 : i64} {
  func.func @_edge_body(%arg0: i32, %arg1: memref<1000x128xf32, #tpu.memory_space<vmem>>, %arg2: memref<4000x128xf32, #tpu.memory_space<vmem>>, %arg3: memref<128x512xf32, #tpu.memory_space<vmem>>, %arg4: memref<1x512xf32, #tpu.memory_space<vmem>>, %arg5: memref<1x128xf32, #tpu.memory_space<vmem>>, %arg6: memref<128x128xf32, #tpu.memory_space<vmem>>, %arg7: memref<128x128xf32, #tpu.memory_space<vmem>>, %arg8: memref<1x128xf32, #tpu.memory_space<vmem>>, %arg9: memref<4000x128xf32, #tpu.memory_space<vmem>>) attributes {dimension_semantics = [#tpu.dimension_semantics<arbitrary>], iteration_bounds = array<i64: 40>, scalar_prefetch = 0 : i64, scratch_operands = 0 : i64, tpu.core_type = #tpu.core_type<tc>, window_params = [{transform_indices = @transform_0, window_bounds = array<i64: 1000, 128>}, {transform_indices = @transform_1, window_bounds = array<i64: 4000, 128>}, {pipeline_mode = #tpu.pipeline_mode<synchronous>, transform_indices = @transform_2, window_bounds = array<i64: 128, 512>}, {pipeline_mode = #tpu.pipeline_mode<synchronous>, transform_indices = @transform_3, window_bounds = array<i64: 1, 512>}, {pipeline_mode = #tpu.pipeline_mode<synchronous>, transform_indices = @transform_4, window_bounds = array<i64: 1, 128>}, {pipeline_mode = #tpu.pipeline_mode<synchronous>, transform_indices = @transform_5, window_bounds = array<i64: 128, 128>}, {pipeline_mode = #tpu.pipeline_mode<synchronous>, transform_indices = @transform_6, window_bounds = array<i64: 128, 128>}, {pipeline_mode = #tpu.pipeline_mode<synchronous>, transform_indices = @transform_7, window_bounds = array<i64: 1, 128>}, {transform_indices = @transform_8, window_bounds = array<i64: 4000, 128>}]} {
    %get3A = arith.constant 0 : index
    %get3A_0 = arith.constant 0 : index
    %get3A_1 = vector.load %arg1[%get3A, %get3A_0] : memref<1000x128xf32, #tpu.memory_space<vmem>>, vector<1000x128xf32>
    %get3A_2 = arith.constant 0 : index
    %get3A_3 = arith.constant 0 : index
    %get3A_4 = vector.load %arg3[%get3A_2, %get3A_3] : memref<128x512xf32, #tpu.memory_space<vmem>>, vector<128x512xf32>
    %dot_general3A = arith.constant dense<0.000000e+00> : vector<1000x512xf32>
    %dot_general3A_5 = tpu.matmul %get3A_1, %get3A_4, %dot_general3A {dimension_numbers = #tpu.dot_dimension_numbers<[1], [0], [0], [1], [0, 0, 1, 1], [], []>, transpose_lhs_hint = false} : vector<1000x128xf32>, vector<128x512xf32>, vector<1000x512xf32> -> vector<1000x512xf32>
    %get3A_6 = arith.constant 0 : index
    %get3A_7 = arith.constant 0 : index
    %get3A_8 = vector.load %arg4[%get3A_6, %get3A_7] : memref<1x512xf32, #tpu.memory_space<vmem>>, vector<1x512xf32>
    %add3A = vector.broadcast %get3A_8 : vector<1x512xf32> to vector<1000x512xf32>
    %add3A_9 = arith.addf %dot_general3A_5, %add3A : vector<1000x512xf32>
    %max3A = arith.constant 0.000000e+00 : f32
    %max3A_10 = vector.broadcast %max3A : f32 to vector<1000x512xf32>
    %max3A_11 = arith.maximumf %add3A_9, %max3A_10 : vector<1000x512xf32>
    %slice3A = vector.extract_strided_slice %max3A_11 {offsets = [0, 0], sizes = [1000, 128], strides = [1, 1]} : vector<1000x512xf32> to vector<1000x128xf32>
    %slice3A_12 = vector.extract_strided_slice %max3A_11 {offsets = [0, 128], sizes = [1000, 128], strides = [1, 1]} : vector<1000x512xf32> to vector<1000x128xf32>
    %slice3A_13 = vector.extract_strided_slice %max3A_11 {offsets = [0, 256], sizes = [1000, 128], strides = [1, 1]} : vector<1000x512xf32> to vector<1000x128xf32>
    %slice3A_14 = vector.extract_strided_slice %max3A_11 {offsets = [0, 384], sizes = [1000, 128], strides = [1, 1]} : vector<1000x512xf32> to vector<1000x128xf32>
    %stack3A = vector.shape_cast %slice3A : vector<1000x128xf32> to vector<1000x1x128xf32>
    %stack3A_15 = vector.shape_cast %slice3A_12 : vector<1000x128xf32> to vector<1000x1x128xf32>
    %stack3A_16 = vector.shape_cast %slice3A_13 : vector<1000x128xf32> to vector<1000x1x128xf32>
    %stack3A_17 = vector.shape_cast %slice3A_14 : vector<1000x128xf32> to vector<1000x1x128xf32>
    %stack3A_18 = tpu.concatenate %stack3A, %stack3A_15, %stack3A_16, %stack3A_17 in 1 : vector<1000x1x128xf32>, vector<1000x1x128xf32>, vector<1000x1x128xf32>, vector<1000x1x128xf32> -> vector<1000x4x128xf32>
    %reshape3A = vector.shape_cast %stack3A_18 : vector<1000x4x128xf32> to vector<4000x128xf32>
    %get3A_19 = arith.constant 0 : index
    %get3A_20 = arith.constant 0 : index
    %get3A_21 = vector.load %arg2[%get3A_19, %get3A_20] : memref<4000x128xf32, #tpu.memory_space<vmem>>, vector<4000x128xf32>
    %get3A_22 = arith.constant 0 : index
    %get3A_23 = arith.constant 0 : index
    %get3A_24 = vector.load %arg5[%get3A_22, %get3A_23] : memref<1x128xf32, #tpu.memory_space<vmem>>, vector<1x128xf32>
    %add3A_25 = vector.broadcast %get3A_24 : vector<1x128xf32> to vector<4000x128xf32>
    %add3A_26 = arith.addf %get3A_21, %add3A_25 : vector<4000x128xf32>
    %max3A_27 = arith.constant 0.000000e+00 : f32
    %max3A_28 = vector.broadcast %max3A_27 : f32 to vector<4000x128xf32>
    %max3A_29 = arith.maximumf %add3A_26, %max3A_28 : vector<4000x128xf32>
    %get3A_30 = arith.constant 0 : index
    %get3A_31 = arith.constant 0 : index
    %get3A_32 = vector.load %arg6[%get3A_30, %get3A_31] : memref<128x128xf32, #tpu.memory_space<vmem>>, vector<128x128xf32>
    %dot_general3A_33 = arith.constant dense<0.000000e+00> : vector<4000x128xf32>
    %dot_general3A_34 = tpu.matmul %reshape3A, %get3A_32, %dot_general3A_33 {dimension_numbers = #tpu.dot_dimension_numbers<[1], [0], [0], [1], [0, 0, 1, 1], [], []>, transpose_lhs_hint = false} : vector<4000x128xf32>, vector<128x128xf32>, vector<4000x128xf32> -> vector<4000x128xf32>
    %get3A_35 = arith.constant 0 : index
    %get3A_36 = arith.constant 0 : index
    %get3A_37 = vector.load %arg7[%get3A_35, %get3A_36] : memref<128x128xf32, #tpu.memory_space<vmem>>, vector<128x128xf32>
    %dot_general3A_38 = arith.constant dense<0.000000e+00> : vector<4000x128xf32>
    %dot_general3A_39 = tpu.matmul %max3A_29, %get3A_37, %dot_general3A_38 {dimension_numbers = #tpu.dot_dimension_numbers<[1], [0], [0], [1], [0, 0, 1, 1], [], []>, transpose_lhs_hint = false} : vector<4000x128xf32>, vector<128x128xf32>, vector<4000x128xf32> -> vector<4000x128xf32>
    %add3A_40 = arith.addf %dot_general3A_34, %dot_general3A_39 : vector<4000x128xf32>
    %get3A_41 = arith.constant 0 : index
    %get3A_42 = arith.constant 0 : index
    %get3A_43 = vector.load %arg8[%get3A_41, %get3A_42] : memref<1x128xf32, #tpu.memory_space<vmem>>, vector<1x128xf32>
    %add3A_44 = vector.broadcast %get3A_43 : vector<1x128xf32> to vector<4000x128xf32>
    %add3A_45 = arith.addf %add3A_40, %add3A_44 : vector<4000x128xf32>
    %max3A_46 = arith.constant 0.000000e+00 : f32
    %max3A_47 = vector.broadcast %max3A_46 : f32 to vector<4000x128xf32>
    %max3A_48 = arith.maximumf %add3A_45, %max3A_47 : vector<4000x128xf32>
    %swap3A = arith.constant 0 : index
    %swap3A_49 = arith.constant 0 : index
    %swap3A_50 = vector.load %arg9[%swap3A, %swap3A_49] : memref<4000x128xf32, #tpu.memory_space<vmem>>, vector<4000x128xf32>
    tpu.vector_store %arg9[%swap3A, %swap3A_49], %max3A_48 {strides = array<i32>} : memref<4000x128xf32, #tpu.memory_space<vmem>>, vector<4000x128xf32>,
    return
  }
  func.func @transform_0(%arg0: i32) -> (i32, i32) {
    %c0_i32 = arith.constant 0 : i32
    %c0_i32_0 = arith.constant 0 : i32
    return %arg0, %c0_i32 : i32, i32
  }
  func.func @transform_1(%arg0: i32) -> (i32, i32) {
    %c0_i32 = arith.constant 0 : i32
    %c0_i32_0 = arith.constant 0 : i32
    return %arg0, %c0_i32 : i32, i32
  }
  func.func @transform_2(%arg0: i32) -> (i32, i32) {
    %c0_i32 = arith.constant 0 : i32
    %c0_i32_0 = arith.constant 0 : i32
    %c0_i32_1 = arith.constant 0 : i32
    return %c0_i32, %c0_i32_0 : i32, i32
  }
  func.func @transform_3(%arg0: i32) -> (i32, i32) {
    %c0_i32 = arith.constant 0 : i32
    %c0_i32_0 = arith.constant 0 : i32
    %c0_i32_1 = arith.constant 0 : i32
    return %c0_i32, %c0_i32_0 : i32, i32
  }
  func.func @transform_4(%arg0: i32) -> (i32, i32) {
    %c0_i32 = arith.constant 0 : i32
    %c0_i32_0 = arith.constant 0 : i32
    %c0_i32_1 = arith.constant 0 : i32
    return %c0_i32, %c0_i32_0 : i32, i32
  }
  func.func @transform_5(%arg0: i32) -> (i32, i32) {
    %c0_i32 = arith.constant 0 : i32
    %c0_i32_0 = arith.constant 0 : i32
    %c0_i32_1 = arith.constant 0 : i32
    return %c0_i32, %c0_i32_0 : i32, i32
  }
  func.func @transform_6(%arg0: i32) -> (i32, i32) {
    %c0_i32 = arith.constant 0 : i32
    %c0_i32_0 = arith.constant 0 : i32
    %c0_i32_1 = arith.constant 0 : i32
    return %c0_i32, %c0_i32_0 : i32, i32
  }
  func.func @transform_7(%arg0: i32) -> (i32, i32) {
    %c0_i32 = arith.constant 0 : i32
    %c0_i32_0 = arith.constant 0 : i32
    %c0_i32_1 = arith.constant 0 : i32
    return %c0_i32, %c0_i32_0 : i32, i32
  }
  func.func @transform_8(%arg0: i32) -> (i32, i32) {
    %c0_i32 = arith.constant 0 : i32
    %c0_i32_0 = arith.constant 0 : i32
    return %arg0, %c0_i32 : i32, i32
  }
}

module attributes {stable_mosaic.version = 14 : i64} {
  func.func @_node_merged_body(%arg0: i32, %arg1: memref<1250x128xf32, #tpu.memory_space<vmem>>, %arg2: memref<1250x128xf32, #tpu.memory_space<vmem>>, %arg3: memref<5000x128xf32, #tpu.memory_space<vmem>>, %arg4: memref<128x512xf32, #tpu.memory_space<vmem>>, %arg5: memref<1x512xf32, #tpu.memory_space<vmem>>, %arg6: memref<128x128xf32, #tpu.memory_space<vmem>>, %arg7: memref<128x128xf32, #tpu.memory_space<vmem>>, %arg8: memref<1x128xf32, #tpu.memory_space<vmem>>, %arg9: memref<128x128xf32, #tpu.memory_space<vmem>>, %arg10: memref<1x128xf32, #tpu.memory_space<vmem>>, %arg11: memref<128x128xf32, #tpu.memory_space<vmem>>, %arg12: memref<128x128xf32, #tpu.memory_space<vmem>>, %arg13: memref<5000x128xf32, #tpu.memory_space<vmem>>, %arg14: memref<5000x128xf32, #tpu.memory_space<vmem>>, %arg15: memref<5000x128xf32, #tpu.memory_space<vmem>>) attributes {dimension_semantics = [#tpu.dimension_semantics<arbitrary>], iteration_bounds = array<i64: 1>, scalar_prefetch = 0 : i64, scratch_operands = 0 : i64, tpu.core_type = #tpu.core_type<tc>, window_params = [{pipeline_mode = #tpu.pipeline_mode<synchronous>, transform_indices = @transform_0, window_bounds = array<i64: 1250, 128>}, {pipeline_mode = #tpu.pipeline_mode<synchronous>, transform_indices = @transform_1, window_bounds = array<i64: 1250, 128>}, {pipeline_mode = #tpu.pipeline_mode<synchronous>, transform_indices = @transform_2, window_bounds = array<i64: 5000, 128>}, {pipeline_mode = #tpu.pipeline_mode<synchronous>, transform_indices = @transform_3, window_bounds = array<i64: 128, 512>}, {pipeline_mode = #tpu.pipeline_mode<synchronous>, transform_indices = @transform_4, window_bounds = array<i64: 1, 512>}, {pipeline_mode = #tpu.pipeline_mode<synchronous>, transform_indices = @transform_5, window_bounds = array<i64: 128, 128>}, {pipeline_mode = #tpu.pipeline_mode<synchronous>, transform_indices = @transform_6, window_bounds = array<i64: 128, 128>}, {pipeline_mode = #tpu.pipeline_mode<synchronous>, transform_indices = @transform_7, window_bounds = array<i64: 1, 128>}, {pipeline_mode = #tpu.pipeline_mode<synchronous>, transform_indices = @transform_8, window_bounds = array<i64: 128, 128>}, {pipeline_mode = #tpu.pipeline_mode<synchronous>, transform_indices = @transform_9, window_bounds = array<i64: 1, 128>}, {pipeline_mode = #tpu.pipeline_mode<synchronous>, transform_indices = @transform_10, window_bounds = array<i64: 128, 128>}, {pipeline_mode = #tpu.pipeline_mode<synchronous>, transform_indices = @transform_11, window_bounds = array<i64: 128, 128>}, {pipeline_mode = #tpu.pipeline_mode<synchronous>, transform_indices = @transform_12, window_bounds = array<i64: 5000, 128>}, {pipeline_mode = #tpu.pipeline_mode<synchronous>, transform_indices = @transform_13, window_bounds = array<i64: 5000, 128>}, {pipeline_mode = #tpu.pipeline_mode<synchronous>, transform_indices = @transform_14, window_bounds = array<i64: 5000, 128>}]} {
    %get3A = arith.constant 0 : index
    %get3A_0 = arith.constant 0 : index
    %get3A_1 = vector.load %arg1[%get3A, %get3A_0] : memref<1250x128xf32, #tpu.memory_space<vmem>>, vector<1250x128xf32>
    %get3A_2 = arith.constant 0 : index
    %get3A_3 = arith.constant 0 : index
    %get3A_4 = vector.load %arg2[%get3A_2, %get3A_3] : memref<1250x128xf32, #tpu.memory_space<vmem>>, vector<1250x128xf32>
    %get3A_5 = arith.constant 0 : index
    %get3A_6 = arith.constant 0 : index
    %get3A_7 = vector.load %arg4[%get3A_5, %get3A_6] : memref<128x512xf32, #tpu.memory_space<vmem>>, vector<128x512xf32>
    %get3A_8 = arith.constant 0 : index
    %get3A_9 = arith.constant 0 : index
    %get3A_10 = vector.load %arg5[%get3A_8, %get3A_9] : memref<1x512xf32, #tpu.memory_space<vmem>>, vector<1x512xf32>
    %add3A = arith.addf %get3A_1, %get3A_4 : vector<1250x128xf32>
    %dot_general3A = arith.constant dense<0.000000e+00> : vector<1250x512xf32>
    %dot_general3A_11 = tpu.matmul %add3A, %get3A_7, %dot_general3A {dimension_numbers = #tpu.dot_dimension_numbers<[1], [0], [0], [1], [0, 0, 1, 1], [], []>, transpose_lhs_hint = false} : vector<1250x128xf32>, vector<128x512xf32>, vector<1250x512xf32> -> vector<1250x512xf32>
    %add3A_12 = vector.broadcast %get3A_10 : vector<1x512xf32> to vector<1250x512xf32>
    %add3A_13 = arith.addf %dot_general3A_11, %add3A_12 : vector<1250x512xf32>
    %max3A = arith.constant 0.000000e+00 : f32
    %max3A_14 = vector.broadcast %max3A : f32 to vector<1250x512xf32>
    %max3A_15 = arith.maximumf %add3A_13, %max3A_14 : vector<1250x512xf32>
    %slice3A = vector.extract_strided_slice %max3A_15 {offsets = [0, 0], sizes = [1250, 128], strides = [1, 1]} : vector<1250x512xf32> to vector<1250x128xf32>
    %slice3A_16 = vector.extract_strided_slice %max3A_15 {offsets = [0, 128], sizes = [1250, 128], strides = [1, 1]} : vector<1250x512xf32> to vector<1250x128xf32>
    %slice3A_17 = vector.extract_strided_slice %max3A_15 {offsets = [0, 256], sizes = [1250, 128], strides = [1, 1]} : vector<1250x512xf32> to vector<1250x128xf32>
    %slice3A_18 = vector.extract_strided_slice %max3A_15 {offsets = [0, 384], sizes = [1250, 128], strides = [1, 1]} : vector<1250x512xf32> to vector<1250x128xf32>
    %stack3A = vector.shape_cast %slice3A : vector<1250x128xf32> to vector<1250x1x128xf32>
    %stack3A_19 = vector.shape_cast %slice3A_16 : vector<1250x128xf32> to vector<1250x1x128xf32>
    %stack3A_20 = vector.shape_cast %slice3A_17 : vector<1250x128xf32> to vector<1250x1x128xf32>
    %stack3A_21 = vector.shape_cast %slice3A_18 : vector<1250x128xf32> to vector<1250x1x128xf32>
    %stack3A_22 = tpu.concatenate %stack3A, %stack3A_19, %stack3A_20, %stack3A_21 in 1 : vector<1250x1x128xf32>, vector<1250x1x128xf32>, vector<1250x1x128xf32>, vector<1250x1x128xf32> -> vector<1250x4x128xf32>
    %reshape3A = vector.shape_cast %stack3A_22 : vector<1250x4x128xf32> to vector<5000x128xf32>
    %get3A_23 = arith.constant 0 : index
    %get3A_24 = arith.constant 0 : index
    %get3A_25 = vector.load %arg3[%get3A_23, %get3A_24] : memref<5000x128xf32, #tpu.memory_space<vmem>>, vector<5000x128xf32>
    %get3A_26 = arith.constant 0 : index
    %get3A_27 = arith.constant 0 : index
    %get3A_28 = vector.load %arg6[%get3A_26, %get3A_27] : memref<128x128xf32, #tpu.memory_space<vmem>>, vector<128x128xf32>
    %dot_general3A_29 = arith.constant dense<0.000000e+00> : vector<5000x128xf32>
    %dot_general3A_30 = tpu.matmul %get3A_25, %get3A_28, %dot_general3A_29 {dimension_numbers = #tpu.dot_dimension_numbers<[1], [0], [0], [1], [0, 0, 1, 1], [], []>, transpose_lhs_hint = false} : vector<5000x128xf32>, vector<128x128xf32>, vector<5000x128xf32> -> vector<5000x128xf32>
    %get3A_31 = arith.constant 0 : index
    %get3A_32 = arith.constant 0 : index
    %get3A_33 = vector.load %arg7[%get3A_31, %get3A_32] : memref<128x128xf32, #tpu.memory_space<vmem>>, vector<128x128xf32>
    %dot_general3A_34 = arith.constant dense<0.000000e+00> : vector<5000x128xf32>
    %dot_general3A_35 = tpu.matmul %reshape3A, %get3A_33, %dot_general3A_34 {dimension_numbers = #tpu.dot_dimension_numbers<[1], [0], [0], [1], [0, 0, 1, 1], [], []>, transpose_lhs_hint = false} : vector<5000x128xf32>, vector<128x128xf32>, vector<5000x128xf32> -> vector<5000x128xf32>
    %add3A_36 = arith.addf %dot_general3A_30, %dot_general3A_35 : vector<5000x128xf32>
    %get3A_37 = arith.constant 0 : index
    %get3A_38 = arith.constant 0 : index
    %get3A_39 = vector.load %arg8[%get3A_37, %get3A_38] : memref<1x128xf32, #tpu.memory_space<vmem>>, vector<1x128xf32>
    %add3A_40 = vector.broadcast %get3A_39 : vector<1x128xf32> to vector<5000x128xf32>
    %add3A_41 = arith.addf %add3A_36, %add3A_40 : vector<5000x128xf32>
    %max3A_42 = arith.constant 0.000000e+00 : f32
    %max3A_43 = vector.broadcast %max3A_42 : f32 to vector<5000x128xf32>
    %max3A_44 = arith.maximumf %add3A_41, %max3A_43 : vector<5000x128xf32>
    %get3A_45 = arith.constant 0 : index
    %get3A_46 = arith.constant 0 : index
    %get3A_47 = vector.load %arg9[%get3A_45, %get3A_46] : memref<128x128xf32, #tpu.memory_space<vmem>>, vector<128x128xf32>
    %dot_general3A_48 = arith.constant dense<0.000000e+00> : vector<5000x128xf32>
    %dot_general3A_49 = tpu.matmul %max3A_44, %get3A_47, %dot_general3A_48 {dimension_numbers = #tpu.dot_dimension_numbers<[1], [0], [0], [1], [0, 0, 1, 1], [], []>, transpose_lhs_hint = false} : vector<5000x128xf32>, vector<128x128xf32>, vector<5000x128xf32> -> vector<5000x128xf32>
    %get3A_50 = arith.constant 0 : index
    %get3A_51 = arith.constant 0 : index
    %get3A_52 = vector.load %arg10[%get3A_50, %get3A_51] : memref<1x128xf32, #tpu.memory_space<vmem>>, vector<1x128xf32>
    %add3A_53 = vector.broadcast %get3A_52 : vector<1x128xf32> to vector<5000x128xf32>
    %add3A_54 = arith.addf %dot_general3A_49, %add3A_53 : vector<5000x128xf32>
    %max3A_55 = arith.constant 0.000000e+00 : f32
    %max3A_56 = vector.broadcast %max3A_55 : f32 to vector<5000x128xf32>
    %max3A_57 = arith.maximumf %add3A_54, %max3A_56 : vector<5000x128xf32>
    %swap3A = arith.constant 0 : index
    %swap3A_58 = arith.constant 0 : index
    %swap3A_59 = vector.load %arg13[%swap3A, %swap3A_58] : memref<5000x128xf32, #tpu.memory_space<vmem>>, vector<5000x128xf32>
    tpu.vector_store %arg13[%swap3A, %swap3A_58], %max3A_57 {strides = array<i32>} : memref<5000x128xf32, #tpu.memory_space<vmem>>, vector<5000x128xf32>,
    %get3A_60 = arith.constant 0 : index
    %get3A_61 = arith.constant 0 : index
    %get3A_62 = vector.load %arg11[%get3A_60, %get3A_61] : memref<128x128xf32, #tpu.memory_space<vmem>>, vector<128x128xf32>
    %dot_general3A_63 = arith.constant dense<0.000000e+00> : vector<5000x128xf32>
    %dot_general3A_64 = tpu.matmul %max3A_44, %get3A_62, %dot_general3A_63 {dimension_numbers = #tpu.dot_dimension_numbers<[1], [0], [0], [1], [0, 0, 1, 1], [], []>, transpose_lhs_hint = false} : vector<5000x128xf32>, vector<128x128xf32>, vector<5000x128xf32> -> vector<5000x128xf32>
    %swap3A_65 = arith.constant 0 : index
    %swap3A_66 = arith.constant 0 : index
    %swap3A_67 = vector.load %arg14[%swap3A_65, %swap3A_66] : memref<5000x128xf32, #tpu.memory_space<vmem>>, vector<5000x128xf32>
    tpu.vector_store %arg14[%swap3A_65, %swap3A_66], %dot_general3A_64 {strides = array<i32>} : memref<5000x128xf32, #tpu.memory_space<vmem>>, vector<5000x128xf32>,
    %get3A_68 = arith.constant 0 : index
    %get3A_69 = arith.constant 0 : index
    %get3A_70 = vector.load %arg12[%get3A_68, %get3A_69] : memref<128x128xf32, #tpu.memory_space<vmem>>, vector<128x128xf32>
    %dot_general3A_71 = arith.constant dense<0.000000e+00> : vector<5000x128xf32>
    %dot_general3A_72 = tpu.matmul %max3A_44, %get3A_70, %dot_general3A_71 {dimension_numbers = #tpu.dot_dimension_numbers<[1], [0], [0], [1], [0, 0, 1, 1], [], []>, transpose_lhs_hint = false} : vector<5000x128xf32>, vector<128x128xf32>, vector<5000x128xf32> -> vector<5000x128xf32>
    %swap3A_73 = arith.constant 0 : index
    %swap3A_74 = arith.constant 0 : index
    %swap3A_75 = vector.load %arg15[%swap3A_73, %swap3A_74] : memref<5000x128xf32, #tpu.memory_space<vmem>>, vector<5000x128xf32>
    tpu.vector_store %arg15[%swap3A_73, %swap3A_74], %dot_general3A_72 {strides = array<i32>} : memref<5000x128xf32, #tpu.memory_space<vmem>>, vector<5000x128xf32>,
    return
  }
  func.func @transform_0(%arg0: i32) -> (i32, i32) {
    %c0_i32 = arith.constant 0 : i32
    %c0_i32_0 = arith.constant 0 : i32
    %c0_i32_1 = arith.constant 0 : i32
    return %c0_i32, %c0_i32_0 : i32, i32
  }
  func.func @transform_1(%arg0: i32) -> (i32, i32) {
    %c0_i32 = arith.constant 0 : i32
    %c0_i32_0 = arith.constant 0 : i32
    %c0_i32_1 = arith.constant 0 : i32
    return %c0_i32, %c0_i32_0 : i32, i32
  }
  func.func @transform_2(%arg0: i32) -> (i32, i32) {
    %c0_i32 = arith.constant 0 : i32
    %c0_i32_0 = arith.constant 0 : i32
    %c0_i32_1 = arith.constant 0 : i32
    return %c0_i32, %c0_i32_0 : i32, i32
  }
  func.func @transform_3(%arg0: i32) -> (i32, i32) {
    %c0_i32 = arith.constant 0 : i32
    %c0_i32_0 = arith.constant 0 : i32
    %c0_i32_1 = arith.constant 0 : i32
    return %c0_i32, %c0_i32_0 : i32, i32
  }
  func.func @transform_4(%arg0: i32) -> (i32, i32) {
    %c0_i32 = arith.constant 0 : i32
    %c0_i32_0 = arith.constant 0 : i32
    %c0_i32_1 = arith.constant 0 : i32
    return %c0_i32, %c0_i32_0 : i32, i32
  }
  func.func @transform_5(%arg0: i32) -> (i32, i32) {
    %c0_i32 = arith.constant 0 : i32
    %c0_i32_0 = arith.constant 0 : i32
    %c0_i32_1 = arith.constant 0 : i32
    return %c0_i32, %c0_i32_0 : i32, i32
  }
  func.func @transform_6(%arg0: i32) -> (i32, i32) {
    %c0_i32 = arith.constant 0 : i32
    %c0_i32_0 = arith.constant 0 : i32
    %c0_i32_1 = arith.constant 0 : i32
    return %c0_i32, %c0_i32_0 : i32, i32
  }
  func.func @transform_7(%arg0: i32) -> (i32, i32) {
    %c0_i32 = arith.constant 0 : i32
    %c0_i32_0 = arith.constant 0 : i32
    %c0_i32_1 = arith.constant 0 : i32
    return %c0_i32, %c0_i32_0 : i32, i32
  }
  func.func @transform_8(%arg0: i32) -> (i32, i32) {
    %c0_i32 = arith.constant 0 : i32
    %c0_i32_0 = arith.constant 0 : i32
    %c0_i32_1 = arith.constant 0 : i32
    return %c0_i32, %c0_i32_0 : i32, i32
  }
  func.func @transform_9(%arg0: i32) -> (i32, i32) {
    %c0_i32 = arith.constant 0 : i32
    %c0_i32_0 = arith.constant 0 : i32
    %c0_i32_1 = arith.constant 0 : i32
    return %c0_i32, %c0_i32_0 : i32, i32
  }
  func.func @transform_10(%arg0: i32) -> (i32, i32) {
    %c0_i32 = arith.constant 0 : i32
    %c0_i32_0 = arith.constant 0 : i32
    %c0_i32_1 = arith.constant 0 : i32
    return %c0_i32, %c0_i32_0 : i32, i32
  }
  func.func @transform_11(%arg0: i32) -> (i32, i32) {
    %c0_i32 = arith.constant 0 : i32
    %c0_i32_0 = arith.constant 0 : i32
    %c0_i32_1 = arith.constant 0 : i32
    return %c0_i32, %c0_i32_0 : i32, i32
  }
  func.func @transform_12(%arg0: i32) -> (i32, i32) {
    %c0_i32 = arith.constant 0 : i32
    %c0_i32_0 = arith.constant 0 : i32
    %c0_i32_1 = arith.constant 0 : i32
    return %c0_i32, %c0_i32_0 : i32, i32
  }
  func.func @transform_13(%arg0: i32) -> (i32, i32) {
    %c0_i32 = arith.constant 0 : i32
    %c0_i32_0 = arith.constant 0 : i32
    %c0_i32_1 = arith.constant 0 : i32
    return %c0_i32, %c0_i32_0 : i32, i32
  }
  func.func @transform_14(%arg0: i32) -> (i32, i32) {
    %c0_i32 = arith.constant 0 : i32
    %c0_i32_0 = arith.constant 0 : i32
    %c0_i32_1 = arith.constant 0 : i32
    return %c0_i32, %c0_i32_0 : i32, i32
  }
}

module attributes {stable_mosaic.version = 14 : i64} {
  func.func @_node_merged_body(%arg0: i32, %arg1: memref<5000x128xf32, #tpu.memory_space<vmem>>, %arg2: memref<5000x128xf32, #tpu.memory_space<vmem>>, %arg3: memref<5000x128xf32, #tpu.memory_space<vmem>>, %arg4: memref<128x128xf32, #tpu.memory_space<vmem>>, %arg5: memref<1x128xf32, #tpu.memory_space<vmem>>, %arg6: memref<128x128xf32, #tpu.memory_space<vmem>>, %arg7: memref<128x128xf32, #tpu.memory_space<vmem>>, %arg8: memref<1x128xf32, #tpu.memory_space<vmem>>, %arg9: memref<128x128xf32, #tpu.memory_space<vmem>>, %arg10: memref<1x128xf32, #tpu.memory_space<vmem>>, %arg11: memref<128x128xf32, #tpu.memory_space<vmem>>, %arg12: memref<128x128xf32, #tpu.memory_space<vmem>>, %arg13: memref<5000x128xf32, #tpu.memory_space<vmem>>, %arg14: memref<5000x128xf32, #tpu.memory_space<vmem>>, %arg15: memref<5000x128xf32, #tpu.memory_space<vmem>>) attributes {dimension_semantics = [#tpu.dimension_semantics<arbitrary>], iteration_bounds = array<i64: 1>, scalar_prefetch = 0 : i64, scratch_operands = 0 : i64, tpu.core_type = #tpu.core_type<tc>, window_params = [{pipeline_mode = #tpu.pipeline_mode<synchronous>, transform_indices = @transform_0, window_bounds = array<i64: 5000, 128>}, {pipeline_mode = #tpu.pipeline_mode<synchronous>, transform_indices = @transform_1, window_bounds = array<i64: 5000, 128>}, {pipeline_mode = #tpu.pipeline_mode<synchronous>, transform_indices = @transform_2, window_bounds = array<i64: 5000, 128>}, {pipeline_mode = #tpu.pipeline_mode<synchronous>, transform_indices = @transform_3, window_bounds = array<i64: 128, 128>}, {pipeline_mode = #tpu.pipeline_mode<synchronous>, transform_indices = @transform_4, window_bounds = array<i64: 1, 128>}, {pipeline_mode = #tpu.pipeline_mode<synchronous>, transform_indices = @transform_5, window_bounds = array<i64: 128, 128>}, {pipeline_mode = #tpu.pipeline_mode<synchronous>, transform_indices = @transform_6, window_bounds = array<i64: 128, 128>}, {pipeline_mode = #tpu.pipeline_mode<synchronous>, transform_indices = @transform_7, window_bounds = array<i64: 1, 128>}, {pipeline_mode = #tpu.pipeline_mode<synchronous>, transform_indices = @transform_8, window_bounds = array<i64: 128, 128>}, {pipeline_mode = #tpu.pipeline_mode<synchronous>, transform_indices = @transform_9, window_bounds = array<i64: 1, 128>}, {pipeline_mode = #tpu.pipeline_mode<synchronous>, transform_indices = @transform_10, window_bounds = array<i64: 128, 128>}, {pipeline_mode = #tpu.pipeline_mode<synchronous>, transform_indices = @transform_11, window_bounds = array<i64: 128, 128>}, {pipeline_mode = #tpu.pipeline_mode<synchronous>, transform_indices = @transform_12, window_bounds = array<i64: 5000, 128>}, {pipeline_mode = #tpu.pipeline_mode<synchronous>, transform_indices = @transform_13, window_bounds = array<i64: 5000, 128>}, {pipeline_mode = #tpu.pipeline_mode<synchronous>, transform_indices = @transform_14, window_bounds = array<i64: 5000, 128>}]} {
    %get3A = arith.constant 0 : index
    %get3A_0 = arith.constant 0 : index
    %get3A_1 = vector.load %arg1[%get3A, %get3A_0] : memref<5000x128xf32, #tpu.memory_space<vmem>>, vector<5000x128xf32>
    %get3A_2 = arith.constant 0 : index
    %get3A_3 = arith.constant 0 : index
    %get3A_4 = vector.load %arg2[%get3A_2, %get3A_3] : memref<5000x128xf32, #tpu.memory_space<vmem>>, vector<5000x128xf32>
    %get3A_5 = arith.constant 0 : index
    %get3A_6 = arith.constant 0 : index
    %get3A_7 = vector.load %arg4[%get3A_5, %get3A_6] : memref<128x128xf32, #tpu.memory_space<vmem>>, vector<128x128xf32>
    %get3A_8 = arith.constant 0 : index
    %get3A_9 = arith.constant 0 : index
    %get3A_10 = vector.load %arg5[%get3A_8, %get3A_9] : memref<1x128xf32, #tpu.memory_space<vmem>>, vector<1x128xf32>
    %add3A = arith.addf %get3A_1, %get3A_4 : vector<5000x128xf32>
    %dot_general3A = arith.constant dense<0.000000e+00> : vector<5000x128xf32>
    %dot_general3A_11 = tpu.matmul %add3A, %get3A_7, %dot_general3A {dimension_numbers = #tpu.dot_dimension_numbers<[1], [0], [0], [1], [0, 0, 1, 1], [], []>, transpose_lhs_hint = false} : vector<5000x128xf32>, vector<128x128xf32>, vector<5000x128xf32> -> vector<5000x128xf32>
    %add3A_12 = vector.broadcast %get3A_10 : vector<1x128xf32> to vector<5000x128xf32>
    %add3A_13 = arith.addf %dot_general3A_11, %add3A_12 : vector<5000x128xf32>
    %max3A = arith.constant 0.000000e+00 : f32
    %max3A_14 = vector.broadcast %max3A : f32 to vector<5000x128xf32>
    %max3A_15 = arith.maximumf %add3A_13, %max3A_14 : vector<5000x128xf32>
    %get3A_16 = arith.constant 0 : index
    %get3A_17 = arith.constant 0 : index
    %get3A_18 = vector.load %arg3[%get3A_16, %get3A_17] : memref<5000x128xf32, #tpu.memory_space<vmem>>, vector<5000x128xf32>
    %get3A_19 = arith.constant 0 : index
    %get3A_20 = arith.constant 0 : index
    %get3A_21 = vector.load %arg6[%get3A_19, %get3A_20] : memref<128x128xf32, #tpu.memory_space<vmem>>, vector<128x128xf32>
    %dot_general3A_22 = arith.constant dense<0.000000e+00> : vector<5000x128xf32>
    %dot_general3A_23 = tpu.matmul %get3A_18, %get3A_21, %dot_general3A_22 {dimension_numbers = #tpu.dot_dimension_numbers<[1], [0], [0], [1], [0, 0, 1, 1], [], []>, transpose_lhs_hint = false} : vector<5000x128xf32>, vector<128x128xf32>, vector<5000x128xf32> -> vector<5000x128xf32>
    %get3A_24 = arith.constant 0 : index
    %get3A_25 = arith.constant 0 : index
    %get3A_26 = vector.load %arg7[%get3A_24, %get3A_25] : memref<128x128xf32, #tpu.memory_space<vmem>>, vector<128x128xf32>
    %dot_general3A_27 = arith.constant dense<0.000000e+00> : vector<5000x128xf32>
    %dot_general3A_28 = tpu.matmul %max3A_15, %get3A_26, %dot_general3A_27 {dimension_numbers = #tpu.dot_dimension_numbers<[1], [0], [0], [1], [0, 0, 1, 1], [], []>, transpose_lhs_hint = false} : vector<5000x128xf32>, vector<128x128xf32>, vector<5000x128xf32> -> vector<5000x128xf32>
    %add3A_29 = arith.addf %dot_general3A_23, %dot_general3A_28 : vector<5000x128xf32>
    %get3A_30 = arith.constant 0 : index
    %get3A_31 = arith.constant 0 : index
    %get3A_32 = vector.load %arg8[%get3A_30, %get3A_31] : memref<1x128xf32, #tpu.memory_space<vmem>>, vector<1x128xf32>
    %add3A_33 = vector.broadcast %get3A_32 : vector<1x128xf32> to vector<5000x128xf32>
    %add3A_34 = arith.addf %add3A_29, %add3A_33 : vector<5000x128xf32>
    %max3A_35 = arith.constant 0.000000e+00 : f32
    %max3A_36 = vector.broadcast %max3A_35 : f32 to vector<5000x128xf32>
    %max3A_37 = arith.maximumf %add3A_34, %max3A_36 : vector<5000x128xf32>
    %get3A_38 = arith.constant 0 : index
    %get3A_39 = arith.constant 0 : index
    %get3A_40 = vector.load %arg9[%get3A_38, %get3A_39] : memref<128x128xf32, #tpu.memory_space<vmem>>, vector<128x128xf32>
    %dot_general3A_41 = arith.constant dense<0.000000e+00> : vector<5000x128xf32>
    %dot_general3A_42 = tpu.matmul %max3A_37, %get3A_40, %dot_general3A_41 {dimension_numbers = #tpu.dot_dimension_numbers<[1], [0], [0], [1], [0, 0, 1, 1], [], []>, transpose_lhs_hint = false} : vector<5000x128xf32>, vector<128x128xf32>, vector<5000x128xf32> -> vector<5000x128xf32>
    %get3A_43 = arith.constant 0 : index
    %get3A_44 = arith.constant 0 : index
    %get3A_45 = vector.load %arg10[%get3A_43, %get3A_44] : memref<1x128xf32, #tpu.memory_space<vmem>>, vector<1x128xf32>
    %add3A_46 = vector.broadcast %get3A_45 : vector<1x128xf32> to vector<5000x128xf32>
    %add3A_47 = arith.addf %dot_general3A_42, %add3A_46 : vector<5000x128xf32>
    %max3A_48 = arith.constant 0.000000e+00 : f32
    %max3A_49 = vector.broadcast %max3A_48 : f32 to vector<5000x128xf32>
    %max3A_50 = arith.maximumf %add3A_47, %max3A_49 : vector<5000x128xf32>
    %swap3A = arith.constant 0 : index
    %swap3A_51 = arith.constant 0 : index
    %swap3A_52 = vector.load %arg13[%swap3A, %swap3A_51] : memref<5000x128xf32, #tpu.memory_space<vmem>>, vector<5000x128xf32>
    tpu.vector_store %arg13[%swap3A, %swap3A_51], %max3A_50 {strides = array<i32>} : memref<5000x128xf32, #tpu.memory_space<vmem>>, vector<5000x128xf32>,
    %get3A_53 = arith.constant 0 : index
    %get3A_54 = arith.constant 0 : index
    %get3A_55 = vector.load %arg11[%get3A_53, %get3A_54] : memref<128x128xf32, #tpu.memory_space<vmem>>, vector<128x128xf32>
    %dot_general3A_56 = arith.constant dense<0.000000e+00> : vector<5000x128xf32>
    %dot_general3A_57 = tpu.matmul %max3A_37, %get3A_55, %dot_general3A_56 {dimension_numbers = #tpu.dot_dimension_numbers<[1], [0], [0], [1], [0, 0, 1, 1], [], []>, transpose_lhs_hint = false} : vector<5000x128xf32>, vector<128x128xf32>, vector<5000x128xf32> -> vector<5000x128xf32>
    %swap3A_58 = arith.constant 0 : index
    %swap3A_59 = arith.constant 0 : index
    %swap3A_60 = vector.load %arg14[%swap3A_58, %swap3A_59] : memref<5000x128xf32, #tpu.memory_space<vmem>>, vector<5000x128xf32>
    tpu.vector_store %arg14[%swap3A_58, %swap3A_59], %dot_general3A_57 {strides = array<i32>} : memref<5000x128xf32, #tpu.memory_space<vmem>>, vector<5000x128xf32>,
    %get3A_61 = arith.constant 0 : index
    %get3A_62 = arith.constant 0 : index
    %get3A_63 = vector.load %arg12[%get3A_61, %get3A_62] : memref<128x128xf32, #tpu.memory_space<vmem>>, vector<128x128xf32>
    %dot_general3A_64 = arith.constant dense<0.000000e+00> : vector<5000x128xf32>
    %dot_general3A_65 = tpu.matmul %max3A_37, %get3A_63, %dot_general3A_64 {dimension_numbers = #tpu.dot_dimension_numbers<[1], [0], [0], [1], [0, 0, 1, 1], [], []>, transpose_lhs_hint = false} : vector<5000x128xf32>, vector<128x128xf32>, vector<5000x128xf32> -> vector<5000x128xf32>
    %swap3A_66 = arith.constant 0 : index
    %swap3A_67 = arith.constant 0 : index
    %swap3A_68 = vector.load %arg15[%swap3A_66, %swap3A_67] : memref<5000x128xf32, #tpu.memory_space<vmem>>, vector<5000x128xf32>
    tpu.vector_store %arg15[%swap3A_66, %swap3A_67], %dot_general3A_65 {strides = array<i32>} : memref<5000x128xf32, #tpu.memory_space<vmem>>, vector<5000x128xf32>,
    return
  }
  func.func @transform_0(%arg0: i32) -> (i32, i32) {
    %c0_i32 = arith.constant 0 : i32
    %c0_i32_0 = arith.constant 0 : i32
    %c0_i32_1 = arith.constant 0 : i32
    return %c0_i32, %c0_i32_0 : i32, i32
  }
  func.func @transform_1(%arg0: i32) -> (i32, i32) {
    %c0_i32 = arith.constant 0 : i32
    %c0_i32_0 = arith.constant 0 : i32
    %c0_i32_1 = arith.constant 0 : i32
    return %c0_i32, %c0_i32_0 : i32, i32
  }
  func.func @transform_2(%arg0: i32) -> (i32, i32) {
    %c0_i32 = arith.constant 0 : i32
    %c0_i32_0 = arith.constant 0 : i32
    %c0_i32_1 = arith.constant 0 : i32
    return %c0_i32, %c0_i32_0 : i32, i32
  }
  func.func @transform_3(%arg0: i32) -> (i32, i32) {
    %c0_i32 = arith.constant 0 : i32
    %c0_i32_0 = arith.constant 0 : i32
    %c0_i32_1 = arith.constant 0 : i32
    return %c0_i32, %c0_i32_0 : i32, i32
  }
  func.func @transform_4(%arg0: i32) -> (i32, i32) {
    %c0_i32 = arith.constant 0 : i32
    %c0_i32_0 = arith.constant 0 : i32
    %c0_i32_1 = arith.constant 0 : i32
    return %c0_i32, %c0_i32_0 : i32, i32
  }
  func.func @transform_5(%arg0: i32) -> (i32, i32) {
    %c0_i32 = arith.constant 0 : i32
    %c0_i32_0 = arith.constant 0 : i32
    %c0_i32_1 = arith.constant 0 : i32
    return %c0_i32, %c0_i32_0 : i32, i32
  }
  func.func @transform_6(%arg0: i32) -> (i32, i32) {
    %c0_i32 = arith.constant 0 : i32
    %c0_i32_0 = arith.constant 0 : i32
    %c0_i32_1 = arith.constant 0 : i32
    return %c0_i32, %c0_i32_0 : i32, i32
  }
  func.func @transform_7(%arg0: i32) -> (i32, i32) {
    %c0_i32 = arith.constant 0 : i32
    %c0_i32_0 = arith.constant 0 : i32
    %c0_i32_1 = arith.constant 0 : i32
    return %c0_i32, %c0_i32_0 : i32, i32
  }
  func.func @transform_8(%arg0: i32) -> (i32, i32) {
    %c0_i32 = arith.constant 0 : i32
    %c0_i32_0 = arith.constant 0 : i32
    %c0_i32_1 = arith.constant 0 : i32
    return %c0_i32, %c0_i32_0 : i32, i32
  }
  func.func @transform_9(%arg0: i32) -> (i32, i32) {
    %c0_i32 = arith.constant 0 : i32
    %c0_i32_0 = arith.constant 0 : i32
    %c0_i32_1 = arith.constant 0 : i32
    return %c0_i32, %c0_i32_0 : i32, i32
  }
  func.func @transform_10(%arg0: i32) -> (i32, i32) {
    %c0_i32 = arith.constant 0 : i32
    %c0_i32_0 = arith.constant 0 : i32
    %c0_i32_1 = arith.constant 0 : i32
    return %c0_i32, %c0_i32_0 : i32, i32
  }
  func.func @transform_11(%arg0: i32) -> (i32, i32) {
    %c0_i32 = arith.constant 0 : i32
    %c0_i32_0 = arith.constant 0 : i32
    %c0_i32_1 = arith.constant 0 : i32
    return %c0_i32, %c0_i32_0 : i32, i32
  }
  func.func @transform_12(%arg0: i32) -> (i32, i32) {
    %c0_i32 = arith.constant 0 : i32
    %c0_i32_0 = arith.constant 0 : i32
    %c0_i32_1 = arith.constant 0 : i32
    return %c0_i32, %c0_i32_0 : i32, i32
  }
  func.func @transform_13(%arg0: i32) -> (i32, i32) {
    %c0_i32 = arith.constant 0 : i32
    %c0_i32_0 = arith.constant 0 : i32
    %c0_i32_1 = arith.constant 0 : i32
    return %c0_i32, %c0_i32_0 : i32, i32
  }
  func.func @transform_14(%arg0: i32) -> (i32, i32) {
    %c0_i32 = arith.constant 0 : i32
    %c0_i32_0 = arith.constant 0 : i32
    %c0_i32_1 = arith.constant 0 : i32
    return %c0_i32, %c0_i32_0 : i32, i32
  }
}

module attributes {stable_mosaic.version = 14 : i64} {
  func.func @_edge_body(%arg0: i32, %arg1: memref<4000x128xf32, #tpu.memory_space<vmem>>, %arg2: memref<4000x128xf32, #tpu.memory_space<vmem>>, %arg3: memref<128x128xf32, #tpu.memory_space<vmem>>, %arg4: memref<1x128xf32, #tpu.memory_space<vmem>>, %arg5: memref<1x128xf32, #tpu.memory_space<vmem>>, %arg6: memref<128x128xf32, #tpu.memory_space<vmem>>, %arg7: memref<128x128xf32, #tpu.memory_space<vmem>>, %arg8: memref<1x128xf32, #tpu.memory_space<vmem>>, %arg9: memref<4000x128xf32, #tpu.memory_space<vmem>>) attributes {dimension_semantics = [#tpu.dimension_semantics<arbitrary>], iteration_bounds = array<i64: 40>, scalar_prefetch = 0 : i64, scratch_operands = 0 : i64, tpu.core_type = #tpu.core_type<tc>, window_params = [{transform_indices = @transform_0, window_bounds = array<i64: 4000, 128>}, {transform_indices = @transform_1, window_bounds = array<i64: 4000, 128>}, {pipeline_mode = #tpu.pipeline_mode<synchronous>, transform_indices = @transform_2, window_bounds = array<i64: 128, 128>}, {pipeline_mode = #tpu.pipeline_mode<synchronous>, transform_indices = @transform_3, window_bounds = array<i64: 1, 128>}, {pipeline_mode = #tpu.pipeline_mode<synchronous>, transform_indices = @transform_4, window_bounds = array<i64: 1, 128>}, {pipeline_mode = #tpu.pipeline_mode<synchronous>, transform_indices = @transform_5, window_bounds = array<i64: 128, 128>}, {pipeline_mode = #tpu.pipeline_mode<synchronous>, transform_indices = @transform_6, window_bounds = array<i64: 128, 128>}, {pipeline_mode = #tpu.pipeline_mode<synchronous>, transform_indices = @transform_7, window_bounds = array<i64: 1, 128>}, {transform_indices = @transform_8, window_bounds = array<i64: 4000, 128>}]} {
    %get3A = arith.constant 0 : index
    %get3A_0 = arith.constant 0 : index
    %get3A_1 = vector.load %arg1[%get3A, %get3A_0] : memref<4000x128xf32, #tpu.memory_space<vmem>>, vector<4000x128xf32>
    %get3A_2 = arith.constant 0 : index
    %get3A_3 = arith.constant 0 : index
    %get3A_4 = vector.load %arg3[%get3A_2, %get3A_3] : memref<128x128xf32, #tpu.memory_space<vmem>>, vector<128x128xf32>
    %dot_general3A = arith.constant dense<0.000000e+00> : vector<4000x128xf32>
    %dot_general3A_5 = tpu.matmul %get3A_1, %get3A_4, %dot_general3A {dimension_numbers = #tpu.dot_dimension_numbers<[1], [0], [0], [1], [0, 0, 1, 1], [], []>, transpose_lhs_hint = false} : vector<4000x128xf32>, vector<128x128xf32>, vector<4000x128xf32> -> vector<4000x128xf32>
    %get3A_6 = arith.constant 0 : index
    %get3A_7 = arith.constant 0 : index
    %get3A_8 = vector.load %arg4[%get3A_6, %get3A_7] : memref<1x128xf32, #tpu.memory_space<vmem>>, vector<1x128xf32>
    %add3A = vector.broadcast %get3A_8 : vector<1x128xf32> to vector<4000x128xf32>
    %add3A_9 = arith.addf %dot_general3A_5, %add3A : vector<4000x128xf32>
    %max3A = arith.constant 0.000000e+00 : f32
    %max3A_10 = vector.broadcast %max3A : f32 to vector<4000x128xf32>
    %max3A_11 = arith.maximumf %add3A_9, %max3A_10 : vector<4000x128xf32>
    %get3A_12 = arith.constant 0 : index
    %get3A_13 = arith.constant 0 : index
    %get3A_14 = vector.load %arg2[%get3A_12, %get3A_13] : memref<4000x128xf32, #tpu.memory_space<vmem>>, vector<4000x128xf32>
    %get3A_15 = arith.constant 0 : index
    %get3A_16 = arith.constant 0 : index
    %get3A_17 = vector.load %arg5[%get3A_15, %get3A_16] : memref<1x128xf32, #tpu.memory_space<vmem>>, vector<1x128xf32>
    %add3A_18 = vector.broadcast %get3A_17 : vector<1x128xf32> to vector<4000x128xf32>
    %add3A_19 = arith.addf %get3A_14, %add3A_18 : vector<4000x128xf32>
    %max3A_20 = arith.constant 0.000000e+00 : f32
    %max3A_21 = vector.broadcast %max3A_20 : f32 to vector<4000x128xf32>
    %max3A_22 = arith.maximumf %add3A_19, %max3A_21 : vector<4000x128xf32>
    %get3A_23 = arith.constant 0 : index
    %get3A_24 = arith.constant 0 : index
    %get3A_25 = vector.load %arg6[%get3A_23, %get3A_24] : memref<128x128xf32, #tpu.memory_space<vmem>>, vector<128x128xf32>
    %dot_general3A_26 = arith.constant dense<0.000000e+00> : vector<4000x128xf32>
    %dot_general3A_27 = tpu.matmul %max3A_11, %get3A_25, %dot_general3A_26 {dimension_numbers = #tpu.dot_dimension_numbers<[1], [0], [0], [1], [0, 0, 1, 1], [], []>, transpose_lhs_hint = false} : vector<4000x128xf32>, vector<128x128xf32>, vector<4000x128xf32> -> vector<4000x128xf32>
    %get3A_28 = arith.constant 0 : index
    %get3A_29 = arith.constant 0 : index
    %get3A_30 = vector.load %arg7[%get3A_28, %get3A_29] : memref<128x128xf32, #tpu.memory_space<vmem>>, vector<128x128xf32>
    %dot_general3A_31 = arith.constant dense<0.000000e+00> : vector<4000x128xf32>
    %dot_general3A_32 = tpu.matmul %max3A_22, %get3A_30, %dot_general3A_31 {dimension_numbers = #tpu.dot_dimension_numbers<[1], [0], [0], [1], [0, 0, 1, 1], [], []>, transpose_lhs_hint = false} : vector<4000x128xf32>, vector<128x128xf32>, vector<4000x128xf32> -> vector<4000x128xf32>
    %add3A_33 = arith.addf %dot_general3A_27, %dot_general3A_32 : vector<4000x128xf32>
    %get3A_34 = arith.constant 0 : index
    %get3A_35 = arith.constant 0 : index
    %get3A_36 = vector.load %arg8[%get3A_34, %get3A_35] : memref<1x128xf32, #tpu.memory_space<vmem>>, vector<1x128xf32>
    %add3A_37 = vector.broadcast %get3A_36 : vector<1x128xf32> to vector<4000x128xf32>
    %add3A_38 = arith.addf %add3A_33, %add3A_37 : vector<4000x128xf32>
    %max3A_39 = arith.constant 0.000000e+00 : f32
    %max3A_40 = vector.broadcast %max3A_39 : f32 to vector<4000x128xf32>
    %max3A_41 = arith.maximumf %add3A_38, %max3A_40 : vector<4000x128xf32>
    %swap3A = arith.constant 0 : index
    %swap3A_42 = arith.constant 0 : index
    %swap3A_43 = vector.load %arg9[%swap3A, %swap3A_42] : memref<4000x128xf32, #tpu.memory_space<vmem>>, vector<4000x128xf32>
    tpu.vector_store %arg9[%swap3A, %swap3A_42], %max3A_41 {strides = array<i32>} : memref<4000x128xf32, #tpu.memory_space<vmem>>, vector<4000x128xf32>,
    return
  }
  func.func @transform_0(%arg0: i32) -> (i32, i32) {
    %c0_i32 = arith.constant 0 : i32
    %c0_i32_0 = arith.constant 0 : i32
    return %arg0, %c0_i32 : i32, i32
  }
  func.func @transform_1(%arg0: i32) -> (i32, i32) {
    %c0_i32 = arith.constant 0 : i32
    %c0_i32_0 = arith.constant 0 : i32
    return %arg0, %c0_i32 : i32, i32
  }
  func.func @transform_2(%arg0: i32) -> (i32, i32) {
    %c0_i32 = arith.constant 0 : i32
    %c0_i32_0 = arith.constant 0 : i32
    %c0_i32_1 = arith.constant 0 : i32
    return %c0_i32, %c0_i32_0 : i32, i32
  }
  func.func @transform_3(%arg0: i32) -> (i32, i32) {
    %c0_i32 = arith.constant 0 : i32
    %c0_i32_0 = arith.constant 0 : i32
    %c0_i32_1 = arith.constant 0 : i32
    return %c0_i32, %c0_i32_0 : i32, i32
  }
  func.func @transform_4(%arg0: i32) -> (i32, i32) {
    %c0_i32 = arith.constant 0 : i32
    %c0_i32_0 = arith.constant 0 : i32
    %c0_i32_1 = arith.constant 0 : i32
    return %c0_i32, %c0_i32_0 : i32, i32
  }
  func.func @transform_5(%arg0: i32) -> (i32, i32) {
    %c0_i32 = arith.constant 0 : i32
    %c0_i32_0 = arith.constant 0 : i32
    %c0_i32_1 = arith.constant 0 : i32
    return %c0_i32, %c0_i32_0 : i32, i32
  }
  func.func @transform_6(%arg0: i32) -> (i32, i32) {
    %c0_i32 = arith.constant 0 : i32
    %c0_i32_0 = arith.constant 0 : i32
    %c0_i32_1 = arith.constant 0 : i32
    return %c0_i32, %c0_i32_0 : i32, i32
  }
  func.func @transform_7(%arg0: i32) -> (i32, i32) {
    %c0_i32 = arith.constant 0 : i32
    %c0_i32_0 = arith.constant 0 : i32
    %c0_i32_1 = arith.constant 0 : i32
    return %c0_i32, %c0_i32_0 : i32, i32
  }
  func.func @transform_8(%arg0: i32) -> (i32, i32) {
    %c0_i32 = arith.constant 0 : i32
    %c0_i32_0 = arith.constant 0 : i32
    return %arg0, %c0_i32 : i32, i32
  }
}

module attributes {stable_mosaic.version = 14 : i64} {
  func.func @_node_merged_body(%arg0: i32, %arg1: memref<5000x128xf32, #tpu.memory_space<vmem>>, %arg2: memref<5000x128xf32, #tpu.memory_space<vmem>>, %arg3: memref<5000x128xf32, #tpu.memory_space<vmem>>, %arg4: memref<128x128xf32, #tpu.memory_space<vmem>>, %arg5: memref<1x128xf32, #tpu.memory_space<vmem>>, %arg6: memref<128x128xf32, #tpu.memory_space<vmem>>, %arg7: memref<128x128xf32, #tpu.memory_space<vmem>>, %arg8: memref<1x128xf32, #tpu.memory_space<vmem>>, %arg9: memref<128x128xf32, #tpu.memory_space<vmem>>, %arg10: memref<1x128xf32, #tpu.memory_space<vmem>>, %arg11: memref<128x128xf32, #tpu.memory_space<vmem>>, %arg12: memref<128x128xf32, #tpu.memory_space<vmem>>, %arg13: memref<5000x128xf32, #tpu.memory_space<vmem>>, %arg14: memref<5000x128xf32, #tpu.memory_space<vmem>>, %arg15: memref<5000x128xf32, #tpu.memory_space<vmem>>) attributes {dimension_semantics = [#tpu.dimension_semantics<arbitrary>], iteration_bounds = array<i64: 1>, scalar_prefetch = 0 : i64, scratch_operands = 0 : i64, tpu.core_type = #tpu.core_type<tc>, window_params = [{pipeline_mode = #tpu.pipeline_mode<synchronous>, transform_indices = @transform_0, window_bounds = array<i64: 5000, 128>}, {pipeline_mode = #tpu.pipeline_mode<synchronous>, transform_indices = @transform_1, window_bounds = array<i64: 5000, 128>}, {pipeline_mode = #tpu.pipeline_mode<synchronous>, transform_indices = @transform_2, window_bounds = array<i64: 5000, 128>}, {pipeline_mode = #tpu.pipeline_mode<synchronous>, transform_indices = @transform_3, window_bounds = array<i64: 128, 128>}, {pipeline_mode = #tpu.pipeline_mode<synchronous>, transform_indices = @transform_4, window_bounds = array<i64: 1, 128>}, {pipeline_mode = #tpu.pipeline_mode<synchronous>, transform_indices = @transform_5, window_bounds = array<i64: 128, 128>}, {pipeline_mode = #tpu.pipeline_mode<synchronous>, transform_indices = @transform_6, window_bounds = array<i64: 128, 128>}, {pipeline_mode = #tpu.pipeline_mode<synchronous>, transform_indices = @transform_7, window_bounds = array<i64: 1, 128>}, {pipeline_mode = #tpu.pipeline_mode<synchronous>, transform_indices = @transform_8, window_bounds = array<i64: 128, 128>}, {pipeline_mode = #tpu.pipeline_mode<synchronous>, transform_indices = @transform_9, window_bounds = array<i64: 1, 128>}, {pipeline_mode = #tpu.pipeline_mode<synchronous>, transform_indices = @transform_10, window_bounds = array<i64: 128, 128>}, {pipeline_mode = #tpu.pipeline_mode<synchronous>, transform_indices = @transform_11, window_bounds = array<i64: 128, 128>}, {pipeline_mode = #tpu.pipeline_mode<synchronous>, transform_indices = @transform_12, window_bounds = array<i64: 5000, 128>}, {pipeline_mode = #tpu.pipeline_mode<synchronous>, transform_indices = @transform_13, window_bounds = array<i64: 5000, 128>}, {pipeline_mode = #tpu.pipeline_mode<synchronous>, transform_indices = @transform_14, window_bounds = array<i64: 5000, 128>}]} {
    %get3A = arith.constant 0 : index
    %get3A_0 = arith.constant 0 : index
    %get3A_1 = vector.load %arg1[%get3A, %get3A_0] : memref<5000x128xf32, #tpu.memory_space<vmem>>, vector<5000x128xf32>
    %get3A_2 = arith.constant 0 : index
    %get3A_3 = arith.constant 0 : index
    %get3A_4 = vector.load %arg2[%get3A_2, %get3A_3] : memref<5000x128xf32, #tpu.memory_space<vmem>>, vector<5000x128xf32>
    %get3A_5 = arith.constant 0 : index
    %get3A_6 = arith.constant 0 : index
    %get3A_7 = vector.load %arg4[%get3A_5, %get3A_6] : memref<128x128xf32, #tpu.memory_space<vmem>>, vector<128x128xf32>
    %get3A_8 = arith.constant 0 : index
    %get3A_9 = arith.constant 0 : index
    %get3A_10 = vector.load %arg5[%get3A_8, %get3A_9] : memref<1x128xf32, #tpu.memory_space<vmem>>, vector<1x128xf32>
    %add3A = arith.addf %get3A_1, %get3A_4 : vector<5000x128xf32>
    %dot_general3A = arith.constant dense<0.000000e+00> : vector<5000x128xf32>
    %dot_general3A_11 = tpu.matmul %add3A, %get3A_7, %dot_general3A {dimension_numbers = #tpu.dot_dimension_numbers<[1], [0], [0], [1], [0, 0, 1, 1], [], []>, transpose_lhs_hint = false} : vector<5000x128xf32>, vector<128x128xf32>, vector<5000x128xf32> -> vector<5000x128xf32>
    %add3A_12 = vector.broadcast %get3A_10 : vector<1x128xf32> to vector<5000x128xf32>
    %add3A_13 = arith.addf %dot_general3A_11, %add3A_12 : vector<5000x128xf32>
    %max3A = arith.constant 0.000000e+00 : f32
    %max3A_14 = vector.broadcast %max3A : f32 to vector<5000x128xf32>
    %max3A_15 = arith.maximumf %add3A_13, %max3A_14 : vector<5000x128xf32>
    %get3A_16 = arith.constant 0 : index
    %get3A_17 = arith.constant 0 : index
    %get3A_18 = vector.load %arg3[%get3A_16, %get3A_17] : memref<5000x128xf32, #tpu.memory_space<vmem>>, vector<5000x128xf32>
    %get3A_19 = arith.constant 0 : index
    %get3A_20 = arith.constant 0 : index
    %get3A_21 = vector.load %arg6[%get3A_19, %get3A_20] : memref<128x128xf32, #tpu.memory_space<vmem>>, vector<128x128xf32>
    %dot_general3A_22 = arith.constant dense<0.000000e+00> : vector<5000x128xf32>
    %dot_general3A_23 = tpu.matmul %get3A_18, %get3A_21, %dot_general3A_22 {dimension_numbers = #tpu.dot_dimension_numbers<[1], [0], [0], [1], [0, 0, 1, 1], [], []>, transpose_lhs_hint = false} : vector<5000x128xf32>, vector<128x128xf32>, vector<5000x128xf32> -> vector<5000x128xf32>
    %get3A_24 = arith.constant 0 : index
    %get3A_25 = arith.constant 0 : index
    %get3A_26 = vector.load %arg7[%get3A_24, %get3A_25] : memref<128x128xf32, #tpu.memory_space<vmem>>, vector<128x128xf32>
    %dot_general3A_27 = arith.constant dense<0.000000e+00> : vector<5000x128xf32>
    %dot_general3A_28 = tpu.matmul %max3A_15, %get3A_26, %dot_general3A_27 {dimension_numbers = #tpu.dot_dimension_numbers<[1], [0], [0], [1], [0, 0, 1, 1], [], []>, transpose_lhs_hint = false} : vector<5000x128xf32>, vector<128x128xf32>, vector<5000x128xf32> -> vector<5000x128xf32>
    %add3A_29 = arith.addf %dot_general3A_23, %dot_general3A_28 : vector<5000x128xf32>
    %get3A_30 = arith.constant 0 : index
    %get3A_31 = arith.constant 0 : index
    %get3A_32 = vector.load %arg8[%get3A_30, %get3A_31] : memref<1x128xf32, #tpu.memory_space<vmem>>, vector<1x128xf32>
    %add3A_33 = vector.broadcast %get3A_32 : vector<1x128xf32> to vector<5000x128xf32>
    %add3A_34 = arith.addf %add3A_29, %add3A_33 : vector<5000x128xf32>
    %max3A_35 = arith.constant 0.000000e+00 : f32
    %max3A_36 = vector.broadcast %max3A_35 : f32 to vector<5000x128xf32>
    %max3A_37 = arith.maximumf %add3A_34, %max3A_36 : vector<5000x128xf32>
    %get3A_38 = arith.constant 0 : index
    %get3A_39 = arith.constant 0 : index
    %get3A_40 = vector.load %arg9[%get3A_38, %get3A_39] : memref<128x128xf32, #tpu.memory_space<vmem>>, vector<128x128xf32>
    %dot_general3A_41 = arith.constant dense<0.000000e+00> : vector<5000x128xf32>
    %dot_general3A_42 = tpu.matmul %max3A_37, %get3A_40, %dot_general3A_41 {dimension_numbers = #tpu.dot_dimension_numbers<[1], [0], [0], [1], [0, 0, 1, 1], [], []>, transpose_lhs_hint = false} : vector<5000x128xf32>, vector<128x128xf32>, vector<5000x128xf32> -> vector<5000x128xf32>
    %get3A_43 = arith.constant 0 : index
    %get3A_44 = arith.constant 0 : index
    %get3A_45 = vector.load %arg10[%get3A_43, %get3A_44] : memref<1x128xf32, #tpu.memory_space<vmem>>, vector<1x128xf32>
    %add3A_46 = vector.broadcast %get3A_45 : vector<1x128xf32> to vector<5000x128xf32>
    %add3A_47 = arith.addf %dot_general3A_42, %add3A_46 : vector<5000x128xf32>
    %max3A_48 = arith.constant 0.000000e+00 : f32
    %max3A_49 = vector.broadcast %max3A_48 : f32 to vector<5000x128xf32>
    %max3A_50 = arith.maximumf %add3A_47, %max3A_49 : vector<5000x128xf32>
    %swap3A = arith.constant 0 : index
    %swap3A_51 = arith.constant 0 : index
    %swap3A_52 = vector.load %arg13[%swap3A, %swap3A_51] : memref<5000x128xf32, #tpu.memory_space<vmem>>, vector<5000x128xf32>
    tpu.vector_store %arg13[%swap3A, %swap3A_51], %max3A_50 {strides = array<i32>} : memref<5000x128xf32, #tpu.memory_space<vmem>>, vector<5000x128xf32>,
    %get3A_53 = arith.constant 0 : index
    %get3A_54 = arith.constant 0 : index
    %get3A_55 = vector.load %arg11[%get3A_53, %get3A_54] : memref<128x128xf32, #tpu.memory_space<vmem>>, vector<128x128xf32>
    %dot_general3A_56 = arith.constant dense<0.000000e+00> : vector<5000x128xf32>
    %dot_general3A_57 = tpu.matmul %max3A_37, %get3A_55, %dot_general3A_56 {dimension_numbers = #tpu.dot_dimension_numbers<[1], [0], [0], [1], [0, 0, 1, 1], [], []>, transpose_lhs_hint = false} : vector<5000x128xf32>, vector<128x128xf32>, vector<5000x128xf32> -> vector<5000x128xf32>
    %swap3A_58 = arith.constant 0 : index
    %swap3A_59 = arith.constant 0 : index
    %swap3A_60 = vector.load %arg14[%swap3A_58, %swap3A_59] : memref<5000x128xf32, #tpu.memory_space<vmem>>, vector<5000x128xf32>
    tpu.vector_store %arg14[%swap3A_58, %swap3A_59], %dot_general3A_57 {strides = array<i32>} : memref<5000x128xf32, #tpu.memory_space<vmem>>, vector<5000x128xf32>,
    %get3A_61 = arith.constant 0 : index
    %get3A_62 = arith.constant 0 : index
    %get3A_63 = vector.load %arg12[%get3A_61, %get3A_62] : memref<128x128xf32, #tpu.memory_space<vmem>>, vector<128x128xf32>
    %dot_general3A_64 = arith.constant dense<0.000000e+00> : vector<5000x128xf32>
    %dot_general3A_65 = tpu.matmul %max3A_37, %get3A_63, %dot_general3A_64 {dimension_numbers = #tpu.dot_dimension_numbers<[1], [0], [0], [1], [0, 0, 1, 1], [], []>, transpose_lhs_hint = false} : vector<5000x128xf32>, vector<128x128xf32>, vector<5000x128xf32> -> vector<5000x128xf32>
    %swap3A_66 = arith.constant 0 : index
    %swap3A_67 = arith.constant 0 : index
    %swap3A_68 = vector.load %arg15[%swap3A_66, %swap3A_67] : memref<5000x128xf32, #tpu.memory_space<vmem>>, vector<5000x128xf32>
    tpu.vector_store %arg15[%swap3A_66, %swap3A_67], %dot_general3A_65 {strides = array<i32>} : memref<5000x128xf32, #tpu.memory_space<vmem>>, vector<5000x128xf32>,
    return
  }
  func.func @transform_0(%arg0: i32) -> (i32, i32) {
    %c0_i32 = arith.constant 0 : i32
    %c0_i32_0 = arith.constant 0 : i32
    %c0_i32_1 = arith.constant 0 : i32
    return %c0_i32, %c0_i32_0 : i32, i32
  }
  func.func @transform_1(%arg0: i32) -> (i32, i32) {
    %c0_i32 = arith.constant 0 : i32
    %c0_i32_0 = arith.constant 0 : i32
    %c0_i32_1 = arith.constant 0 : i32
    return %c0_i32, %c0_i32_0 : i32, i32
  }
  func.func @transform_2(%arg0: i32) -> (i32, i32) {
    %c0_i32 = arith.constant 0 : i32
    %c0_i32_0 = arith.constant 0 : i32
    %c0_i32_1 = arith.constant 0 : i32
    return %c0_i32, %c0_i32_0 : i32, i32
  }
  func.func @transform_3(%arg0: i32) -> (i32, i32) {
    %c0_i32 = arith.constant 0 : i32
    %c0_i32_0 = arith.constant 0 : i32
    %c0_i32_1 = arith.constant 0 : i32
    return %c0_i32, %c0_i32_0 : i32, i32
  }
  func.func @transform_4(%arg0: i32) -> (i32, i32) {
    %c0_i32 = arith.constant 0 : i32
    %c0_i32_0 = arith.constant 0 : i32
    %c0_i32_1 = arith.constant 0 : i32
    return %c0_i32, %c0_i32_0 : i32, i32
  }
  func.func @transform_5(%arg0: i32) -> (i32, i32) {
    %c0_i32 = arith.constant 0 : i32
    %c0_i32_0 = arith.constant 0 : i32
    %c0_i32_1 = arith.constant 0 : i32
    return %c0_i32, %c0_i32_0 : i32, i32
  }
  func.func @transform_6(%arg0: i32) -> (i32, i32) {
    %c0_i32 = arith.constant 0 : i32
    %c0_i32_0 = arith.constant 0 : i32
    %c0_i32_1 = arith.constant 0 : i32
    return %c0_i32, %c0_i32_0 : i32, i32
  }
  func.func @transform_7(%arg0: i32) -> (i32, i32) {
    %c0_i32 = arith.constant 0 : i32
    %c0_i32_0 = arith.constant 0 : i32
    %c0_i32_1 = arith.constant 0 : i32
    return %c0_i32, %c0_i32_0 : i32, i32
  }
  func.func @transform_8(%arg0: i32) -> (i32, i32) {
    %c0_i32 = arith.constant 0 : i32
    %c0_i32_0 = arith.constant 0 : i32
    %c0_i32_1 = arith.constant 0 : i32
    return %c0_i32, %c0_i32_0 : i32, i32
  }
  func.func @transform_9(%arg0: i32) -> (i32, i32) {
    %c0_i32 = arith.constant 0 : i32
    %c0_i32_0 = arith.constant 0 : i32
    %c0_i32_1 = arith.constant 0 : i32
    return %c0_i32, %c0_i32_0 : i32, i32
  }
  func.func @transform_10(%arg0: i32) -> (i32, i32) {
    %c0_i32 = arith.constant 0 : i32
    %c0_i32_0 = arith.constant 0 : i32
    %c0_i32_1 = arith.constant 0 : i32
    return %c0_i32, %c0_i32_0 : i32, i32
  }
  func.func @transform_11(%arg0: i32) -> (i32, i32) {
    %c0_i32 = arith.constant 0 : i32
    %c0_i32_0 = arith.constant 0 : i32
    %c0_i32_1 = arith.constant 0 : i32
    return %c0_i32, %c0_i32_0 : i32, i32
  }
  func.func @transform_12(%arg0: i32) -> (i32, i32) {
    %c0_i32 = arith.constant 0 : i32
    %c0_i32_0 = arith.constant 0 : i32
    %c0_i32_1 = arith.constant 0 : i32
    return %c0_i32, %c0_i32_0 : i32, i32
  }
  func.func @transform_13(%arg0: i32) -> (i32, i32) {
    %c0_i32 = arith.constant 0 : i32
    %c0_i32_0 = arith.constant 0 : i32
    %c0_i32_1 = arith.constant 0 : i32
    return %c0_i32, %c0_i32_0 : i32, i32
  }
  func.func @transform_14(%arg0: i32) -> (i32, i32) {
    %c0_i32 = arith.constant 0 : i32
    %c0_i32_0 = arith.constant 0 : i32
    %c0_i32_1 = arith.constant 0 : i32
    return %c0_i32, %c0_i32_0 : i32, i32
  }
}

module attributes {stable_mosaic.version = 14 : i64} {
  func.func @_node_final_body(%arg0: i32, %arg1: memref<5000x128xf32, #tpu.memory_space<vmem>>, %arg2: memref<5000x128xf32, #tpu.memory_space<vmem>>, %arg3: memref<5000x128xf32, #tpu.memory_space<vmem>>, %arg4: memref<128x128xf32, #tpu.memory_space<vmem>>, %arg5: memref<1x128xf32, #tpu.memory_space<vmem>>, %arg6: memref<128x128xf32, #tpu.memory_space<vmem>>, %arg7: memref<128x128xf32, #tpu.memory_space<vmem>>, %arg8: memref<1x128xf32, #tpu.memory_space<vmem>>, %arg9: memref<5000x128xf32, #tpu.memory_space<vmem>>) attributes {dimension_semantics = [#tpu.dimension_semantics<arbitrary>], iteration_bounds = array<i64: 1>, scalar_prefetch = 0 : i64, scratch_operands = 0 : i64, tpu.core_type = #tpu.core_type<tc>, window_params = [{pipeline_mode = #tpu.pipeline_mode<synchronous>, transform_indices = @transform_0, window_bounds = array<i64: 5000, 128>}, {pipeline_mode = #tpu.pipeline_mode<synchronous>, transform_indices = @transform_1, window_bounds = array<i64: 5000, 128>}, {pipeline_mode = #tpu.pipeline_mode<synchronous>, transform_indices = @transform_2, window_bounds = array<i64: 5000, 128>}, {pipeline_mode = #tpu.pipeline_mode<synchronous>, transform_indices = @transform_3, window_bounds = array<i64: 128, 128>}, {pipeline_mode = #tpu.pipeline_mode<synchronous>, transform_indices = @transform_4, window_bounds = array<i64: 1, 128>}, {pipeline_mode = #tpu.pipeline_mode<synchronous>, transform_indices = @transform_5, window_bounds = array<i64: 128, 128>}, {pipeline_mode = #tpu.pipeline_mode<synchronous>, transform_indices = @transform_6, window_bounds = array<i64: 128, 128>}, {pipeline_mode = #tpu.pipeline_mode<synchronous>, transform_indices = @transform_7, window_bounds = array<i64: 1, 128>}, {pipeline_mode = #tpu.pipeline_mode<synchronous>, transform_indices = @transform_8, window_bounds = array<i64: 5000, 128>}]} {
    %get3A = arith.constant 0 : index
    %get3A_0 = arith.constant 0 : index
    %get3A_1 = vector.load %arg1[%get3A, %get3A_0] : memref<5000x128xf32, #tpu.memory_space<vmem>>, vector<5000x128xf32>
    %get3A_2 = arith.constant 0 : index
    %get3A_3 = arith.constant 0 : index
    %get3A_4 = vector.load %arg2[%get3A_2, %get3A_3] : memref<5000x128xf32, #tpu.memory_space<vmem>>, vector<5000x128xf32>
    %get3A_5 = arith.constant 0 : index
    %get3A_6 = arith.constant 0 : index
    %get3A_7 = vector.load %arg4[%get3A_5, %get3A_6] : memref<128x128xf32, #tpu.memory_space<vmem>>, vector<128x128xf32>
    %get3A_8 = arith.constant 0 : index
    %get3A_9 = arith.constant 0 : index
    %get3A_10 = vector.load %arg5[%get3A_8, %get3A_9] : memref<1x128xf32, #tpu.memory_space<vmem>>, vector<1x128xf32>
    %add3A = arith.addf %get3A_1, %get3A_4 : vector<5000x128xf32>
    %dot_general3A = arith.constant dense<0.000000e+00> : vector<5000x128xf32>
    %dot_general3A_11 = tpu.matmul %add3A, %get3A_7, %dot_general3A {dimension_numbers = #tpu.dot_dimension_numbers<[1], [0], [0], [1], [0, 0, 1, 1], [], []>, transpose_lhs_hint = false} : vector<5000x128xf32>, vector<128x128xf32>, vector<5000x128xf32> -> vector<5000x128xf32>
    %add3A_12 = vector.broadcast %get3A_10 : vector<1x128xf32> to vector<5000x128xf32>
    %add3A_13 = arith.addf %dot_general3A_11, %add3A_12 : vector<5000x128xf32>
    %max3A = arith.constant 0.000000e+00 : f32
    %max3A_14 = vector.broadcast %max3A : f32 to vector<5000x128xf32>
    %max3A_15 = arith.maximumf %add3A_13, %max3A_14 : vector<5000x128xf32>
    %get3A_16 = arith.constant 0 : index
    %get3A_17 = arith.constant 0 : index
    %get3A_18 = vector.load %arg3[%get3A_16, %get3A_17] : memref<5000x128xf32, #tpu.memory_space<vmem>>, vector<5000x128xf32>
    %get3A_19 = arith.constant 0 : index
    %get3A_20 = arith.constant 0 : index
    %get3A_21 = vector.load %arg6[%get3A_19, %get3A_20] : memref<128x128xf32, #tpu.memory_space<vmem>>, vector<128x128xf32>
    %dot_general3A_22 = arith.constant dense<0.000000e+00> : vector<5000x128xf32>
    %dot_general3A_23 = tpu.matmul %get3A_18, %get3A_21, %dot_general3A_22 {dimension_numbers = #tpu.dot_dimension_numbers<[1], [0], [0], [1], [0, 0, 1, 1], [], []>, transpose_lhs_hint = false} : vector<5000x128xf32>, vector<128x128xf32>, vector<5000x128xf32> -> vector<5000x128xf32>
    %get3A_24 = arith.constant 0 : index
    %get3A_25 = arith.constant 0 : index
    %get3A_26 = vector.load %arg7[%get3A_24, %get3A_25] : memref<128x128xf32, #tpu.memory_space<vmem>>, vector<128x128xf32>
    %dot_general3A_27 = arith.constant dense<0.000000e+00> : vector<5000x128xf32>
    %dot_general3A_28 = tpu.matmul %max3A_15, %get3A_26, %dot_general3A_27 {dimension_numbers = #tpu.dot_dimension_numbers<[1], [0], [0], [1], [0, 0, 1, 1], [], []>, transpose_lhs_hint = false} : vector<5000x128xf32>, vector<128x128xf32>, vector<5000x128xf32> -> vector<5000x128xf32>
    %add3A_29 = arith.addf %dot_general3A_23, %dot_general3A_28 : vector<5000x128xf32>
    %get3A_30 = arith.constant 0 : index
    %get3A_31 = arith.constant 0 : index
    %get3A_32 = vector.load %arg8[%get3A_30, %get3A_31] : memref<1x128xf32, #tpu.memory_space<vmem>>, vector<1x128xf32>
    %add3A_33 = vector.broadcast %get3A_32 : vector<1x128xf32> to vector<5000x128xf32>
    %add3A_34 = arith.addf %add3A_29, %add3A_33 : vector<5000x128xf32>
    %max3A_35 = arith.constant 0.000000e+00 : f32
    %max3A_36 = vector.broadcast %max3A_35 : f32 to vector<5000x128xf32>
    %max3A_37 = arith.maximumf %add3A_34, %max3A_36 : vector<5000x128xf32>
    %swap3A = arith.constant 0 : index
    %swap3A_38 = arith.constant 0 : index
    %swap3A_39 = vector.load %arg9[%swap3A, %swap3A_38] : memref<5000x128xf32, #tpu.memory_space<vmem>>, vector<5000x128xf32>
    tpu.vector_store %arg9[%swap3A, %swap3A_38], %max3A_37 {strides = array<i32>} : memref<5000x128xf32, #tpu.memory_space<vmem>>, vector<5000x128xf32>,
    return
  }
  func.func @transform_0(%arg0: i32) -> (i32, i32) {
    %c0_i32 = arith.constant 0 : i32
    %c0_i32_0 = arith.constant 0 : i32
    %c0_i32_1 = arith.constant 0 : i32
    return %c0_i32, %c0_i32_0 : i32, i32
  }
  func.func @transform_1(%arg0: i32) -> (i32, i32) {
    %c0_i32 = arith.constant 0 : i32
    %c0_i32_0 = arith.constant 0 : i32
    %c0_i32_1 = arith.constant 0 : i32
    return %c0_i32, %c0_i32_0 : i32, i32
  }
  func.func @transform_2(%arg0: i32) -> (i32, i32) {
    %c0_i32 = arith.constant 0 : i32
    %c0_i32_0 = arith.constant 0 : i32
    %c0_i32_1 = arith.constant 0 : i32
    return %c0_i32, %c0_i32_0 : i32, i32
  }
  func.func @transform_3(%arg0: i32) -> (i32, i32) {
    %c0_i32 = arith.constant 0 : i32
    %c0_i32_0 = arith.constant 0 : i32
    %c0_i32_1 = arith.constant 0 : i32
    return %c0_i32, %c0_i32_0 : i32, i32
  }
  func.func @transform_4(%arg0: i32) -> (i32, i32) {
    %c0_i32 = arith.constant 0 : i32
    %c0_i32_0 = arith.constant 0 : i32
    %c0_i32_1 = arith.constant 0 : i32
    return %c0_i32, %c0_i32_0 : i32, i32
  }
  func.func @transform_5(%arg0: i32) -> (i32, i32) {
    %c0_i32 = arith.constant 0 : i32
    %c0_i32_0 = arith.constant 0 : i32
    %c0_i32_1 = arith.constant 0 : i32
    return %c0_i32, %c0_i32_0 : i32, i32
  }
  func.func @transform_6(%arg0: i32) -> (i32, i32) {
    %c0_i32 = arith.constant 0 : i32
    %c0_i32_0 = arith.constant 0 : i32
    %c0_i32_1 = arith.constant 0 : i32
    return %c0_i32, %c0_i32_0 : i32, i32
  }
  func.func @transform_7(%arg0: i32) -> (i32, i32) {
    %c0_i32 = arith.constant 0 : i32
    %c0_i32_0 = arith.constant 0 : i32
    %c0_i32_1 = arith.constant 0 : i32
    return %c0_i32, %c0_i32_0 : i32, i32
  }
  func.func @transform_8(%arg0: i32) -> (i32, i32) {
    %c0_i32 = arith.constant 0 : i32
    %c0_i32_0 = arith.constant 0 : i32
    %c0_i32_1 = arith.constant 0 : i32
    return %c0_i32, %c0_i32_0 : i32, i32
  }
}

</mosaic_0001>

<sc_bundles>
// kernel: kernel.17.cloned.1.call-start
scs
__scs_entry_jumppad:
0x0: {  	(pc) =	sbr.rel $0x88, $3  }
0x1: {  	(tag) =	ssettag $0x0;
	lr =	simm.s32 $0x1  }
0x2: {  	[smem:$0x3F73] =	sst lr;
	_ =	strace $0xD0000000  }
0x3: {  	_ = 	snop  }
0x4: {  	_ = 	snop  }
0x5: {  	_ = 	snop  }
0x6: {  	_ = 	snop  }
0x7: {  	_ = 	snop  }
__scs_overlays_trampoline_lowered:
0x8: {  	[smem:$0x3F82] =	sst s0  }
0x9: {  	[smem:$0x3F83] =	sst s1  }
0xa: {  	[smem:$0x3F84] =	sst s2  }
0xb: {  	[smem:$0x3F85] =	sst s3  }
0xc: {  	[smem:$0x3F86] =	sst s4  }
0xd: {  	[smem:$0x3F87] =	sst s5  }
0xe: {  	[smem:$0x3F88] =	sst s6  }
0xf: {  	[smem:$0x3F89] =	sst s7  }
0x10: {  	[smem:$0x3F8A] =	sst s8  }
0x11: {  	[smem:$0x3F8B] =	sst s9;
	s0 =	simm.s32 @!p0 $0x0  }
0x12: {  	s1 =	sld [smem:$0x3F71];
	s0 =	simm.s32 @p0 $0x1  }
0x13: {  	[smem:$0x3F8C] =	sst s0;
	s0 =	simm.s32 @!p1 $0x0  }
0x14: {  	s2 =	sld [smem:$0x3F70];
	s0 =	simm.s32 @p1 $0x1  }
0x15: {  	[smem:$0x3F8D] =	sst s0;
	s0 =	simm.s32 @!p2 $0x0  }
0x16: {  	s3 =	sld [smem:$0x3FDB];
	s0 =	simm.s32 @p2 $0x1  }
0x17: {  	s4 =	simm.s32 $0x1BF5;
	[smem:$0x3F8F] =	sst s0  }
0x18: {  	s0 =	sld [smem:$0x3F72];
	_ =	swait.ge [sflag:s4], $0x0  }
0x19: {  	s7 =	sld [smem:$0x3F73]  }
0x1a: {  	s8 =	sadd.s32 $0xFFFFE003, lr  }
0x1b: {  	s9 =	sadd.s32 $0xFFFFFEF7, lr;
	s5 =	simm.s32 $0xFFFFFFFF;
	p2 =	slt.u32 s8, $0xFFFFF086  }
0x1c: {  	p1 =	slt.u32 s9, $0xF7A;
	s5 =	simm.s32 @!p2 $0x0  }
0x1d: {  	s5 =	simm.s32 @p1 $0x1;
	p0 =	seq.s32 s7, s2  }
0x1e: {  	s7 =	smul.u32 @!p0 $0xF7A, s2;
	p2 =	seq.s32 @!p0 s5, $0x0  }
0x1f: {  	s9 =	smul.u32 $0xF7A, s1;
	s8 =	simm.s32 @!p0 $0x1BF5;
	p2 =	por !p2, p0  }
0x20: {  	[sflag:s8] =	ssyncset.s32 @!p0 $0xFFFFF086;
	s6 =	sadd.s32 @!p0 s3, s7;
	s7 =	simm.s32 @!p0 $0x108  }
0x21: {  	s3 =	sadd.s32 s3, s9;
	s6 =	sadd.s32 @!p0 $0x88, s6;
	s7 =	simm.s32 @p2 $0x1082  }
0x22: {  	[simem:s7], [sflag:s8] =	dma.local @!p0 [hbm:s6], $0xF7A  }
0x23: {  	s9 =	sor.u32 $0xD0000000, s2;
	s6 =	simm.s32 $0x108;
	_ =	swait.ge @!p0 [sflag:s8], $0x0  }
0x24: {  	s3 =	sadd.s32 $0x88, s3;
	s6 =	simm.s32 @!p1 $0x1082;
	[sflag:s4] =	ssyncset.s32 $0xFFFFF086  }
0x25: {  	[simem:s6], [sflag:s4] =	dma.local [hbm:s3], $0xF7A  }
0x26: {  	[smem:$0x3F73] =	sst s1;
	(tag) =	ssettag s2;
	_ =	strace s9  }
0x27: {  	s1 =	sld [smem:$0x3F83]  }
0x28: {  	s2 =	sld [smem:$0x3F84]  }
0x29: {  	s4 =	sld [smem:$0x3F86]  }
0x2a: {  	p0 =	seq.s32 s5, $0x0;
	s5 =	sld [smem:$0x3F87]  }
0x2b: {  	s6 =	sld [smem:$0x3F88]  }
0x2c: {  	s7 =	sld [smem:$0x3F89]  }
0x2d: {  	s3 =	simm.s32 $0x108;
	s8 =	sld [smem:$0x3F8A]  }
0x2e: {  	s3 =	simm.s32 @!p0 $0x1082;
	s9 =	sld [smem:$0x3F8B]  }
0x2f: {  	lr =	sadd.s32 s0, s3;
	s0 =	sld [smem:$0x3F82]  }
0x30: {  	s3 =	sld [smem:$0x3F85]  }
0x31: {  	[smem:$0x3F8E] =	sst s10  }
0x32: {  	s10 =	sld [smem:$0x3F8C];
	_ =	sdelay $0x3  }
0x33: {  	p0 =	seq.s32 s10, $0x1;
	s10 =	sld [smem:$0x3F8E];
	_ =	sdelay $0x3  }
0x34: {  	[smem:$0x3F8E] =	sst s10  }
0x35: {  	s10 =	sld [smem:$0x3F8D];
	_ =	sdelay $0x3  }
0x36: {  	p1 =	seq.s32 s10, $0x1;
	s10 =	sld [smem:$0x3F8E];
	_ =	sdelay $0x3  }
0x37: {  	[smem:$0x3F8E] =	sst s10  }
0x38: {  	s10 =	sld [smem:$0x3F8F]  }
0x39: {  	_ = 	snop;
	(pc) =	sbr.ind lr, $3  }
0x3a: {  	_ = 	snop  }
0x3b: {  	_ = 	snop  }
0x3c: {  	p2 =	seq.s32 s10, $0x1;
	s10 =	sld [smem:$0x3F8E]  }
0x3d: {  	_ =	shalt  }
0x3e: {  	_ =	shalt  }
0x3f: {  	_ =	shalt  }
0x40: {  	_ =	shalt  }
0x41: {  	_ =	shalt  }
0x42: {  	_ =	shalt  }
0x43: {  	_ =	shalt  }
0x44: {  	_ =	shalt  }
0x45: {  	_ =	shalt  }
0x46: {  	_ =	shalt  }
0x47: {  	_ =	shalt  }
0x48: {  	_ =	shalt  }
0x49: {  	_ =	shalt  }
0x4a: {  	_ =	shalt  }
0x4b: {  	_ =	shalt  }
0x4c: {  	_ =	shalt  }
0x4d: {  	_ =	shalt  }
0x4e: {  	_ =	shalt  }
0x4f: {  	_ =	shalt  }
0x50: {  	_ =	shalt  }
0x51: {  	_ =	shalt  }
0x52: {  	_ =	shalt  }
0x53: {  	_ =	shalt  }
0x54: {  	_ =	shalt  }
0x55: {  	_ =	shalt  }
0x56: {  	_ =	shalt  }
0x57: {  	_ =	shalt  }
0x58: {  	_ =	shalt  }
0x59: {  	_ =	shalt  }
0x5a: {  	_ =	shalt  }
0x5b: {  	_ =	shalt  }
0x5c: {  	_ =	shalt  }
0x5d: {  	_ =	shalt  }
0x5e: {  	_ =	shalt  }
0x5f: {  	_ =	shalt  }
0x60: {  	_ =	shalt  }
0x61: {  	_ =	shalt  }
0x62: {  	_ =	shalt  }
0x63: {  	_ =	shalt  }
0x64: {  	_ =	shalt  }
0x65: {  	_ =	shalt  }
0x66: {  	_ =	shalt  }
0x67: {  	_ =	shalt  }
0x68: {  	_ =	shalt  }
0x69: {  	_ =	shalt  }
0x6a: {  	_ =	shalt  }
0x6b: {  	_ =	shalt  }
0x6c: {  	_ =	shalt  }
0x6d: {  	_ =	shalt  }
0x6e: {  	_ =	shalt  }
0x6f: {  	_ =	shalt  }
0x70: {  	_ =	shalt  }
0x71: {  	_ =	shalt  }
0x72: {  	_ =	shalt  }
0x73: {  	_ =	shalt  }
0x74: {  	_ =	shalt  }
0x75: {  	_ =	shalt  }
0x76: {  	_ =	shalt  }
0x77: {  	_ =	shalt  }
0x78: {  	_ =	shalt  }
0x79: {  	_ =	shalt  }
0x7a: {  	_ =	shalt  }
0x7b: {  	_ =	shalt  }
0x7c: {  	_ =	shalt  }
0x7d: {  	_ =	shalt  }
0x7e: {  	_ =	shalt  }
0x7f: {  	_ =	shalt  }
0x80: {  	_ =	shalt  }
0x81: {  	_ =	shalt  }
0x82: {  	_ =	shalt  }
0x83: {  	_ =	shalt  }
0x84: {  	_ =	shalt  }
0x85: {  	_ =	shalt  }
0x86: {  	_ =	shalt  }
0x87: {  	_ =	shalt  }
.Lfunc_end0:
.L_simem_size_0:
called_computation_lowered:
.L_overlay_start_0:
0x88: {  	s2 =	sld [smem:$0x3FD9]  }
0x89: {  	s3 =	sld [smem:$0x3FFE];
	_ =	sdelay $0x1  }
0x8a: {  	s1 =	srdreg.scid  }
0x8b: {  	s0 =	sand.u32 $0x1, s1  }
0x8c: {  	s17 =	sshll.u32 s0, $0xA;
	s2 =	sadd.s32 s3, s2  }
0x8d: {  	s2 =	sadd.s32 s2, s17  }
0x8e: {  	[smem:$0x3F9A] =	sst s2  }
0x8f: {  	_ = 	snop  }
0x90: {  	(tm) =	ssettm $0x1  }
0x91: {  	s18 =	sld [smem:$0x3FFB];
	_ =	sdelay $0x3  }
0x92: {  	_ =	strace s18  }
0x93: {  	s2 =	sld [smem:$0x3FFC];
	_ =	sdelay $0x3  }
0x94: {  	_ =	strace s2  }
0x95: {  	s2 =	sld [smem:$0x3FFD];
	_ =	sdelay $0x3  }
0x96: {  	_ =	strace s2  }
0x97: {  	_ =	strace $0x8FFFFFFF  }
0x98: {  	s19 =	sld [smem:$0x3FDB];
	_ =	sdelay $0x1  }
0x99: {  	s20 =	simm.s32 $_scs_section_size  }
0x9a: {  	s4 =	simm.s32 $_size__tile_overlayer_lowered;
	s5 =	simm.s32 $_tile_overlayer_lowered  }
0x9b: {  	s6 =	simm.s32 $0x1BFF;
	s21 =	sshll.u32 s5, $0x1;
	s3 =	sadd.s32 s20, s19  }
0x9c: {  	s22 =	simm.s32 $0x0;
	s4 =	sshll.u32 s4, $0x1;
	s5 =	sadd.s32 s21, s3  }
0x9d: {  	[timem:s22], [sflag:s6] =	dma.local [hbm:s5], s4  }
0x9e: {  	_ =	swait.ge [sflag:s6], s4  }
0x9f: {  	s4 =	ssub.s32 $0x0, s4;
	[sflag:s6] =	ssyncset.done $0x0  }
0xa0: {  	[sflag:s6] =	ssyncadd.s32 s4;
	_ =	sdelay $0x1  }
0xa1: {  	s23 =	simm.s32 $0x1B8B  }
0xa2: {  	_ =	swait.ge [sflag:s23], $0x1  }
0xa3: {  	[sflag:s23] =	ssyncset.done $0x0  }
0xa4: {  	[sflag:s23] =	ssyncadd.s32 $0xFFFFFFFF  }
0xa5: {  	s4 =	sld [smem:$0x0]  }
0xa6: {  	s5 =	sand.u32 $0xFFFFFFFE, s1  }
0xa7: {  	p0 =	sne.s32 s1, s5  }
0xa8: {  	s5 =	sshll.u32 @p0 s5, $0xE  }
0xa9: {  	s5 =	sadd.s32 @p0 $0x11B8D, s5;
	s6 =	sshll.u32 @p0 s4, $0x11  }
0xaa: {  	s5 =	sor.u32 @p0 s6, s5  }
0xab: {  	[sflag:s5] =	ssyncadd.remote.s32 @p0 $0x1;
	_ =	sdelay $0x1  }
0xac: {  	s5 =	simm.s32 @p0 $0x1B8D  }
0xad: {  	_ =	swait.eq @p0 [sflag:s5], $0x1  }
0xae: {  	[sflag:s5] =	ssyncadd.s32 @p0 $0xFFFFFFFF  }
0xaf: {  	s6 =	sshll.u32 @!p0 s1, $0xE  }
0xb0: {  	s6 =	sor.u32 @!p0 $0x4000, s6;
	s5 =	simm.s32 @!p0 $0x1B8D  }
0xb1: {  	s4 =	sshll.u32 @!p0 s4, $0x11;
	s6 =	sadd.s32 @!p0 $0x11B8D, s6;
	_ =	swait.eq @!p0 [sflag:s5], $0x1  }
0xb2: {  	s4 =	sor.u32 @!p0 s4, s6;
	[sflag:s5] =	ssyncadd.s32 @!p0 $0xFFFFFFFF  }
0xb3: {  	s25 =	simm.s32 $0x1B8E;
	s24 =	sld [smem:$0x3FFE];
	[sflag:s4] =	ssyncadd.remote.s32 @!p0 $0x1  }
0xb4: {  	s26 =	simm.s32 $execute0_lowered;
	[smem:$0x3FD2] =	sst s25  }
0xb5: {  	s5 =	sshll.u32 s26, $0x1;
	_ =	strace $0x80000049;
	[dreg:$0x1] =	wrdreg $0xFFFFFFFF  }
0xb6: {  	s28 =	simm.s32 $_size_execute0_lowered;
	s3 =	sadd.s32 s3, s5;
	[dreg:$0x0] =	wrdreg $0x0  }
0xb7: {  	s5 =	sshll.u32 s28, $0x1;
	[dreg:$0x2] =	wrdreg s3  }
0xb8: {  	[dreg:$0x3] =	wrdreg s5  }
0xb9: {  	[dreg:$0x4] =	wrdreg $0xC0  }
0xba: {  	_ =	task [dreg:s22], $0x5FFFF  }
0xbb: {  	[dreg:$0x1] =	wrdreg $0xFFFFFFFF  }
0xbc: {  	[dreg:$0x0] =	wrdreg $0x60  }
0xbd: {  	[dreg:$0x2] =	wrdreg s24  }
0xbe: {  	[dreg:$0x3] =	wrdreg $0x35200  }
0xbf: {  	[dreg:$0x4] =	wrdreg $0x9  }
0xc0: {  	_ =	task.clear_ibuf [dreg:s22], $0x5FFFF;
	_ =	strace $0x90000049  }
0xc1: {  	s29 =	simm.s32 $0x9;
	_ =	strace $0x8000004B  }
0xc2: {  	_ =	swait.ge [sflag:s29], $0x1  }
0xc3: {  	[sflag:s29] =	ssyncadd.s32 $0xFFFFFFFF  }
0xc4: {  	_ =	strace $0x9000004B  }
0xc5: {  	_ =	sfence  }
0xc6: {  	s30 =	sld [smem:$0x0];
	_ =	sdelay $0x2  }
0xc7: {  	s31 =	sshll.u32 s1, $0xD;
	s1 =	sshrl.u32 s1, $0x2  }
0xc8: {  	s4 =	sand.u32 $0x4000, s31;
	s1 =	sadd.s32 s1, s30  }
0xc9: {  	s0 =	sor.u32 s4, s0;
	s1 =	sshll.u32 s1, $0x11  }
0xca: {  	s0 =	sor.u32 s1, s0  }
0xcb: {  	s0 =	sadd.s32 $0x8F2B, s0  }
0xcc: {  	[sflag:s0] =	ssyncadd.remote.s32 $0x1  }
0xcd: {  	_ =	sfence.sel $0xFFFF  }
0xce: {  	[dreg:$0x0] =	wrdreg $0xFFFFFFFF;
	(pc) =	sbr.abs _section_cstart, $3  }
0xcf: {  	[dreg:$0x1] =	wrdreg $0xFFFFFFFF  }
0xd0: {  	_ =	task.clear_ibuf [dreg:s22], $0x2FFFF;
	_ =	strace $0x9FFFFFFF  }
0xd1: {  	(tm) =	ssettm $0x7FFFFFFF  }
tec
execute0_lowered:
.L_overlay_start_1:
0x0: {  	(tag) =	ssettag $0x1  }
0x1: {  	s4 =	rddreg [dreg:$0x0]  }
0x2: {  	s2 =	rddreg [dreg:$0x1]  }
0x3: {  	s0 =	rddreg [dreg:$0x2];
	s3 =	simm.s32 $0x0  }
0x4: {  	s1 =	stileid.u32;
	s5 =	srdreg.scid;
	s18 =	simm.s32 $0x1C20  }
0x5: {  	s19 =	simm.s32 $0x1;
	s20 =	simm.s32 $0x3;
	s21 =	simm.s32 $0x2  }
0x6: {  	s22 =	simm.s32 $0x4;
	[smem:$0x7FF] =	sst s3;
	s6 =	smul.u32 $0x2710, s1  }
0x7: {  	s7 =	sand.u32 $0x1, s5;
	s12 =	sadd.s32 $0x79AE00, s4;
	s17 =	smul.u32 $0x4E20, s1  }
0x8: {  	s13 =	sadd.s32 $0x16C00, s4;
	s24 =	sshll.u32 s1, $0x6;
	s5 =	smul.u32 $0x27100, s7  }
0x9: {  	_ =	strace $0x8000004A;
	s23 =	ssub.s32 $0x2, s7;
	s16 =	smul.u32 $0x4E200, s7  }
0xa: {  	s8 =	sshrl.u32 s6, $0x3;
	s9 =	sshrl.u32 s23, $0x1;
	s15 =	sadd.s32 s6, s2  }
0xb: {  	s11 =	sadd.s32 s6, s5;
	s8 =	sadd.s32 s8, s4;
	s9 =	ssub.s32 s23, s9  }
0xc: {  	s5 =	sor.u32 $0x1C05, s24;
	s29 =	sadd.s32 s16, s12;
	s23 =	simm.s32 $0x0  }
0xd: {  	s14 =	sshrl.u32 s11, $0x3;
	s25 =	sadd.s32 $0x2580, s11;
	s9 =	smax.u32 s9, $0x1  }
0xe: {  	s30 =	sadd.s32 $0x190, s11;
	s10 =	sadd.s32 s14, s4;
	s4 =	sadd.s32 $0x2B8E00, s8  }
0xf: {  	s26 =	sshrl.u32 s25, $0x3;
	s28 =	sshll.u32 s25, $0x1;
	s11 =	sadd.s32 s14, s13  }
0x10: {  	s31 =	sshll.u32 s30, $0x1;
	s16 =	sshrl.u32 s30, $0x3;
	s14 =	sshrl.u32 s15, $0x3  }
0x11: {  	s15 =	simm.s32 $0x5;
	s6 =	sadd.s32 s13, s26;
	s7 =	sadd.s32 s12, s28  }
0x12: {  	s8 =	sadd.s32 $0x2BDE00, s10;
	s10 =	sadd.s32 s17, s29;
	s12 =	sadd.s32 s31, s12  }
0x13: {  	s13 =	sadd.s32 s16, s13;
	s16 =	simm.s32 $0x320;
	s17 =	simm.s32 $0x190  }
.LBB2_1:
0x14: {  	[spmem:s14], [sflag:s5] =	dma.local [hbm:s4], $0x4E2  }
0x15: {  	_ =	swait.ge [sflag:s15], $0x4E2  }
0x16: {  	[sflag:s15] =	ssyncset.done $0x0  }
0x17: {  	[sflag:s15] =	ssyncadd.s32 $0xFFFFFB1E  }
0x18: {  	s24 =	sadd.s32 $0x0, s11;
	[bflag:$0x0] =	sbarrier.arrive $0xFFFF  }
0x19: {  	[tilespmem:s3], [sflag:$0x1] =	stream.linear.gather [hbm4b:s24+s3], $0x190, $0x38;
	[tilespmem:$0x5C30] =	vst v63  }
0x1a: {  	_ = 	snop  }
0x1b: {  	[tilespmem:s16], [sflag:$0x3] =	stream.linear.gather [hbm4b:s10+s3], $0x1900, $0x38;
	[tilespmem:$0x5C30] =	vst v63  }
0x1c: {  	s31 =	sadd.s32 $0x0, s13  }
0x1d: {  	[tilespmem:s17], [sflag:$0x2] =	stream.linear.gather [hbm4b:s31+s3], $0x190, $0x38;
	[tilespmem:$0x5C30] =	vst v63  }
0x1e: {  	_ = 	snop  }
0x1f: {  	[tilespmem:s18], [sflag:$0x4] =	stream.linear.gather [hbm4b:s12+s3], $0x1900, $0x38;
	[tilespmem:$0x5C30] =	vst v63  }
0x20: {  	_ =	swait.ge [sflag:s19], $0x190  }
0x21: {  	[sflag:s19] =	ssyncset.done $0x0  }
0x22: {  	[sflag:s19] =	ssyncadd.s32 $0xFFFFFE70  }
0x23: {  	_ =	swait.ge [sflag:s20], $0x1900  }
0x24: {  	[sflag:s20] =	ssyncset.done $0x0  }
0x25: {  	[sflag:s20] =	ssyncadd.s32 $0xFFFFE700  }
0x26: {  	[spmem:s2] =	stream.indirect.scatter.add.f32 [tilespmem:s16], [sflag:$0x5], $0x10, s3, s17, $0xb8;
	[tilespmem:$0x5C30] =	vst v63  }
0x27: {  	_ =	swait.ge [sflag:s15], $0x1900  }
0x28: {  	[sflag:s15] =	ssyncset.done $0x0  }
0x29: {  	[sflag:s15] =	ssyncadd.s32 $0xFFFFE700  }
0x2a: {  	_ =	swait.ge [sflag:s21], $0x190  }
0x2b: {  	[sflag:s21] =	ssyncset.done $0x0  }
0x2c: {  	[sflag:s21] =	ssyncadd.s32 $0xFFFFFE70  }
0x2d: {  	_ =	swait.ge [sflag:s22], $0x1900  }
0x2e: {  	[sflag:s22] =	ssyncset.done $0x0  }
0x2f: {  	[sflag:s22] =	ssyncadd.s32 $0xFFFFE700  }
0x30: {  	[spmem:s2] =	stream.indirect.scatter.add.f32 [tilespmem:s18], [sflag:$0x5], $0x10, s17, s17, $0xb8;
	[tilespmem:$0x5C30] =	vst v63  }
0x31: {  	s28 =	simm.s32 $0xC8;
	s26 =	sadd.s32 $0x640, s10;
	_ =	swait.ge [sflag:s15], $0x1900  }
0x32: {  	s25 =	sadd.s32 $0x640, s12;
	s24 =	simm.s32 $0x64;
	[sflag:s15] =	ssyncset.done $0x0  }
.LBB2_2:
0x33: {  	s29 =	sadd.s32 s24, s11  }
0x34: {  	[sflag:s15] =	ssyncadd.s32 $0xFFFFE700;
	s30 =	smov.u32 s28;
	s31 =	sadd.s32 $0x64, s28  }
0x35: {  	[tilespmem:s3], [sflag:$0x1] =	stream.linear.gather [hbm4b:s29+s3], $0x190, $0x38;
	[tilespmem:$0x5C30] =	vst v63  }
0x36: {  	p0 =	sne.s32 s28, $0x44C  }
0x37: {  	[tilespmem:s16], [sflag:$0x3] =	stream.linear.gather [hbm4b:s26+s3], $0x1900, $0x38;
	[tilespmem:$0x5C30] =	vst v63  }
0x38: {  	s28 =	sadd.s32 s24, s13;
	s24 =	smov.u32 s30  }
0x39: {  	[tilespmem:s17], [sflag:$0x2] =	stream.linear.gather [hbm4b:s28+s3], $0x190, $0x38;
	[tilespmem:$0x5C30] =	vst v63  }
0x3a: {  	_ = 	snop  }
0x3b: {  	[tilespmem:s18], [sflag:$0x4] =	stream.linear.gather [hbm4b:s25+s3], $0x1900, $0x38;
	[tilespmem:$0x5C30] =	vst v63  }
0x3c: {  	_ =	swait.ge [sflag:s19], $0x190  }
0x3d: {  	[sflag:s19] =	ssyncset.done $0x0  }
0x3e: {  	[sflag:s19] =	ssyncadd.s32 $0xFFFFFE70  }
0x3f: {  	_ =	swait.ge [sflag:s20], $0x1900  }
0x40: {  	[sflag:s20] =	ssyncset.done $0x0  }
0x41: {  	[sflag:s20] =	ssyncadd.s32 $0xFFFFE700  }
0x42: {  	[spmem:s2] =	stream.indirect.scatter.add.f32 [tilespmem:s16], [sflag:$0x5], $0x10, s3, s17, $0xb8;
	[tilespmem:$0x5C30] =	vst v63  }
0x43: {  	_ =	swait.ge [sflag:s15], $0x1900  }
0x44: {  	[sflag:s15] =	ssyncset.done $0x0  }
0x45: {  	[sflag:s15] =	ssyncadd.s32 $0xFFFFE700  }
0x46: {  	_ =	swait.ge [sflag:s21], $0x190  }
0x47: {  	[sflag:s21] =	ssyncset.done $0x0  }
0x48: {  	[sflag:s21] =	ssyncadd.s32 $0xFFFFFE70  }
0x49: {  	_ =	swait.ge [sflag:s22], $0x1900  }
.Ltmp0:
0x4a: {  	[sflag:s22] =	ssyncset.done $0x0;
	(pc) =	sbr.rel @p0 .LBB2_2-.Ltmp0, $4  }
0x4b: {  	[sflag:s22] =	ssyncadd.s32 $0xFFFFE700  }
0x4c: {  	[spmem:s2] =	stream.indirect.scatter.add.f32 [tilespmem:s18], [sflag:$0x5], $0x10, s17, s17, $0xb8;
	[tilespmem:$0x5C30] =	vst v63  }
0x4d: {  	s26 =	sadd.s32 $0x640, s26;
	_ =	swait.ge [sflag:s15], $0x1900  }
0x4e: {  	s28 =	smov.u32 s31;
	s25 =	sadd.s32 $0x640, s25;
	[sflag:s15] =	ssyncset.done $0x0  }
0x4f: {  	s28 =	sadd.s32 s24, s11;
	[sflag:s15] =	ssyncadd.s32 $0xFFFFE700  }
0x50: {  	[tilespmem:s3], [sflag:$0x1] =	stream.linear.gather [hbm4b:s28+s3], $0x190, $0x38;
	[tilespmem:$0x5C30] =	vst v63  }
0x51: {  	_ = 	snop  }
0x52: {  	[tilespmem:s16], [sflag:$0x3] =	stream.linear.gather [hbm4b:s26+s3], $0x1900, $0x38;
	[tilespmem:$0x5C30] =	vst v63  }
0x53: {  	s31 =	sadd.s32 s24, s13  }
0x54: {  	[tilespmem:s17], [sflag:$0x2] =	stream.linear.gather [hbm4b:s31+s3], $0x190, $0x38;
	[tilespmem:$0x5C30] =	vst v63  }
0x55: {  	_ = 	snop  }
0x56: {  	[tilespmem:s18], [sflag:$0x4] =	stream.linear.gather [hbm4b:s25+s3], $0x1900, $0x38;
	[tilespmem:$0x5C30] =	vst v63  }
0x57: {  	_ =	swait.ge [sflag:s19], $0x190  }
0x58: {  	[sflag:s19] =	ssyncset.done $0x0  }
0x59: {  	[sflag:s19] =	ssyncadd.s32 $0xFFFFFE70  }
0x5a: {  	_ =	swait.ge [sflag:s20], $0x1900  }
0x5b: {  	[sflag:s20] =	ssyncset.done $0x0  }
0x5c: {  	[sflag:s20] =	ssyncadd.s32 $0xFFFFE700  }
0x5d: {  	[spmem:s2] =	stream.indirect.scatter.add.f32 [tilespmem:s16], [sflag:$0x5], $0x10, s3, s17, $0xb8;
	[tilespmem:$0x5C30] =	vst v63  }
0x5e: {  	_ =	swait.ge [sflag:s15], $0x1900  }
0x5f: {  	[sflag:s15] =	ssyncset.done $0x0  }
0x60: {  	[sflag:s15] =	ssyncadd.s32 $0xFFFFE700  }
0x61: {  	_ =	swait.ge [sflag:s21], $0x190  }
0x62: {  	[sflag:s21] =	ssyncset.done $0x0  }
0x63: {  	[sflag:s21] =	ssyncadd.s32 $0xFFFFFE70  }
0x64: {  	_ =	swait.ge [sflag:s22], $0x1900  }
0x65: {  	[sflag:s22] =	ssyncset.done $0x0  }
0x66: {  	[sflag:s22] =	ssyncadd.s32 $0xFFFFE700  }
0x67: {  	[spmem:s2] =	stream.indirect.scatter.add.f32 [tilespmem:s18], [sflag:$0x5], $0x10, s17, s17, $0xb8;
	[tilespmem:$0x5C30] =	vst v63  }
0x68: {  	_ =	swait.ge [sflag:s15], $0x1900  }
0x69: {  	[sflag:s15] =	ssyncset.done $0x0  }
0x6a: {  	[sflag:s15] =	ssyncadd.s32 $0xFFFFE700  }
0x6b: {  	[tilespmem:s3], [sflag:$0x1] =	stream.linear.gather [hbm4b:s6+s3], $0x190, $0x38;
	[tilespmem:$0x5C30] =	vst v63  }
0x6c: {  	_ = 	snop  }
0x6d: {  	[tilespmem:s16], [sflag:$0x3] =	stream.linear.gather [hbm4b:s7+s3], $0x1900, $0x38;
	[tilespmem:$0x5C30] =	vst v63  }
0x6e: {  	_ =	swait.ge [sflag:s19], $0x190  }
0x6f: {  	[sflag:s19] =	ssyncset.done $0x0  }
0x70: {  	[sflag:s19] =	ssyncadd.s32 $0xFFFFFE70  }
0x71: {  	_ =	swait.ge [sflag:s20], $0x1900  }
0x72: {  	[sflag:s20] =	ssyncset.done $0x0  }
0x73: {  	[sflag:s20] =	ssyncadd.s32 $0xFFFFE700  }
0x74: {  	[spmem:s2] =	stream.indirect.scatter.add.f32 [tilespmem:s16], [sflag:$0x5], $0x10, s3, s17, $0xb8;
	[tilespmem:$0x5C30] =	vst v63  }
0x75: {  	_ =	swait.ge [sflag:s15], $0x1900  }
0x76: {  	s23 =	sadd.s32 $0x1, s23;
	[sflag:s15] =	ssyncset.done $0x0  }
0x77: {  	p0 =	sne.s32 s23, s9;
	[sflag:s15] =	ssyncadd.s32 $0xFFFFE700  }
.Ltmp1:
0x78: {  	[bflag:$0x0] =	sbarrier.arrive $0xFFFF;
	(pc) =	sbr.rel @p0 .LBB2_1-.Ltmp1, $4  }
0x79: {  	[hbm:s8], [sflag:s5] =	dma.local [spmem:s14], $0x4E2  }
0x7a: {  	_ =	swait.ge [sflag:s15], $0x4E2  }
0x7b: {  	[sflag:s15] =	ssyncset.done $0x0  }
0x7c: {  	[sflag:s15] =	ssyncadd.s32 $0xFFFFFB1E  }
0x7d: {  	_ =	sfence.sel $0x180000  }
0x7e: {  	[bflag:$0x0] =	sbarrier.arrive $0xFFFF  }
0x7f: {  	p0 =	sne.s32 s1, $0x0;
	_ =	strace $0x9000004A  }
0x80: {  	s0 =	sadd.s32 @!p0 $0x100000, s0;
	[bflag:$0x2] =	sbarrier.arrive $0xFFFF  }
0x81: {  	[sflag:s0] =	ssyncadd.tile.s32 @!p0 $0x1;
	_ =	shalt  }
.Lfunc_end2:
_tile_overlayer_lowered:
.L_overlay_start_2:
0x82: {  	(tag) =	ssettag $0x2  }
0x83: {  	s0 =	rddreg [dreg:$0x0];
	s2 =	stileid.u32  }
0x84: {  	s1 =	rddreg [dreg:$0x1];
	p0 =	sne.s32 s2, $0x0  }
0x85: {  	s3 =	rddreg [dreg:$0x2];
	[bflag:$0x3] =	sbarrier.arrive $0xFFFF;
	s2 =	simm.s32 @!p0 $0x1C05  }
0x86: {  	[timem:s3], [sflag:s2] =	dma.local @!p0 [hbm:s0], s1  }
0x87: {  	s0 =	simm.s32 @!p0 $0x5  }
0x88: {  	_ =	swait.ge @!p0 [sflag:s0], s1  }
0x89: {  	s1 =	ssub.s32 @!p0 $0x0, s1;
	[sflag:s0] =	ssyncset.done @!p0 $0x0  }
0x8a: {  	[sflag:s0] =	ssyncadd.s32 @!p0 s1  }
0x8b: {  	[bflag:$0x3] =	sbarrier.arrive $0xFFFF  }
0x8c: {  	_ =	shalt  }

// kernel: kernel.20.cloned.1.call-start
scs
__scs_entry_jumppad:
0x0: {  	(pc) =	sbr.rel $0x88, $3  }
0x1: {  	(tag) =	ssettag $0x0;
	lr =	simm.s32 $0x1  }
0x2: {  	[smem:$0x3F73] =	sst lr;
	_ =	strace $0xD0000000  }
0x3: {  	_ = 	snop  }
0x4: {  	_ = 	snop  }
0x5: {  	_ = 	snop  }
0x6: {  	_ = 	snop  }
0x7: {  	_ = 	snop  }
__scs_overlays_trampoline_lowered:
0x8: {  	[smem:$0x3F82] =	sst s0  }
0x9: {  	[smem:$0x3F83] =	sst s1  }
0xa: {  	[smem:$0x3F84] =	sst s2  }
0xb: {  	[smem:$0x3F85] =	sst s3  }
0xc: {  	[smem:$0x3F86] =	sst s4  }
0xd: {  	[smem:$0x3F87] =	sst s5  }
0xe: {  	[smem:$0x3F88] =	sst s6  }
0xf: {  	[smem:$0x3F89] =	sst s7  }
0x10: {  	[smem:$0x3F8A] =	sst s8  }
0x11: {  	[smem:$0x3F8B] =	sst s9;
	s0 =	simm.s32 @!p0 $0x0  }
0x12: {  	s1 =	sld [smem:$0x3F71];
	s0 =	simm.s32 @p0 $0x1  }
0x13: {  	[smem:$0x3F8C] =	sst s0;
	s0 =	simm.s32 @!p1 $0x0  }
0x14: {  	s2 =	sld [smem:$0x3F70];
	s0 =	simm.s32 @p1 $0x1  }
0x15: {  	[smem:$0x3F8D] =	sst s0;
	s0 =	simm.s32 @!p2 $0x0  }
0x16: {  	s3 =	sld [smem:$0x3FDB];
	s0 =	simm.s32 @p2 $0x1  }
0x17: {  	s4 =	simm.s32 $0x1BF5;
	[smem:$0x3F8F] =	sst s0  }
0x18: {  	s0 =	sld [smem:$0x3F72];
	_ =	swait.ge [sflag:s4], $0x0  }
0x19: {  	s7 =	sld [smem:$0x3F73]  }
0x1a: {  	s8 =	sadd.s32 $0xFFFFE003, lr  }
0x1b: {  	s9 =	sadd.s32 $0xFFFFFEF7, lr;
	s5 =	simm.s32 $0xFFFFFFFF;
	p2 =	slt.u32 s8, $0xFFFFF086  }
0x1c: {  	p1 =	slt.u32 s9, $0xF7A;
	s5 =	simm.s32 @!p2 $0x0  }
0x1d: {  	s5 =	simm.s32 @p1 $0x1;
	p0 =	seq.s32 s7, s2  }
0x1e: {  	s7 =	smul.u32 @!p0 $0xF7A, s2;
	p2 =	seq.s32 @!p0 s5, $0x0  }
0x1f: {  	s9 =	smul.u32 $0xF7A, s1;
	s8 =	simm.s32 @!p0 $0x1BF5;
	p2 =	por !p2, p0  }
0x20: {  	[sflag:s8] =	ssyncset.s32 @!p0 $0xFFFFF086;
	s6 =	sadd.s32 @!p0 s3, s7;
	s7 =	simm.s32 @!p0 $0x108  }
0x21: {  	s3 =	sadd.s32 s3, s9;
	s6 =	sadd.s32 @!p0 $0x88, s6;
	s7 =	simm.s32 @p2 $0x1082  }
0x22: {  	[simem:s7], [sflag:s8] =	dma.local @!p0 [hbm:s6], $0xF7A  }
0x23: {  	s9 =	sor.u32 $0xD0000000, s2;
	s6 =	simm.s32 $0x108;
	_ =	swait.ge @!p0 [sflag:s8], $0x0  }
0x24: {  	s3 =	sadd.s32 $0x88, s3;
	s6 =	simm.s32 @!p1 $0x1082;
	[sflag:s4] =	ssyncset.s32 $0xFFFFF086  }
0x25: {  	[simem:s6], [sflag:s4] =	dma.local [hbm:s3], $0xF7A  }
0x26: {  	[smem:$0x3F73] =	sst s1;
	(tag) =	ssettag s2;
	_ =	strace s9  }
0x27: {  	s1 =	sld [smem:$0x3F83]  }
0x28: {  	s2 =	sld [smem:$0x3F84]  }
0x29: {  	s4 =	sld [smem:$0x3F86]  }
0x2a: {  	p0 =	seq.s32 s5, $0x0;
	s5 =	sld [smem:$0x3F87]  }
0x2b: {  	s6 =	sld [smem:$0x3F88]  }
0x2c: {  	s7 =	sld [smem:$0x3F89]  }
0x2d: {  	s3 =	simm.s32 $0x108;
	s8 =	sld [smem:$0x3F8A]  }
0x2e: {  	s3 =	simm.s32 @!p0 $0x1082;
	s9 =	sld [smem:$0x3F8B]  }
0x2f: {  	lr =	sadd.s32 s0, s3;
	s0 =	sld [smem:$0x3F82]  }
0x30: {  	s3 =	sld [smem:$0x3F85]  }
0x31: {  	[smem:$0x3F8E] =	sst s10  }
0x32: {  	s10 =	sld [smem:$0x3F8C];
	_ =	sdelay $0x3  }
0x33: {  	p0 =	seq.s32 s10, $0x1;
	s10 =	sld [smem:$0x3F8E];
	_ =	sdelay $0x3  }
0x34: {  	[smem:$0x3F8E] =	sst s10  }
0x35: {  	s10 =	sld [smem:$0x3F8D];
	_ =	sdelay $0x3  }
0x36: {  	p1 =	seq.s32 s10, $0x1;
	s10 =	sld [smem:$0x3F8E];
	_ =	sdelay $0x3  }
0x37: {  	[smem:$0x3F8E] =	sst s10  }
0x38: {  	s10 =	sld [smem:$0x3F8F]  }
0x39: {  	_ = 	snop;
	(pc) =	sbr.ind lr, $3  }
0x3a: {  	_ = 	snop  }
0x3b: {  	_ = 	snop  }
0x3c: {  	p2 =	seq.s32 s10, $0x1;
	s10 =	sld [smem:$0x3F8E]  }
0x3d: {  	_ =	shalt  }
0x3e: {  	_ =	shalt  }
0x3f: {  	_ =	shalt  }
0x40: {  	_ =	shalt  }
0x41: {  	_ =	shalt  }
0x42: {  	_ =	shalt  }
0x43: {  	_ =	shalt  }
0x44: {  	_ =	shalt  }
0x45: {  	_ =	shalt  }
0x46: {  	_ =	shalt  }
0x47: {  	_ =	shalt  }
0x48: {  	_ =	shalt  }
0x49: {  	_ =	shalt  }
0x4a: {  	_ =	shalt  }
0x4b: {  	_ =	shalt  }
0x4c: {  	_ =	shalt  }
0x4d: {  	_ =	shalt  }
0x4e: {  	_ =	shalt  }
0x4f: {  	_ =	shalt  }
0x50: {  	_ =	shalt  }
0x51: {  	_ =	shalt  }
0x52: {  	_ =	shalt  }
0x53: {  	_ =	shalt  }
0x54: {  	_ =	shalt  }
0x55: {  	_ =	shalt  }
0x56: {  	_ =	shalt  }
0x57: {  	_ =	shalt  }
0x58: {  	_ =	shalt  }
0x59: {  	_ =	shalt  }
0x5a: {  	_ =	shalt  }
0x5b: {  	_ =	shalt  }
0x5c: {  	_ =	shalt  }
0x5d: {  	_ =	shalt  }
0x5e: {  	_ =	shalt  }
0x5f: {  	_ =	shalt  }
0x60: {  	_ =	shalt  }
0x61: {  	_ =	shalt  }
0x62: {  	_ =	shalt  }
0x63: {  	_ =	shalt  }
0x64: {  	_ =	shalt  }
0x65: {  	_ =	shalt  }
0x66: {  	_ =	shalt  }
0x67: {  	_ =	shalt  }
0x68: {  	_ =	shalt  }
0x69: {  	_ =	shalt  }
0x6a: {  	_ =	shalt  }
0x6b: {  	_ =	shalt  }
0x6c: {  	_ =	shalt  }
0x6d: {  	_ =	shalt  }
0x6e: {  	_ =	shalt  }
0x6f: {  	_ =	shalt  }
0x70: {  	_ =	shalt  }
0x71: {  	_ =	shalt  }
0x72: {  	_ =	shalt  }
0x73: {  	_ =	shalt  }
0x74: {  	_ =	shalt  }
0x75: {  	_ =	shalt  }
0x76: {  	_ =	shalt  }
0x77: {  	_ =	shalt  }
0x78: {  	_ =	shalt  }
0x79: {  	_ =	shalt  }
0x7a: {  	_ =	shalt  }
0x7b: {  	_ =	shalt  }
0x7c: {  	_ =	shalt  }
0x7d: {  	_ =	shalt  }
0x7e: {  	_ =	shalt  }
0x7f: {  	_ =	shalt  }
0x80: {  	_ =	shalt  }
0x81: {  	_ =	shalt  }
0x82: {  	_ =	shalt  }
0x83: {  	_ =	shalt  }
0x84: {  	_ =	shalt  }
0x85: {  	_ =	shalt  }
0x86: {  	_ =	shalt  }
0x87: {  	_ =	shalt  }
.Lfunc_end0:
.L_simem_size_0:
called_computation.1_lowered:
.L_overlay_start_0:
0x88: {  	s2 =	sld [smem:$0x3FD9]  }
0x89: {  	s3 =	sld [smem:$0x3FFE];
	_ =	sdelay $0x1  }
0x8a: {  	s1 =	srdreg.scid  }
0x8b: {  	s0 =	sand.u32 $0x1, s1  }
0x8c: {  	s17 =	sshll.u32 s0, $0xA;
	s2 =	sadd.s32 s3, s2  }
0x8d: {  	s2 =	sadd.s32 s2, s17  }
0x8e: {  	[smem:$0x3F9A] =	sst s2  }
0x8f: {  	_ = 	snop  }
0x90: {  	s2 =	sld [smem:$0x3FD0];
	(tm) =	ssettm $0x1  }
0x91: {  	s18 =	sld [smem:$0x3FFB];
	_ =	sdelay $0x3  }
0x92: {  	_ =	strace s18  }
0x93: {  	s3 =	sld [smem:$0x3FFC];
	_ =	sdelay $0x3  }
0x94: {  	_ =	strace s3  }
0x95: {  	s3 =	sld [smem:$0x3FFD];
	_ =	sdelay $0x3  }
0x96: {  	_ =	strace s3  }
0x97: {  	_ =	strace $0x8FFFFFFF  }
0x98: {  	s19 =	sld [smem:$0x3FDB];
	_ =	sdelay $0x1  }
0x99: {  	s4 =	simm.s32 $_scs_section_size  }
0x9a: {  	s5 =	simm.s32 $_size__tile_overlayer_lowered;
	s6 =	simm.s32 $_tile_overlayer_lowered  }
0x9b: {  	s22 =	simm.s32 $0x1BFF;
	s21 =	sshll.u32 s6, $0x1;
	s3 =	sadd.s32 s4, s19  }
0x9c: {  	s7 =	simm.s32 $0x0;
	s20 =	sshll.u32 s5, $0x1;
	s5 =	sadd.s32 s21, s3  }
0x9d: {  	[timem:s7], [sflag:s22] =	dma.local [hbm:s5], s20  }
0x9e: {  	_ =	swait.ge [sflag:s22], s20  }
0x9f: {  	s4 =	ssub.s32 $0x0, s20;
	[sflag:s22] =	ssyncset.done $0x0  }
0xa0: {  	[sflag:s22] =	ssyncadd.s32 s4;
	_ =	sdelay $0x1  }
0xa1: {  	s23 =	simm.s32 $0x1B8B  }
0xa2: {  	_ =	swait.ge [sflag:s23], $0x1  }
0xa3: {  	[sflag:s23] =	ssyncset.done $0x0  }
0xa4: {  	s25 =	simm.s32 $0x1B8E;
	s24 =	sld [smem:$0x3FFE];
	[sflag:s23] =	ssyncadd.s32 $0xFFFFFFFF  }
0xa5: {  	s26 =	simm.s32 $execute0_lowered;
	[smem:$0x3FD2] =	sst s25  }
0xa6: {  	s5 =	sshll.u32 s26, $0x1;
	_ =	strace $0x80000046;
	[dreg:$0x1] =	wrdreg $0xFFFFFFFF  }
0xa7: {  	s28 =	simm.s32 $_size_execute0_lowered;
	s3 =	sadd.s32 s3, s5;
	[dreg:$0x0] =	wrdreg $0x0  }
0xa8: {  	s5 =	sshll.u32 s28, $0x1;
	[dreg:$0x2] =	wrdreg s3  }
0xa9: {  	[dreg:$0x3] =	wrdreg s5  }
0xaa: {  	[dreg:$0x4] =	wrdreg $0xC0  }
0xab: {  	_ =	task [dreg:s7], $0x5FFFF  }
0xac: {  	[dreg:$0x1] =	wrdreg $0xFFFFFFFF  }
0xad: {  	[dreg:$0x0] =	wrdreg $0x60  }
0xae: {  	[dreg:$0x2] =	wrdreg s2  }
0xaf: {  	[dreg:$0x3] =	wrdreg s24  }
0xb0: {  	[dreg:$0x4] =	wrdreg $0xA  }
0xb1: {  	_ =	task.clear_ibuf [dreg:s7], $0x5FFFF;
	_ =	strace $0x90000046  }
0xb2: {  	s29 =	simm.s32 $0xA;
	_ =	strace $0x80000048  }
0xb3: {  	_ =	swait.ge [sflag:s29], $0x1  }
0xb4: {  	[sflag:s29] =	ssyncadd.s32 $0xFFFFFFFF  }
0xb5: {  	_ =	strace $0x90000048  }
0xb6: {  	_ =	sfence  }
0xb7: {  	s30 =	sld [smem:$0x0];
	_ =	sdelay $0x2  }
0xb8: {  	s31 =	sshll.u32 s1, $0xD;
	s1 =	sshrl.u32 s1, $0x2  }
0xb9: {  	s3 =	sand.u32 $0x4000, s31;
	s1 =	sadd.s32 s1, s30  }
0xba: {  	s0 =	sor.u32 s3, s0;
	s1 =	sshll.u32 s1, $0x11  }
0xbb: {  	s0 =	sor.u32 s1, s0  }
0xbc: {  	s0 =	sadd.s32 $0x8F2B, s0  }
0xbd: {  	[sflag:s0] =	ssyncadd.remote.s32 $0x1  }
0xbe: {  	_ =	sfence.sel $0xFFFF  }
0xbf: {  	[dreg:$0x0] =	wrdreg $0xFFFFFFFF;
	(pc) =	sbr.abs _section_cstart, $3  }
0xc0: {  	[dreg:$0x1] =	wrdreg $0xFFFFFFFF  }
0xc1: {  	_ =	task.clear_ibuf [dreg:s7], $0x2FFFF;
	_ =	strace $0x9FFFFFFF  }
0xc2: {  	(tm) =	ssettm $0x7FFFFFFF  }
0xc3: {  	_ =	shalt  }
tec
execute0_lowered:
.L_overlay_start_1:
0x0: {  	(tag) =	ssettag $0x1  }
0x1: {  	s2 =	rddreg [dreg:$0x0];
	s0 =	srdreg.scid  }
0x2: {  	s3 =	stileid.u32;
	s1 =	rddreg [dreg:$0x1];
	s11 =	simm.s32 $0x7  }
0x3: {  	s12 =	simm.s32 $0x2710;
	s13 =	simm.s32 $0x190;
	s14 =	simm.s32 $0x4E20  }
0x4: {  	s15 =	simm.s32 $0xB220;
	s16 =	simm.s32 $0x11620;
	s17 =	simm.s32 $0x17A20  }
0x5: {  	s18 =	simm.s32 $0x1;
	s19 =	simm.s32 $0x2;
	s20 =	simm.s32 $0x3  }
0x6: {  	s21 =	simm.s32 $0x4;
	s22 =	simm.s32 $0x5;
	s23 =	simm.s32 $0x6  }
0x7: {  	s24 =	simm.s32 $0x2580;
	s0 =	sand.u32 $0x1, s0;
	s4 =	sshll.u32 s3, $0x1  }
0x8: {  	s25 =	simm.s32 $0x4C90;
	s26 =	simm.s32 $0x0;
	s5 =	sor.u32 s0, s4  }
0x9: {  	s3 =	simm.s32 $0x0;
	s0 =	ssub.s32 $0x2, s0;
	s4 =	smul.u32 $0x2710, s5  }
0xa: {  	[smem:$0x7FF] =	sst s3;
	s7 =	smul.u32 $0x9C400, s5;
	s9 =	sshrl.u32 s0, $0x1  }
0xb: {  	_ =	strace $0x80000047;
	s0 =	ssub.s32 s0, s9;
	s6 =	sshrl.u32 s4, $0x3  }
0xc: {  	s31 =	sshrl.u32 s7, $0x3;
	s8 =	sadd.s32 s6, s1;
	s6 =	sadd.s32 $0x47E00, s1  }
0xd: {  	s5 =	sadd.s32 $0x20A00, s1;
	s10 =	smax.u32 s0, $0x1;
	s1 =	sadd.s32 s6, s31  }
0xe: {  	s7 =	sadd.s32 $0xCE00, s8;
	s8 =	sadd.s32 $0x16C00, s8;
	s9 =	sadd.s32 $0x12C00, s1  }
.LBB2_1:
0xf: {  	[tilespmem:s3], [sflag:$0x7] =	stream.linear.gather [hbm4b:s7+s3], $0x2710, $0x38;
	[tilespmem:$0x1DE20] =	vst v63  }
0x10: {  	_ =	swait.ge [sflag:s11], $0x2710  }
0x11: {  	[sflag:s11] =	ssyncset.done $0x0  }
0x12: {  	[sflag:s11] =	ssyncadd.s32 $0xFFFFD8F0  }
0x13: {  	[tilespmem:s12], [sflag:$0x7] =	stream.linear.gather [hbm4b:s8+s3], $0x2710, $0x38;
	[tilespmem:$0x1DE20] =	vst v63  }
0x14: {  	_ =	swait.ge [sflag:s11], $0x2710  }
0x15: {  	[sflag:s11] =	ssyncset.done $0x0  }
0x16: {  	s28 =	simm.s32 $0x0;
	[sflag:s11] =	ssyncadd.s32 $0xFFFFD8F0  }
.LBB2_2:
0x17: {  	s30 =	smul.u32 $0x320, s28;
	_ =	sdelay $0x1  }
0x18: {  	[tilespmem:s14], [sflag:$0x1] =	stream.indirect.gather [hbm4b:s2+s13], $0x40, s30, s13, $0xb8;
	[tilespmem:$0x1DE20] =	vst v63  }
0x19: {  	s0 =	sadd.s32 $0x2710, s30  }
0x1a: {  	[tilespmem:s15], [sflag:$0x2] =	stream.indirect.gather [hbm4b:s5+s13], $0x40, s0, s13, $0xb8;
	[tilespmem:$0x1DE20] =	vst v63  }
0x1b: {  	s29 =	sadd.s32 $0x190, s30  }
0x1c: {  	[tilespmem:s16], [sflag:$0x3] =	stream.indirect.gather [hbm4b:s2+s13], $0x40, s29, s13, $0xb8;
	[tilespmem:$0x1DE20] =	vst v63  }
0x1d: {  	s1 =	sadd.s32 $0x28A0, s30  }
0x1e: {  	[tilespmem:s17], [sflag:$0x4] =	stream.indirect.gather [hbm4b:s5+s13], $0x40, s1, s13, $0xb8;
	[tilespmem:$0x1DE20] =	vst v63  }
0x1f: {  	_ =	swait.ge [sflag:s18], $0x6400  }
0x20: {  	[sflag:s18] =	ssyncset.done $0x0  }
0x21: {  	[sflag:s18] =	ssyncadd.s32 $0xFFFF9C00  }
0x22: {  	_ =	swait.ge [sflag:s19], $0x6400  }
0x23: {  	[sflag:s19] =	ssyncset.done $0x0  }
0x24: {  	s31 =	simm.s32 $0x0;
	[sflag:s19] =	ssyncadd.s32 $0xFFFF9C00  }
0x25: {  	v1 =	vld [tilespmem:s31+$0xB250]  }
0x26: {  	v2 =	vld [tilespmem:s31+$0xB220]  }
0x27: {  	v3 =	vld [tilespmem:s31+$0xB230]  }
0x28: {  	v0 =	vld [tilespmem:s31+$0xB240];
	_ =	sdelay $0x1  }
0x29: {  	[tilespmem:s31+$0x4E50] =	vst.add.f32.msk $0xffff, v1  }
0x2a: {  	[tilespmem:s31+$0x4E20] =	vst.add.f32.msk $0xffff, v2  }
0x2b: {  	s0 =	simm.s32 $0x200;
	s1 =	simm.s32 $0x40;
	[tilespmem:s31+$0x4E30] =	vst.add.f32.msk $0xffff, v3  }
.LBB2_3:
0x2c: {  	p0 =	sne.s32 s0, $0x18F00;
	v1 =	vld [tilespmem:s1+$0xB250];
	v2 =	vmov v0  }
0x2d: {  	v3 =	vld [tilespmem:s1+$0xB220]  }
0x2e: {  	v4 =	vld [tilespmem:s1+$0xB230]  }
.Ltmp0:
0x2f: {  	v0 =	vld [tilespmem:s1+$0xB240];
	(pc) =	sbr.rel @p0 .LBB2_3-.Ltmp0, $4  }
0x30: {  	[tilespmem:s31+$0x4E40] =	vst.add.f32.msk $0xffff, v2;
	s31 =	smov.u32 s1  }
0x31: {  	[tilespmem:s31+$0x4E50] =	vst.add.f32.msk $0xffff, v1  }
0x32: {  	[tilespmem:s31+$0x4E20] =	vst.add.f32.msk $0xffff, v3  }
0x33: {  	s1 =	sshra.s32 s0, $0x2;
	s0 =	sadd.s32 $0x100, s0;
	[tilespmem:s31+$0x4E30] =	vst.add.f32.msk $0xffff, v4  }
0x34: {  	v1 =	vld [tilespmem:s1+$0xB250]  }
0x35: {  	v2 =	vld [tilespmem:s1+$0xB220]  }
0x36: {  	v3 =	vld [tilespmem:s1+$0xB230]  }
0x37: {  	v4 =	vld [tilespmem:s1+$0xB240]  }
0x38: {  	[tilespmem:s31+$0x4E40] =	vst.add.f32.msk $0xffff, v0  }
0x39: {  	[tilespmem:s1+$0x4E50] =	vst.add.f32.msk $0xffff, v1  }
0x3a: {  	s0 =	sadd.s32 s4, s30;
	[tilespmem:s1+$0x4E20] =	vst.add.f32.msk $0xffff, v2  }
0x3b: {  	s0 =	sshll.u32 s0, $0x3;
	[tilespmem:s1+$0x4E30] =	vst.add.f32.msk $0xffff, v3  }
0x3c: {  	s0 =	sadd.s32 s6, s0;
	[tilespmem:s1+$0x4E40] =	vst.add.f32.msk $0xffff, v4;
	s1 =	simm.s32 $0x0  }
0x3d: {  	[hbm4b:s0+s1] =	stream.linear.scatter [tilespmem:s14], [sflag:$0x5], $0x6400, $0x38;
	[tilespmem:$0x1DE20] =	vst v63  }
0x3e: {  	_ =	swait.ge [sflag:s20], $0x6400  }
0x3f: {  	[sflag:s20] =	ssyncset.done $0x0  }
0x40: {  	[sflag:s20] =	ssyncadd.s32 $0xFFFF9C00  }
0x41: {  	_ =	swait.ge [sflag:s21], $0x6400  }
0x42: {  	[sflag:s21] =	ssyncset.done $0x0  }
0x43: {  	s30 =	simm.s32 $0x0;
	[sflag:s21] =	ssyncadd.s32 $0xFFFF9C00  }
0x44: {  	v1 =	vld [tilespmem:s30+$0x17A50]  }
0x45: {  	v2 =	vld [tilespmem:s30+$0x17A20]  }
0x46: {  	v3 =	vld [tilespmem:s30+$0x17A30]  }
0x47: {  	v0 =	vld [tilespmem:s30+$0x17A40];
	_ =	sdelay $0x1  }
0x48: {  	[tilespmem:s30+$0x11650] =	vst.add.f32.msk $0xffff, v1  }
0x49: {  	[tilespmem:s30+$0x11620] =	vst.add.f32.msk $0xffff, v2  }
0x4a: {  	s31 =	simm.s32 $0x40;
	s0 =	simm.s32 $0x200;
	[tilespmem:s30+$0x11630] =	vst.add.f32.msk $0xffff, v3  }
.LBB2_5:
0x4b: {  	p0 =	sne.s32 s0, $0x18F00;
	v1 =	vld [tilespmem:s31+$0x17A50];
	v2 =	vmov v0  }
0x4c: {  	v3 =	vld [tilespmem:s31+$0x17A20]  }
0x4d: {  	v4 =	vld [tilespmem:s31+$0x17A30]  }
.Ltmp1:
0x4e: {  	v0 =	vld [tilespmem:s31+$0x17A40];
	(pc) =	sbr.rel @p0 .LBB2_5-.Ltmp1, $4  }
0x4f: {  	[tilespmem:s30+$0x11640] =	vst.add.f32.msk $0xffff, v2;
	s30 =	smov.u32 s31  }
0x50: {  	[tilespmem:s30+$0x11650] =	vst.add.f32.msk $0xffff, v1  }
0x51: {  	[tilespmem:s30+$0x11620] =	vst.add.f32.msk $0xffff, v3  }
0x52: {  	s31 =	sshra.s32 s0, $0x2;
	s0 =	sadd.s32 $0x100, s0;
	[tilespmem:s30+$0x11630] =	vst.add.f32.msk $0xffff, v4  }
0x53: {  	v1 =	vld [tilespmem:s31+$0x17A50]  }
0x54: {  	v2 =	vld [tilespmem:s31+$0x17A20]  }
0x55: {  	v3 =	vld [tilespmem:s31+$0x17A30]  }
0x56: {  	v4 =	vld [tilespmem:s31+$0x17A40]  }
0x57: {  	[tilespmem:s30+$0x11640] =	vst.add.f32.msk $0xffff, v0  }
0x58: {  	s0 =	sadd.s32 s4, s29;
	[tilespmem:s31+$0x11650] =	vst.add.f32.msk $0xffff, v1  }
0x59: {  	s0 =	sshll.u32 s0, $0x3;
	[tilespmem:s31+$0x11620] =	vst.add.f32.msk $0xffff, v2  }
0x5a: {  	s0 =	sand.u32 $0x1FFFFF80, s0;
	[tilespmem:s31+$0x11630] =	vst.add.f32.msk $0xffff, v3  }
0x5b: {  	s28 =	sadd.s32 $0x1, s28;
	s0 =	sadd.s32 s6, s0;
	[tilespmem:s31+$0x11640] =	vst.add.f32.msk $0xffff, v4  }
0x5c: {  	[hbm4b:s0+s3] =	stream.linear.scatter [tilespmem:s16], [sflag:$0x6], $0x6400, $0x38;
	[tilespmem:$0x1DE20] =	vst v63  }
0x5d: {  	p0 =	sne.s32 s28, $0xC;
	_ =	swait.ge [sflag:s22], $0x6400  }
.Ltmp2:
0x5e: {  	[sflag:s22] =	ssyncset.done $0x0;
	(pc) =	sbr.rel @p0 .LBB2_2-.Ltmp2, $4  }
0x5f: {  	[sflag:s22] =	ssyncadd.s32 $0xFFFF9C00  }
0x60: {  	_ =	swait.ge [sflag:s23], $0x6400  }
0x61: {  	[sflag:s23] =	ssyncset.done $0x0  }
0x62: {  	[sflag:s23] =	ssyncadd.s32 $0xFFFF9C00  }
0x63: {  	[tilespmem:s14], [sflag:$0x1] =	stream.indirect.gather [hbm4b:s2+s13], $0x40, s24, s13, $0xb8;
	[tilespmem:$0x1DE20] =	vst v63  }
0x64: {  	_ = 	snop  }
0x65: {  	[tilespmem:s15], [sflag:$0x2] =	stream.indirect.gather [hbm4b:s5+s13], $0x40, s25, s13, $0xb8;
	[tilespmem:$0x1DE20] =	vst v63  }
0x66: {  	_ =	swait.ge [sflag:s18], $0x6400  }
0x67: {  	[sflag:s18] =	ssyncset.done $0x0  }
0x68: {  	[sflag:s18] =	ssyncadd.s32 $0xFFFF9C00  }
0x69: {  	_ =	swait.ge [sflag:s19], $0x6400  }
0x6a: {  	[sflag:s19] =	ssyncset.done $0x0  }
0x6b: {  	s28 =	simm.s32 $0x0;
	[sflag:s19] =	ssyncadd.s32 $0xFFFF9C00  }
0x6c: {  	v1 =	vld [tilespmem:s28+$0xB250]  }
0x6d: {  	v2 =	vld [tilespmem:s28+$0xB220]  }
0x6e: {  	v3 =	vld [tilespmem:s28+$0xB230]  }
0x6f: {  	v0 =	vld [tilespmem:s28+$0xB240];
	_ =	sdelay $0x1  }
0x70: {  	[tilespmem:s28+$0x4E50] =	vst.add.f32.msk $0xffff, v1  }
0x71: {  	[tilespmem:s28+$0x4E20] =	vst.add.f32.msk $0xffff, v2  }
0x72: {  	s1 =	simm.s32 $0x40;
	s0 =	simm.s32 $0x200;
	[tilespmem:s28+$0x4E30] =	vst.add.f32.msk $0xffff, v3  }
.LBB2_8:
0x73: {  	p0 =	sne.s32 s0, $0x18F00;
	v1 =	vld [tilespmem:s1+$0xB250];
	v2 =	vmov v0  }
0x74: {  	v3 =	vld [tilespmem:s1+$0xB220]  }
0x75: {  	v4 =	vld [tilespmem:s1+$0xB230]  }
.Ltmp3:
0x76: {  	v0 =	vld [tilespmem:s1+$0xB240];
	(pc) =	sbr.rel @p0 .LBB2_8-.Ltmp3, $4  }
0x77: {  	[tilespmem:s28+$0x4E40] =	vst.add.f32.msk $0xffff, v2;
	s28 =	smov.u32 s1  }
0x78: {  	[tilespmem:s28+$0x4E50] =	vst.add.f32.msk $0xffff, v1  }
0x79: {  	[tilespmem:s28+$0x4E20] =	vst.add.f32.msk $0xffff, v3  }
0x7a: {  	s1 =	sshra.s32 s0, $0x2;
	s0 =	sadd.s32 $0x100, s0;
	[tilespmem:s28+$0x4E30] =	vst.add.f32.msk $0xffff, v4  }
0x7b: {  	v1 =	vld [tilespmem:s1+$0xB250]  }
0x7c: {  	v2 =	vld [tilespmem:s1+$0xB220]  }
0x7d: {  	v3 =	vld [tilespmem:s1+$0xB230]  }
0x7e: {  	v4 =	vld [tilespmem:s1+$0xB240]  }
0x7f: {  	[tilespmem:s28+$0x4E40] =	vst.add.f32.msk $0xffff, v0  }
0x80: {  	[tilespmem:s1+$0x4E50] =	vst.add.f32.msk $0xffff, v1  }
0x81: {  	s26 =	sadd.s32 $0x1, s26;
	[tilespmem:s1+$0x4E20] =	vst.add.f32.msk $0xffff, v2  }
0x82: {  	p0 =	sne.s32 s26, s10;
	[tilespmem:s1+$0x4E30] =	vst.add.f32.msk $0xffff, v3  }
.Ltmp4:
0x83: {  	[tilespmem:s1+$0x4E40] =	vst.add.f32.msk $0xffff, v4;
	(pc) =	sbr.rel @p0 .LBB2_1-.Ltmp4, $4  }
0x84: {  	[hbm4b:s9+s3] =	stream.linear.scatter [tilespmem:s14], [sflag:$0x7], $0x6400, $0x38;
	[tilespmem:$0x1DE20] =	vst v63  }
0x85: {  	_ =	swait.ge [sflag:s11], $0x6400  }
0x86: {  	[sflag:s11] =	ssyncset.done $0x0  }
0x87: {  	[sflag:s11] =	ssyncadd.s32 $0xFFFF9C00  }
0x88: {  	_ =	sfence.sel $0x180000  }
0x89: {  	[bflag:$0x0] =	sbarrier.arrive $0xFFFF  }
0x8a: {  	_ =	strace $0x90000047  }
0x8b: {  	s0 =	stileid.u32;
	[bflag:$0x2] =	sbarrier.arrive $0xFFFF  }
0x8c: {  	p0 =	sne.s32 s0, $0x0;
	s0 =	rddreg [dreg:$0x2]  }
0x8d: {  	s0 =	sadd.s32 @!p0 $0x100000, s0  }
0x8e: {  	[sflag:s0] =	ssyncadd.tile.s32 @!p0 $0x1;
	_ =	shalt  }
.Lfunc_end2:
_tile_overlayer_lowered:
.L_overlay_start_2:
0x8f: {  	(tag) =	ssettag $0x2  }
0x90: {  	s0 =	rddreg [dreg:$0x0];
	s2 =	stileid.u32  }
0x91: {  	s1 =	rddreg [dreg:$0x1];
	p0 =	sne.s32 s2, $0x0  }
0x92: {  	s3 =	rddreg [dreg:$0x2];
	[bflag:$0x3] =	sbarrier.arrive $0xFFFF;
	s2 =	simm.s32 @!p0 $0x1C07  }
0x93: {  	[timem:s3], [sflag:s2] =	dma.local @!p0 [hbm:s0], s1  }
0x94: {  	s0 =	simm.s32 @!p0 $0x7  }
0x95: {  	_ =	swait.ge @!p0 [sflag:s0], s1  }
0x96: {  	s1 =	ssub.s32 @!p0 $0x0, s1;
	[sflag:s0] =	ssyncset.done @!p0 $0x0  }
0x97: {  	[sflag:s0] =	ssyncadd.s32 @!p0 s1  }
0x98: {  	[bflag:$0x3] =	sbarrier.arrive $0xFFFF  }
0x99: {  	_ =	shalt  }

// kernel: kernel.23.cloned.1.call-start
scs
__scs_entry_jumppad:
0x0: {  	(pc) =	sbr.rel $0x88, $3  }
0x1: {  	(tag) =	ssettag $0x0;
	lr =	simm.s32 $0x1  }
0x2: {  	[smem:$0x3F73] =	sst lr;
	_ =	strace $0xD0000000  }
0x3: {  	_ = 	snop  }
0x4: {  	_ = 	snop  }
0x5: {  	_ = 	snop  }
0x6: {  	_ = 	snop  }
0x7: {  	_ = 	snop  }
__scs_overlays_trampoline_lowered:
0x8: {  	[smem:$0x3F82] =	sst s0  }
0x9: {  	[smem:$0x3F83] =	sst s1  }
0xa: {  	[smem:$0x3F84] =	sst s2  }
0xb: {  	[smem:$0x3F85] =	sst s3  }
0xc: {  	[smem:$0x3F86] =	sst s4  }
0xd: {  	[smem:$0x3F87] =	sst s5  }
0xe: {  	[smem:$0x3F88] =	sst s6  }
0xf: {  	[smem:$0x3F89] =	sst s7  }
0x10: {  	[smem:$0x3F8A] =	sst s8  }
0x11: {  	[smem:$0x3F8B] =	sst s9;
	s0 =	simm.s32 @!p0 $0x0  }
0x12: {  	s1 =	sld [smem:$0x3F71];
	s0 =	simm.s32 @p0 $0x1  }
0x13: {  	[smem:$0x3F8C] =	sst s0;
	s0 =	simm.s32 @!p1 $0x0  }
0x14: {  	s2 =	sld [smem:$0x3F70];
	s0 =	simm.s32 @p1 $0x1  }
0x15: {  	[smem:$0x3F8D] =	sst s0;
	s0 =	simm.s32 @!p2 $0x0  }
0x16: {  	s3 =	sld [smem:$0x3FDB];
	s0 =	simm.s32 @p2 $0x1  }
0x17: {  	s4 =	simm.s32 $0x1BF5;
	[smem:$0x3F8F] =	sst s0  }
0x18: {  	s0 =	sld [smem:$0x3F72];
	_ =	swait.ge [sflag:s4], $0x0  }
0x19: {  	s7 =	sld [smem:$0x3F73]  }
0x1a: {  	s8 =	sadd.s32 $0xFFFFE003, lr  }
0x1b: {  	s9 =	sadd.s32 $0xFFFFFEF7, lr;
	s5 =	simm.s32 $0xFFFFFFFF;
	p2 =	slt.u32 s8, $0xFFFFF086  }
0x1c: {  	p1 =	slt.u32 s9, $0xF7A;
	s5 =	simm.s32 @!p2 $0x0  }
0x1d: {  	s5 =	simm.s32 @p1 $0x1;
	p0 =	seq.s32 s7, s2  }
0x1e: {  	s7 =	smul.u32 @!p0 $0xF7A, s2;
	p2 =	seq.s32 @!p0 s5, $0x0  }
0x1f: {  	s9 =	smul.u32 $0xF7A, s1;
	s8 =	simm.s32 @!p0 $0x1BF5;
	p2 =	por !p2, p0  }
0x20: {  	[sflag:s8] =	ssyncset.s32 @!p0 $0xFFFFF086;
	s6 =	sadd.s32 @!p0 s3, s7;
	s7 =	simm.s32 @!p0 $0x108  }
0x21: {  	s3 =	sadd.s32 s3, s9;
	s6 =	sadd.s32 @!p0 $0x88, s6;
	s7 =	simm.s32 @p2 $0x1082  }
0x22: {  	[simem:s7], [sflag:s8] =	dma.local @!p0 [hbm:s6], $0xF7A  }
0x23: {  	s9 =	sor.u32 $0xD0000000, s2;
	s6 =	simm.s32 $0x108;
	_ =	swait.ge @!p0 [sflag:s8], $0x0  }
0x24: {  	s3 =	sadd.s32 $0x88, s3;
	s6 =	simm.s32 @!p1 $0x1082;
	[sflag:s4] =	ssyncset.s32 $0xFFFFF086  }
0x25: {  	[simem:s6], [sflag:s4] =	dma.local [hbm:s3], $0xF7A  }
0x26: {  	[smem:$0x3F73] =	sst s1;
	(tag) =	ssettag s2;
	_ =	strace s9  }
0x27: {  	s1 =	sld [smem:$0x3F83]  }
0x28: {  	s2 =	sld [smem:$0x3F84]  }
0x29: {  	s4 =	sld [smem:$0x3F86]  }
0x2a: {  	p0 =	seq.s32 s5, $0x0;
	s5 =	sld [smem:$0x3F87]  }
0x2b: {  	s6 =	sld [smem:$0x3F88]  }
0x2c: {  	s7 =	sld [smem:$0x3F89]  }
0x2d: {  	s3 =	simm.s32 $0x108;
	s8 =	sld [smem:$0x3F8A]  }
0x2e: {  	s3 =	simm.s32 @!p0 $0x1082;
	s9 =	sld [smem:$0x3F8B]  }
0x2f: {  	lr =	sadd.s32 s0, s3;
	s0 =	sld [smem:$0x3F82]  }
0x30: {  	s3 =	sld [smem:$0x3F85]  }
0x31: {  	[smem:$0x3F8E] =	sst s10  }
0x32: {  	s10 =	sld [smem:$0x3F8C];
	_ =	sdelay $0x3  }
0x33: {  	p0 =	seq.s32 s10, $0x1;
	s10 =	sld [smem:$0x3F8E];
	_ =	sdelay $0x3  }
0x34: {  	[smem:$0x3F8E] =	sst s10  }
0x35: {  	s10 =	sld [smem:$0x3F8D];
	_ =	sdelay $0x3  }
0x36: {  	p1 =	seq.s32 s10, $0x1;
	s10 =	sld [smem:$0x3F8E];
	_ =	sdelay $0x3  }
0x37: {  	[smem:$0x3F8E] =	sst s10  }
0x38: {  	s10 =	sld [smem:$0x3F8F]  }
0x39: {  	_ = 	snop;
	(pc) =	sbr.ind lr, $3  }
0x3a: {  	_ = 	snop  }
0x3b: {  	_ = 	snop  }
0x3c: {  	p2 =	seq.s32 s10, $0x1;
	s10 =	sld [smem:$0x3F8E]  }
0x3d: {  	_ =	shalt  }
0x3e: {  	_ =	shalt  }
0x3f: {  	_ =	shalt  }
0x40: {  	_ =	shalt  }
0x41: {  	_ =	shalt  }
0x42: {  	_ =	shalt  }
0x43: {  	_ =	shalt  }
0x44: {  	_ =	shalt  }
0x45: {  	_ =	shalt  }
0x46: {  	_ =	shalt  }
0x47: {  	_ =	shalt  }
0x48: {  	_ =	shalt  }
0x49: {  	_ =	shalt  }
0x4a: {  	_ =	shalt  }
0x4b: {  	_ =	shalt  }
0x4c: {  	_ =	shalt  }
0x4d: {  	_ =	shalt  }
0x4e: {  	_ =	shalt  }
0x4f: {  	_ =	shalt  }
0x50: {  	_ =	shalt  }
0x51: {  	_ =	shalt  }
0x52: {  	_ =	shalt  }
0x53: {  	_ =	shalt  }
0x54: {  	_ =	shalt  }
0x55: {  	_ =	shalt  }
0x56: {  	_ =	shalt  }
0x57: {  	_ =	shalt  }
0x58: {  	_ =	shalt  }
0x59: {  	_ =	shalt  }
0x5a: {  	_ =	shalt  }
0x5b: {  	_ =	shalt  }
0x5c: {  	_ =	shalt  }
0x5d: {  	_ =	shalt  }
0x5e: {  	_ =	shalt  }
0x5f: {  	_ =	shalt  }
0x60: {  	_ =	shalt  }
0x61: {  	_ =	shalt  }
0x62: {  	_ =	shalt  }
0x63: {  	_ =	shalt  }
0x64: {  	_ =	shalt  }
0x65: {  	_ =	shalt  }
0x66: {  	_ =	shalt  }
0x67: {  	_ =	shalt  }
0x68: {  	_ =	shalt  }
0x69: {  	_ =	shalt  }
0x6a: {  	_ =	shalt  }
0x6b: {  	_ =	shalt  }
0x6c: {  	_ =	shalt  }
0x6d: {  	_ =	shalt  }
0x6e: {  	_ =	shalt  }
0x6f: {  	_ =	shalt  }
0x70: {  	_ =	shalt  }
0x71: {  	_ =	shalt  }
0x72: {  	_ =	shalt  }
0x73: {  	_ =	shalt  }
0x74: {  	_ =	shalt  }
0x75: {  	_ =	shalt  }
0x76: {  	_ =	shalt  }
0x77: {  	_ =	shalt  }
0x78: {  	_ =	shalt  }
0x79: {  	_ =	shalt  }
0x7a: {  	_ =	shalt  }
0x7b: {  	_ =	shalt  }
0x7c: {  	_ =	shalt  }
0x7d: {  	_ =	shalt  }
0x7e: {  	_ =	shalt  }
0x7f: {  	_ =	shalt  }
0x80: {  	_ =	shalt  }
0x81: {  	_ =	shalt  }
0x82: {  	_ =	shalt  }
0x83: {  	_ =	shalt  }
0x84: {  	_ =	shalt  }
0x85: {  	_ =	shalt  }
0x86: {  	_ =	shalt  }
0x87: {  	_ =	shalt  }
.Lfunc_end0:
.L_simem_size_0:
called_computation.2_lowered:
.L_overlay_start_0:
0x88: {  	s2 =	sld [smem:$0x3FD9]  }
0x89: {  	s3 =	sld [smem:$0x3FFE];
	_ =	sdelay $0x1  }
0x8a: {  	s1 =	srdreg.scid  }
0x8b: {  	s0 =	sand.u32 $0x1, s1  }
0x8c: {  	s17 =	sshll.u32 s0, $0xA;
	s2 =	sadd.s32 s3, s2  }
0x8d: {  	s2 =	sadd.s32 s2, s17  }
0x8e: {  	[smem:$0x3F9A] =	sst s2  }
0x8f: {  	_ = 	snop  }
0x90: {  	(tm) =	ssettm $0x1  }
0x91: {  	s18 =	sld [smem:$0x3FFB];
	_ =	sdelay $0x3  }
0x92: {  	_ =	strace s18  }
0x93: {  	s2 =	sld [smem:$0x3FFC];
	_ =	sdelay $0x3  }
0x94: {  	_ =	strace s2  }
0x95: {  	s2 =	sld [smem:$0x3FFD];
	_ =	sdelay $0x3  }
0x96: {  	_ =	strace s2  }
0x97: {  	_ =	strace $0x8FFFFFFF  }
0x98: {  	s19 =	sld [smem:$0x3FDB];
	_ =	sdelay $0x1  }
0x99: {  	s20 =	simm.s32 $_scs_section_size  }
0x9a: {  	s4 =	simm.s32 $_size__tile_overlayer_lowered;
	s5 =	simm.s32 $_tile_overlayer_lowered  }
0x9b: {  	s6 =	simm.s32 $0x1BFF;
	s21 =	sshll.u32 s5, $0x1;
	s3 =	sadd.s32 s20, s19  }
0x9c: {  	s22 =	simm.s32 $0x0;
	s4 =	sshll.u32 s4, $0x1;
	s5 =	sadd.s32 s21, s3  }
0x9d: {  	[timem:s22], [sflag:s6] =	dma.local [hbm:s5], s4  }
0x9e: {  	_ =	swait.ge [sflag:s6], s4  }
0x9f: {  	s4 =	ssub.s32 $0x0, s4;
	[sflag:s6] =	ssyncset.done $0x0  }
0xa0: {  	[sflag:s6] =	ssyncadd.s32 s4;
	_ =	sdelay $0x1  }
0xa1: {  	s23 =	simm.s32 $0x1B8B  }
0xa2: {  	_ =	swait.ge [sflag:s23], $0x1  }
0xa3: {  	[sflag:s23] =	ssyncset.done $0x0  }
0xa4: {  	[sflag:s23] =	ssyncadd.s32 $0xFFFFFFFF  }
0xa5: {  	s4 =	sld [smem:$0x0]  }
0xa6: {  	s5 =	sand.u32 $0xFFFFFFFE, s1  }
0xa7: {  	p0 =	sne.s32 s1, s5  }
0xa8: {  	s5 =	sshll.u32 @p0 s5, $0xE  }
0xa9: {  	s5 =	sadd.s32 @p0 $0x11B8D, s5;
	s6 =	sshll.u32 @p0 s4, $0x11  }
0xaa: {  	s5 =	sor.u32 @p0 s6, s5  }
0xab: {  	[sflag:s5] =	ssyncadd.remote.s32 @p0 $0x1;
	_ =	sdelay $0x1  }
0xac: {  	s5 =	simm.s32 @p0 $0x1B8D  }
0xad: {  	_ =	swait.eq @p0 [sflag:s5], $0x1  }
0xae: {  	[sflag:s5] =	ssyncadd.s32 @p0 $0xFFFFFFFF  }
0xaf: {  	s6 =	sshll.u32 @!p0 s1, $0xE  }
0xb0: {  	s6 =	sor.u32 @!p0 $0x4000, s6;
	s5 =	simm.s32 @!p0 $0x1B8D  }
0xb1: {  	s4 =	sshll.u32 @!p0 s4, $0x11;
	s6 =	sadd.s32 @!p0 $0x11B8D, s6;
	_ =	swait.eq @!p0 [sflag:s5], $0x1  }
0xb2: {  	s4 =	sor.u32 @!p0 s4, s6;
	[sflag:s5] =	ssyncadd.s32 @!p0 $0xFFFFFFFF  }
0xb3: {  	s25 =	simm.s32 $0x1B8E;
	s24 =	sld [smem:$0x3FFE];
	[sflag:s4] =	ssyncadd.remote.s32 @!p0 $0x1  }
0xb4: {  	s26 =	simm.s32 $execute0_lowered;
	[smem:$0x3FD2] =	sst s25  }
0xb5: {  	s5 =	sshll.u32 s26, $0x1;
	_ =	strace $0x8000004C;
	[dreg:$0x1] =	wrdreg $0xFFFFFFFF  }
0xb6: {  	s28 =	simm.s32 $_size_execute0_lowered;
	s3 =	sadd.s32 s3, s5;
	[dreg:$0x0] =	wrdreg $0x0  }
0xb7: {  	s5 =	sshll.u32 s28, $0x1;
	[dreg:$0x2] =	wrdreg s3  }
0xb8: {  	[dreg:$0x3] =	wrdreg s5  }
0xb9: {  	[dreg:$0x4] =	wrdreg $0xC0  }
0xba: {  	_ =	task [dreg:s22], $0x5FFFF  }
0xbb: {  	[dreg:$0x1] =	wrdreg $0xFFFFFFFF  }
0xbc: {  	[dreg:$0x0] =	wrdreg $0x60  }
0xbd: {  	[dreg:$0x2] =	wrdreg s24  }
0xbe: {  	[dreg:$0x3] =	wrdreg $0xCB200  }
0xbf: {  	[dreg:$0x4] =	wrdreg $0xA  }
0xc0: {  	_ =	task.clear_ibuf [dreg:s22], $0x5FFFF;
	_ =	strace $0x9000004C  }
0xc1: {  	s29 =	simm.s32 $0xA;
	_ =	strace $0x8000004E  }
0xc2: {  	_ =	swait.ge [sflag:s29], $0x1  }
0xc3: {  	[sflag:s29] =	ssyncadd.s32 $0xFFFFFFFF  }
0xc4: {  	_ =	strace $0x9000004E  }
0xc5: {  	_ =	sfence  }
0xc6: {  	s30 =	sld [smem:$0x0];
	_ =	sdelay $0x2  }
0xc7: {  	s31 =	sshll.u32 s1, $0xD;
	s1 =	sshrl.u32 s1, $0x2  }
0xc8: {  	s4 =	sand.u32 $0x4000, s31;
	s1 =	sadd.s32 s1, s30  }
0xc9: {  	s0 =	sor.u32 s4, s0;
	s1 =	sshll.u32 s1, $0x11  }
0xca: {  	s0 =	sor.u32 s1, s0  }
0xcb: {  	s0 =	sadd.s32 $0x8F2B, s0  }
0xcc: {  	[sflag:s0] =	ssyncadd.remote.s32 $0x1  }
0xcd: {  	_ =	sfence.sel $0xFFFF  }
0xce: {  	[dreg:$0x0] =	wrdreg $0xFFFFFFFF;
	(pc) =	sbr.abs _section_cstart, $3  }
0xcf: {  	[dreg:$0x1] =	wrdreg $0xFFFFFFFF  }
0xd0: {  	_ =	task.clear_ibuf [dreg:s22], $0x2FFFF;
	_ =	strace $0x9FFFFFFF  }
0xd1: {  	(tm) =	ssettm $0x7FFFFFFF  }
tec
execute0_lowered:
.L_overlay_start_1:
0x0: {  	(tag) =	ssettag $0x1  }
0x1: {  	s4 =	rddreg [dreg:$0x0]  }
0x2: {  	s2 =	rddreg [dreg:$0x1]  }
0x3: {  	s0 =	rddreg [dreg:$0x2];
	s3 =	simm.s32 $0x0;
	s1 =	stileid.u32  }
0x4: {  	s5 =	srdreg.scid;
	s17 =	simm.s32 $0x190;
	s6 =	smul.u32 $0x9C40, s1  }
0x5: {  	s18 =	simm.s32 $0x6720;
	s19 =	simm.s32 $0x1;
	s14 =	smul.u32 $0x2710, s1  }
0x6: {  	s20 =	simm.s32 $0x3;
	s7 =	sand.u32 $0x1, s5;
	s28 =	smul.u32 $0x13880, s1  }
0x7: {  	[smem:$0x7FF] =	sst s3;
	s12 =	sadd.s32 $0x2C7C00, s4;
	s5 =	smul.u32 $0x9C400, s7  }
0x8: {  	s13 =	sadd.s32 $0x16C00, s4;
	s21 =	sshll.u32 s1, $0x6;
	s10 =	smul.u32 $0x27100, s7  }
0x9: {  	_ =	strace $0x8000004D;
	s9 =	ssub.s32 $0x2, s7;
	s26 =	smul.u32 $0x138800, s7  }
0xa: {  	s8 =	sshrl.u32 s6, $0x3;
	s11 =	sshrl.u32 s9, $0x1;
	s16 =	sadd.s32 s6, s2  }
0xb: {  	s5 =	sadd.s32 s6, s5;
	s8 =	sadd.s32 s8, s4;
	s9 =	ssub.s32 s9, s11  }
0xc: {  	s22 =	sadd.s32 s14, s10;
	s14 =	sadd.s32 s26, s12;
	s5 =	sshrl.u32 s5, $0x3  }
0xd: {  	s23 =	sadd.s32 $0x2580, s22;
	s9 =	smax.u32 s9, $0x1;
	s10 =	sadd.s32 s28, s14  }
0xe: {  	s29 =	sshrl.u32 s22, $0x3;
	s30 =	sadd.s32 $0x190, s22;
	s14 =	sshrl.u32 s16, $0x3  }
0xf: {  	s16 =	simm.s32 $0x320;
	s22 =	simm.s32 $0x4;
	s15 =	sadd.s32 s5, s4  }
0x10: {  	s4 =	sadd.s32 $0x20A00, s8;
	s5 =	sor.u32 $0x1C05, s21;
	s24 =	sshrl.u32 s23, $0x3  }
0x11: {  	s25 =	sshll.u32 s23, $0x3;
	s11 =	sadd.s32 s29, s13;
	s31 =	sshll.u32 s30, $0x3  }
0x12: {  	s21 =	simm.s32 $0x2;
	s23 =	simm.s32 $0x0;
	s6 =	sadd.s32 s13, s24  }
0x13: {  	s7 =	sadd.s32 s12, s25;
	s8 =	sadd.s32 $0x538C00, s15;
	s15 =	sshrl.u32 s30, $0x3  }
0x14: {  	s12 =	sadd.s32 s31, s12;
	s13 =	sadd.s32 s15, s13;
	s15 =	simm.s32 $0x5  }
.LBB2_1:
0x15: {  	[spmem:s14], [sflag:s5] =	dma.local [hbm:s4], $0x1388  }
0x16: {  	_ =	swait.ge [sflag:s15], $0x1388  }
0x17: {  	[sflag:s15] =	ssyncset.done $0x0  }
0x18: {  	[sflag:s15] =	ssyncadd.s32 $0xFFFFEC78  }
0x19: {  	s24 =	sadd.s32 $0x0, s11;
	[bflag:$0x0] =	sbarrier.arrive $0xFFFF  }
0x1a: {  	[tilespmem:s3], [sflag:$0x1] =	stream.linear.gather [hbm4b:s24+s3], $0x190, $0x38;
	[tilespmem:$0x16760] =	vst v63  }
0x1b: {  	_ = 	snop  }
0x1c: {  	[tilespmem:s16], [sflag:$0x3] =	stream.linear.gather [hbm4b:s10+s3], $0x6400, $0x38;
	[tilespmem:$0x16760] =	vst v63  }
0x1d: {  	s31 =	sadd.s32 $0x0, s13  }
0x1e: {  	[tilespmem:s17], [sflag:$0x2] =	stream.linear.gather [hbm4b:s31+s3], $0x190, $0x38;
	[tilespmem:$0x16760] =	vst v63  }
0x1f: {  	_ = 	snop  }
0x20: {  	[tilespmem:s18], [sflag:$0x4] =	stream.linear.gather [hbm4b:s12+s3], $0x6400, $0x38;
	[tilespmem:$0x16760] =	vst v63  }
0x21: {  	_ =	swait.ge [sflag:s19], $0x190  }
0x22: {  	[sflag:s19] =	ssyncset.done $0x0  }
0x23: {  	[sflag:s19] =	ssyncadd.s32 $0xFFFFFE70  }
0x24: {  	_ =	swait.ge [sflag:s20], $0x6400  }
0x25: {  	[sflag:s20] =	ssyncset.done $0x0  }
0x26: {  	[sflag:s20] =	ssyncadd.s32 $0xFFFF9C00  }
0x27: {  	[spmem:s2] =	stream.indirect.scatter.add.f32 [tilespmem:s16], [sflag:$0x5], $0x40, s3, s17, $0xb8;
	[tilespmem:$0x16760] =	vst v63  }
0x28: {  	_ =	swait.ge [sflag:s15], $0x6400  }
0x29: {  	[sflag:s15] =	ssyncset.done $0x0  }
0x2a: {  	[sflag:s15] =	ssyncadd.s32 $0xFFFF9C00  }
0x2b: {  	_ =	swait.ge [sflag:s21], $0x190  }
0x2c: {  	[sflag:s21] =	ssyncset.done $0x0  }
0x2d: {  	[sflag:s21] =	ssyncadd.s32 $0xFFFFFE70  }
0x2e: {  	_ =	swait.ge [sflag:s22], $0x6400  }
0x2f: {  	[sflag:s22] =	ssyncset.done $0x0  }
0x30: {  	[sflag:s22] =	ssyncadd.s32 $0xFFFF9C00  }
0x31: {  	[spmem:s2] =	stream.indirect.scatter.add.f32 [tilespmem:s18], [sflag:$0x5], $0x40, s17, s17, $0xb8;
	[tilespmem:$0x16760] =	vst v63  }
0x32: {  	s28 =	simm.s32 $0xC8;
	s26 =	sadd.s32 $0x1900, s10;
	_ =	swait.ge [sflag:s15], $0x6400  }
0x33: {  	s25 =	sadd.s32 $0x1900, s12;
	s24 =	simm.s32 $0x64;
	[sflag:s15] =	ssyncset.done $0x0  }
.LBB2_2:
0x34: {  	s29 =	sadd.s32 s24, s11  }
0x35: {  	[sflag:s15] =	ssyncadd.s32 $0xFFFF9C00;
	s30 =	smov.u32 s28;
	s31 =	sadd.s32 $0x64, s28  }
0x36: {  	[tilespmem:s3], [sflag:$0x1] =	stream.linear.gather [hbm4b:s29+s3], $0x190, $0x38;
	[tilespmem:$0x16760] =	vst v63  }
0x37: {  	p0 =	sne.s32 s28, $0x44C  }
0x38: {  	[tilespmem:s16], [sflag:$0x3] =	stream.linear.gather [hbm4b:s26+s3], $0x6400, $0x38;
	[tilespmem:$0x16760] =	vst v63  }
0x39: {  	s28 =	sadd.s32 s24, s13;
	s24 =	smov.u32 s30  }
0x3a: {  	[tilespmem:s17], [sflag:$0x2] =	stream.linear.gather [hbm4b:s28+s3], $0x190, $0x38;
	[tilespmem:$0x16760] =	vst v63  }
0x3b: {  	_ = 	snop  }
0x3c: {  	[tilespmem:s18], [sflag:$0x4] =	stream.linear.gather [hbm4b:s25+s3], $0x6400, $0x38;
	[tilespmem:$0x16760] =	vst v63  }
0x3d: {  	_ =	swait.ge [sflag:s19], $0x190  }
0x3e: {  	[sflag:s19] =	ssyncset.done $0x0  }
0x3f: {  	[sflag:s19] =	ssyncadd.s32 $0xFFFFFE70  }
0x40: {  	_ =	swait.ge [sflag:s20], $0x6400  }
0x41: {  	[sflag:s20] =	ssyncset.done $0x0  }
0x42: {  	[sflag:s20] =	ssyncadd.s32 $0xFFFF9C00  }
0x43: {  	[spmem:s2] =	stream.indirect.scatter.add.f32 [tilespmem:s16], [sflag:$0x5], $0x40, s3, s17, $0xb8;
	[tilespmem:$0x16760] =	vst v63  }
0x44: {  	_ =	swait.ge [sflag:s15], $0x6400  }
0x45: {  	[sflag:s15] =	ssyncset.done $0x0  }
0x46: {  	[sflag:s15] =	ssyncadd.s32 $0xFFFF9C00  }
0x47: {  	_ =	swait.ge [sflag:s21], $0x190  }
0x48: {  	[sflag:s21] =	ssyncset.done $0x0  }
0x49: {  	[sflag:s21] =	ssyncadd.s32 $0xFFFFFE70  }
0x4a: {  	_ =	swait.ge [sflag:s22], $0x6400  }
.Ltmp0:
0x4b: {  	[sflag:s22] =	ssyncset.done $0x0;
	(pc) =	sbr.rel @p0 .LBB2_2-.Ltmp0, $4  }
0x4c: {  	[sflag:s22] =	ssyncadd.s32 $0xFFFF9C00  }
0x4d: {  	[spmem:s2] =	stream.indirect.scatter.add.f32 [tilespmem:s18], [sflag:$0x5], $0x40, s17, s17, $0xb8;
	[tilespmem:$0x16760] =	vst v63  }
0x4e: {  	s26 =	sadd.s32 $0x1900, s26;
	_ =	swait.ge [sflag:s15], $0x6400  }
0x4f: {  	s28 =	smov.u32 s31;
	s25 =	sadd.s32 $0x1900, s25;
	[sflag:s15] =	ssyncset.done $0x0  }
0x50: {  	s28 =	sadd.s32 s24, s11;
	[sflag:s15] =	ssyncadd.s32 $0xFFFF9C00  }
0x51: {  	[tilespmem:s3], [sflag:$0x1] =	stream.linear.gather [hbm4b:s28+s3], $0x190, $0x38;
	[tilespmem:$0x16760] =	vst v63  }
0x52: {  	_ = 	snop  }
0x53: {  	[tilespmem:s16], [sflag:$0x3] =	stream.linear.gather [hbm4b:s26+s3], $0x6400, $0x38;
	[tilespmem:$0x16760] =	vst v63  }
0x54: {  	s31 =	sadd.s32 s24, s13  }
0x55: {  	[tilespmem:s17], [sflag:$0x2] =	stream.linear.gather [hbm4b:s31+s3], $0x190, $0x38;
	[tilespmem:$0x16760] =	vst v63  }
0x56: {  	_ = 	snop  }
0x57: {  	[tilespmem:s18], [sflag:$0x4] =	stream.linear.gather [hbm4b:s25+s3], $0x6400, $0x38;
	[tilespmem:$0x16760] =	vst v63  }
0x58: {  	_ =	swait.ge [sflag:s19], $0x190  }
0x59: {  	[sflag:s19] =	ssyncset.done $0x0  }
0x5a: {  	[sflag:s19] =	ssyncadd.s32 $0xFFFFFE70  }
0x5b: {  	_ =	swait.ge [sflag:s20], $0x6400  }
0x5c: {  	[sflag:s20] =	ssyncset.done $0x0  }
0x5d: {  	[sflag:s20] =	ssyncadd.s32 $0xFFFF9C00  }
0x5e: {  	[spmem:s2] =	stream.indirect.scatter.add.f32 [tilespmem:s16], [sflag:$0x5], $0x40, s3, s17, $0xb8;
	[tilespmem:$0x16760] =	vst v63  }
0x5f: {  	_ =	swait.ge [sflag:s15], $0x6400  }
0x60: {  	[sflag:s15] =	ssyncset.done $0x0  }
0x61: {  	[sflag:s15] =	ssyncadd.s32 $0xFFFF9C00  }
0x62: {  	_ =	swait.ge [sflag:s21], $0x190  }
0x63: {  	[sflag:s21] =	ssyncset.done $0x0  }
0x64: {  	[sflag:s21] =	ssyncadd.s32 $0xFFFFFE70  }
0x65: {  	_ =	swait.ge [sflag:s22], $0x6400  }
0x66: {  	[sflag:s22] =	ssyncset.done $0x0  }
0x67: {  	[sflag:s22] =	ssyncadd.s32 $0xFFFF9C00  }
0x68: {  	[spmem:s2] =	stream.indirect.scatter.add.f32 [tilespmem:s18], [sflag:$0x5], $0x40, s17, s17, $0xb8;
	[tilespmem:$0x16760] =	vst v63  }
0x69: {  	_ =	swait.ge [sflag:s15], $0x6400  }
0x6a: {  	[sflag:s15] =	ssyncset.done $0x0  }
0x6b: {  	[sflag:s15] =	ssyncadd.s32 $0xFFFF9C00  }
0x6c: {  	[tilespmem:s3], [sflag:$0x1] =	stream.linear.gather [hbm4b:s6+s3], $0x190, $0x38;
	[tilespmem:$0x16760] =	vst v63  }
0x6d: {  	_ = 	snop  }
0x6e: {  	[tilespmem:s16], [sflag:$0x3] =	stream.linear.gather [hbm4b:s7+s3], $0x6400, $0x38;
	[tilespmem:$0x16760] =	vst v63  }
0x6f: {  	_ =	swait.ge [sflag:s19], $0x190  }
0x70: {  	[sflag:s19] =	ssyncset.done $0x0  }
0x71: {  	[sflag:s19] =	ssyncadd.s32 $0xFFFFFE70  }
0x72: {  	_ =	swait.ge [sflag:s20], $0x6400  }
0x73: {  	[sflag:s20] =	ssyncset.done $0x0  }
0x74: {  	[sflag:s20] =	ssyncadd.s32 $0xFFFF9C00  }
0x75: {  	[spmem:s2] =	stream.indirect.scatter.add.f32 [tilespmem:s16], [sflag:$0x5], $0x40, s3, s17, $0xb8;
	[tilespmem:$0x16760] =	vst v63  }
0x76: {  	_ =	swait.ge [sflag:s15], $0x6400  }
0x77: {  	s23 =	sadd.s32 $0x1, s23;
	[sflag:s15] =	ssyncset.done $0x0  }
0x78: {  	p0 =	sne.s32 s23, s9;
	[sflag:s15] =	ssyncadd.s32 $0xFFFF9C00  }
.Ltmp1:
0x79: {  	[bflag:$0x0] =	sbarrier.arrive $0xFFFF;
	(pc) =	sbr.rel @p0 .LBB2_1-.Ltmp1, $4  }
0x7a: {  	[hbm:s8], [sflag:s5] =	dma.local [spmem:s14], $0x1388  }
0x7b: {  	_ =	swait.ge [sflag:s15], $0x1388  }
0x7c: {  	[sflag:s15] =	ssyncset.done $0x0  }
0x7d: {  	[sflag:s15] =	ssyncadd.s32 $0xFFFFEC78  }
0x7e: {  	_ =	sfence.sel $0x180000  }
0x7f: {  	[bflag:$0x0] =	sbarrier.arrive $0xFFFF  }
0x80: {  	p0 =	sne.s32 s1, $0x0;
	_ =	strace $0x9000004D  }
0x81: {  	s0 =	sadd.s32 @!p0 $0x100000, s0;
	[bflag:$0x2] =	sbarrier.arrive $0xFFFF  }
0x82: {  	[sflag:s0] =	ssyncadd.tile.s32 @!p0 $0x1;
	_ =	shalt  }
.Lfunc_end2:
_tile_overlayer_lowered:
.L_overlay_start_2:
0x83: {  	(tag) =	ssettag $0x2  }
0x84: {  	s0 =	rddreg [dreg:$0x0];
	s2 =	stileid.u32  }
0x85: {  	s1 =	rddreg [dreg:$0x1];
	p0 =	sne.s32 s2, $0x0  }
0x86: {  	s3 =	rddreg [dreg:$0x2];
	[bflag:$0x3] =	sbarrier.arrive $0xFFFF;
	s2 =	simm.s32 @!p0 $0x1C05  }
0x87: {  	[timem:s3], [sflag:s2] =	dma.local @!p0 [hbm:s0], s1  }
0x88: {  	s0 =	simm.s32 @!p0 $0x5  }
0x89: {  	_ =	swait.ge @!p0 [sflag:s0], s1  }
0x8a: {  	s1 =	ssub.s32 @!p0 $0x0, s1;
	[sflag:s0] =	ssyncset.done @!p0 $0x0  }
0x8b: {  	[sflag:s0] =	ssyncadd.s32 @!p0 s1  }
0x8c: {  	[bflag:$0x3] =	sbarrier.arrive $0xFFFF  }
0x8d: {  	_ =	shalt  }

// kernel: kernel.26.cloned.1.call-start
scs
__scs_entry_jumppad:
0x0: {  	(pc) =	sbr.rel $0x88, $3  }
0x1: {  	(tag) =	ssettag $0x0;
	lr =	simm.s32 $0x1  }
0x2: {  	[smem:$0x3F73] =	sst lr;
	_ =	strace $0xD0000000  }
0x3: {  	_ = 	snop  }
0x4: {  	_ = 	snop  }
0x5: {  	_ = 	snop  }
0x6: {  	_ = 	snop  }
0x7: {  	_ = 	snop  }
__scs_overlays_trampoline_lowered:
0x8: {  	[smem:$0x3F82] =	sst s0  }
0x9: {  	[smem:$0x3F83] =	sst s1  }
0xa: {  	[smem:$0x3F84] =	sst s2  }
0xb: {  	[smem:$0x3F85] =	sst s3  }
0xc: {  	[smem:$0x3F86] =	sst s4  }
0xd: {  	[smem:$0x3F87] =	sst s5  }
0xe: {  	[smem:$0x3F88] =	sst s6  }
0xf: {  	[smem:$0x3F89] =	sst s7  }
0x10: {  	[smem:$0x3F8A] =	sst s8  }
0x11: {  	[smem:$0x3F8B] =	sst s9;
	s0 =	simm.s32 @!p0 $0x0  }
0x12: {  	s1 =	sld [smem:$0x3F71];
	s0 =	simm.s32 @p0 $0x1  }
0x13: {  	[smem:$0x3F8C] =	sst s0;
	s0 =	simm.s32 @!p1 $0x0  }
0x14: {  	s2 =	sld [smem:$0x3F70];
	s0 =	simm.s32 @p1 $0x1  }
0x15: {  	[smem:$0x3F8D] =	sst s0;
	s0 =	simm.s32 @!p2 $0x0  }
0x16: {  	s3 =	sld [smem:$0x3FDB];
	s0 =	simm.s32 @p2 $0x1  }
0x17: {  	s4 =	simm.s32 $0x1BF5;
	[smem:$0x3F8F] =	sst s0  }
0x18: {  	s0 =	sld [smem:$0x3F72];
	_ =	swait.ge [sflag:s4], $0x0  }
0x19: {  	s7 =	sld [smem:$0x3F73]  }
0x1a: {  	s8 =	sadd.s32 $0xFFFFE003, lr  }
0x1b: {  	s9 =	sadd.s32 $0xFFFFFEF7, lr;
	s5 =	simm.s32 $0xFFFFFFFF;
	p2 =	slt.u32 s8, $0xFFFFF086  }
0x1c: {  	p1 =	slt.u32 s9, $0xF7A;
	s5 =	simm.s32 @!p2 $0x0  }
0x1d: {  	s5 =	simm.s32 @p1 $0x1;
	p0 =	seq.s32 s7, s2  }
0x1e: {  	s7 =	smul.u32 @!p0 $0xF7A, s2;
	p2 =	seq.s32 @!p0 s5, $0x0  }
0x1f: {  	s9 =	smul.u32 $0xF7A, s1;
	s8 =	simm.s32 @!p0 $0x1BF5;
	p2 =	por !p2, p0  }
0x20: {  	[sflag:s8] =	ssyncset.s32 @!p0 $0xFFFFF086;
	s6 =	sadd.s32 @!p0 s3, s7;
	s7 =	simm.s32 @!p0 $0x108  }
0x21: {  	s3 =	sadd.s32 s3, s9;
	s6 =	sadd.s32 @!p0 $0x88, s6;
	s7 =	simm.s32 @p2 $0x1082  }
0x22: {  	[simem:s7], [sflag:s8] =	dma.local @!p0 [hbm:s6], $0xF7A  }
0x23: {  	s9 =	sor.u32 $0xD0000000, s2;
	s6 =	simm.s32 $0x108;
	_ =	swait.ge @!p0 [sflag:s8], $0x0  }
0x24: {  	s3 =	sadd.s32 $0x88, s3;
	s6 =	simm.s32 @!p1 $0x1082;
	[sflag:s4] =	ssyncset.s32 $0xFFFFF086  }
0x25: {  	[simem:s6], [sflag:s4] =	dma.local [hbm:s3], $0xF7A  }
0x26: {  	[smem:$0x3F73] =	sst s1;
	(tag) =	ssettag s2;
	_ =	strace s9  }
0x27: {  	s1 =	sld [smem:$0x3F83]  }
0x28: {  	s2 =	sld [smem:$0x3F84]  }
0x29: {  	s4 =	sld [smem:$0x3F86]  }
0x2a: {  	p0 =	seq.s32 s5, $0x0;
	s5 =	sld [smem:$0x3F87]  }
0x2b: {  	s6 =	sld [smem:$0x3F88]  }
0x2c: {  	s7 =	sld [smem:$0x3F89]  }
0x2d: {  	s3 =	simm.s32 $0x108;
	s8 =	sld [smem:$0x3F8A]  }
0x2e: {  	s3 =	simm.s32 @!p0 $0x1082;
	s9 =	sld [smem:$0x3F8B]  }
0x2f: {  	lr =	sadd.s32 s0, s3;
	s0 =	sld [smem:$0x3F82]  }
0x30: {  	s3 =	sld [smem:$0x3F85]  }
0x31: {  	[smem:$0x3F8E] =	sst s10  }
0x32: {  	s10 =	sld [smem:$0x3F8C];
	_ =	sdelay $0x3  }
0x33: {  	p0 =	seq.s32 s10, $0x1;
	s10 =	sld [smem:$0x3F8E];
	_ =	sdelay $0x3  }
0x34: {  	[smem:$0x3F8E] =	sst s10  }
0x35: {  	s10 =	sld [smem:$0x3F8D];
	_ =	sdelay $0x3  }
0x36: {  	p1 =	seq.s32 s10, $0x1;
	s10 =	sld [smem:$0x3F8E];
	_ =	sdelay $0x3  }
0x37: {  	[smem:$0x3F8E] =	sst s10  }
0x38: {  	s10 =	sld [smem:$0x3F8F]  }
0x39: {  	_ = 	snop;
	(pc) =	sbr.ind lr, $3  }
0x3a: {  	_ = 	snop  }
0x3b: {  	_ = 	snop  }
0x3c: {  	p2 =	seq.s32 s10, $0x1;
	s10 =	sld [smem:$0x3F8E]  }
0x3d: {  	_ =	shalt  }
0x3e: {  	_ =	shalt  }
0x3f: {  	_ =	shalt  }
0x40: {  	_ =	shalt  }
0x41: {  	_ =	shalt  }
0x42: {  	_ =	shalt  }
0x43: {  	_ =	shalt  }
0x44: {  	_ =	shalt  }
0x45: {  	_ =	shalt  }
0x46: {  	_ =	shalt  }
0x47: {  	_ =	shalt  }
0x48: {  	_ =	shalt  }
0x49: {  	_ =	shalt  }
0x4a: {  	_ =	shalt  }
0x4b: {  	_ =	shalt  }
0x4c: {  	_ =	shalt  }
0x4d: {  	_ =	shalt  }
0x4e: {  	_ =	shalt  }
0x4f: {  	_ =	shalt  }
0x50: {  	_ =	shalt  }
0x51: {  	_ =	shalt  }
0x52: {  	_ =	shalt  }
0x53: {  	_ =	shalt  }
0x54: {  	_ =	shalt  }
0x55: {  	_ =	shalt  }
0x56: {  	_ =	shalt  }
0x57: {  	_ =	shalt  }
0x58: {  	_ =	shalt  }
0x59: {  	_ =	shalt  }
0x5a: {  	_ =	shalt  }
0x5b: {  	_ =	shalt  }
0x5c: {  	_ =	shalt  }
0x5d: {  	_ =	shalt  }
0x5e: {  	_ =	shalt  }
0x5f: {  	_ =	shalt  }
0x60: {  	_ =	shalt  }
0x61: {  	_ =	shalt  }
0x62: {  	_ =	shalt  }
0x63: {  	_ =	shalt  }
0x64: {  	_ =	shalt  }
0x65: {  	_ =	shalt  }
0x66: {  	_ =	shalt  }
0x67: {  	_ =	shalt  }
0x68: {  	_ =	shalt  }
0x69: {  	_ =	shalt  }
0x6a: {  	_ =	shalt  }
0x6b: {  	_ =	shalt  }
0x6c: {  	_ =	shalt  }
0x6d: {  	_ =	shalt  }
0x6e: {  	_ =	shalt  }
0x6f: {  	_ =	shalt  }
0x70: {  	_ =	shalt  }
0x71: {  	_ =	shalt  }
0x72: {  	_ =	shalt  }
0x73: {  	_ =	shalt  }
0x74: {  	_ =	shalt  }
0x75: {  	_ =	shalt  }
0x76: {  	_ =	shalt  }
0x77: {  	_ =	shalt  }
0x78: {  	_ =	shalt  }
0x79: {  	_ =	shalt  }
0x7a: {  	_ =	shalt  }
0x7b: {  	_ =	shalt  }
0x7c: {  	_ =	shalt  }
0x7d: {  	_ =	shalt  }
0x7e: {  	_ =	shalt  }
0x7f: {  	_ =	shalt  }
0x80: {  	_ =	shalt  }
0x81: {  	_ =	shalt  }
0x82: {  	_ =	shalt  }
0x83: {  	_ =	shalt  }
0x84: {  	_ =	shalt  }
0x85: {  	_ =	shalt  }
0x86: {  	_ =	shalt  }
0x87: {  	_ =	shalt  }
.Lfunc_end0:
.L_simem_size_0:
called_computation.3_lowered:
.L_overlay_start_0:
0x88: {  	s2 =	sld [smem:$0x3FD9]  }
0x89: {  	s3 =	sld [smem:$0x3FFE];
	_ =	sdelay $0x1  }
0x8a: {  	s1 =	srdreg.scid  }
0x8b: {  	s0 =	sand.u32 $0x1, s1  }
0x8c: {  	s17 =	sshll.u32 s0, $0xA;
	s2 =	sadd.s32 s3, s2  }
0x8d: {  	s2 =	sadd.s32 s2, s17  }
0x8e: {  	[smem:$0x3F9A] =	sst s2  }
0x8f: {  	_ = 	snop  }
0x90: {  	s18 =	sld [smem:$0x3FD0];
	(tm) =	ssettm $0x1  }
0x91: {  	s19 =	sld [smem:$0x3FFB];
	_ =	sdelay $0x3  }
0x92: {  	_ =	strace s19  }
0x93: {  	s2 =	sld [smem:$0x3FFC];
	_ =	sdelay $0x3  }
0x94: {  	_ =	strace s2  }
0x95: {  	s2 =	sld [smem:$0x3FFD];
	_ =	sdelay $0x3  }
0x96: {  	_ =	strace s2  }
0x97: {  	_ =	strace $0x8FFFFFFF  }
0x98: {  	s20 =	sld [smem:$0x3FDB];
	_ =	sdelay $0x1  }
0x99: {  	s4 =	simm.s32 $_scs_section_size  }
0x9a: {  	s5 =	simm.s32 $_size__tile_overlayer_lowered;
	s6 =	simm.s32 $_tile_overlayer_lowered  }
0x9b: {  	s7 =	simm.s32 $0x1BFF;
	s21 =	sshll.u32 s6, $0x1;
	s4 =	sadd.s32 s4, s20  }
0x9c: {  	s22 =	simm.s32 $0x0;
	s5 =	sshll.u32 s5, $0x1;
	s6 =	sadd.s32 s21, s4  }
0x9d: {  	[timem:s22], [sflag:s7] =	dma.local [hbm:s6], s5  }
0x9e: {  	_ =	swait.ge [sflag:s7], s5  }
0x9f: {  	s5 =	ssub.s32 $0x0, s5;
	[sflag:s7] =	ssyncset.done $0x0  }
0xa0: {  	[sflag:s7] =	ssyncadd.s32 s5;
	_ =	sdelay $0x1  }
0xa1: {  	s23 =	simm.s32 $0x1B8B  }
0xa2: {  	_ =	swait.ge [sflag:s23], $0x1  }
0xa3: {  	[sflag:s23] =	ssyncset.done $0x0  }
0xa4: {  	[sflag:s23] =	ssyncadd.s32 $0xFFFFFFFF  }
0xa5: {  	s5 =	sld [smem:$0x0]  }
0xa6: {  	s6 =	sand.u32 $0xFFFFFFFE, s1  }
0xa7: {  	p0 =	sne.s32 s1, s6  }
0xa8: {  	s6 =	sshll.u32 @p0 s6, $0xE  }
0xa9: {  	s6 =	sadd.s32 @p0 $0x11B8D, s6;
	s7 =	sshll.u32 @p0 s5, $0x11  }
0xaa: {  	s6 =	sor.u32 @p0 s7, s6  }
0xab: {  	[sflag:s6] =	ssyncadd.remote.s32 @p0 $0x1;
	_ =	sdelay $0x1  }
0xac: {  	s6 =	simm.s32 @p0 $0x1B8D  }
0xad: {  	_ =	swait.eq @p0 [sflag:s6], $0x1  }
0xae: {  	[sflag:s6] =	ssyncadd.s32 @p0 $0xFFFFFFFF  }
0xaf: {  	s7 =	sshll.u32 @!p0 s1, $0xE  }
0xb0: {  	s7 =	sor.u32 @!p0 $0x4000, s7;
	s6 =	simm.s32 @!p0 $0x1B8D  }
0xb1: {  	s5 =	sshll.u32 @!p0 s5, $0x11;
	s7 =	sadd.s32 @!p0 $0x11B8D, s7;
	_ =	swait.eq @!p0 [sflag:s6], $0x1  }
0xb2: {  	s5 =	sor.u32 @!p0 s5, s7;
	[sflag:s6] =	ssyncadd.s32 @!p0 $0xFFFFFFFF  }
0xb3: {  	s25 =	simm.s32 $0x1B8E;
	s24 =	sld [smem:$0x3FFE];
	[sflag:s5] =	ssyncadd.remote.s32 @!p0 $0x1  }
0xb4: {  	s26 =	simm.s32 $execute0_lowered;
	[smem:$0x3FD2] =	sst s25  }
0xb5: {  	s6 =	sshll.u32 s26, $0x1;
	_ =	strace $0x8000004F;
	[dreg:$0x1] =	wrdreg $0xFFFFFFFF  }
0xb6: {  	s28 =	simm.s32 $_size_execute0_lowered;
	s4 =	sadd.s32 s4, s6;
	[dreg:$0x0] =	wrdreg $0x0  }
0xb7: {  	s6 =	sshll.u32 s28, $0x1;
	[dreg:$0x2] =	wrdreg s4  }
0xb8: {  	[dreg:$0x3] =	wrdreg s6  }
0xb9: {  	[dreg:$0x4] =	wrdreg $0xC0  }
0xba: {  	_ =	task [dreg:s22], $0x5FFFF  }
0xbb: {  	[dreg:$0x1] =	wrdreg $0xFFFFFFFF  }
0xbc: {  	[dreg:$0x0] =	wrdreg $0x60  }
0xbd: {  	[dreg:$0x2] =	wrdreg s18  }
0xbe: {  	[dreg:$0x3] =	wrdreg s24  }
0xbf: {  	[dreg:$0x4] =	wrdreg $0x9  }
0xc0: {  	_ =	task.clear_ibuf [dreg:s22], $0x5FFFF;
	_ =	strace $0x9000004F  }
0xc1: {  	s29 =	simm.s32 $0x9;
	_ =	strace $0x80000051  }
0xc2: {  	_ =	swait.ge [sflag:s29], $0x1  }
0xc3: {  	[sflag:s29] =	ssyncadd.s32 $0xFFFFFFFF  }
0xc4: {  	_ =	strace $0x90000051  }
0xc5: {  	_ =	sfence  }
0xc6: {  	s30 =	sld [smem:$0x0];
	_ =	sdelay $0x2  }
0xc7: {  	s31 =	sshll.u32 s1, $0xD;
	s1 =	sshrl.u32 s1, $0x2  }
0xc8: {  	s4 =	sand.u32 $0x4000, s31;
	s1 =	sadd.s32 s1, s30  }
0xc9: {  	s0 =	sor.u32 s4, s0;
	s1 =	sshll.u32 s1, $0x11  }
0xca: {  	s0 =	sor.u32 s1, s0  }
0xcb: {  	s0 =	sadd.s32 $0x8F2B, s0  }
0xcc: {  	[sflag:s0] =	ssyncadd.remote.s32 $0x1  }
0xcd: {  	_ =	sfence.sel $0xFFFF  }
0xce: {  	[dreg:$0x0] =	wrdreg $0xFFFFFFFF;
	(pc) =	sbr.abs _section_cstart, $3  }
0xcf: {  	[dreg:$0x1] =	wrdreg $0xFFFFFFFF  }
0xd0: {  	_ =	task.clear_ibuf [dreg:s22], $0x2FFFF;
	_ =	strace $0x9FFFFFFF  }
0xd1: {  	(tm) =	ssettm $0x7FFFFFFF  }
tec
execute0_lowered:
.L_overlay_start_1:
0x0: {  	(tag) =	ssettag $0x1  }
0x1: {  	s2 =	rddreg [dreg:$0x0];
	s0 =	srdreg.scid  }
0x2: {  	s3 =	stileid.u32;
	s1 =	rddreg [dreg:$0x1];
	s11 =	simm.s32 $0x7  }
0x3: {  	s12 =	simm.s32 $0x2710;
	s13 =	simm.s32 $0x190;
	s14 =	simm.s32 $0x4E20  }
0x4: {  	s15 =	simm.s32 $0xB220;
	s16 =	simm.s32 $0x11620;
	s17 =	simm.s32 $0x17A20  }
0x5: {  	s18 =	simm.s32 $0x1;
	s19 =	simm.s32 $0x2;
	s20 =	simm.s32 $0x3  }
0x6: {  	s21 =	simm.s32 $0x4;
	s22 =	simm.s32 $0x5;
	s23 =	simm.s32 $0x6  }
0x7: {  	s24 =	simm.s32 $0x2580;
	s0 =	sand.u32 $0x1, s0;
	s4 =	sshll.u32 s3, $0x1  }
0x8: {  	s25 =	simm.s32 $0x4C90;
	s26 =	simm.s32 $0x0;
	s5 =	sor.u32 s0, s4  }
0x9: {  	s3 =	simm.s32 $0x0;
	s0 =	ssub.s32 $0x2, s0;
	s4 =	smul.u32 $0x2710, s5  }
0xa: {  	[smem:$0x7FF] =	sst s3;
	s7 =	smul.u32 $0x9C400, s5;
	s9 =	sshrl.u32 s0, $0x1  }
0xb: {  	_ =	strace $0x80000050;
	s0 =	ssub.s32 s0, s9;
	s6 =	sshrl.u32 s4, $0x3  }
0xc: {  	s31 =	sshrl.u32 s7, $0x3;
	s8 =	sadd.s32 s6, s1;
	s6 =	sadd.s32 $0x47E00, s1  }
0xd: {  	s5 =	sadd.s32 $0x34400, s1;
	s10 =	smax.u32 s0, $0x1;
	s1 =	sadd.s32 s6, s31  }
0xe: {  	s7 =	sadd.s32 $0xCE00, s8;
	s8 =	sadd.s32 $0x16C00, s8;
	s9 =	sadd.s32 $0x12C00, s1  }
.LBB2_1:
0xf: {  	[tilespmem:s3], [sflag:$0x7] =	stream.linear.gather [hbm4b:s7+s3], $0x2710, $0x38;
	[tilespmem:$0x1DE20] =	vst v63  }
0x10: {  	_ =	swait.ge [sflag:s11], $0x2710  }
0x11: {  	[sflag:s11] =	ssyncset.done $0x0  }
0x12: {  	[sflag:s11] =	ssyncadd.s32 $0xFFFFD8F0  }
0x13: {  	[tilespmem:s12], [sflag:$0x7] =	stream.linear.gather [hbm4b:s8+s3], $0x2710, $0x38;
	[tilespmem:$0x1DE20] =	vst v63  }
0x14: {  	_ =	swait.ge [sflag:s11], $0x2710  }
0x15: {  	[sflag:s11] =	ssyncset.done $0x0  }
0x16: {  	s28 =	simm.s32 $0x0;
	[sflag:s11] =	ssyncadd.s32 $0xFFFFD8F0  }
.LBB2_2:
0x17: {  	s30 =	smul.u32 $0x320, s28;
	_ =	sdelay $0x1  }
0x18: {  	[tilespmem:s14], [sflag:$0x1] =	stream.indirect.gather [hbm4b:s2+s13], $0x40, s30, s13, $0xb8;
	[tilespmem:$0x1DE20] =	vst v63  }
0x19: {  	s0 =	sadd.s32 $0x2710, s30  }
0x1a: {  	[tilespmem:s15], [sflag:$0x2] =	stream.indirect.gather [hbm4b:s5+s13], $0x40, s0, s13, $0xb8;
	[tilespmem:$0x1DE20] =	vst v63  }
0x1b: {  	s29 =	sadd.s32 $0x190, s30  }
0x1c: {  	[tilespmem:s16], [sflag:$0x3] =	stream.indirect.gather [hbm4b:s2+s13], $0x40, s29, s13, $0xb8;
	[tilespmem:$0x1DE20] =	vst v63  }
0x1d: {  	s1 =	sadd.s32 $0x28A0, s30  }
0x1e: {  	[tilespmem:s17], [sflag:$0x4] =	stream.indirect.gather [hbm4b:s5+s13], $0x40, s1, s13, $0xb8;
	[tilespmem:$0x1DE20] =	vst v63  }
0x1f: {  	_ =	swait.ge [sflag:s18], $0x6400  }
0x20: {  	[sflag:s18] =	ssyncset.done $0x0  }
0x21: {  	[sflag:s18] =	ssyncadd.s32 $0xFFFF9C00  }
0x22: {  	_ =	swait.ge [sflag:s19], $0x6400  }
0x23: {  	[sflag:s19] =	ssyncset.done $0x0  }
0x24: {  	s31 =	simm.s32 $0x0;
	[sflag:s19] =	ssyncadd.s32 $0xFFFF9C00  }
0x25: {  	v1 =	vld [tilespmem:s31+$0xB250]  }
0x26: {  	v2 =	vld [tilespmem:s31+$0xB220]  }
0x27: {  	v3 =	vld [tilespmem:s31+$0xB230]  }
0x28: {  	v0 =	vld [tilespmem:s31+$0xB240];
	_ =	sdelay $0x1  }
0x29: {  	[tilespmem:s31+$0x4E50] =	vst.add.f32.msk $0xffff, v1  }
0x2a: {  	[tilespmem:s31+$0x4E20] =	vst.add.f32.msk $0xffff, v2  }
0x2b: {  	s0 =	simm.s32 $0x200;
	s1 =	simm.s32 $0x40;
	[tilespmem:s31+$0x4E30] =	vst.add.f32.msk $0xffff, v3  }
.LBB2_3:
0x2c: {  	p0 =	sne.s32 s0, $0x18F00;
	v1 =	vld [tilespmem:s1+$0xB250];
	v2 =	vmov v0  }
0x2d: {  	v3 =	vld [tilespmem:s1+$0xB220]  }
0x2e: {  	v4 =	vld [tilespmem:s1+$0xB230]  }
.Ltmp0:
0x2f: {  	v0 =	vld [tilespmem:s1+$0xB240];
	(pc) =	sbr.rel @p0 .LBB2_3-.Ltmp0, $4  }
0x30: {  	[tilespmem:s31+$0x4E40] =	vst.add.f32.msk $0xffff, v2;
	s31 =	smov.u32 s1  }
0x31: {  	[tilespmem:s31+$0x4E50] =	vst.add.f32.msk $0xffff, v1  }
0x32: {  	[tilespmem:s31+$0x4E20] =	vst.add.f32.msk $0xffff, v3  }
0x33: {  	s1 =	sshra.s32 s0, $0x2;
	s0 =	sadd.s32 $0x100, s0;
	[tilespmem:s31+$0x4E30] =	vst.add.f32.msk $0xffff, v4  }
0x34: {  	v1 =	vld [tilespmem:s1+$0xB250]  }
0x35: {  	v2 =	vld [tilespmem:s1+$0xB220]  }
0x36: {  	v3 =	vld [tilespmem:s1+$0xB230]  }
0x37: {  	v4 =	vld [tilespmem:s1+$0xB240]  }
0x38: {  	[tilespmem:s31+$0x4E40] =	vst.add.f32.msk $0xffff, v0  }
0x39: {  	[tilespmem:s1+$0x4E50] =	vst.add.f32.msk $0xffff, v1  }
0x3a: {  	s0 =	sadd.s32 s4, s30;
	[tilespmem:s1+$0x4E20] =	vst.add.f32.msk $0xffff, v2  }
0x3b: {  	s0 =	sshll.u32 s0, $0x3;
	[tilespmem:s1+$0x4E30] =	vst.add.f32.msk $0xffff, v3  }
0x3c: {  	s0 =	sadd.s32 s6, s0;
	[tilespmem:s1+$0x4E40] =	vst.add.f32.msk $0xffff, v4;
	s1 =	simm.s32 $0x0  }
0x3d: {  	[hbm4b:s0+s1] =	stream.linear.scatter [tilespmem:s14], [sflag:$0x5], $0x6400, $0x38;
	[tilespmem:$0x1DE20] =	vst v63  }
0x3e: {  	_ =	swait.ge [sflag:s20], $0x6400  }
0x3f: {  	[sflag:s20] =	ssyncset.done $0x0  }
0x40: {  	[sflag:s20] =	ssyncadd.s32 $0xFFFF9C00  }
0x41: {  	_ =	swait.ge [sflag:s21], $0x6400  }
0x42: {  	[sflag:s21] =	ssyncset.done $0x0  }
0x43: {  	s30 =	simm.s32 $0x0;
	[sflag:s21] =	ssyncadd.s32 $0xFFFF9C00  }
0x44: {  	v1 =	vld [tilespmem:s30+$0x17A50]  }
0x45: {  	v2 =	vld [tilespmem:s30+$0x17A20]  }
0x46: {  	v3 =	vld [tilespmem:s30+$0x17A30]  }
0x47: {  	v0 =	vld [tilespmem:s30+$0x17A40];
	_ =	sdelay $0x1  }
0x48: {  	[tilespmem:s30+$0x11650] =	vst.add.f32.msk $0xffff, v1  }
0x49: {  	[tilespmem:s30+$0x11620] =	vst.add.f32.msk $0xffff, v2  }
0x4a: {  	s31 =	simm.s32 $0x40;
	s0 =	simm.s32 $0x200;
	[tilespmem:s30+$0x11630] =	vst.add.f32.msk $0xffff, v3  }
.LBB2_5:
0x4b: {  	p0 =	sne.s32 s0, $0x18F00;
	v1 =	vld [tilespmem:s31+$0x17A50];
	v2 =	vmov v0  }
0x4c: {  	v3 =	vld [tilespmem:s31+$0x17A20]  }
0x4d: {  	v4 =	vld [tilespmem:s31+$0x17A30]  }
.Ltmp1:
0x4e: {  	v0 =	vld [tilespmem:s31+$0x17A40];
	(pc) =	sbr.rel @p0 .LBB2_5-.Ltmp1, $4  }
0x4f: {  	[tilespmem:s30+$0x11640] =	vst.add.f32.msk $0xffff, v2;
	s30 =	smov.u32 s31  }
0x50: {  	[tilespmem:s30+$0x11650] =	vst.add.f32.msk $0xffff, v1  }
0x51: {  	[tilespmem:s30+$0x11620] =	vst.add.f32.msk $0xffff, v3  }
0x52: {  	s31 =	sshra.s32 s0, $0x2;
	s0 =	sadd.s32 $0x100, s0;
	[tilespmem:s30+$0x11630] =	vst.add.f32.msk $0xffff, v4  }
0x53: {  	v1 =	vld [tilespmem:s31+$0x17A50]  }
0x54: {  	v2 =	vld [tilespmem:s31+$0x17A20]  }
0x55: {  	v3 =	vld [tilespmem:s31+$0x17A30]  }
0x56: {  	v4 =	vld [tilespmem:s31+$0x17A40]  }
0x57: {  	[tilespmem:s30+$0x11640] =	vst.add.f32.msk $0xffff, v0  }
0x58: {  	s0 =	sadd.s32 s4, s29;
	[tilespmem:s31+$0x11650] =	vst.add.f32.msk $0xffff, v1  }
0x59: {  	s0 =	sshll.u32 s0, $0x3;
	[tilespmem:s31+$0x11620] =	vst.add.f32.msk $0xffff, v2  }
0x5a: {  	s0 =	sand.u32 $0x1FFFFF80, s0;
	[tilespmem:s31+$0x11630] =	vst.add.f32.msk $0xffff, v3  }
0x5b: {  	s28 =	sadd.s32 $0x1, s28;
	s0 =	sadd.s32 s6, s0;
	[tilespmem:s31+$0x11640] =	vst.add.f32.msk $0xffff, v4  }
0x5c: {  	[hbm4b:s0+s3] =	stream.linear.scatter [tilespmem:s16], [sflag:$0x6], $0x6400, $0x38;
	[tilespmem:$0x1DE20] =	vst v63  }
0x5d: {  	p0 =	sne.s32 s28, $0xC;
	_ =	swait.ge [sflag:s22], $0x6400  }
.Ltmp2:
0x5e: {  	[sflag:s22] =	ssyncset.done $0x0;
	(pc) =	sbr.rel @p0 .LBB2_2-.Ltmp2, $4  }
0x5f: {  	[sflag:s22] =	ssyncadd.s32 $0xFFFF9C00  }
0x60: {  	_ =	swait.ge [sflag:s23], $0x6400  }
0x61: {  	[sflag:s23] =	ssyncset.done $0x0  }
0x62: {  	[sflag:s23] =	ssyncadd.s32 $0xFFFF9C00  }
0x63: {  	[tilespmem:s14], [sflag:$0x1] =	stream.indirect.gather [hbm4b:s2+s13], $0x40, s24, s13, $0xb8;
	[tilespmem:$0x1DE20] =	vst v63  }
0x64: {  	_ = 	snop  }
0x65: {  	[tilespmem:s15], [sflag:$0x2] =	stream.indirect.gather [hbm4b:s5+s13], $0x40, s25, s13, $0xb8;
	[tilespmem:$0x1DE20] =	vst v63  }
0x66: {  	_ =	swait.ge [sflag:s18], $0x6400  }
0x67: {  	[sflag:s18] =	ssyncset.done $0x0  }
0x68: {  	[sflag:s18] =	ssyncadd.s32 $0xFFFF9C00  }
0x69: {  	_ =	swait.ge [sflag:s19], $0x6400  }
0x6a: {  	[sflag:s19] =	ssyncset.done $0x0  }
0x6b: {  	s28 =	simm.s32 $0x0;
	[sflag:s19] =	ssyncadd.s32 $0xFFFF9C00  }
0x6c: {  	v1 =	vld [tilespmem:s28+$0xB250]  }
0x6d: {  	v2 =	vld [tilespmem:s28+$0xB220]  }
0x6e: {  	v3 =	vld [tilespmem:s28+$0xB230]  }
0x6f: {  	v0 =	vld [tilespmem:s28+$0xB240];
	_ =	sdelay $0x1  }
0x70: {  	[tilespmem:s28+$0x4E50] =	vst.add.f32.msk $0xffff, v1  }
0x71: {  	[tilespmem:s28+$0x4E20] =	vst.add.f32.msk $0xffff, v2  }
0x72: {  	s1 =	simm.s32 $0x40;
	s0 =	simm.s32 $0x200;
	[tilespmem:s28+$0x4E30] =	vst.add.f32.msk $0xffff, v3  }
.LBB2_8:
0x73: {  	p0 =	sne.s32 s0, $0x18F00;
	v1 =	vld [tilespmem:s1+$0xB250];
	v2 =	vmov v0  }
0x74: {  	v3 =	vld [tilespmem:s1+$0xB220]  }
0x75: {  	v4 =	vld [tilespmem:s1+$0xB230]  }
.Ltmp3:
0x76: {  	v0 =	vld [tilespmem:s1+$0xB240];
	(pc) =	sbr.rel @p0 .LBB2_8-.Ltmp3, $4  }
0x77: {  	[tilespmem:s28+$0x4E40] =	vst.add.f32.msk $0xffff, v2;
	s28 =	smov.u32 s1  }
0x78: {  	[tilespmem:s28+$0x4E50] =	vst.add.f32.msk $0xffff, v1  }
0x79: {  	[tilespmem:s28+$0x4E20] =	vst.add.f32.msk $0xffff, v3  }
0x7a: {  	s1 =	sshra.s32 s0, $0x2;
	s0 =	sadd.s32 $0x100, s0;
	[tilespmem:s28+$0x4E30] =	vst.add.f32.msk $0xffff, v4  }
0x7b: {  	v1 =	vld [tilespmem:s1+$0xB250]  }
0x7c: {  	v2 =	vld [tilespmem:s1+$0xB220]  }
0x7d: {  	v3 =	vld [tilespmem:s1+$0xB230]  }
0x7e: {  	v4 =	vld [tilespmem:s1+$0xB240]  }
0x7f: {  	[tilespmem:s28+$0x4E40] =	vst.add.f32.msk $0xffff, v0  }
0x80: {  	[tilespmem:s1+$0x4E50] =	vst.add.f32.msk $0xffff, v1  }
0x81: {  	s26 =	sadd.s32 $0x1, s26;
	[tilespmem:s1+$0x4E20] =	vst.add.f32.msk $0xffff, v2  }
0x82: {  	p0 =	sne.s32 s26, s10;
	[tilespmem:s1+$0x4E30] =	vst.add.f32.msk $0xffff, v3  }
.Ltmp4:
0x83: {  	[tilespmem:s1+$0x4E40] =	vst.add.f32.msk $0xffff, v4;
	(pc) =	sbr.rel @p0 .LBB2_1-.Ltmp4, $4  }
0x84: {  	[hbm4b:s9+s3] =	stream.linear.scatter [tilespmem:s14], [sflag:$0x7], $0x6400, $0x38;
	[tilespmem:$0x1DE20] =	vst v63  }
0x85: {  	_ =	swait.ge [sflag:s11], $0x6400  }
0x86: {  	[sflag:s11] =	ssyncset.done $0x0  }
0x87: {  	[sflag:s11] =	ssyncadd.s32 $0xFFFF9C00  }
0x88: {  	_ =	sfence.sel $0x180000  }
0x89: {  	[bflag:$0x0] =	sbarrier.arrive $0xFFFF  }
0x8a: {  	_ =	strace $0x90000050  }
0x8b: {  	s0 =	stileid.u32;
	[bflag:$0x2] =	sbarrier.arrive $0xFFFF  }
0x8c: {  	p0 =	sne.s32 s0, $0x0;
	s0 =	rddreg [dreg:$0x2]  }
0x8d: {  	s0 =	sadd.s32 @!p0 $0x100000, s0  }
0x8e: {  	[sflag:s0] =	ssyncadd.tile.s32 @!p0 $0x1;
	_ =	shalt  }
.Lfunc_end2:
_tile_overlayer_lowered:
.L_overlay_start_2:
0x8f: {  	(tag) =	ssettag $0x2  }
0x90: {  	s0 =	rddreg [dreg:$0x0];
	s2 =	stileid.u32  }
0x91: {  	s1 =	rddreg [dreg:$0x1];
	p0 =	sne.s32 s2, $0x0  }
0x92: {  	s3 =	rddreg [dreg:$0x2];
	[bflag:$0x3] =	sbarrier.arrive $0xFFFF;
	s2 =	simm.s32 @!p0 $0x1C07  }
0x93: {  	[timem:s3], [sflag:s2] =	dma.local @!p0 [hbm:s0], s1  }
0x94: {  	s0 =	simm.s32 @!p0 $0x7  }
0x95: {  	_ =	swait.ge @!p0 [sflag:s0], s1  }
0x96: {  	s1 =	ssub.s32 @!p0 $0x0, s1;
	[sflag:s0] =	ssyncset.done @!p0 $0x0  }
0x97: {  	[sflag:s0] =	ssyncadd.s32 @!p0 s1  }
0x98: {  	[bflag:$0x3] =	sbarrier.arrive $0xFFFF  }
0x99: {  	_ =	shalt  }

// kernel: kernel.29.cloned.1.call-start
scs
__scs_entry_jumppad:
0x0: {  	(pc) =	sbr.rel $0x88, $3  }
0x1: {  	(tag) =	ssettag $0x0;
	lr =	simm.s32 $0x1  }
0x2: {  	[smem:$0x3F73] =	sst lr;
	_ =	strace $0xD0000000  }
0x3: {  	_ = 	snop  }
0x4: {  	_ = 	snop  }
0x5: {  	_ = 	snop  }
0x6: {  	_ = 	snop  }
0x7: {  	_ = 	snop  }
__scs_overlays_trampoline_lowered:
0x8: {  	[smem:$0x3F82] =	sst s0  }
0x9: {  	[smem:$0x3F83] =	sst s1  }
0xa: {  	[smem:$0x3F84] =	sst s2  }
0xb: {  	[smem:$0x3F85] =	sst s3  }
0xc: {  	[smem:$0x3F86] =	sst s4  }
0xd: {  	[smem:$0x3F87] =	sst s5  }
0xe: {  	[smem:$0x3F88] =	sst s6  }
0xf: {  	[smem:$0x3F89] =	sst s7  }
0x10: {  	[smem:$0x3F8A] =	sst s8  }
0x11: {  	[smem:$0x3F8B] =	sst s9;
	s0 =	simm.s32 @!p0 $0x0  }
0x12: {  	s1 =	sld [smem:$0x3F71];
	s0 =	simm.s32 @p0 $0x1  }
0x13: {  	[smem:$0x3F8C] =	sst s0;
	s0 =	simm.s32 @!p1 $0x0  }
0x14: {  	s2 =	sld [smem:$0x3F70];
	s0 =	simm.s32 @p1 $0x1  }
0x15: {  	[smem:$0x3F8D] =	sst s0;
	s0 =	simm.s32 @!p2 $0x0  }
0x16: {  	s3 =	sld [smem:$0x3FDB];
	s0 =	simm.s32 @p2 $0x1  }
0x17: {  	s4 =	simm.s32 $0x1BF5;
	[smem:$0x3F8F] =	sst s0  }
0x18: {  	s0 =	sld [smem:$0x3F72];
	_ =	swait.ge [sflag:s4], $0x0  }
0x19: {  	s7 =	sld [smem:$0x3F73]  }
0x1a: {  	s8 =	sadd.s32 $0xFFFFE003, lr  }
0x1b: {  	s9 =	sadd.s32 $0xFFFFFEF7, lr;
	s5 =	simm.s32 $0xFFFFFFFF;
	p2 =	slt.u32 s8, $0xFFFFF086  }
0x1c: {  	p1 =	slt.u32 s9, $0xF7A;
	s5 =	simm.s32 @!p2 $0x0  }
0x1d: {  	s5 =	simm.s32 @p1 $0x1;
	p0 =	seq.s32 s7, s2  }
0x1e: {  	s7 =	smul.u32 @!p0 $0xF7A, s2;
	p2 =	seq.s32 @!p0 s5, $0x0  }
0x1f: {  	s9 =	smul.u32 $0xF7A, s1;
	s8 =	simm.s32 @!p0 $0x1BF5;
	p2 =	por !p2, p0  }
0x20: {  	[sflag:s8] =	ssyncset.s32 @!p0 $0xFFFFF086;
	s6 =	sadd.s32 @!p0 s3, s7;
	s7 =	simm.s32 @!p0 $0x108  }
0x21: {  	s3 =	sadd.s32 s3, s9;
	s6 =	sadd.s32 @!p0 $0x88, s6;
	s7 =	simm.s32 @p2 $0x1082  }
0x22: {  	[simem:s7], [sflag:s8] =	dma.local @!p0 [hbm:s6], $0xF7A  }
0x23: {  	s9 =	sor.u32 $0xD0000000, s2;
	s6 =	simm.s32 $0x108;
	_ =	swait.ge @!p0 [sflag:s8], $0x0  }
0x24: {  	s3 =	sadd.s32 $0x88, s3;
	s6 =	simm.s32 @!p1 $0x1082;
	[sflag:s4] =	ssyncset.s32 $0xFFFFF086  }
0x25: {  	[simem:s6], [sflag:s4] =	dma.local [hbm:s3], $0xF7A  }
0x26: {  	[smem:$0x3F73] =	sst s1;
	(tag) =	ssettag s2;
	_ =	strace s9  }
0x27: {  	s1 =	sld [smem:$0x3F83]  }
0x28: {  	s2 =	sld [smem:$0x3F84]  }
0x29: {  	s4 =	sld [smem:$0x3F86]  }
0x2a: {  	p0 =	seq.s32 s5, $0x0;
	s5 =	sld [smem:$0x3F87]  }
0x2b: {  	s6 =	sld [smem:$0x3F88]  }
0x2c: {  	s7 =	sld [smem:$0x3F89]  }
0x2d: {  	s3 =	simm.s32 $0x108;
	s8 =	sld [smem:$0x3F8A]  }
0x2e: {  	s3 =	simm.s32 @!p0 $0x1082;
	s9 =	sld [smem:$0x3F8B]  }
0x2f: {  	lr =	sadd.s32 s0, s3;
	s0 =	sld [smem:$0x3F82]  }
0x30: {  	s3 =	sld [smem:$0x3F85]  }
0x31: {  	[smem:$0x3F8E] =	sst s10  }
0x32: {  	s10 =	sld [smem:$0x3F8C];
	_ =	sdelay $0x3  }
0x33: {  	p0 =	seq.s32 s10, $0x1;
	s10 =	sld [smem:$0x3F8E];
	_ =	sdelay $0x3  }
0x34: {  	[smem:$0x3F8E] =	sst s10  }
0x35: {  	s10 =	sld [smem:$0x3F8D];
	_ =	sdelay $0x3  }
0x36: {  	p1 =	seq.s32 s10, $0x1;
	s10 =	sld [smem:$0x3F8E];
	_ =	sdelay $0x3  }
0x37: {  	[smem:$0x3F8E] =	sst s10  }
0x38: {  	s10 =	sld [smem:$0x3F8F]  }
0x39: {  	_ = 	snop;
	(pc) =	sbr.ind lr, $3  }
0x3a: {  	_ = 	snop  }
0x3b: {  	_ = 	snop  }
0x3c: {  	p2 =	seq.s32 s10, $0x1;
	s10 =	sld [smem:$0x3F8E]  }
0x3d: {  	_ =	shalt  }
0x3e: {  	_ =	shalt  }
0x3f: {  	_ =	shalt  }
0x40: {  	_ =	shalt  }
0x41: {  	_ =	shalt  }
0x42: {  	_ =	shalt  }
0x43: {  	_ =	shalt  }
0x44: {  	_ =	shalt  }
0x45: {  	_ =	shalt  }
0x46: {  	_ =	shalt  }
0x47: {  	_ =	shalt  }
0x48: {  	_ =	shalt  }
0x49: {  	_ =	shalt  }
0x4a: {  	_ =	shalt  }
0x4b: {  	_ =	shalt  }
0x4c: {  	_ =	shalt  }
0x4d: {  	_ =	shalt  }
0x4e: {  	_ =	shalt  }
0x4f: {  	_ =	shalt  }
0x50: {  	_ =	shalt  }
0x51: {  	_ =	shalt  }
0x52: {  	_ =	shalt  }
0x53: {  	_ =	shalt  }
0x54: {  	_ =	shalt  }
0x55: {  	_ =	shalt  }
0x56: {  	_ =	shalt  }
0x57: {  	_ =	shalt  }
0x58: {  	_ =	shalt  }
0x59: {  	_ =	shalt  }
0x5a: {  	_ =	shalt  }
0x5b: {  	_ =	shalt  }
0x5c: {  	_ =	shalt  }
0x5d: {  	_ =	shalt  }
0x5e: {  	_ =	shalt  }
0x5f: {  	_ =	shalt  }
0x60: {  	_ =	shalt  }
0x61: {  	_ =	shalt  }
0x62: {  	_ =	shalt  }
0x63: {  	_ =	shalt  }
0x64: {  	_ =	shalt  }
0x65: {  	_ =	shalt  }
0x66: {  	_ =	shalt  }
0x67: {  	_ =	shalt  }
0x68: {  	_ =	shalt  }
0x69: {  	_ =	shalt  }
0x6a: {  	_ =	shalt  }
0x6b: {  	_ =	shalt  }
0x6c: {  	_ =	shalt  }
0x6d: {  	_ =	shalt  }
0x6e: {  	_ =	shalt  }
0x6f: {  	_ =	shalt  }
0x70: {  	_ =	shalt  }
0x71: {  	_ =	shalt  }
0x72: {  	_ =	shalt  }
0x73: {  	_ =	shalt  }
0x74: {  	_ =	shalt  }
0x75: {  	_ =	shalt  }
0x76: {  	_ =	shalt  }
0x77: {  	_ =	shalt  }
0x78: {  	_ =	shalt  }
0x79: {  	_ =	shalt  }
0x7a: {  	_ =	shalt  }
0x7b: {  	_ =	shalt  }
0x7c: {  	_ =	shalt  }
0x7d: {  	_ =	shalt  }
0x7e: {  	_ =	shalt  }
0x7f: {  	_ =	shalt  }
0x80: {  	_ =	shalt  }
0x81: {  	_ =	shalt  }
0x82: {  	_ =	shalt  }
0x83: {  	_ =	shalt  }
0x84: {  	_ =	shalt  }
0x85: {  	_ =	shalt  }
0x86: {  	_ =	shalt  }
0x87: {  	_ =	shalt  }
.Lfunc_end0:
.L_simem_size_0:
called_computation.4_lowered:
.L_overlay_start_0:
0x88: {  	s2 =	sld [smem:$0x3FD9]  }
0x89: {  	s3 =	sld [smem:$0x3FFE];
	_ =	sdelay $0x1  }
0x8a: {  	s1 =	srdreg.scid  }
0x8b: {  	s0 =	sand.u32 $0x1, s1  }
0x8c: {  	s17 =	sshll.u32 s0, $0xA;
	s2 =	sadd.s32 s3, s2  }
0x8d: {  	s2 =	sadd.s32 s2, s17  }
0x8e: {  	[smem:$0x3F9A] =	sst s2  }
0x8f: {  	_ = 	snop  }
0x90: {  	(tm) =	ssettm $0x1  }
0x91: {  	s18 =	sld [smem:$0x3FFB];
	_ =	sdelay $0x3  }
0x92: {  	_ =	strace s18  }
0x93: {  	s2 =	sld [smem:$0x3FFC];
	_ =	sdelay $0x3  }
0x94: {  	_ =	strace s2  }
0x95: {  	s2 =	sld [smem:$0x3FFD];
	_ =	sdelay $0x3  }
0x96: {  	_ =	strace s2  }
0x97: {  	_ =	strace $0x8FFFFFFF  }
0x98: {  	s19 =	sld [smem:$0x3FDB];
	_ =	sdelay $0x1  }
0x99: {  	s20 =	simm.s32 $_scs_section_size  }
0x9a: {  	s4 =	simm.s32 $_size__tile_overlayer_lowered;
	s5 =	simm.s32 $_tile_overlayer_lowered  }
0x9b: {  	s6 =	simm.s32 $0x1BFF;
	s21 =	sshll.u32 s5, $0x1;
	s3 =	sadd.s32 s20, s19  }
0x9c: {  	s22 =	simm.s32 $0x0;
	s4 =	sshll.u32 s4, $0x1;
	s5 =	sadd.s32 s21, s3  }
0x9d: {  	[timem:s22], [sflag:s6] =	dma.local [hbm:s5], s4  }
0x9e: {  	_ =	swait.ge [sflag:s6], s4  }
0x9f: {  	s4 =	ssub.s32 $0x0, s4;
	[sflag:s6] =	ssyncset.done $0x0  }
0xa0: {  	[sflag:s6] =	ssyncadd.s32 s4;
	_ =	sdelay $0x1  }
0xa1: {  	s23 =	simm.s32 $0x1B8B  }
0xa2: {  	_ =	swait.ge [sflag:s23], $0x1  }
0xa3: {  	[sflag:s23] =	ssyncset.done $0x0  }
0xa4: {  	[sflag:s23] =	ssyncadd.s32 $0xFFFFFFFF  }
0xa5: {  	s4 =	sld [smem:$0x0]  }
0xa6: {  	s5 =	sand.u32 $0xFFFFFFFE, s1  }
0xa7: {  	p0 =	sne.s32 s1, s5  }
0xa8: {  	s5 =	sshll.u32 @p0 s5, $0xE  }
0xa9: {  	s5 =	sadd.s32 @p0 $0x11B8D, s5;
	s6 =	sshll.u32 @p0 s4, $0x11  }
0xaa: {  	s5 =	sor.u32 @p0 s6, s5  }
0xab: {  	[sflag:s5] =	ssyncadd.remote.s32 @p0 $0x1;
	_ =	sdelay $0x1  }
0xac: {  	s5 =	simm.s32 @p0 $0x1B8D  }
0xad: {  	_ =	swait.eq @p0 [sflag:s5], $0x1  }
0xae: {  	[sflag:s5] =	ssyncadd.s32 @p0 $0xFFFFFFFF  }
0xaf: {  	s6 =	sshll.u32 @!p0 s1, $0xE  }
0xb0: {  	s6 =	sor.u32 @!p0 $0x4000, s6;
	s5 =	simm.s32 @!p0 $0x1B8D  }
0xb1: {  	s4 =	sshll.u32 @!p0 s4, $0x11;
	s6 =	sadd.s32 @!p0 $0x11B8D, s6;
	_ =	swait.eq @!p0 [sflag:s5], $0x1  }
0xb2: {  	s4 =	sor.u32 @!p0 s4, s6;
	[sflag:s5] =	ssyncadd.s32 @!p0 $0xFFFFFFFF  }
0xb3: {  	s25 =	simm.s32 $0x1B8E;
	s24 =	sld [smem:$0x3FFE];
	[sflag:s4] =	ssyncadd.remote.s32 @!p0 $0x1  }
0xb4: {  	s26 =	simm.s32 $execute0_lowered;
	[smem:$0x3FD2] =	sst s25  }
0xb5: {  	s5 =	sshll.u32 s26, $0x1;
	_ =	strace $0x80000055;
	[dreg:$0x1] =	wrdreg $0xFFFFFFFF  }
0xb6: {  	s28 =	simm.s32 $_size_execute0_lowered;
	s3 =	sadd.s32 s3, s5;
	[dreg:$0x0] =	wrdreg $0x0  }
0xb7: {  	s5 =	sshll.u32 s28, $0x1;
	[dreg:$0x2] =	wrdreg s3  }
0xb8: {  	[dreg:$0x3] =	wrdreg s5  }
0xb9: {  	[dreg:$0x4] =	wrdreg $0xC0  }
0xba: {  	_ =	task [dreg:s22], $0x5FFFF  }
0xbb: {  	[dreg:$0x1] =	wrdreg $0xFFFFFFFF  }
0xbc: {  	[dreg:$0x0] =	wrdreg $0x60  }
0xbd: {  	[dreg:$0x2] =	wrdreg s24  }
0xbe: {  	[dreg:$0x3] =	wrdreg $0xCB200  }
0xbf: {  	[dreg:$0x4] =	wrdreg $0x9  }
0xc0: {  	_ =	task.clear_ibuf [dreg:s22], $0x5FFFF;
	_ =	strace $0x90000055  }
0xc1: {  	s29 =	simm.s32 $0x9;
	_ =	strace $0x80000057  }
0xc2: {  	_ =	swait.ge [sflag:s29], $0x1  }
0xc3: {  	[sflag:s29] =	ssyncadd.s32 $0xFFFFFFFF  }
0xc4: {  	_ =	strace $0x90000057  }
0xc5: {  	_ =	sfence  }
0xc6: {  	s30 =	sld [smem:$0x0];
	_ =	sdelay $0x2  }
0xc7: {  	s31 =	sshll.u32 s1, $0xD;
	s1 =	sshrl.u32 s1, $0x2  }
0xc8: {  	s4 =	sand.u32 $0x4000, s31;
	s1 =	sadd.s32 s1, s30  }
0xc9: {  	s0 =	sor.u32 s4, s0;
	s1 =	sshll.u32 s1, $0x11  }
0xca: {  	s0 =	sor.u32 s1, s0  }
0xcb: {  	s0 =	sadd.s32 $0x8F2B, s0  }
0xcc: {  	[sflag:s0] =	ssyncadd.remote.s32 $0x1  }
0xcd: {  	_ =	sfence.sel $0xFFFF  }
0xce: {  	[dreg:$0x0] =	wrdreg $0xFFFFFFFF;
	(pc) =	sbr.abs _section_cstart, $3  }
0xcf: {  	[dreg:$0x1] =	wrdreg $0xFFFFFFFF  }
0xd0: {  	_ =	task.clear_ibuf [dreg:s22], $0x2FFFF;
	_ =	strace $0x9FFFFFFF  }
0xd1: {  	(tm) =	ssettm $0x7FFFFFFF  }
tec
execute0_lowered:
.L_overlay_start_1:
0x0: {  	(tag) =	ssettag $0x1  }
0x1: {  	s4 =	rddreg [dreg:$0x0]  }
0x2: {  	s2 =	rddreg [dreg:$0x1]  }
0x3: {  	s0 =	rddreg [dreg:$0x2];
	s3 =	simm.s32 $0x0;
	s1 =	stileid.u32  }
0x4: {  	s5 =	srdreg.scid;
	s17 =	simm.s32 $0x190;
	s6 =	smul.u32 $0x9C40, s1  }
0x5: {  	s18 =	simm.s32 $0x6720;
	s19 =	simm.s32 $0x1;
	s14 =	smul.u32 $0x2710, s1  }
0x6: {  	s20 =	simm.s32 $0x3;
	s7 =	sand.u32 $0x1, s5;
	s28 =	smul.u32 $0x13880, s1  }
0x7: {  	[smem:$0x7FF] =	sst s3;
	s12 =	sadd.s32 $0x7E4A00, s4;
	s5 =	smul.u32 $0x9C400, s7  }
0x8: {  	s13 =	sadd.s32 $0x16C00, s4;
	s21 =	sshll.u32 s1, $0x6;
	s10 =	smul.u32 $0x27100, s7  }
0x9: {  	_ =	strace $0x80000056;
	s9 =	ssub.s32 $0x2, s7;
	s26 =	smul.u32 $0x138800, s7  }
0xa: {  	s8 =	sshrl.u32 s6, $0x3;
	s11 =	sshrl.u32 s9, $0x1;
	s16 =	sadd.s32 s6, s2  }
0xb: {  	s5 =	sadd.s32 s6, s5;
	s8 =	sadd.s32 s8, s4;
	s9 =	ssub.s32 s9, s11  }
0xc: {  	s22 =	sadd.s32 s14, s10;
	s14 =	sadd.s32 s26, s12;
	s5 =	sshrl.u32 s5, $0x3  }
0xd: {  	s23 =	sadd.s32 $0x2580, s22;
	s9 =	smax.u32 s9, $0x1;
	s10 =	sadd.s32 s28, s14  }
0xe: {  	s29 =	sshrl.u32 s22, $0x3;
	s30 =	sadd.s32 $0x190, s22;
	s14 =	sshrl.u32 s16, $0x3  }
0xf: {  	s16 =	simm.s32 $0x320;
	s22 =	simm.s32 $0x4;
	s15 =	sadd.s32 s5, s4  }
0x10: {  	s4 =	sadd.s32 $0x20A00, s8;
	s5 =	sor.u32 $0x1C05, s21;
	s24 =	sshrl.u32 s23, $0x3  }
0x11: {  	s25 =	sshll.u32 s23, $0x3;
	s11 =	sadd.s32 s29, s13;
	s31 =	sshll.u32 s30, $0x3  }
0x12: {  	s21 =	simm.s32 $0x2;
	s23 =	simm.s32 $0x0;
	s6 =	sadd.s32 s13, s24  }
0x13: {  	s7 =	sadd.s32 s12, s25;
	s8 =	sadd.s32 $0x34400, s15;
	s15 =	sshrl.u32 s30, $0x3  }
0x14: {  	s12 =	sadd.s32 s31, s12;
	s13 =	sadd.s32 s15, s13;
	s15 =	simm.s32 $0x5  }
.LBB2_1:
0x15: {  	[spmem:s14], [sflag:s5] =	dma.local [hbm:s4], $0x1388  }
0x16: {  	_ =	swait.ge [sflag:s15], $0x1388  }
0x17: {  	[sflag:s15] =	ssyncset.done $0x0  }
0x18: {  	[sflag:s15] =	ssyncadd.s32 $0xFFFFEC78  }
0x19: {  	s24 =	sadd.s32 $0x0, s11;
	[bflag:$0x0] =	sbarrier.arrive $0xFFFF  }
0x1a: {  	[tilespmem:s3], [sflag:$0x1] =	stream.linear.gather [hbm4b:s24+s3], $0x190, $0x38;
	[tilespmem:$0x16760] =	vst v63  }
0x1b: {  	_ = 	snop  }
0x1c: {  	[tilespmem:s16], [sflag:$0x3] =	stream.linear.gather [hbm4b:s10+s3], $0x6400, $0x38;
	[tilespmem:$0x16760] =	vst v63  }
0x1d: {  	s31 =	sadd.s32 $0x0, s13  }
0x1e: {  	[tilespmem:s17], [sflag:$0x2] =	stream.linear.gather [hbm4b:s31+s3], $0x190, $0x38;
	[tilespmem:$0x16760] =	vst v63  }
0x1f: {  	_ = 	snop  }
0x20: {  	[tilespmem:s18], [sflag:$0x4] =	stream.linear.gather [hbm4b:s12+s3], $0x6400, $0x38;
	[tilespmem:$0x16760] =	vst v63  }
0x21: {  	_ =	swait.ge [sflag:s19], $0x190  }
0x22: {  	[sflag:s19] =	ssyncset.done $0x0  }
0x23: {  	[sflag:s19] =	ssyncadd.s32 $0xFFFFFE70  }
0x24: {  	_ =	swait.ge [sflag:s20], $0x6400  }
0x25: {  	[sflag:s20] =	ssyncset.done $0x0  }
0x26: {  	[sflag:s20] =	ssyncadd.s32 $0xFFFF9C00  }
0x27: {  	[spmem:s2] =	stream.indirect.scatter.add.f32 [tilespmem:s16], [sflag:$0x5], $0x40, s3, s17, $0xb8;
	[tilespmem:$0x16760] =	vst v63  }
0x28: {  	_ =	swait.ge [sflag:s15], $0x6400  }
0x29: {  	[sflag:s15] =	ssyncset.done $0x0  }
0x2a: {  	[sflag:s15] =	ssyncadd.s32 $0xFFFF9C00  }
0x2b: {  	_ =	swait.ge [sflag:s21], $0x190  }
0x2c: {  	[sflag:s21] =	ssyncset.done $0x0  }
0x2d: {  	[sflag:s21] =	ssyncadd.s32 $0xFFFFFE70  }
0x2e: {  	_ =	swait.ge [sflag:s22], $0x6400  }
0x2f: {  	[sflag:s22] =	ssyncset.done $0x0  }
0x30: {  	[sflag:s22] =	ssyncadd.s32 $0xFFFF9C00  }
0x31: {  	[spmem:s2] =	stream.indirect.scatter.add.f32 [tilespmem:s18], [sflag:$0x5], $0x40, s17, s17, $0xb8;
	[tilespmem:$0x16760] =	vst v63  }
0x32: {  	s28 =	simm.s32 $0xC8;
	s26 =	sadd.s32 $0x1900, s10;
	_ =	swait.ge [sflag:s15], $0x6400  }
0x33: {  	s25 =	sadd.s32 $0x1900, s12;
	s24 =	simm.s32 $0x64;
	[sflag:s15] =	ssyncset.done $0x0  }
.LBB2_2:
0x34: {  	s29 =	sadd.s32 s24, s11  }
0x35: {  	[sflag:s15] =	ssyncadd.s32 $0xFFFF9C00;
	s30 =	smov.u32 s28;
	s31 =	sadd.s32 $0x64, s28  }
0x36: {  	[tilespmem:s3], [sflag:$0x1] =	stream.linear.gather [hbm4b:s29+s3], $0x190, $0x38;
	[tilespmem:$0x16760] =	vst v63  }
0x37: {  	p0 =	sne.s32 s28, $0x44C  }
0x38: {  	[tilespmem:s16], [sflag:$0x3] =	stream.linear.gather [hbm4b:s26+s3], $0x6400, $0x38;
	[tilespmem:$0x16760] =	vst v63  }
0x39: {  	s28 =	sadd.s32 s24, s13;
	s24 =	smov.u32 s30  }
0x3a: {  	[tilespmem:s17], [sflag:$0x2] =	stream.linear.gather [hbm4b:s28+s3], $0x190, $0x38;
	[tilespmem:$0x16760] =	vst v63  }
0x3b: {  	_ = 	snop  }
0x3c: {  	[tilespmem:s18], [sflag:$0x4] =	stream.linear.gather [hbm4b:s25+s3], $0x6400, $0x38;
	[tilespmem:$0x16760] =	vst v63  }
0x3d: {  	_ =	swait.ge [sflag:s19], $0x190  }
0x3e: {  	[sflag:s19] =	ssyncset.done $0x0  }
0x3f: {  	[sflag:s19] =	ssyncadd.s32 $0xFFFFFE70  }
0x40: {  	_ =	swait.ge [sflag:s20], $0x6400  }
0x41: {  	[sflag:s20] =	ssyncset.done $0x0  }
0x42: {  	[sflag:s20] =	ssyncadd.s32 $0xFFFF9C00  }
0x43: {  	[spmem:s2] =	stream.indirect.scatter.add.f32 [tilespmem:s16], [sflag:$0x5], $0x40, s3, s17, $0xb8;
	[tilespmem:$0x16760] =	vst v63  }
0x44: {  	_ =	swait.ge [sflag:s15], $0x6400  }
0x45: {  	[sflag:s15] =	ssyncset.done $0x0  }
0x46: {  	[sflag:s15] =	ssyncadd.s32 $0xFFFF9C00  }
0x47: {  	_ =	swait.ge [sflag:s21], $0x190  }
0x48: {  	[sflag:s21] =	ssyncset.done $0x0  }
0x49: {  	[sflag:s21] =	ssyncadd.s32 $0xFFFFFE70  }
0x4a: {  	_ =	swait.ge [sflag:s22], $0x6400  }
.Ltmp0:
0x4b: {  	[sflag:s22] =	ssyncset.done $0x0;
	(pc) =	sbr.rel @p0 .LBB2_2-.Ltmp0, $4  }
0x4c: {  	[sflag:s22] =	ssyncadd.s32 $0xFFFF9C00  }
0x4d: {  	[spmem:s2] =	stream.indirect.scatter.add.f32 [tilespmem:s18], [sflag:$0x5], $0x40, s17, s17, $0xb8;
	[tilespmem:$0x16760] =	vst v63  }
0x4e: {  	s26 =	sadd.s32 $0x1900, s26;
	_ =	swait.ge [sflag:s15], $0x6400  }
0x4f: {  	s28 =	smov.u32 s31;
	s25 =	sadd.s32 $0x1900, s25;
	[sflag:s15] =	ssyncset.done $0x0  }
0x50: {  	s28 =	sadd.s32 s24, s11;
	[sflag:s15] =	ssyncadd.s32 $0xFFFF9C00  }
0x51: {  	[tilespmem:s3], [sflag:$0x1] =	stream.linear.gather [hbm4b:s28+s3], $0x190, $0x38;
	[tilespmem:$0x16760] =	vst v63  }
0x52: {  	_ = 	snop  }
0x53: {  	[tilespmem:s16], [sflag:$0x3] =	stream.linear.gather [hbm4b:s26+s3], $0x6400, $0x38;
	[tilespmem:$0x16760] =	vst v63  }
0x54: {  	s31 =	sadd.s32 s24, s13  }
0x55: {  	[tilespmem:s17], [sflag:$0x2] =	stream.linear.gather [hbm4b:s31+s3], $0x190, $0x38;
	[tilespmem:$0x16760] =	vst v63  }
0x56: {  	_ = 	snop  }
0x57: {  	[tilespmem:s18], [sflag:$0x4] =	stream.linear.gather [hbm4b:s25+s3], $0x6400, $0x38;
	[tilespmem:$0x16760] =	vst v63  }
0x58: {  	_ =	swait.ge [sflag:s19], $0x190  }
0x59: {  	[sflag:s19] =	ssyncset.done $0x0  }
0x5a: {  	[sflag:s19] =	ssyncadd.s32 $0xFFFFFE70  }
0x5b: {  	_ =	swait.ge [sflag:s20], $0x6400  }
0x5c: {  	[sflag:s20] =	ssyncset.done $0x0  }
0x5d: {  	[sflag:s20] =	ssyncadd.s32 $0xFFFF9C00  }
0x5e: {  	[spmem:s2] =	stream.indirect.scatter.add.f32 [tilespmem:s16], [sflag:$0x5], $0x40, s3, s17, $0xb8;
	[tilespmem:$0x16760] =	vst v63  }
0x5f: {  	_ =	swait.ge [sflag:s15], $0x6400  }
0x60: {  	[sflag:s15] =	ssyncset.done $0x0  }
0x61: {  	[sflag:s15] =	ssyncadd.s32 $0xFFFF9C00  }
0x62: {  	_ =	swait.ge [sflag:s21], $0x190  }
0x63: {  	[sflag:s21] =	ssyncset.done $0x0  }
0x64: {  	[sflag:s21] =	ssyncadd.s32 $0xFFFFFE70  }
0x65: {  	_ =	swait.ge [sflag:s22], $0x6400  }
0x66: {  	[sflag:s22] =	ssyncset.done $0x0  }
0x67: {  	[sflag:s22] =	ssyncadd.s32 $0xFFFF9C00  }
0x68: {  	[spmem:s2] =	stream.indirect.scatter.add.f32 [tilespmem:s18], [sflag:$0x5], $0x40, s17, s17, $0xb8;
	[tilespmem:$0x16760] =	vst v63  }
0x69: {  	_ =	swait.ge [sflag:s15], $0x6400  }
0x6a: {  	[sflag:s15] =	ssyncset.done $0x0  }
0x6b: {  	[sflag:s15] =	ssyncadd.s32 $0xFFFF9C00  }
0x6c: {  	[tilespmem:s3], [sflag:$0x1] =	stream.linear.gather [hbm4b:s6+s3], $0x190, $0x38;
	[tilespmem:$0x16760] =	vst v63  }
0x6d: {  	_ = 	snop  }
0x6e: {  	[tilespmem:s16], [sflag:$0x3] =	stream.linear.gather [hbm4b:s7+s3], $0x6400, $0x38;
	[tilespmem:$0x16760] =	vst v63  }
0x6f: {  	_ =	swait.ge [sflag:s19], $0x190  }
0x70: {  	[sflag:s19] =	ssyncset.done $0x0  }
0x71: {  	[sflag:s19] =	ssyncadd.s32 $0xFFFFFE70  }
0x72: {  	_ =	swait.ge [sflag:s20], $0x6400  }
0x73: {  	[sflag:s20] =	ssyncset.done $0x0  }
0x74: {  	[sflag:s20] =	ssyncadd.s32 $0xFFFF9C00  }
0x75: {  	[spmem:s2] =	stream.indirect.scatter.add.f32 [tilespmem:s16], [sflag:$0x5], $0x40, s3, s17, $0xb8;
	[tilespmem:$0x16760] =	vst v63  }
0x76: {  	_ =	swait.ge [sflag:s15], $0x6400  }
0x77: {  	s23 =	sadd.s32 $0x1, s23;
	[sflag:s15] =	ssyncset.done $0x0  }
0x78: {  	p0 =	sne.s32 s23, s9;
	[sflag:s15] =	ssyncadd.s32 $0xFFFF9C00  }
.Ltmp1:
0x79: {  	[bflag:$0x0] =	sbarrier.arrive $0xFFFF;
	(pc) =	sbr.rel @p0 .LBB2_1-.Ltmp1, $4  }
0x7a: {  	[hbm:s8], [sflag:s5] =	dma.local [spmem:s14], $0x1388  }
0x7b: {  	_ =	swait.ge [sflag:s15], $0x1388  }
0x7c: {  	[sflag:s15] =	ssyncset.done $0x0  }
0x7d: {  	[sflag:s15] =	ssyncadd.s32 $0xFFFFEC78  }
0x7e: {  	_ =	sfence.sel $0x180000  }
0x7f: {  	[bflag:$0x0] =	sbarrier.arrive $0xFFFF  }
0x80: {  	p0 =	sne.s32 s1, $0x0;
	_ =	strace $0x90000056  }
0x81: {  	s0 =	sadd.s32 @!p0 $0x100000, s0;
	[bflag:$0x2] =	sbarrier.arrive $0xFFFF  }
0x82: {  	[sflag:s0] =	ssyncadd.tile.s32 @!p0 $0x1;
	_ =	shalt  }
.Lfunc_end2:
_tile_overlayer_lowered:
.L_overlay_start_2:
0x83: {  	(tag) =	ssettag $0x2  }
0x84: {  	s0 =	rddreg [dreg:$0x0];
	s2 =	stileid.u32  }
0x85: {  	s1 =	rddreg [dreg:$0x1];
	p0 =	sne.s32 s2, $0x0  }
0x86: {  	s3 =	rddreg [dreg:$0x2];
	[bflag:$0x3] =	sbarrier.arrive $0xFFFF;
	s2 =	simm.s32 @!p0 $0x1C05  }
0x87: {  	[timem:s3], [sflag:s2] =	dma.local @!p0 [hbm:s0], s1  }
0x88: {  	s0 =	simm.s32 @!p0 $0x5  }
0x89: {  	_ =	swait.ge @!p0 [sflag:s0], s1  }
0x8a: {  	s1 =	ssub.s32 @!p0 $0x0, s1;
	[sflag:s0] =	ssyncset.done @!p0 $0x0  }
0x8b: {  	[sflag:s0] =	ssyncadd.s32 @!p0 s1  }
0x8c: {  	[bflag:$0x3] =	sbarrier.arrive $0xFFFF  }
0x8d: {  	_ =	shalt  }

// kernel: kernel.32.cloned.1.call-start
scs
__scs_entry_jumppad:
0x0: {  	(pc) =	sbr.rel $0x88, $3  }
0x1: {  	(tag) =	ssettag $0x0;
	lr =	simm.s32 $0x1  }
0x2: {  	[smem:$0x3F73] =	sst lr;
	_ =	strace $0xD0000000  }
0x3: {  	_ = 	snop  }
0x4: {  	_ = 	snop  }
0x5: {  	_ = 	snop  }
0x6: {  	_ = 	snop  }
0x7: {  	_ = 	snop  }
__scs_overlays_trampoline_lowered:
0x8: {  	[smem:$0x3F82] =	sst s0  }
0x9: {  	[smem:$0x3F83] =	sst s1  }
0xa: {  	[smem:$0x3F84] =	sst s2  }
0xb: {  	[smem:$0x3F85] =	sst s3  }
0xc: {  	[smem:$0x3F86] =	sst s4  }
0xd: {  	[smem:$0x3F87] =	sst s5  }
0xe: {  	[smem:$0x3F88] =	sst s6  }
0xf: {  	[smem:$0x3F89] =	sst s7  }
0x10: {  	[smem:$0x3F8A] =	sst s8  }
0x11: {  	[smem:$0x3F8B] =	sst s9;
	s0 =	simm.s32 @!p0 $0x0  }
0x12: {  	s1 =	sld [smem:$0x3F71];
	s0 =	simm.s32 @p0 $0x1  }
0x13: {  	[smem:$0x3F8C] =	sst s0;
	s0 =	simm.s32 @!p1 $0x0  }
0x14: {  	s2 =	sld [smem:$0x3F70];
	s0 =	simm.s32 @p1 $0x1  }
0x15: {  	[smem:$0x3F8D] =	sst s0;
	s0 =	simm.s32 @!p2 $0x0  }
0x16: {  	s3 =	sld [smem:$0x3FDB];
	s0 =	simm.s32 @p2 $0x1  }
0x17: {  	s4 =	simm.s32 $0x1BF5;
	[smem:$0x3F8F] =	sst s0  }
0x18: {  	s0 =	sld [smem:$0x3F72];
	_ =	swait.ge [sflag:s4], $0x0  }
0x19: {  	s7 =	sld [smem:$0x3F73]  }
0x1a: {  	s8 =	sadd.s32 $0xFFFFE003, lr  }
0x1b: {  	s9 =	sadd.s32 $0xFFFFFEF7, lr;
	s5 =	simm.s32 $0xFFFFFFFF;
	p2 =	slt.u32 s8, $0xFFFFF086  }
0x1c: {  	p1 =	slt.u32 s9, $0xF7A;
	s5 =	simm.s32 @!p2 $0x0  }
0x1d: {  	s5 =	simm.s32 @p1 $0x1;
	p0 =	seq.s32 s7, s2  }
0x1e: {  	s7 =	smul.u32 @!p0 $0xF7A, s2;
	p2 =	seq.s32 @!p0 s5, $0x0  }
0x1f: {  	s9 =	smul.u32 $0xF7A, s1;
	s8 =	simm.s32 @!p0 $0x1BF5;
	p2 =	por !p2, p0  }
0x20: {  	[sflag:s8] =	ssyncset.s32 @!p0 $0xFFFFF086;
	s6 =	sadd.s32 @!p0 s3, s7;
	s7 =	simm.s32 @!p0 $0x108  }
0x21: {  	s3 =	sadd.s32 s3, s9;
	s6 =	sadd.s32 @!p0 $0x88, s6;
	s7 =	simm.s32 @p2 $0x1082  }
0x22: {  	[simem:s7], [sflag:s8] =	dma.local @!p0 [hbm:s6], $0xF7A  }
0x23: {  	s9 =	sor.u32 $0xD0000000, s2;
	s6 =	simm.s32 $0x108;
	_ =	swait.ge @!p0 [sflag:s8], $0x0  }
0x24: {  	s3 =	sadd.s32 $0x88, s3;
	s6 =	simm.s32 @!p1 $0x1082;
	[sflag:s4] =	ssyncset.s32 $0xFFFFF086  }
0x25: {  	[simem:s6], [sflag:s4] =	dma.local [hbm:s3], $0xF7A  }
0x26: {  	[smem:$0x3F73] =	sst s1;
	(tag) =	ssettag s2;
	_ =	strace s9  }
0x27: {  	s1 =	sld [smem:$0x3F83]  }
0x28: {  	s2 =	sld [smem:$0x3F84]  }
0x29: {  	s4 =	sld [smem:$0x3F86]  }
0x2a: {  	p0 =	seq.s32 s5, $0x0;
	s5 =	sld [smem:$0x3F87]  }
0x2b: {  	s6 =	sld [smem:$0x3F88]  }
0x2c: {  	s7 =	sld [smem:$0x3F89]  }
0x2d: {  	s3 =	simm.s32 $0x108;
	s8 =	sld [smem:$0x3F8A]  }
0x2e: {  	s3 =	simm.s32 @!p0 $0x1082;
	s9 =	sld [smem:$0x3F8B]  }
0x2f: {  	lr =	sadd.s32 s0, s3;
	s0 =	sld [smem:$0x3F82]  }
0x30: {  	s3 =	sld [smem:$0x3F85]  }
0x31: {  	[smem:$0x3F8E] =	sst s10  }
0x32: {  	s10 =	sld [smem:$0x3F8C];
	_ =	sdelay $0x3  }
0x33: {  	p0 =	seq.s32 s10, $0x1;
	s10 =	sld [smem:$0x3F8E];
	_ =	sdelay $0x3  }
0x34: {  	[smem:$0x3F8E] =	sst s10  }
0x35: {  	s10 =	sld [smem:$0x3F8D];
	_ =	sdelay $0x3  }
0x36: {  	p1 =	seq.s32 s10, $0x1;
	s10 =	sld [smem:$0x3F8E];
	_ =	sdelay $0x3  }
0x37: {  	[smem:$0x3F8E] =	sst s10  }
0x38: {  	s10 =	sld [smem:$0x3F8F]  }
0x39: {  	_ = 	snop;
	(pc) =	sbr.ind lr, $3  }
0x3a: {  	_ = 	snop  }
0x3b: {  	_ = 	snop  }
0x3c: {  	p2 =	seq.s32 s10, $0x1;
	s10 =	sld [smem:$0x3F8E]  }
0x3d: {  	_ =	shalt  }
0x3e: {  	_ =	shalt  }
0x3f: {  	_ =	shalt  }
0x40: {  	_ =	shalt  }
0x41: {  	_ =	shalt  }
0x42: {  	_ =	shalt  }
0x43: {  	_ =	shalt  }
0x44: {  	_ =	shalt  }
0x45: {  	_ =	shalt  }
0x46: {  	_ =	shalt  }
0x47: {  	_ =	shalt  }
0x48: {  	_ =	shalt  }
0x49: {  	_ =	shalt  }
0x4a: {  	_ =	shalt  }
0x4b: {  	_ =	shalt  }
0x4c: {  	_ =	shalt  }
0x4d: {  	_ =	shalt  }
0x4e: {  	_ =	shalt  }
0x4f: {  	_ =	shalt  }
0x50: {  	_ =	shalt  }
0x51: {  	_ =	shalt  }
0x52: {  	_ =	shalt  }
0x53: {  	_ =	shalt  }
0x54: {  	_ =	shalt  }
0x55: {  	_ =	shalt  }
0x56: {  	_ =	shalt  }
0x57: {  	_ =	shalt  }
0x58: {  	_ =	shalt  }
0x59: {  	_ =	shalt  }
0x5a: {  	_ =	shalt  }
0x5b: {  	_ =	shalt  }
0x5c: {  	_ =	shalt  }
0x5d: {  	_ =	shalt  }
0x5e: {  	_ =	shalt  }
0x5f: {  	_ =	shalt  }
0x60: {  	_ =	shalt  }
0x61: {  	_ =	shalt  }
0x62: {  	_ =	shalt  }
0x63: {  	_ =	shalt  }
0x64: {  	_ =	shalt  }
0x65: {  	_ =	shalt  }
0x66: {  	_ =	shalt  }
0x67: {  	_ =	shalt  }
0x68: {  	_ =	shalt  }
0x69: {  	_ =	shalt  }
0x6a: {  	_ =	shalt  }
0x6b: {  	_ =	shalt  }
0x6c: {  	_ =	shalt  }
0x6d: {  	_ =	shalt  }
0x6e: {  	_ =	shalt  }
0x6f: {  	_ =	shalt  }
0x70: {  	_ =	shalt  }
0x71: {  	_ =	shalt  }
0x72: {  	_ =	shalt  }
0x73: {  	_ =	shalt  }
0x74: {  	_ =	shalt  }
0x75: {  	_ =	shalt  }
0x76: {  	_ =	shalt  }
0x77: {  	_ =	shalt  }
0x78: {  	_ =	shalt  }
0x79: {  	_ =	shalt  }
0x7a: {  	_ =	shalt  }
0x7b: {  	_ =	shalt  }
0x7c: {  	_ =	shalt  }
0x7d: {  	_ =	shalt  }
0x7e: {  	_ =	shalt  }
0x7f: {  	_ =	shalt  }
0x80: {  	_ =	shalt  }
0x81: {  	_ =	shalt  }
0x82: {  	_ =	shalt  }
0x83: {  	_ =	shalt  }
0x84: {  	_ =	shalt  }
0x85: {  	_ =	shalt  }
0x86: {  	_ =	shalt  }
0x87: {  	_ =	shalt  }
.Lfunc_end0:
.L_simem_size_0:
called_computation.5_lowered:
.L_overlay_start_0:
0x88: {  	s2 =	sld [smem:$0x3FD9]  }
0x89: {  	s3 =	sld [smem:$0x3FFE];
	_ =	sdelay $0x1  }
0x8a: {  	s1 =	srdreg.scid  }
0x8b: {  	s0 =	sand.u32 $0x1, s1  }
0x8c: {  	s17 =	sshll.u32 s0, $0xA;
	s2 =	sadd.s32 s3, s2  }
0x8d: {  	s2 =	sadd.s32 s2, s17  }
0x8e: {  	[smem:$0x3F9A] =	sst s2  }
0x8f: {  	_ = 	snop  }
0x90: {  	(tm) =	ssettm $0x1  }
0x91: {  	s18 =	sld [smem:$0x3FFB];
	_ =	sdelay $0x3  }
0x92: {  	_ =	strace s18  }
0x93: {  	s2 =	sld [smem:$0x3FFC];
	_ =	sdelay $0x3  }
0x94: {  	_ =	strace s2  }
0x95: {  	s2 =	sld [smem:$0x3FFD];
	_ =	sdelay $0x3  }
0x96: {  	_ =	strace s2  }
0x97: {  	_ =	strace $0x8FFFFFFF  }
0x98: {  	s19 =	sld [smem:$0x3FDB];
	_ =	sdelay $0x1  }
0x99: {  	s20 =	simm.s32 $_scs_section_size  }
0x9a: {  	s4 =	simm.s32 $_size__tile_overlayer_lowered;
	s5 =	simm.s32 $_tile_overlayer_lowered  }
0x9b: {  	s6 =	simm.s32 $0x1BFF;
	s21 =	sshll.u32 s5, $0x1;
	s3 =	sadd.s32 s20, s19  }
0x9c: {  	s22 =	simm.s32 $0x0;
	s4 =	sshll.u32 s4, $0x1;
	s5 =	sadd.s32 s21, s3  }
0x9d: {  	[timem:s22], [sflag:s6] =	dma.local [hbm:s5], s4  }
0x9e: {  	_ =	swait.ge [sflag:s6], s4  }
0x9f: {  	s4 =	ssub.s32 $0x0, s4;
	[sflag:s6] =	ssyncset.done $0x0  }
0xa0: {  	[sflag:s6] =	ssyncadd.s32 s4;
	_ =	sdelay $0x1  }
0xa1: {  	s23 =	simm.s32 $0x1B8B  }
0xa2: {  	_ =	swait.ge [sflag:s23], $0x1  }
0xa3: {  	[sflag:s23] =	ssyncset.done $0x0  }
0xa4: {  	[sflag:s23] =	ssyncadd.s32 $0xFFFFFFFF  }
0xa5: {  	s4 =	sld [smem:$0x0]  }
0xa6: {  	s5 =	sand.u32 $0xFFFFFFFE, s1  }
0xa7: {  	p0 =	sne.s32 s1, s5  }
0xa8: {  	s5 =	sshll.u32 @p0 s5, $0xE  }
0xa9: {  	s5 =	sadd.s32 @p0 $0x11B8D, s5;
	s6 =	sshll.u32 @p0 s4, $0x11  }
0xaa: {  	s5 =	sor.u32 @p0 s6, s5  }
0xab: {  	[sflag:s5] =	ssyncadd.remote.s32 @p0 $0x1;
	_ =	sdelay $0x1  }
0xac: {  	s5 =	simm.s32 @p0 $0x1B8D  }
0xad: {  	_ =	swait.eq @p0 [sflag:s5], $0x1  }
0xae: {  	[sflag:s5] =	ssyncadd.s32 @p0 $0xFFFFFFFF  }
0xaf: {  	s6 =	sshll.u32 @!p0 s1, $0xE  }
0xb0: {  	s6 =	sor.u32 @!p0 $0x4000, s6;
	s5 =	simm.s32 @!p0 $0x1B8D  }
0xb1: {  	s4 =	sshll.u32 @!p0 s4, $0x11;
	s6 =	sadd.s32 @!p0 $0x11B8D, s6;
	_ =	swait.eq @!p0 [sflag:s5], $0x1  }
0xb2: {  	s4 =	sor.u32 @!p0 s4, s6;
	[sflag:s5] =	ssyncadd.s32 @!p0 $0xFFFFFFFF  }
0xb3: {  	s25 =	simm.s32 $0x1B8E;
	s24 =	sld [smem:$0x3FFE];
	[sflag:s4] =	ssyncadd.remote.s32 @!p0 $0x1  }
0xb4: {  	s26 =	simm.s32 $execute0_lowered;
	[smem:$0x3FD2] =	sst s25  }
0xb5: {  	s5 =	sshll.u32 s26, $0x1;
	_ =	strace $0x80000052;
	[dreg:$0x1] =	wrdreg $0xFFFFFFFF  }
0xb6: {  	s28 =	simm.s32 $_size_execute0_lowered;
	s3 =	sadd.s32 s3, s5;
	[dreg:$0x0] =	wrdreg $0x0  }
0xb7: {  	s5 =	sshll.u32 s28, $0x1;
	[dreg:$0x2] =	wrdreg s3  }
0xb8: {  	[dreg:$0x3] =	wrdreg s5  }
0xb9: {  	[dreg:$0x4] =	wrdreg $0xC0  }
0xba: {  	_ =	task [dreg:s22], $0x5FFFF  }
0xbb: {  	[dreg:$0x1] =	wrdreg $0xFFFFFFFF  }
0xbc: {  	[dreg:$0x0] =	wrdreg $0x60  }
0xbd: {  	[dreg:$0x2] =	wrdreg s24  }
0xbe: {  	[dreg:$0x3] =	wrdreg $0xA  }
0xbf: {  	_ =	task.clear_ibuf [dreg:s22], $0x4FFFF;
	_ =	strace $0x90000052  }
0xc0: {  	s29 =	simm.s32 $0xA;
	_ =	strace $0x80000054  }
0xc1: {  	_ =	swait.ge [sflag:s29], $0x1  }
0xc2: {  	[sflag:s29] =	ssyncadd.s32 $0xFFFFFFFF  }
0xc3: {  	_ =	strace $0x90000054  }
0xc4: {  	_ =	sfence  }
0xc5: {  	s30 =	sld [smem:$0x0];
	_ =	sdelay $0x2  }
0xc6: {  	s31 =	sshll.u32 s1, $0xD;
	s1 =	sshrl.u32 s1, $0x2  }
0xc7: {  	s4 =	sand.u32 $0x4000, s31;
	s1 =	sadd.s32 s1, s30  }
0xc8: {  	s0 =	sor.u32 s4, s0;
	s1 =	sshll.u32 s1, $0x11  }
0xc9: {  	s0 =	sor.u32 s1, s0  }
0xca: {  	s0 =	sadd.s32 $0x8F2B, s0  }
0xcb: {  	[sflag:s0] =	ssyncadd.remote.s32 $0x1  }
0xcc: {  	_ =	sfence.sel $0xFFFF  }
0xcd: {  	[dreg:$0x0] =	wrdreg $0xFFFFFFFF;
	(pc) =	sbr.abs _section_cstart, $3  }
0xce: {  	[dreg:$0x1] =	wrdreg $0xFFFFFFFF  }
0xcf: {  	_ =	task.clear_ibuf [dreg:s22], $0x2FFFF;
	_ =	strace $0x9FFFFFFF  }
0xd0: {  	(tm) =	ssettm $0x7FFFFFFF  }
0xd1: {  	_ =	shalt  }
tec
execute0_lowered:
.L_overlay_start_1:
0x0: {  	(tag) =	ssettag $0x1  }
0x1: {  	s0 =	srdreg.scid;
	s2 =	stileid.u32  }
0x2: {  	s1 =	rddreg [dreg:$0x0];
	s11 =	simm.s32 $0x7;
	s12 =	simm.s32 $0x2710  }
0x3: {  	s13 =	simm.s32 $0x190;
	s14 =	simm.s32 $0x4E20;
	s15 =	simm.s32 $0xB220  }
0x4: {  	s16 =	simm.s32 $0x11620;
	s17 =	simm.s32 $0x17A20;
	s18 =	simm.s32 $0x1  }
0x5: {  	s19 =	simm.s32 $0x2;
	s20 =	simm.s32 $0x3;
	s21 =	simm.s32 $0x4  }
0x6: {  	s22 =	simm.s32 $0x5;
	s23 =	simm.s32 $0x6;
	s24 =	simm.s32 $0x2580  }
0x7: {  	s25 =	simm.s32 $0x4C90;
	s0 =	sand.u32 $0x1, s0;
	s3 =	sshll.u32 s2, $0x1  }
0x8: {  	s26 =	simm.s32 $0x0;
	s2 =	simm.s32 $0x0;
	s5 =	sor.u32 s0, s3  }
0x9: {  	s4 =	sadd.s32 $0x538C00, s1;
	s0 =	ssub.s32 $0x2, s0;
	s3 =	smul.u32 $0x2710, s5  }
0xa: {  	[smem:$0x7FF] =	sst s2;
	s7 =	smul.u32 $0x9C400, s5;
	s9 =	sshrl.u32 s0, $0x1  }
0xb: {  	_ =	strace $0x80000053;
	s0 =	ssub.s32 s0, s9;
	s6 =	sshrl.u32 s3, $0x3  }
0xc: {  	s31 =	sshrl.u32 s7, $0x3;
	s8 =	sadd.s32 s6, s1;
	s6 =	sadd.s32 $0x573A00, s1  }
0xd: {  	s5 =	sadd.s32 $0x54C600, s1;
	s10 =	smax.u32 s0, $0x1;
	s1 =	sadd.s32 s6, s31  }
0xe: {  	s7 =	sadd.s32 $0xCE00, s8;
	s8 =	sadd.s32 $0x16C00, s8;
	s9 =	sadd.s32 $0x12C00, s1  }
.LBB2_1:
0xf: {  	[tilespmem:s2], [sflag:$0x7] =	stream.linear.gather [hbm4b:s7+s2], $0x2710, $0x38;
	[tilespmem:$0x1DE20] =	vst v63  }
0x10: {  	_ =	swait.ge [sflag:s11], $0x2710  }
0x11: {  	[sflag:s11] =	ssyncset.done $0x0  }
0x12: {  	[sflag:s11] =	ssyncadd.s32 $0xFFFFD8F0  }
0x13: {  	[tilespmem:s12], [sflag:$0x7] =	stream.linear.gather [hbm4b:s8+s2], $0x2710, $0x38;
	[tilespmem:$0x1DE20] =	vst v63  }
0x14: {  	_ =	swait.ge [sflag:s11], $0x2710  }
0x15: {  	[sflag:s11] =	ssyncset.done $0x0  }
0x16: {  	s28 =	simm.s32 $0x0;
	[sflag:s11] =	ssyncadd.s32 $0xFFFFD8F0  }
.LBB2_2:
0x17: {  	s30 =	smul.u32 $0x320, s28;
	_ =	sdelay $0x1  }
0x18: {  	[tilespmem:s14], [sflag:$0x1] =	stream.indirect.gather [hbm4b:s4+s13], $0x40, s30, s13, $0xb8;
	[tilespmem:$0x1DE20] =	vst v63  }
0x19: {  	s0 =	sadd.s32 $0x2710, s30  }
0x1a: {  	[tilespmem:s15], [sflag:$0x2] =	stream.indirect.gather [hbm4b:s5+s13], $0x40, s0, s13, $0xb8;
	[tilespmem:$0x1DE20] =	vst v63  }
0x1b: {  	s29 =	sadd.s32 $0x190, s30  }
0x1c: {  	[tilespmem:s16], [sflag:$0x3] =	stream.indirect.gather [hbm4b:s4+s13], $0x40, s29, s13, $0xb8;
	[tilespmem:$0x1DE20] =	vst v63  }
0x1d: {  	s1 =	sadd.s32 $0x28A0, s30  }
0x1e: {  	[tilespmem:s17], [sflag:$0x4] =	stream.indirect.gather [hbm4b:s5+s13], $0x40, s1, s13, $0xb8;
	[tilespmem:$0x1DE20] =	vst v63  }
0x1f: {  	_ =	swait.ge [sflag:s18], $0x6400  }
0x20: {  	[sflag:s18] =	ssyncset.done $0x0  }
0x21: {  	[sflag:s18] =	ssyncadd.s32 $0xFFFF9C00  }
0x22: {  	_ =	swait.ge [sflag:s19], $0x6400  }
0x23: {  	[sflag:s19] =	ssyncset.done $0x0  }
0x24: {  	s31 =	simm.s32 $0x0;
	[sflag:s19] =	ssyncadd.s32 $0xFFFF9C00  }
0x25: {  	v1 =	vld [tilespmem:s31+$0xB250]  }
0x26: {  	v2 =	vld [tilespmem:s31+$0xB220]  }
0x27: {  	v3 =	vld [tilespmem:s31+$0xB230]  }
0x28: {  	v0 =	vld [tilespmem:s31+$0xB240];
	_ =	sdelay $0x1  }
0x29: {  	[tilespmem:s31+$0x4E50] =	vst.add.f32.msk $0xffff, v1  }
0x2a: {  	[tilespmem:s31+$0x4E20] =	vst.add.f32.msk $0xffff, v2  }
0x2b: {  	s0 =	simm.s32 $0x200;
	s1 =	simm.s32 $0x40;
	[tilespmem:s31+$0x4E30] =	vst.add.f32.msk $0xffff, v3  }
.LBB2_3:
0x2c: {  	p0 =	sne.s32 s0, $0x18F00;
	v1 =	vld [tilespmem:s1+$0xB250];
	v2 =	vmov v0  }
0x2d: {  	v3 =	vld [tilespmem:s1+$0xB220]  }
0x2e: {  	v4 =	vld [tilespmem:s1+$0xB230]  }
.Ltmp0:
0x2f: {  	v0 =	vld [tilespmem:s1+$0xB240];
	(pc) =	sbr.rel @p0 .LBB2_3-.Ltmp0, $4  }
0x30: {  	[tilespmem:s31+$0x4E40] =	vst.add.f32.msk $0xffff, v2;
	s31 =	smov.u32 s1  }
0x31: {  	[tilespmem:s31+$0x4E50] =	vst.add.f32.msk $0xffff, v1  }
0x32: {  	[tilespmem:s31+$0x4E20] =	vst.add.f32.msk $0xffff, v3  }
0x33: {  	s1 =	sshra.s32 s0, $0x2;
	s0 =	sadd.s32 $0x100, s0;
	[tilespmem:s31+$0x4E30] =	vst.add.f32.msk $0xffff, v4  }
0x34: {  	v1 =	vld [tilespmem:s1+$0xB250]  }
0x35: {  	v2 =	vld [tilespmem:s1+$0xB220]  }
0x36: {  	v3 =	vld [tilespmem:s1+$0xB230]  }
0x37: {  	v4 =	vld [tilespmem:s1+$0xB240]  }
0x38: {  	[tilespmem:s31+$0x4E40] =	vst.add.f32.msk $0xffff, v0  }
0x39: {  	[tilespmem:s1+$0x4E50] =	vst.add.f32.msk $0xffff, v1  }
0x3a: {  	s0 =	sadd.s32 s3, s30;
	[tilespmem:s1+$0x4E20] =	vst.add.f32.msk $0xffff, v2  }
0x3b: {  	s0 =	sshll.u32 s0, $0x3;
	[tilespmem:s1+$0x4E30] =	vst.add.f32.msk $0xffff, v3  }
0x3c: {  	s0 =	sadd.s32 s6, s0;
	[tilespmem:s1+$0x4E40] =	vst.add.f32.msk $0xffff, v4;
	s1 =	simm.s32 $0x0  }
0x3d: {  	[hbm4b:s0+s1] =	stream.linear.scatter [tilespmem:s14], [sflag:$0x5], $0x6400, $0x38;
	[tilespmem:$0x1DE20] =	vst v63  }
0x3e: {  	_ =	swait.ge [sflag:s20], $0x6400  }
0x3f: {  	[sflag:s20] =	ssyncset.done $0x0  }
0x40: {  	[sflag:s20] =	ssyncadd.s32 $0xFFFF9C00  }
0x41: {  	_ =	swait.ge [sflag:s21], $0x6400  }
0x42: {  	[sflag:s21] =	ssyncset.done $0x0  }
0x43: {  	s30 =	simm.s32 $0x0;
	[sflag:s21] =	ssyncadd.s32 $0xFFFF9C00  }
0x44: {  	v1 =	vld [tilespmem:s30+$0x17A50]  }
0x45: {  	v2 =	vld [tilespmem:s30+$0x17A20]  }
0x46: {  	v3 =	vld [tilespmem:s30+$0x17A30]  }
0x47: {  	v0 =	vld [tilespmem:s30+$0x17A40];
	_ =	sdelay $0x1  }
0x48: {  	[tilespmem:s30+$0x11650] =	vst.add.f32.msk $0xffff, v1  }
0x49: {  	[tilespmem:s30+$0x11620] =	vst.add.f32.msk $0xffff, v2  }
0x4a: {  	s31 =	simm.s32 $0x40;
	s0 =	simm.s32 $0x200;
	[tilespmem:s30+$0x11630] =	vst.add.f32.msk $0xffff, v3  }
.LBB2_5:
0x4b: {  	p0 =	sne.s32 s0, $0x18F00;
	v1 =	vld [tilespmem:s31+$0x17A50];
	v2 =	vmov v0  }
0x4c: {  	v3 =	vld [tilespmem:s31+$0x17A20]  }
0x4d: {  	v4 =	vld [tilespmem:s31+$0x17A30]  }
.Ltmp1:
0x4e: {  	v0 =	vld [tilespmem:s31+$0x17A40];
	(pc) =	sbr.rel @p0 .LBB2_5-.Ltmp1, $4  }
0x4f: {  	[tilespmem:s30+$0x11640] =	vst.add.f32.msk $0xffff, v2;
	s30 =	smov.u32 s31  }
0x50: {  	[tilespmem:s30+$0x11650] =	vst.add.f32.msk $0xffff, v1  }
0x51: {  	[tilespmem:s30+$0x11620] =	vst.add.f32.msk $0xffff, v3  }
0x52: {  	s31 =	sshra.s32 s0, $0x2;
	s0 =	sadd.s32 $0x100, s0;
	[tilespmem:s30+$0x11630] =	vst.add.f32.msk $0xffff, v4  }
0x53: {  	v1 =	vld [tilespmem:s31+$0x17A50]  }
0x54: {  	v2 =	vld [tilespmem:s31+$0x17A20]  }
0x55: {  	v3 =	vld [tilespmem:s31+$0x17A30]  }
0x56: {  	v4 =	vld [tilespmem:s31+$0x17A40]  }
0x57: {  	[tilespmem:s30+$0x11640] =	vst.add.f32.msk $0xffff, v0  }
0x58: {  	s0 =	sadd.s32 s3, s29;
	[tilespmem:s31+$0x11650] =	vst.add.f32.msk $0xffff, v1  }
0x59: {  	s0 =	sshll.u32 s0, $0x3;
	[tilespmem:s31+$0x11620] =	vst.add.f32.msk $0xffff, v2  }
0x5a: {  	s0 =	sand.u32 $0x1FFFFF80, s0;
	[tilespmem:s31+$0x11630] =	vst.add.f32.msk $0xffff, v3  }
0x5b: {  	s28 =	sadd.s32 $0x1, s28;
	s0 =	sadd.s32 s6, s0;
	[tilespmem:s31+$0x11640] =	vst.add.f32.msk $0xffff, v4  }
0x5c: {  	[hbm4b:s0+s2] =	stream.linear.scatter [tilespmem:s16], [sflag:$0x6], $0x6400, $0x38;
	[tilespmem:$0x1DE20] =	vst v63  }
0x5d: {  	p0 =	sne.s32 s28, $0xC;
	_ =	swait.ge [sflag:s22], $0x6400  }
.Ltmp2:
0x5e: {  	[sflag:s22] =	ssyncset.done $0x0;
	(pc) =	sbr.rel @p0 .LBB2_2-.Ltmp2, $4  }
0x5f: {  	[sflag:s22] =	ssyncadd.s32 $0xFFFF9C00  }
0x60: {  	_ =	swait.ge [sflag:s23], $0x6400  }
0x61: {  	[sflag:s23] =	ssyncset.done $0x0  }
0x62: {  	[sflag:s23] =	ssyncadd.s32 $0xFFFF9C00  }
0x63: {  	[tilespmem:s14], [sflag:$0x1] =	stream.indirect.gather [hbm4b:s4+s13], $0x40, s24, s13, $0xb8;
	[tilespmem:$0x1DE20] =	vst v63  }
0x64: {  	_ = 	snop  }
0x65: {  	[tilespmem:s15], [sflag:$0x2] =	stream.indirect.gather [hbm4b:s5+s13], $0x40, s25, s13, $0xb8;
	[tilespmem:$0x1DE20] =	vst v63  }
0x66: {  	_ =	swait.ge [sflag:s18], $0x6400  }
0x67: {  	[sflag:s18] =	ssyncset.done $0x0  }
0x68: {  	[sflag:s18] =	ssyncadd.s32 $0xFFFF9C00  }
0x69: {  	_ =	swait.ge [sflag:s19], $0x6400  }
0x6a: {  	[sflag:s19] =	ssyncset.done $0x0  }
0x6b: {  	s28 =	simm.s32 $0x0;
	[sflag:s19] =	ssyncadd.s32 $0xFFFF9C00  }
0x6c: {  	v1 =	vld [tilespmem:s28+$0xB250]  }
0x6d: {  	v2 =	vld [tilespmem:s28+$0xB220]  }
0x6e: {  	v3 =	vld [tilespmem:s28+$0xB230]  }
0x6f: {  	v0 =	vld [tilespmem:s28+$0xB240];
	_ =	sdelay $0x1  }
0x70: {  	[tilespmem:s28+$0x4E50] =	vst.add.f32.msk $0xffff, v1  }
0x71: {  	[tilespmem:s28+$0x4E20] =	vst.add.f32.msk $0xffff, v2  }
0x72: {  	s1 =	simm.s32 $0x40;
	s0 =	simm.s32 $0x200;
	[tilespmem:s28+$0x4E30] =	vst.add.f32.msk $0xffff, v3  }
.LBB2_8:
0x73: {  	p0 =	sne.s32 s0, $0x18F00;
	v1 =	vld [tilespmem:s1+$0xB250];
	v2 =	vmov v0  }
0x74: {  	v3 =	vld [tilespmem:s1+$0xB220]  }
0x75: {  	v4 =	vld [tilespmem:s1+$0xB230]  }
.Ltmp3:
0x76: {  	v0 =	vld [tilespmem:s1+$0xB240];
	(pc) =	sbr.rel @p0 .LBB2_8-.Ltmp3, $4  }
0x77: {  	[tilespmem:s28+$0x4E40] =	vst.add.f32.msk $0xffff, v2;
	s28 =	smov.u32 s1  }
0x78: {  	[tilespmem:s28+$0x4E50] =	vst.add.f32.msk $0xffff, v1  }
0x79: {  	[tilespmem:s28+$0x4E20] =	vst.add.f32.msk $0xffff, v3  }
0x7a: {  	s1 =	sshra.s32 s0, $0x2;
	s0 =	sadd.s32 $0x100, s0;
	[tilespmem:s28+$0x4E30] =	vst.add.f32.msk $0xffff, v4  }
0x7b: {  	v1 =	vld [tilespmem:s1+$0xB250]  }
0x7c: {  	v2 =	vld [tilespmem:s1+$0xB220]  }
0x7d: {  	v3 =	vld [tilespmem:s1+$0xB230]  }
0x7e: {  	v4 =	vld [tilespmem:s1+$0xB240]  }
0x7f: {  	[tilespmem:s28+$0x4E40] =	vst.add.f32.msk $0xffff, v0  }
0x80: {  	[tilespmem:s1+$0x4E50] =	vst.add.f32.msk $0xffff, v1  }
0x81: {  	s26 =	sadd.s32 $0x1, s26;
	[tilespmem:s1+$0x4E20] =	vst.add.f32.msk $0xffff, v2  }
0x82: {  	p0 =	sne.s32 s26, s10;
	[tilespmem:s1+$0x4E30] =	vst.add.f32.msk $0xffff, v3  }
.Ltmp4:
0x83: {  	[tilespmem:s1+$0x4E40] =	vst.add.f32.msk $0xffff, v4;
	(pc) =	sbr.rel @p0 .LBB2_1-.Ltmp4, $4  }
0x84: {  	[hbm4b:s9+s2] =	stream.linear.scatter [tilespmem:s14], [sflag:$0x7], $0x6400, $0x38;
	[tilespmem:$0x1DE20] =	vst v63  }
0x85: {  	_ =	swait.ge [sflag:s11], $0x6400  }
0x86: {  	[sflag:s11] =	ssyncset.done $0x0  }
0x87: {  	[sflag:s11] =	ssyncadd.s32 $0xFFFF9C00  }
0x88: {  	_ =	sfence.sel $0x180000  }
0x89: {  	[bflag:$0x0] =	sbarrier.arrive $0xFFFF  }
0x8a: {  	_ =	strace $0x90000053  }
0x8b: {  	s0 =	stileid.u32;
	[bflag:$0x2] =	sbarrier.arrive $0xFFFF  }
0x8c: {  	p0 =	sne.s32 s0, $0x0;
	s0 =	rddreg [dreg:$0x1]  }
0x8d: {  	s0 =	sadd.s32 @!p0 $0x100000, s0  }
0x8e: {  	[sflag:s0] =	ssyncadd.tile.s32 @!p0 $0x1;
	_ =	shalt  }
.Lfunc_end2:
_tile_overlayer_lowered:
.L_overlay_start_2:
0x8f: {  	(tag) =	ssettag $0x2  }
0x90: {  	s0 =	rddreg [dreg:$0x0];
	s2 =	stileid.u32  }
0x91: {  	s1 =	rddreg [dreg:$0x1];
	p0 =	sne.s32 s2, $0x0  }
0x92: {  	s3 =	rddreg [dreg:$0x2];
	[bflag:$0x3] =	sbarrier.arrive $0xFFFF;
	s2 =	simm.s32 @!p0 $0x1C07  }
0x93: {  	[timem:s3], [sflag:s2] =	dma.local @!p0 [hbm:s0], s1  }
0x94: {  	s0 =	simm.s32 @!p0 $0x7  }
0x95: {  	_ =	swait.ge @!p0 [sflag:s0], s1  }
0x96: {  	s1 =	ssub.s32 @!p0 $0x0, s1;
	[sflag:s0] =	ssyncset.done @!p0 $0x0  }
0x97: {  	[sflag:s0] =	ssyncadd.s32 @!p0 s1  }
0x98: {  	[bflag:$0x3] =	sbarrier.arrive $0xFFFF  }
0x99: {  	_ =	shalt  }

// kernel: kernel.35.cloned.1.call-start
scs
__scs_entry_jumppad:
0x0: {  	(pc) =	sbr.rel $0x88, $3  }
0x1: {  	(tag) =	ssettag $0x0;
	lr =	simm.s32 $0x1  }
0x2: {  	[smem:$0x3F73] =	sst lr;
	_ =	strace $0xD0000000  }
0x3: {  	_ = 	snop  }
0x4: {  	_ = 	snop  }
0x5: {  	_ = 	snop  }
0x6: {  	_ = 	snop  }
0x7: {  	_ = 	snop  }
__scs_overlays_trampoline_lowered:
0x8: {  	[smem:$0x3F82] =	sst s0  }
0x9: {  	[smem:$0x3F83] =	sst s1  }
0xa: {  	[smem:$0x3F84] =	sst s2  }
0xb: {  	[smem:$0x3F85] =	sst s3  }
0xc: {  	[smem:$0x3F86] =	sst s4  }
0xd: {  	[smem:$0x3F87] =	sst s5  }
0xe: {  	[smem:$0x3F88] =	sst s6  }
0xf: {  	[smem:$0x3F89] =	sst s7  }
0x10: {  	[smem:$0x3F8A] =	sst s8  }
0x11: {  	[smem:$0x3F8B] =	sst s9;
	s0 =	simm.s32 @!p0 $0x0  }
0x12: {  	s1 =	sld [smem:$0x3F71];
	s0 =	simm.s32 @p0 $0x1  }
0x13: {  	[smem:$0x3F8C] =	sst s0;
	s0 =	simm.s32 @!p1 $0x0  }
0x14: {  	s2 =	sld [smem:$0x3F70];
	s0 =	simm.s32 @p1 $0x1  }
0x15: {  	[smem:$0x3F8D] =	sst s0;
	s0 =	simm.s32 @!p2 $0x0  }
0x16: {  	s3 =	sld [smem:$0x3FDB];
	s0 =	simm.s32 @p2 $0x1  }
0x17: {  	s4 =	simm.s32 $0x1BF5;
	[smem:$0x3F8F] =	sst s0  }
0x18: {  	s0 =	sld [smem:$0x3F72];
	_ =	swait.ge [sflag:s4], $0x0  }
0x19: {  	s7 =	sld [smem:$0x3F73]  }
0x1a: {  	s8 =	sadd.s32 $0xFFFFE003, lr  }
0x1b: {  	s9 =	sadd.s32 $0xFFFFFEF7, lr;
	s5 =	simm.s32 $0xFFFFFFFF;
	p2 =	slt.u32 s8, $0xFFFFF086  }
0x1c: {  	p1 =	slt.u32 s9, $0xF7A;
	s5 =	simm.s32 @!p2 $0x0  }
0x1d: {  	s5 =	simm.s32 @p1 $0x1;
	p0 =	seq.s32 s7, s2  }
0x1e: {  	s7 =	smul.u32 @!p0 $0xF7A, s2;
	p2 =	seq.s32 @!p0 s5, $0x0  }
0x1f: {  	s9 =	smul.u32 $0xF7A, s1;
	s8 =	simm.s32 @!p0 $0x1BF5;
	p2 =	por !p2, p0  }
0x20: {  	[sflag:s8] =	ssyncset.s32 @!p0 $0xFFFFF086;
	s6 =	sadd.s32 @!p0 s3, s7;
	s7 =	simm.s32 @!p0 $0x108  }
0x21: {  	s3 =	sadd.s32 s3, s9;
	s6 =	sadd.s32 @!p0 $0x88, s6;
	s7 =	simm.s32 @p2 $0x1082  }
0x22: {  	[simem:s7], [sflag:s8] =	dma.local @!p0 [hbm:s6], $0xF7A  }
0x23: {  	s9 =	sor.u32 $0xD0000000, s2;
	s6 =	simm.s32 $0x108;
	_ =	swait.ge @!p0 [sflag:s8], $0x0  }
0x24: {  	s3 =	sadd.s32 $0x88, s3;
	s6 =	simm.s32 @!p1 $0x1082;
	[sflag:s4] =	ssyncset.s32 $0xFFFFF086  }
0x25: {  	[simem:s6], [sflag:s4] =	dma.local [hbm:s3], $0xF7A  }
0x26: {  	[smem:$0x3F73] =	sst s1;
	(tag) =	ssettag s2;
	_ =	strace s9  }
0x27: {  	s1 =	sld [smem:$0x3F83]  }
0x28: {  	s2 =	sld [smem:$0x3F84]  }
0x29: {  	s4 =	sld [smem:$0x3F86]  }
0x2a: {  	p0 =	seq.s32 s5, $0x0;
	s5 =	sld [smem:$0x3F87]  }
0x2b: {  	s6 =	sld [smem:$0x3F88]  }
0x2c: {  	s7 =	sld [smem:$0x3F89]  }
0x2d: {  	s3 =	simm.s32 $0x108;
	s8 =	sld [smem:$0x3F8A]  }
0x2e: {  	s3 =	simm.s32 @!p0 $0x1082;
	s9 =	sld [smem:$0x3F8B]  }
0x2f: {  	lr =	sadd.s32 s0, s3;
	s0 =	sld [smem:$0x3F82]  }
0x30: {  	s3 =	sld [smem:$0x3F85]  }
0x31: {  	[smem:$0x3F8E] =	sst s10  }
0x32: {  	s10 =	sld [smem:$0x3F8C];
	_ =	sdelay $0x3  }
0x33: {  	p0 =	seq.s32 s10, $0x1;
	s10 =	sld [smem:$0x3F8E];
	_ =	sdelay $0x3  }
0x34: {  	[smem:$0x3F8E] =	sst s10  }
0x35: {  	s10 =	sld [smem:$0x3F8D];
	_ =	sdelay $0x3  }
0x36: {  	p1 =	seq.s32 s10, $0x1;
	s10 =	sld [smem:$0x3F8E];
	_ =	sdelay $0x3  }
0x37: {  	[smem:$0x3F8E] =	sst s10  }
0x38: {  	s10 =	sld [smem:$0x3F8F]  }
0x39: {  	_ = 	snop;
	(pc) =	sbr.ind lr, $3  }
0x3a: {  	_ = 	snop  }
0x3b: {  	_ = 	snop  }
0x3c: {  	p2 =	seq.s32 s10, $0x1;
	s10 =	sld [smem:$0x3F8E]  }
0x3d: {  	_ =	shalt  }
0x3e: {  	_ =	shalt  }
0x3f: {  	_ =	shalt  }
0x40: {  	_ =	shalt  }
0x41: {  	_ =	shalt  }
0x42: {  	_ =	shalt  }
0x43: {  	_ =	shalt  }
0x44: {  	_ =	shalt  }
0x45: {  	_ =	shalt  }
0x46: {  	_ =	shalt  }
0x47: {  	_ =	shalt  }
0x48: {  	_ =	shalt  }
0x49: {  	_ =	shalt  }
0x4a: {  	_ =	shalt  }
0x4b: {  	_ =	shalt  }
0x4c: {  	_ =	shalt  }
0x4d: {  	_ =	shalt  }
0x4e: {  	_ =	shalt  }
0x4f: {  	_ =	shalt  }
0x50: {  	_ =	shalt  }
0x51: {  	_ =	shalt  }
0x52: {  	_ =	shalt  }
0x53: {  	_ =	shalt  }
0x54: {  	_ =	shalt  }
0x55: {  	_ =	shalt  }
0x56: {  	_ =	shalt  }
0x57: {  	_ =	shalt  }
0x58: {  	_ =	shalt  }
0x59: {  	_ =	shalt  }
0x5a: {  	_ =	shalt  }
0x5b: {  	_ =	shalt  }
0x5c: {  	_ =	shalt  }
0x5d: {  	_ =	shalt  }
0x5e: {  	_ =	shalt  }
0x5f: {  	_ =	shalt  }
0x60: {  	_ =	shalt  }
0x61: {  	_ =	shalt  }
0x62: {  	_ =	shalt  }
0x63: {  	_ =	shalt  }
0x64: {  	_ =	shalt  }
0x65: {  	_ =	shalt  }
0x66: {  	_ =	shalt  }
0x67: {  	_ =	shalt  }
0x68: {  	_ =	shalt  }
0x69: {  	_ =	shalt  }
0x6a: {  	_ =	shalt  }
0x6b: {  	_ =	shalt  }
0x6c: {  	_ =	shalt  }
0x6d: {  	_ =	shalt  }
0x6e: {  	_ =	shalt  }
0x6f: {  	_ =	shalt  }
0x70: {  	_ =	shalt  }
0x71: {  	_ =	shalt  }
0x72: {  	_ =	shalt  }
0x73: {  	_ =	shalt  }
0x74: {  	_ =	shalt  }
0x75: {  	_ =	shalt  }
0x76: {  	_ =	shalt  }
0x77: {  	_ =	shalt  }
0x78: {  	_ =	shalt  }
0x79: {  	_ =	shalt  }
0x7a: {  	_ =	shalt  }
0x7b: {  	_ =	shalt  }
0x7c: {  	_ =	shalt  }
0x7d: {  	_ =	shalt  }
0x7e: {  	_ =	shalt  }
0x7f: {  	_ =	shalt  }
0x80: {  	_ =	shalt  }
0x81: {  	_ =	shalt  }
0x82: {  	_ =	shalt  }
0x83: {  	_ =	shalt  }
0x84: {  	_ =	shalt  }
0x85: {  	_ =	shalt  }
0x86: {  	_ =	shalt  }
0x87: {  	_ =	shalt  }
.Lfunc_end0:
.L_simem_size_0:
called_computation.6_lowered:
.L_overlay_start_0:
0x88: {  	s2 =	sld [smem:$0x3FD9]  }
0x89: {  	s3 =	sld [smem:$0x3FFE];
	_ =	sdelay $0x1  }
0x8a: {  	s1 =	srdreg.scid  }
0x8b: {  	s0 =	sand.u32 $0x1, s1  }
0x8c: {  	s17 =	sshll.u32 s0, $0xA;
	s2 =	sadd.s32 s3, s2  }
0x8d: {  	s2 =	sadd.s32 s2, s17  }
0x8e: {  	[smem:$0x3F9A] =	sst s2  }
0x8f: {  	_ = 	snop  }
0x90: {  	(tm) =	ssettm $0x1  }
0x91: {  	s18 =	sld [smem:$0x3FFB];
	_ =	sdelay $0x3  }
0x92: {  	_ =	strace s18  }
0x93: {  	s2 =	sld [smem:$0x3FFC];
	_ =	sdelay $0x3  }
0x94: {  	_ =	strace s2  }
0x95: {  	s2 =	sld [smem:$0x3FFD];
	_ =	sdelay $0x3  }
0x96: {  	_ =	strace s2  }
0x97: {  	_ =	strace $0x8FFFFFFF  }
0x98: {  	s19 =	sld [smem:$0x3FDB];
	_ =	sdelay $0x1  }
0x99: {  	s20 =	simm.s32 $_scs_section_size  }
0x9a: {  	s4 =	simm.s32 $_size__tile_overlayer_lowered;
	s5 =	simm.s32 $_tile_overlayer_lowered  }
0x9b: {  	s6 =	simm.s32 $0x1BFF;
	s21 =	sshll.u32 s5, $0x1;
	s3 =	sadd.s32 s20, s19  }
0x9c: {  	s22 =	simm.s32 $0x0;
	s4 =	sshll.u32 s4, $0x1;
	s5 =	sadd.s32 s21, s3  }
0x9d: {  	[timem:s22], [sflag:s6] =	dma.local [hbm:s5], s4  }
0x9e: {  	_ =	swait.ge [sflag:s6], s4  }
0x9f: {  	s4 =	ssub.s32 $0x0, s4;
	[sflag:s6] =	ssyncset.done $0x0  }
0xa0: {  	[sflag:s6] =	ssyncadd.s32 s4;
	_ =	sdelay $0x1  }
0xa1: {  	s23 =	simm.s32 $0x1B8B  }
0xa2: {  	_ =	swait.ge [sflag:s23], $0x1  }
0xa3: {  	[sflag:s23] =	ssyncset.done $0x0  }
0xa4: {  	[sflag:s23] =	ssyncadd.s32 $0xFFFFFFFF  }
0xa5: {  	s4 =	sld [smem:$0x0]  }
0xa6: {  	s5 =	sand.u32 $0xFFFFFFFE, s1  }
0xa7: {  	p0 =	sne.s32 s1, s5  }
0xa8: {  	s5 =	sshll.u32 @p0 s5, $0xE  }
0xa9: {  	s5 =	sadd.s32 @p0 $0x11B8D, s5;
	s6 =	sshll.u32 @p0 s4, $0x11  }
0xaa: {  	s5 =	sor.u32 @p0 s6, s5  }
0xab: {  	[sflag:s5] =	ssyncadd.remote.s32 @p0 $0x1;
	_ =	sdelay $0x1  }
0xac: {  	s5 =	simm.s32 @p0 $0x1B8D  }
0xad: {  	_ =	swait.eq @p0 [sflag:s5], $0x1  }
0xae: {  	[sflag:s5] =	ssyncadd.s32 @p0 $0xFFFFFFFF  }
0xaf: {  	s6 =	sshll.u32 @!p0 s1, $0xE  }
0xb0: {  	s6 =	sor.u32 @!p0 $0x4000, s6;
	s5 =	simm.s32 @!p0 $0x1B8D  }
0xb1: {  	s4 =	sshll.u32 @!p0 s4, $0x11;
	s6 =	sadd.s32 @!p0 $0x11B8D, s6;
	_ =	swait.eq @!p0 [sflag:s5], $0x1  }
0xb2: {  	s4 =	sor.u32 @!p0 s4, s6;
	[sflag:s5] =	ssyncadd.s32 @!p0 $0xFFFFFFFF  }
0xb3: {  	s25 =	simm.s32 $0x1B8E;
	s24 =	sld [smem:$0x3FFE];
	[sflag:s4] =	ssyncadd.remote.s32 @!p0 $0x1  }
0xb4: {  	s26 =	simm.s32 $execute0_lowered;
	[smem:$0x3FD2] =	sst s25  }
0xb5: {  	s5 =	sshll.u32 s26, $0x1;
	_ =	strace $0x80000058;
	[dreg:$0x1] =	wrdreg $0xFFFFFFFF  }
0xb6: {  	s28 =	simm.s32 $_size_execute0_lowered;
	s3 =	sadd.s32 s3, s5;
	[dreg:$0x0] =	wrdreg $0x0  }
0xb7: {  	s5 =	sshll.u32 s28, $0x1;
	[dreg:$0x2] =	wrdreg s3  }
0xb8: {  	[dreg:$0x3] =	wrdreg s5  }
0xb9: {  	[dreg:$0x4] =	wrdreg $0xC0  }
0xba: {  	_ =	task [dreg:s22], $0x5FFFF  }
0xbb: {  	[dreg:$0x1] =	wrdreg $0xFFFFFFFF  }
0xbc: {  	[dreg:$0x0] =	wrdreg $0x60  }
0xbd: {  	[dreg:$0x2] =	wrdreg s24  }
0xbe: {  	[dreg:$0x3] =	wrdreg $0xCB200  }
0xbf: {  	[dreg:$0x4] =	wrdreg $0xA  }
0xc0: {  	_ =	task.clear_ibuf [dreg:s22], $0x5FFFF;
	_ =	strace $0x90000058  }
0xc1: {  	s29 =	simm.s32 $0xA;
	_ =	strace $0x8000005A  }
0xc2: {  	_ =	swait.ge [sflag:s29], $0x1  }
0xc3: {  	[sflag:s29] =	ssyncadd.s32 $0xFFFFFFFF  }
0xc4: {  	_ =	strace $0x9000005A  }
0xc5: {  	_ =	sfence  }
0xc6: {  	s30 =	sld [smem:$0x0];
	_ =	sdelay $0x2  }
0xc7: {  	s31 =	sshll.u32 s1, $0xD;
	s1 =	sshrl.u32 s1, $0x2  }
0xc8: {  	s4 =	sand.u32 $0x4000, s31;
	s1 =	sadd.s32 s1, s30  }
0xc9: {  	s0 =	sor.u32 s4, s0;
	s1 =	sshll.u32 s1, $0x11  }
0xca: {  	s0 =	sor.u32 s1, s0  }
0xcb: {  	s0 =	sadd.s32 $0x8F2B, s0  }
0xcc: {  	[sflag:s0] =	ssyncadd.remote.s32 $0x1  }
0xcd: {  	_ =	sfence.sel $0xFFFF  }
0xce: {  	[dreg:$0x0] =	wrdreg $0xFFFFFFFF;
	(pc) =	sbr.abs _section_cstart, $3  }
0xcf: {  	[dreg:$0x1] =	wrdreg $0xFFFFFFFF  }
0xd0: {  	_ =	task.clear_ibuf [dreg:s22], $0x2FFFF;
	_ =	strace $0x9FFFFFFF  }
0xd1: {  	(tm) =	ssettm $0x7FFFFFFF  }
tec
execute0_lowered:
.L_overlay_start_1:
0x0: {  	(tag) =	ssettag $0x1  }
0x1: {  	s4 =	rddreg [dreg:$0x0]  }
0x2: {  	s2 =	rddreg [dreg:$0x1]  }
0x3: {  	s0 =	rddreg [dreg:$0x2];
	s3 =	simm.s32 $0x0;
	s1 =	stileid.u32  }
0x4: {  	s5 =	srdreg.scid;
	s17 =	simm.s32 $0x190;
	s6 =	smul.u32 $0x9C40, s1  }
0x5: {  	s18 =	simm.s32 $0x6720;
	s19 =	simm.s32 $0x1;
	s14 =	smul.u32 $0x2710, s1  }
0x6: {  	s20 =	simm.s32 $0x3;
	s7 =	sand.u32 $0x1, s5;
	s28 =	smul.u32 $0x13880, s1  }
0x7: {  	[smem:$0x7FF] =	sst s3;
	s12 =	sadd.s32 $0x5B600, s4;
	s5 =	smul.u32 $0x9C400, s7  }
0x8: {  	s13 =	sadd.s32 $0x16C00, s4;
	s21 =	sshll.u32 s1, $0x6;
	s10 =	smul.u32 $0x27100, s7  }
0x9: {  	_ =	strace $0x80000059;
	s9 =	ssub.s32 $0x2, s7;
	s26 =	smul.u32 $0x138800, s7  }
0xa: {  	s8 =	sshrl.u32 s6, $0x3;
	s11 =	sshrl.u32 s9, $0x1;
	s16 =	sadd.s32 s6, s2  }
0xb: {  	s5 =	sadd.s32 s6, s5;
	s8 =	sadd.s32 s8, s4;
	s9 =	ssub.s32 s9, s11  }
0xc: {  	s22 =	sadd.s32 s14, s10;
	s14 =	sadd.s32 s26, s12;
	s5 =	sshrl.u32 s5, $0x3  }
0xd: {  	s23 =	sadd.s32 $0x2580, s22;
	s9 =	smax.u32 s9, $0x1;
	s10 =	sadd.s32 s28, s14  }
0xe: {  	s29 =	sshrl.u32 s22, $0x3;
	s30 =	sadd.s32 $0x190, s22;
	s14 =	sshrl.u32 s16, $0x3  }
0xf: {  	s16 =	simm.s32 $0x320;
	s22 =	simm.s32 $0x4;
	s15 =	sadd.s32 s5, s4  }
0x10: {  	s4 =	sadd.s32 $0x20A00, s8;
	s5 =	sor.u32 $0x1C05, s21;
	s24 =	sshrl.u32 s23, $0x3  }
0x11: {  	s25 =	sshll.u32 s23, $0x3;
	s11 =	sadd.s32 s29, s13;
	s31 =	sshll.u32 s30, $0x3  }
0x12: {  	s21 =	simm.s32 $0x2;
	s23 =	simm.s32 $0x0;
	s6 =	sadd.s32 s13, s24  }
0x13: {  	s7 =	sadd.s32 s12, s25;
	s8 =	sadd.s32 $0x573A00, s15;
	s15 =	sshrl.u32 s30, $0x3  }
0x14: {  	s12 =	sadd.s32 s31, s12;
	s13 =	sadd.s32 s15, s13;
	s15 =	simm.s32 $0x5  }
.LBB2_1:
0x15: {  	[spmem:s14], [sflag:s5] =	dma.local [hbm:s4], $0x1388  }
0x16: {  	_ =	swait.ge [sflag:s15], $0x1388  }
0x17: {  	[sflag:s15] =	ssyncset.done $0x0  }
0x18: {  	[sflag:s15] =	ssyncadd.s32 $0xFFFFEC78  }
0x19: {  	s24 =	sadd.s32 $0x0, s11;
	[bflag:$0x0] =	sbarrier.arrive $0xFFFF  }
0x1a: {  	[tilespmem:s3], [sflag:$0x1] =	stream.linear.gather [hbm4b:s24+s3], $0x190, $0x38;
	[tilespmem:$0x16760] =	vst v63  }
0x1b: {  	_ = 	snop  }
0x1c: {  	[tilespmem:s16], [sflag:$0x3] =	stream.linear.gather [hbm4b:s10+s3], $0x6400, $0x38;
	[tilespmem:$0x16760] =	vst v63  }
0x1d: {  	s31 =	sadd.s32 $0x0, s13  }
0x1e: {  	[tilespmem:s17], [sflag:$0x2] =	stream.linear.gather [hbm4b:s31+s3], $0x190, $0x38;
	[tilespmem:$0x16760] =	vst v63  }
0x1f: {  	_ = 	snop  }
0x20: {  	[tilespmem:s18], [sflag:$0x4] =	stream.linear.gather [hbm4b:s12+s3], $0x6400, $0x38;
	[tilespmem:$0x16760] =	vst v63  }
0x21: {  	_ =	swait.ge [sflag:s19], $0x190  }
0x22: {  	[sflag:s19] =	ssyncset.done $0x0  }
0x23: {  	[sflag:s19] =	ssyncadd.s32 $0xFFFFFE70  }
0x24: {  	_ =	swait.ge [sflag:s20], $0x6400  }
0x25: {  	[sflag:s20] =	ssyncset.done $0x0  }
0x26: {  	[sflag:s20] =	ssyncadd.s32 $0xFFFF9C00  }
0x27: {  	[spmem:s2] =	stream.indirect.scatter.add.f32 [tilespmem:s16], [sflag:$0x5], $0x40, s3, s17, $0xb8;
	[tilespmem:$0x16760] =	vst v63  }
0x28: {  	_ =	swait.ge [sflag:s15], $0x6400  }
0x29: {  	[sflag:s15] =	ssyncset.done $0x0  }
0x2a: {  	[sflag:s15] =	ssyncadd.s32 $0xFFFF9C00  }
0x2b: {  	_ =	swait.ge [sflag:s21], $0x190  }
0x2c: {  	[sflag:s21] =	ssyncset.done $0x0  }
0x2d: {  	[sflag:s21] =	ssyncadd.s32 $0xFFFFFE70  }
0x2e: {  	_ =	swait.ge [sflag:s22], $0x6400  }
0x2f: {  	[sflag:s22] =	ssyncset.done $0x0  }
0x30: {  	[sflag:s22] =	ssyncadd.s32 $0xFFFF9C00  }
0x31: {  	[spmem:s2] =	stream.indirect.scatter.add.f32 [tilespmem:s18], [sflag:$0x5], $0x40, s17, s17, $0xb8;
	[tilespmem:$0x16760] =	vst v63  }
0x32: {  	s28 =	simm.s32 $0xC8;
	s26 =	sadd.s32 $0x1900, s10;
	_ =	swait.ge [sflag:s15], $0x6400  }
0x33: {  	s25 =	sadd.s32 $0x1900, s12;
	s24 =	simm.s32 $0x64;
	[sflag:s15] =	ssyncset.done $0x0  }
.LBB2_2:
0x34: {  	s29 =	sadd.s32 s24, s11  }
0x35: {  	[sflag:s15] =	ssyncadd.s32 $0xFFFF9C00;
	s30 =	smov.u32 s28;
	s31 =	sadd.s32 $0x64, s28  }
0x36: {  	[tilespmem:s3], [sflag:$0x1] =	stream.linear.gather [hbm4b:s29+s3], $0x190, $0x38;
	[tilespmem:$0x16760] =	vst v63  }
0x37: {  	p0 =	sne.s32 s28, $0x44C  }
0x38: {  	[tilespmem:s16], [sflag:$0x3] =	stream.linear.gather [hbm4b:s26+s3], $0x6400, $0x38;
	[tilespmem:$0x16760] =	vst v63  }
0x39: {  	s28 =	sadd.s32 s24, s13;
	s24 =	smov.u32 s30  }
0x3a: {  	[tilespmem:s17], [sflag:$0x2] =	stream.linear.gather [hbm4b:s28+s3], $0x190, $0x38;
	[tilespmem:$0x16760] =	vst v63  }
0x3b: {  	_ = 	snop  }
0x3c: {  	[tilespmem:s18], [sflag:$0x4] =	stream.linear.gather [hbm4b:s25+s3], $0x6400, $0x38;
	[tilespmem:$0x16760] =	vst v63  }
0x3d: {  	_ =	swait.ge [sflag:s19], $0x190  }
0x3e: {  	[sflag:s19] =	ssyncset.done $0x0  }
0x3f: {  	[sflag:s19] =	ssyncadd.s32 $0xFFFFFE70  }
0x40: {  	_ =	swait.ge [sflag:s20], $0x6400  }
0x41: {  	[sflag:s20] =	ssyncset.done $0x0  }
0x42: {  	[sflag:s20] =	ssyncadd.s32 $0xFFFF9C00  }
0x43: {  	[spmem:s2] =	stream.indirect.scatter.add.f32 [tilespmem:s16], [sflag:$0x5], $0x40, s3, s17, $0xb8;
	[tilespmem:$0x16760] =	vst v63  }
0x44: {  	_ =	swait.ge [sflag:s15], $0x6400  }
0x45: {  	[sflag:s15] =	ssyncset.done $0x0  }
0x46: {  	[sflag:s15] =	ssyncadd.s32 $0xFFFF9C00  }
0x47: {  	_ =	swait.ge [sflag:s21], $0x190  }
0x48: {  	[sflag:s21] =	ssyncset.done $0x0  }
0x49: {  	[sflag:s21] =	ssyncadd.s32 $0xFFFFFE70  }
0x4a: {  	_ =	swait.ge [sflag:s22], $0x6400  }
.Ltmp0:
0x4b: {  	[sflag:s22] =	ssyncset.done $0x0;
	(pc) =	sbr.rel @p0 .LBB2_2-.Ltmp0, $4  }
0x4c: {  	[sflag:s22] =	ssyncadd.s32 $0xFFFF9C00  }
0x4d: {  	[spmem:s2] =	stream.indirect.scatter.add.f32 [tilespmem:s18], [sflag:$0x5], $0x40, s17, s17, $0xb8;
	[tilespmem:$0x16760] =	vst v63  }
0x4e: {  	s26 =	sadd.s32 $0x1900, s26;
	_ =	swait.ge [sflag:s15], $0x6400  }
0x4f: {  	s28 =	smov.u32 s31;
	s25 =	sadd.s32 $0x1900, s25;
	[sflag:s15] =	ssyncset.done $0x0  }
0x50: {  	s28 =	sadd.s32 s24, s11;
	[sflag:s15] =	ssyncadd.s32 $0xFFFF9C00  }
0x51: {  	[tilespmem:s3], [sflag:$0x1] =	stream.linear.gather [hbm4b:s28+s3], $0x190, $0x38;
	[tilespmem:$0x16760] =	vst v63  }
0x52: {  	_ = 	snop  }
0x53: {  	[tilespmem:s16], [sflag:$0x3] =	stream.linear.gather [hbm4b:s26+s3], $0x6400, $0x38;
	[tilespmem:$0x16760] =	vst v63  }
0x54: {  	s31 =	sadd.s32 s24, s13  }
0x55: {  	[tilespmem:s17], [sflag:$0x2] =	stream.linear.gather [hbm4b:s31+s3], $0x190, $0x38;
	[tilespmem:$0x16760] =	vst v63  }
0x56: {  	_ = 	snop  }
0x57: {  	[tilespmem:s18], [sflag:$0x4] =	stream.linear.gather [hbm4b:s25+s3], $0x6400, $0x38;
	[tilespmem:$0x16760] =	vst v63  }
0x58: {  	_ =	swait.ge [sflag:s19], $0x190  }
0x59: {  	[sflag:s19] =	ssyncset.done $0x0  }
0x5a: {  	[sflag:s19] =	ssyncadd.s32 $0xFFFFFE70  }
0x5b: {  	_ =	swait.ge [sflag:s20], $0x6400  }
0x5c: {  	[sflag:s20] =	ssyncset.done $0x0  }
0x5d: {  	[sflag:s20] =	ssyncadd.s32 $0xFFFF9C00  }
0x5e: {  	[spmem:s2] =	stream.indirect.scatter.add.f32 [tilespmem:s16], [sflag:$0x5], $0x40, s3, s17, $0xb8;
	[tilespmem:$0x16760] =	vst v63  }
0x5f: {  	_ =	swait.ge [sflag:s15], $0x6400  }
0x60: {  	[sflag:s15] =	ssyncset.done $0x0  }
0x61: {  	[sflag:s15] =	ssyncadd.s32 $0xFFFF9C00  }
0x62: {  	_ =	swait.ge [sflag:s21], $0x190  }
0x63: {  	[sflag:s21] =	ssyncset.done $0x0  }
0x64: {  	[sflag:s21] =	ssyncadd.s32 $0xFFFFFE70  }
0x65: {  	_ =	swait.ge [sflag:s22], $0x6400  }
0x66: {  	[sflag:s22] =	ssyncset.done $0x0  }
0x67: {  	[sflag:s22] =	ssyncadd.s32 $0xFFFF9C00  }
0x68: {  	[spmem:s2] =	stream.indirect.scatter.add.f32 [tilespmem:s18], [sflag:$0x5], $0x40, s17, s17, $0xb8;
	[tilespmem:$0x16760] =	vst v63  }
0x69: {  	_ =	swait.ge [sflag:s15], $0x6400  }
0x6a: {  	[sflag:s15] =	ssyncset.done $0x0  }
0x6b: {  	[sflag:s15] =	ssyncadd.s32 $0xFFFF9C00  }
0x6c: {  	[tilespmem:s3], [sflag:$0x1] =	stream.linear.gather [hbm4b:s6+s3], $0x190, $0x38;
	[tilespmem:$0x16760] =	vst v63  }
0x6d: {  	_ = 	snop  }
0x6e: {  	[tilespmem:s16], [sflag:$0x3] =	stream.linear.gather [hbm4b:s7+s3], $0x6400, $0x38;
	[tilespmem:$0x16760] =	vst v63  }
0x6f: {  	_ =	swait.ge [sflag:s19], $0x190  }
0x70: {  	[sflag:s19] =	ssyncset.done $0x0  }
0x71: {  	[sflag:s19] =	ssyncadd.s32 $0xFFFFFE70  }
0x72: {  	_ =	swait.ge [sflag:s20], $0x6400  }
0x73: {  	[sflag:s20] =	ssyncset.done $0x0  }
0x74: {  	[sflag:s20] =	ssyncadd.s32 $0xFFFF9C00  }
0x75: {  	[spmem:s2] =	stream.indirect.scatter.add.f32 [tilespmem:s16], [sflag:$0x5], $0x40, s3, s17, $0xb8;
	[tilespmem:$0x16760] =	vst v63  }
0x76: {  	_ =	swait.ge [sflag:s15], $0x6400  }
0x77: {  	s23 =	sadd.s32 $0x1, s23;
	[sflag:s15] =	ssyncset.done $0x0  }
0x78: {  	p0 =	sne.s32 s23, s9;
	[sflag:s15] =	ssyncadd.s32 $0xFFFF9C00  }
.Ltmp1:
0x79: {  	[bflag:$0x0] =	sbarrier.arrive $0xFFFF;
	(pc) =	sbr.rel @p0 .LBB2_1-.Ltmp1, $4  }
0x7a: {  	[hbm:s8], [sflag:s5] =	dma.local [spmem:s14], $0x1388  }
0x7b: {  	_ =	swait.ge [sflag:s15], $0x1388  }
0x7c: {  	[sflag:s15] =	ssyncset.done $0x0  }
0x7d: {  	[sflag:s15] =	ssyncadd.s32 $0xFFFFEC78  }
0x7e: {  	_ =	sfence.sel $0x180000  }
0x7f: {  	[bflag:$0x0] =	sbarrier.arrive $0xFFFF  }
0x80: {  	p0 =	sne.s32 s1, $0x0;
	_ =	strace $0x90000059  }
0x81: {  	s0 =	sadd.s32 @!p0 $0x100000, s0;
	[bflag:$0x2] =	sbarrier.arrive $0xFFFF  }
0x82: {  	[sflag:s0] =	ssyncadd.tile.s32 @!p0 $0x1;
	_ =	shalt  }
.Lfunc_end2:
_tile_overlayer_lowered:
.L_overlay_start_2:
0x83: {  	(tag) =	ssettag $0x2  }
0x84: {  	s0 =	rddreg [dreg:$0x0];
	s2 =	stileid.u32  }
0x85: {  	s1 =	rddreg [dreg:$0x1];
	p0 =	sne.s32 s2, $0x0  }
0x86: {  	s3 =	rddreg [dreg:$0x2];
	[bflag:$0x3] =	sbarrier.arrive $0xFFFF;
	s2 =	simm.s32 @!p0 $0x1C05  }
0x87: {  	[timem:s3], [sflag:s2] =	dma.local @!p0 [hbm:s0], s1  }
0x88: {  	s0 =	simm.s32 @!p0 $0x5  }
0x89: {  	_ =	swait.ge @!p0 [sflag:s0], s1  }
0x8a: {  	s1 =	ssub.s32 @!p0 $0x0, s1;
	[sflag:s0] =	ssyncset.done @!p0 $0x0  }
0x8b: {  	[sflag:s0] =	ssyncadd.s32 @!p0 s1  }
0x8c: {  	[bflag:$0x3] =	sbarrier.arrive $0xFFFF  }
0x8d: {  	_ =	shalt  }

</sc_bundles>
